<compile_context>
chip_gen: v7x
topology: tpu7x:2x2x1
jax: 0.10.2.dev20260603
libtpu: 0.0.44.dev20260713+nightly
codegen_flags: <defaults>
</compile_context>

<pallas_src>
import functools

import jax
import jax.numpy as jnp
from jax import lax
from jax.experimental import pallas as pl
from jax.experimental.pallas import tpu as pltpu
from jax.experimental.pallas import tpu_sc as plsc

EPS = 1e-5
K = 20
B = 16
N = 1024
TILE = 128
NTILES = N // TILE
NEG = -3.0e38


def _leaky(v):
    return jnp.where(v >= 0, v, 0.2 * v)



def _layer_kernel(xf_ref, xr_ref, sqr_ref, sqc_ref, w_ref, idx_ref, u_ref):
    b = pl.program_id(0)
    x_full = xf_ref[0]
    x_rows = xr_ref[0]
    dn = (((1,), (1,)), ((), ()))
    gram = lax.dot_general(x_rows.astype(jnp.bfloat16),
                           x_full.astype(jnp.bfloat16), dn,
                           preferred_element_type=jnp.float32)
    inner = -2.0 * gram
    score = ((-sqr_ref[0]) - inner) - sqc_ref[0]

    col_iota = lax.broadcasted_iota(jnp.int32, (TILE, N), 1)
    k_iota = lax.broadcasted_iota(jnp.int32, (TILE, K), 1)

    def body(t, carry):
        sc, acc = carry
        mx = jnp.max(sc, axis=1, keepdims=True)
        am = jnp.min(jnp.where(sc == mx, col_iota, jnp.int32(N)),
                     axis=1, keepdims=True)
        acc = jnp.where(k_iota == t, am, acc)
        sc = jnp.where(col_iota == am, NEG, sc)
        return sc, acc

    _, idxacc = lax.fori_loop(0, K, body,
                              (score, jnp.zeros((TILE, K), jnp.int32)))
    idx_ref[0] = idxacc + b * N

    u = lax.dot_general(x_rows.astype(jnp.bfloat16),
                        w_ref[...].astype(jnp.bfloat16),
                        (((1,), (0,)), ((), ())),
                        preferred_element_type=jnp.float32)
    u_ref[0] = u


def _layer_call(xl, sqr, sqc, wT, cout):
    return pl.pallas_call(
        _layer_kernel,
        grid=(B, NTILES),
        in_specs=[
            pl.BlockSpec((1, N, 128), lambda b, r: (b, 0, 0)),
            pl.BlockSpec((1, TILE, 128), lambda b, r: (b, r, 0)),
            pl.BlockSpec((1, TILE, 1), lambda b, r: (b, r, 0)),
            pl.BlockSpec((1, 1, N), lambda b, r: (b, 0, 0)),
            pl.BlockSpec((128, cout), lambda b, r: (0, 0)),
        ],
        out_specs=[
            pl.BlockSpec((1, TILE, K), lambda b, r: (b, r, 0)),
            pl.BlockSpec((1, TILE, cout), lambda b, r: (b, r, 0)),
        ],
        out_shape=[
            jax.ShapeDtypeStruct((B, N, K), jnp.int32),
            jax.ShapeDtypeStruct((B, N, cout), jnp.float32),
        ],
    )(xl, xl, sqr, sqc, wT)



_P = 32
_IDXROWS = _P * K // 128


def _neighbor_max_sc(u_flat, idx2d, c):
    nw = 32
    pts_per_w = (B * N) // nw
    chunks = pts_per_w // _P
    mesh = plsc.VectorSubcoreMesh(core_axis_name="c", subcore_axis_name="s")

    @functools.partial(
        pl.kernel,
        out_type=jax.ShapeDtypeStruct((B * N, c), jnp.float32),
        mesh=mesh,
        compiler_params=pltpu.CompilerParams(use_tc_tiling_on_sc=False),
        scratch_types=[
            pltpu.VMEM((pts_per_w * K // 128, 128), jnp.int32),
            pltpu.VMEM((_P * K, c), jnp.float32),
            pltpu.VMEM((_P, c), jnp.float32),
            pltpu.SemaphoreType.DMA,
        ],
    )
    def kern(u_hbm, i_hbm, o_hbm, idx_v, rows_v, out_v, sem):
        wid = lax.axis_index("s") * 2 + lax.axis_index("c")
        base = wid * pts_per_w
        nidxrows = pts_per_w * K // 128
        pltpu.sync_copy(i_hbm.at[pl.ds(wid * nidxrows, nidxrows)], idx_v)

        @pl.loop(0, chunks)
        def _(ci):
            pbase = base + ci * _P
            copies = []
            for ri in range(_IDXROWS):
                copies.append(pltpu.async_copy(
                    u_hbm.at[idx_v.at[ci * _IDXROWS + ri]],
                    rows_v.at[pl.ds(ri * 128, 128)], sem))
            for cp in copies:
                cp.wait()

            @pl.loop(0, _P)
            def _(p):
                for cc in range(c // 16):
                    sl = pl.ds(cc * 16, 16)
                    acc = rows_v[p * K, sl]
                    for j in range(1, K):
                        acc = jnp.maximum(acc, rows_v[p * K + j, sl])
                    out_v[p, sl] = acc

            pltpu.sync_copy(out_v, o_hbm.at[pl.ds(pbase, _P)])

    return kern(u_flat, idx2d)


def _gather_max(u, idx, c):
    u_flat = u.reshape(B * N, c)
    idx2d = idx.reshape(B * N * K // 128, 128)
    return _neighbor_max_sc(u_flat, idx2d, c).reshape(B, N, c)



def _head1_kernel(xc_ref, w5T_ref, y_ref):
    y = lax.dot_general(xc_ref[0].astype(jnp.bfloat16),
                        w5T_ref[...].astype(jnp.bfloat16),
                        (((1,), (0,)), ((), ())),
                        preferred_element_type=jnp.float32)
    y_ref[0] = y


def _head1_call(xc, w5T):
    return pl.pallas_call(
        _head1_kernel,
        grid=(B,),
        in_specs=[
            pl.BlockSpec((1, N, 640), lambda b: (b, 0, 0)),
            pl.BlockSpec((640, 1024), lambda b: (0, 0)),
        ],
        out_specs=pl.BlockSpec((1, N, 1024), lambda b: (b, 0, 0)),
        out_shape=jax.ShapeDtypeStruct((B, N, 1024), jnp.float32),
    )(xc, w5T)


def _head2_kernel(z_ref, out_ref):
    out_ref[0] = jnp.max(z_ref[0], axis=1, keepdims=True)


def _head2_call(z):
    return pl.pallas_call(
        _head2_kernel,
        grid=(B,),
        in_specs=[pl.BlockSpec((1, N, 1024), lambda b: (b, 0, 0))],
        out_specs=pl.BlockSpec((1, N, 1), lambda b: (b, 0, 0)),
        out_shape=jax.ShapeDtypeStruct((B, N, 1), jnp.float32),
    )(z)


def _bn1d(h, g, bta):
    mu = jnp.mean(h, axis=0, keepdims=True)
    va = jnp.mean((h - mu) * (h - mu), axis=0, keepdims=True)
    return g * (h - mu) / jnp.sqrt(va + EPS) + bta


def _head3_kernel(p_ref, w1_ref, gb6_ref, w2_ref, b2_ref, gb7_ref,
                  w3_ref, b3_ref, out_ref):
    dn = (((1,), (0,)), ((), ()))

    def mm(a, w_):
        return lax.dot_general(a.astype(jnp.bfloat16),
                               w_.astype(jnp.bfloat16), dn,
                               preferred_element_type=jnp.float32)

    h = mm(p_ref[...], w1_ref[...])
    h = _leaky(_bn1d(h, gb6_ref[0:1, :], gb6_ref[1:2, :]))
    h = mm(h, w2_ref[...]) + b2_ref[0:1, :]
    h = _leaky(_bn1d(h, gb7_ref[0:1, :], gb7_ref[1:2, :]))
    h = mm(h, w3_ref[...]) + b3_ref[0:1, :]
    out_ref[...] = h


def _head3_call(pooled, lin1T, gb6, lin2T, b2, gb7, lin3T, b3):
    fullspec = lambda shp: pl.BlockSpec(shp, lambda: (0,) * len(shp))
    return pl.pallas_call(
        _head3_kernel,
        grid=(),
        in_specs=[fullspec((16, 1024)), fullspec((1024, 512)),
                  fullspec((8, 512)), fullspec((512, 256)), fullspec((8, 256)),
                  fullspec((8, 256)), fullspec((256, 40)), fullspec((8, 40))],
        out_specs=fullspec((16, 40)),
        out_shape=jax.ShapeDtypeStruct((16, 40), jnp.float32),
    )(pooled, lin1T, gb6, lin2T, b2, gb7, lin3T, b3)



def _bn_leaky_full(u, g, bta):
    u4 = lax.optimization_barrier(u.transpose(0, 2, 1)[:, :, :, None])
    m = jnp.mean(u4, axis=(0, 2, 3), keepdims=True)
    v = jnp.var(u4, axis=(0, 2, 3), keepdims=True)
    h4 = _leaky(g.reshape(1, -1, 1, 1) * (u4 - m) / jnp.sqrt(v + EPS)
                + bta.reshape(1, -1, 1, 1))
    h = h4.reshape(B, -1, N).transpose(0, 2, 1)
    return h, m.reshape(-1), v.reshape(-1)


def _conv_bn_leaky_ref(xprev4, w, g, bta):
    c4 = jnp.einsum('oc,bcnk->bonk', w, xprev4)
    m = jnp.mean(c4, axis=(0, 2, 3), keepdims=True)
    v = jnp.var(c4, axis=(0, 2, 3), keepdims=True)
    h4 = _leaky(g.reshape(1, -1, 1, 1) * (c4 - m) / jnp.sqrt(v + EPS)
                + bta.reshape(1, -1, 1, 1))
    return h4, m, v


def _edge(xprev4, w, mgath, g, bta):
    h4, mean, var = _conv_bn_leaky_ref(xprev4, w, g, bta)
    m4 = mgath.transpose(0, 2, 1)[:, :, :, None]
    hm4 = _leaky(g.reshape(1, -1, 1, 1) * (m4 - mean) / jnp.sqrt(var + EPS)
                 + bta.reshape(1, -1, 1, 1))
    edge4 = jnp.concatenate([hm4 - h4, h4], axis=1)
    return edge4.reshape(B, -1, N).transpose(0, 2, 1)


def _to_ref_layout(xl):
    return lax.optimization_barrier(xl.transpose(0, 2, 1)[:, :, :, None])


def _sqnorm(xl):
    xlt = xl.transpose(0, 2, 1)
    xx = jnp.sum(xlt * xlt, axis=1, keepdims=True)
    return xx.reshape(B, N, 1), xx


def _pack2(a, bta):
    out = jnp.zeros((8, a.shape[0]), jnp.float32)
    return out.at[0].set(a).at[1].set(bta)


def _b2row(bvec):
    out = jnp.zeros((8, bvec.shape[0]), jnp.float32)
    return out.at[0].set(bvec)


def kernel(x, conv1_w, conv2_w, conv3_w, conv4_w, conv5_w, bn1_g, bn1_b,
           bn2_g, bn2_b, bn3_g, bn3_b, bn4_g, bn4_b, bn5_g, bn5_b, lin1_w,
           bn6_g, bn6_b, lin2_w, lin2_b, bn7_g, bn7_b, lin3_w, lin3_b):
    xp = jnp.pad(x.transpose(0, 2, 1), ((0, 0), (0, 0), (0, 125)))
    w1T = jnp.pad(conv1_w.T, ((0, 125), (0, 0)))
    sqc = jnp.sum(x * x, axis=1, keepdims=True)
    sqr = sqc.reshape(B, N, 1)

    idx1, u1 = _layer_call(xp, sqr, sqc, w1T, 64)
    m1 = _gather_max(u1, idx1, 64)
    x1 = _edge(lax.optimization_barrier(x).reshape(B, 3, N, 1), conv1_w,
               m1, bn1_g, bn1_b)

    sqr, sqc = _sqnorm(x1)
    idx2, u2 = _layer_call(x1, sqr, sqc, conv2_w.T, 64)
    m2 = _gather_max(u2, idx2, 64)
    x2 = _edge(_to_ref_layout(x1), conv2_w, m2, bn2_g, bn2_b)

    sqr, sqc = _sqnorm(x2)
    idx3, u3 = _layer_call(x2, sqr, sqc, conv3_w.T, 64)
    m3 = _gather_max(u3, idx3, 64)
    x3 = _edge(_to_ref_layout(x2), conv3_w, m3, bn3_g, bn3_b)

    sqr, sqc = _sqnorm(x3)
    idx4, u4 = _layer_call(x3, sqr, sqc, conv4_w.T, 128)
    m4 = _gather_max(u4, idx4, 128)
    x4 = _edge(_to_ref_layout(x3), conv4_w, m4, bn4_g, bn4_b)

    xc = jnp.concatenate([x1, x2, x3, x4], axis=-1)
    y = _head1_call(xc, conv5_w.T)
    z, _, _ = _bn_leaky_full(y, bn5_g, bn5_b)
    pooled = _head2_call(z).reshape(B, N)

    return _head3_call(pooled, lin1_w.T, _pack2(bn6_g, bn6_b), lin2_w.T,
                       _b2row(lin2_b), _pack2(bn7_g, bn7_b), lin3_w.T,
                       _b2row(lin3_b))

# --- scband reference (transcript-rebuilt; emitter-appended) ---
"""Pipeline reference for scband-dgcnn-da-28862180229721 (READ-ONLY COPY).

The authoritative reference and input builder live on the scoring server;
editing this copy changes nothing except your own understanding.
"""

import jax, jax.numpy as jnp
import numpy as np

EPS = 1e-5
K = 20


def _leaky(x):
    return jnp.where(x >= 0, x, 0.2 * x)


def _bn2d(x, g, b):
    m = jnp.mean(x, axis=(0, 2, 3), keepdims=True)
    v = jnp.var(x, axis=(0, 2, 3), keepdims=True)
    return g.reshape(1, -1, 1, 1) * (x - m) / jnp.sqrt(v + EPS) + b.reshape(1, -1, 1, 1)


def _bn1d(x, g, b):
    m = jnp.mean(x, axis=0, keepdims=True)
    v = jnp.var(x, axis=0, keepdims=True)
    return g * (x - m) / jnp.sqrt(v + EPS) + b


def _knn(x, k=K):
    # x: (B, d, N) -> idx (B, N, k) of nearest neighbors (incl. self)
    inner = -2.0 * jnp.einsum('bdn,bdm->bnm', x, x)
    xx = jnp.sum(x * x, axis=1, keepdims=True)
    neg_dist = -xx - inner - jnp.transpose(xx, (0, 2, 1))
    return jax.lax.top_k(neg_dist, k)[1]


def _ggf_da(x, idx):
    # x: (B, d, N, 1); idx: (B, N, k). Gather neighbor feats, edge feature
    # cat(feat - x, x) then max over k (required by downstream view(B, d, N)).
    B, d, N = x.shape[0], x.shape[1], x.shape[2]
    xf = x.reshape(B, d, N).transpose(0, 2, 1)  # (B, N, d)
    k = idx.shape[-1]
    feat = jnp.take_along_axis(xf, idx.reshape(B, N * k)[:, :, None], axis=1).reshape(B, N, k, d)
    xc = xf[:, :, None, :]
    edge = jnp.concatenate([feat - xc, jnp.broadcast_to(xc, (B, N, k, d))], axis=3)
    edge = edge.transpose(0, 3, 1, 2)  # (B, 2d, N, k)
    return jnp.max(edge, axis=3, keepdims=True)  # (B, 2d, N, 1)


def _conv(x, w):
    # 1x1 conv2d without bias: w (out, in)
    return jnp.einsum('oc,bcnk->bonk', w, x)


def _forward(x, p):
    B = x.shape[0]
    N = x.shape[2]
    nn_idx = _knn(x)
    h = x.reshape(B, 3, N, 1)
    h = _leaky(_bn2d(_conv(h, p['conv1_w']), p['bn1_g'], p['bn1_b']))
    x1 = _ggf_da(h, nn_idx)
    nn_idx = _knn(x1.reshape(B, 128, N))
    h = _leaky(_bn2d(_conv(x1, p['conv2_w']), p['bn2_g'], p['bn2_b']))
    x2 = _ggf_da(h, nn_idx)
    nn_idx = _knn(x2.reshape(B, 128, N))
    h = _leaky(_bn2d(_conv(x2, p['conv3_w']), p['bn3_g'], p['bn3_b']))
    x3 = _ggf_da(h, nn_idx)
    nn_idx = _knn(x3.reshape(B, 128, N))
    h = _leaky(_bn2d(_conv(x3, p['conv4_w']), p['bn4_g'], p['bn4_b']))
    x4 = _ggf_da(h, nn_idx)
    xc = jnp.concatenate([x1, x2, x3, x4], axis=1)  # (B, 640, N, 1)
    h = _leaky(_bn2d(_conv(xc, p['conv5_w']), p['bn5_g'], p['bn5_b']))  # (B,1024,N,1)
    h = jnp.max(h, axis=1, keepdims=True).reshape(B, -1)  # (B, N) with N == 1024
    h = _leaky(_bn1d(h @ p['lin1_w'].T, p['bn6_g'], p['bn6_b']))
    h = _leaky(_bn1d(h @ p['lin2_w'].T + p['lin2_b'], p['bn7_g'], p['bn7_b']))
    return h @ p['lin3_w'].T + p['lin3_b']


def setup_inputs(seed=0):
    key = jax.random.key(seed)
    ks = jax.random.split(key, 16)
    d = {}
    d['x'] = jax.random.normal(ks[0], (16, 3, 1024), dtype=jnp.float32)
    d['conv1_w'] = jax.random.normal(ks[1], (64, 3), dtype=jnp.float32) * 0.1
    d['conv2_w'] = jax.random.normal(ks[2], (64, 128), dtype=jnp.float32) * 0.1
    d['conv3_w'] = jax.random.normal(ks[3], (64, 128), dtype=jnp.float32) * 0.1
    d['conv4_w'] = jax.random.normal(ks[4], (128, 128), dtype=jnp.float32) * 0.1
    d['conv5_w'] = jax.random.normal(ks[5], (1024, 640), dtype=jnp.float32) * 0.05
    for i, c in zip(range(1, 6), [64, 64, 64, 128, 1024]):
        d['bn%d_g' % i] = jnp.ones((c,), dtype=jnp.float32)
        d['bn%d_b' % i] = jnp.zeros((c,), dtype=jnp.float32)
    d['lin1_w'] = jax.random.normal(ks[6], (512, 1024), dtype=jnp.float32) * 0.03
    d['bn6_g'] = jnp.ones((512,), dtype=jnp.float32)
    d['bn6_b'] = jnp.zeros((512,), dtype=jnp.float32)
    d['lin2_w'] = jax.random.normal(ks[7], (256, 512), dtype=jnp.float32) * 0.04
    d['lin2_b'] = jnp.zeros((256,), dtype=jnp.float32)
    d['bn7_g'] = jnp.ones((256,), dtype=jnp.float32)
    d['bn7_b'] = jnp.zeros((256,), dtype=jnp.float32)
    d['lin3_w'] = jax.random.normal(ks[8], (40, 256), dtype=jnp.float32) * 0.06
    d['lin3_b'] = jnp.zeros((40,), dtype=jnp.float32)
    return d


def reference(x, conv1_w, conv2_w, conv3_w, conv4_w, conv5_w,
              bn1_g, bn1_b, bn2_g, bn2_b, bn3_g, bn3_b, bn4_g, bn4_b,
              bn5_g, bn5_b, lin1_w, bn6_g, bn6_b, lin2_w, lin2_b,
              bn7_g, bn7_b, lin3_w, lin3_b):
    p = {
        'conv1_w': conv1_w, 'conv2_w': conv2_w, 'conv3_w': conv3_w,
        'conv4_w': conv4_w, 'conv5_w': conv5_w,
        'bn1_g': bn1_g, 'bn1_b': bn1_b, 'bn2_g': bn2_g, 'bn2_b': bn2_b,
        'bn3_g': bn3_g, 'bn3_b': bn3_b, 'bn4_g': bn4_g, 'bn4_b': bn4_b,
        'bn5_g': bn5_g, 'bn5_b': bn5_b,
        'lin1_w': lin1_w, 'bn6_g': bn6_g, 'bn6_b': bn6_b,
        'lin2_w': lin2_w, 'lin2_b': lin2_b, 'bn7_g': bn7_g, 'bn7_b': bn7_b,
        'lin3_w': lin3_w, 'lin3_b': lin3_b,
    }
    return _forward(x, p)

if __name__ == "__main__":
    import jax
    _d = setup_inputs()
    print(jax.jit(kernel)(*tuple(_d.values())))

</pallas_src>

<mosaic_0001>
#map = affine_map<(d0, d1) -> (0, 0)>
module attributes {stable_mosaic.version = 14 : i64} {
  func.func @kern(%arg0: i32, %arg1: i32, %arg2: memref<16384x128xf32, #tpu.memory_space<hbm>>, %arg3: memref<2560x128xi32, #tpu.memory_space<hbm>>, %arg4: memref<16384x128xf32, #tpu.memory_space<hbm>>, %arg5: memref<80x128xi32, #tpu.memory_space<vmem>>, %arg6: memref<640x128xf32, #tpu.memory_space<vmem>>, %arg7: memref<32x128xf32, #tpu.memory_space<vmem>>, %arg8: memref<!tpu.dma_semaphore, #tpu.memory_space<semaphore_mem>>) attributes {dimension_semantics = [#tpu.dimension_semantics<core_parallel>, #tpu.dimension_semantics<subcore_parallel>], iteration_bounds = array<i64: 2, 16>, scalar_prefetch = 0 : i64, scratch_operands = 4 : i64, tpu.core_type = #tpu.core_type<sc_vector_subcore>, window_params = [{transform_indices = #map}, {transform_indices = #map}, {transform_indices = #map}]} {
    %mul3A = arith.constant 2 : i32
    %mul3A_0 = arith.muli %arg1, %mul3A : i32
    %add3A = arith.addi %mul3A_0, %arg0 : i32
    %mul3A_1 = arith.constant 512 : i32
    %mul3A_2 = arith.muli %add3A, %mul3A_1 : i32
    %mul3A_3 = arith.constant 80 : i32
    %mul3A_4 = arith.muli %add3A, %mul3A_3 : i32
    "tpu.region"() ({
      %run_scoped3A = tpu.sem_alloc : memref<!tpu.dma_semaphore, #tpu.memory_space<semaphore_mem>>
      %dma_start3A = arith.constant 0 : i32
      %dma_start3A_9 = tpu.memref_slice %arg3[%mul3A_4, %dma_start3A] : memref<2560x128xi32, #tpu.memory_space<hbm>> -> memref<80x128xi32, #tpu.memory_space<hbm>>
      %dma_start3A_10 = arith.constant 0 : i32
      %dma_start3A_11 = tpu.memref_slice %arg3[%mul3A_4, %dma_start3A_10] : memref<2560x128xi32, #tpu.memory_space<hbm>> -> memref<80x128xi32, #tpu.memory_space<hbm>>
      tpu.enqueue_dma source(%dma_start3A_11 : memref<80x128xi32, #tpu.memory_space<hbm>>) target(%arg5 : memref<80x128xi32, #tpu.memory_space<vmem>>) target_semaphore(%run_scoped3A : memref<!tpu.dma_semaphore, #tpu.memory_space<semaphore_mem>>)
      %dma_wait3A = arith.constant 0 : i32
      %dma_wait3A_12 = tpu.memref_slice %arg3[%mul3A_4, %dma_wait3A] : memref<2560x128xi32, #tpu.memory_space<hbm>> -> memref<80x128xi32, #tpu.memory_space<hbm>>
      %dma_wait3A_13 = arith.constant 0 : i32
      %dma_wait3A_14 = tpu.memref_slice %arg3[%mul3A_4, %dma_wait3A_13] : memref<2560x128xi32, #tpu.memory_space<hbm>> -> memref<80x128xi32, #tpu.memory_space<hbm>>
      tpu.wait_dma2 semaphore(%run_scoped3A : memref<!tpu.dma_semaphore, #tpu.memory_space<semaphore_mem>>) src(%dma_wait3A_14 : memref<80x128xi32, #tpu.memory_space<hbm>>) dst(%arg5 : memref<80x128xi32, #tpu.memory_space<vmem>>)
      tpu.yield
    }) : () -> ()
    %scan3A = arith.constant 0 : i32
    %scan3A_5 = arith.constant 16 : i32
    %scan3A_6 = arith.addi %scan3A, %scan3A_5 : i32
    %scan3A_7 = arith.constant 1 : i32
    scf.for %scan3A_9 = %scan3A to %scan3A_6 step %scan3A_7  : i32 {
      %mul3A_10 = arith.constant 1 : i32
      %mul3A_11 = arith.muli %scan3A_9, %mul3A_10 : i32
      %add3A_12 = arith.constant 0 : i32
      %add3A_13 = arith.addi %add3A_12, %mul3A_11 : i32
      %mul3A_14 = arith.constant 32 : i32
      %mul3A_15 = arith.muli %add3A_13, %mul3A_14 : i32
      %add3A_16 = arith.addi %mul3A_2, %mul3A_15 : i32
      %mul3A_17 = arith.constant 5 : i32
      %mul3A_18 = arith.muli %add3A_13, %mul3A_17 : i32
      %add3A_19 = arith.constant 0 : i32
      %add3A_20 = arith.addi %mul3A_18, %add3A_19 : i32
      %dma_start3A = arith.constant 0 : i32
      %dma_start3A_21 = arith.constant 0 : i32
      %dma_start3A_22 = tpu.memref_slice %arg6[%dma_start3A, %dma_start3A_21] : memref<640x128xf32, #tpu.memory_space<vmem>> -> memref<128x128xf32, #tpu.memory_space<vmem>>
      %dma_start3A_23 = arith.constant 0 : i32
      %dma_start3A_24 = tpu.memref_slice %arg5[%add3A_20, %dma_start3A_23] : memref<80x128xi32, #tpu.memory_space<vmem>> -> memref<1x128xi32, #tpu.memory_space<vmem>>
      %dma_start3A_25 = tpu.memref_squeeze %dma_start3A_24 : memref<1x128xi32, #tpu.memory_space<vmem>> -> memref<128xi32, #tpu.memory_space<vmem>>
      %dma_start3A_26 = arith.constant 0 : i32
      %dma_start3A_27 = arith.constant 0 : i32
      %dma_start3A_28 = tpu.memref_slice %arg2[%dma_start3A_26, %dma_start3A_27] : memref<16384x128xf32, #tpu.memory_space<hbm>> -> memref<16384x128xf32, #tpu.memory_space<hbm>>
      tpu.enqueue_indirect_dma source(%dma_start3A_28 : memref<16384x128xf32, #tpu.memory_space<hbm>>) target(%dma_start3A_22 : memref<128x128xf32, #tpu.memory_space<vmem>>) offsets(%dma_start3A_25 : memref<128xi32, #tpu.memory_space<vmem>>) semaphore(%arg8 : memref<!tpu.dma_semaphore, #tpu.memory_space<semaphore_mem>>)
      %mul3A_29 = arith.constant 5 : i32
      %mul3A_30 = arith.muli %add3A_13, %mul3A_29 : i32
      %add3A_31 = arith.constant 1 : i32
      %add3A_32 = arith.addi %mul3A_30, %add3A_31 : i32
      %dma_start3A_33 = arith.constant 128 : i32
      %dma_start3A_34 = arith.constant 0 : i32
      %dma_start3A_35 = tpu.memref_slice %arg6[%dma_start3A_33, %dma_start3A_34] : memref<640x128xf32, #tpu.memory_space<vmem>> -> memref<128x128xf32, #tpu.memory_space<vmem>>
      %dma_start3A_36 = arith.constant 0 : i32
      %dma_start3A_37 = tpu.memref_slice %arg5[%add3A_32, %dma_start3A_36] : memref<80x128xi32, #tpu.memory_space<vmem>> -> memref<1x128xi32, #tpu.memory_space<vmem>>
      %dma_start3A_38 = tpu.memref_squeeze %dma_start3A_37 : memref<1x128xi32, #tpu.memory_space<vmem>> -> memref<128xi32, #tpu.memory_space<vmem>>
      %dma_start3A_39 = arith.constant 0 : i32
      %dma_start3A_40 = arith.constant 0 : i32
      %dma_start3A_41 = tpu.memref_slice %arg2[%dma_start3A_39, %dma_start3A_40] : memref<16384x128xf32, #tpu.memory_space<hbm>> -> memref<16384x128xf32, #tpu.memory_space<hbm>>
      tpu.enqueue_indirect_dma source(%dma_start3A_41 : memref<16384x128xf32, #tpu.memory_space<hbm>>) target(%dma_start3A_35 : memref<128x128xf32, #tpu.memory_space<vmem>>) offsets(%dma_start3A_38 : memref<128xi32, #tpu.memory_space<vmem>>) semaphore(%arg8 : memref<!tpu.dma_semaphore, #tpu.memory_space<semaphore_mem>>)
      %mul3A_42 = arith.constant 5 : i32
      %mul3A_43 = arith.muli %add3A_13, %mul3A_42 : i32
      %add3A_44 = arith.constant 2 : i32
      %add3A_45 = arith.addi %mul3A_43, %add3A_44 : i32
      %dma_start3A_46 = arith.constant 256 : i32
      %dma_start3A_47 = arith.constant 0 : i32
      %dma_start3A_48 = tpu.memref_slice %arg6[%dma_start3A_46, %dma_start3A_47] : memref<640x128xf32, #tpu.memory_space<vmem>> -> memref<128x128xf32, #tpu.memory_space<vmem>>
      %dma_start3A_49 = arith.constant 0 : i32
      %dma_start3A_50 = tpu.memref_slice %arg5[%add3A_45, %dma_start3A_49] : memref<80x128xi32, #tpu.memory_space<vmem>> -> memref<1x128xi32, #tpu.memory_space<vmem>>
      %dma_start3A_51 = tpu.memref_squeeze %dma_start3A_50 : memref<1x128xi32, #tpu.memory_space<vmem>> -> memref<128xi32, #tpu.memory_space<vmem>>
      %dma_start3A_52 = arith.constant 0 : i32
      %dma_start3A_53 = arith.constant 0 : i32
      %dma_start3A_54 = tpu.memref_slice %arg2[%dma_start3A_52, %dma_start3A_53] : memref<16384x128xf32, #tpu.memory_space<hbm>> -> memref<16384x128xf32, #tpu.memory_space<hbm>>
      tpu.enqueue_indirect_dma source(%dma_start3A_54 : memref<16384x128xf32, #tpu.memory_space<hbm>>) target(%dma_start3A_48 : memref<128x128xf32, #tpu.memory_space<vmem>>) offsets(%dma_start3A_51 : memref<128xi32, #tpu.memory_space<vmem>>) semaphore(%arg8 : memref<!tpu.dma_semaphore, #tpu.memory_space<semaphore_mem>>)
      %mul3A_55 = arith.constant 5 : i32
      %mul3A_56 = arith.muli %add3A_13, %mul3A_55 : i32
      %add3A_57 = arith.constant 3 : i32
      %add3A_58 = arith.addi %mul3A_56, %add3A_57 : i32
      %dma_start3A_59 = arith.constant 384 : i32
      %dma_start3A_60 = arith.constant 0 : i32
      %dma_start3A_61 = tpu.memref_slice %arg6[%dma_start3A_59, %dma_start3A_60] : memref<640x128xf32, #tpu.memory_space<vmem>> -> memref<128x128xf32, #tpu.memory_space<vmem>>
      %dma_start3A_62 = arith.constant 0 : i32
      %dma_start3A_63 = tpu.memref_slice %arg5[%add3A_58, %dma_start3A_62] : memref<80x128xi32, #tpu.memory_space<vmem>> -> memref<1x128xi32, #tpu.memory_space<vmem>>
      %dma_start3A_64 = tpu.memref_squeeze %dma_start3A_63 : memref<1x128xi32, #tpu.memory_space<vmem>> -> memref<128xi32, #tpu.memory_space<vmem>>
      %dma_start3A_65 = arith.constant 0 : i32
      %dma_start3A_66 = arith.constant 0 : i32
      %dma_start3A_67 = tpu.memref_slice %arg2[%dma_start3A_65, %dma_start3A_66] : memref<16384x128xf32, #tpu.memory_space<hbm>> -> memref<16384x128xf32, #tpu.memory_space<hbm>>
      tpu.enqueue_indirect_dma source(%dma_start3A_67 : memref<16384x128xf32, #tpu.memory_space<hbm>>) target(%dma_start3A_61 : memref<128x128xf32, #tpu.memory_space<vmem>>) offsets(%dma_start3A_64 : memref<128xi32, #tpu.memory_space<vmem>>) semaphore(%arg8 : memref<!tpu.dma_semaphore, #tpu.memory_space<semaphore_mem>>)
      %mul3A_68 = arith.constant 5 : i32
      %mul3A_69 = arith.muli %add3A_13, %mul3A_68 : i32
      %add3A_70 = arith.constant 4 : i32
      %add3A_71 = arith.addi %mul3A_69, %add3A_70 : i32
      %dma_start3A_72 = arith.constant 512 : i32
      %dma_start3A_73 = arith.constant 0 : i32
      %dma_start3A_74 = tpu.memref_slice %arg6[%dma_start3A_72, %dma_start3A_73] : memref<640x128xf32, #tpu.memory_space<vmem>> -> memref<128x128xf32, #tpu.memory_space<vmem>>
      %dma_start3A_75 = arith.constant 0 : i32
      %dma_start3A_76 = tpu.memref_slice %arg5[%add3A_71, %dma_start3A_75] : memref<80x128xi32, #tpu.memory_space<vmem>> -> memref<1x128xi32, #tpu.memory_space<vmem>>
      %dma_start3A_77 = tpu.memref_squeeze %dma_start3A_76 : memref<1x128xi32, #tpu.memory_space<vmem>> -> memref<128xi32, #tpu.memory_space<vmem>>
      %dma_start3A_78 = arith.constant 0 : i32
      %dma_start3A_79 = arith.constant 0 : i32
      %dma_start3A_80 = tpu.memref_slice %arg2[%dma_start3A_78, %dma_start3A_79] : memref<16384x128xf32, #tpu.memory_space<hbm>> -> memref<16384x128xf32, #tpu.memory_space<hbm>>
      tpu.enqueue_indirect_dma source(%dma_start3A_80 : memref<16384x128xf32, #tpu.memory_space<hbm>>) target(%dma_start3A_74 : memref<128x128xf32, #tpu.memory_space<vmem>>) offsets(%dma_start3A_77 : memref<128xi32, #tpu.memory_space<vmem>>) semaphore(%arg8 : memref<!tpu.dma_semaphore, #tpu.memory_space<semaphore_mem>>)
      %dma_wait3A = arith.constant 0 : i32
      %dma_wait3A_81 = arith.constant 0 : i32
      %dma_wait3A_82 = tpu.memref_slice %arg6[%dma_wait3A, %dma_wait3A_81] : memref<640x128xf32, #tpu.memory_space<vmem>> -> memref<128x128xf32, #tpu.memory_space<vmem>>
      %dma_wait3A_83 = arith.constant 0 : i32
      %dma_wait3A_84 = tpu.memref_slice %arg5[%add3A_20, %dma_wait3A_83] : memref<80x128xi32, #tpu.memory_space<vmem>> -> memref<1x128xi32, #tpu.memory_space<vmem>>
      %dma_wait3A_85 = tpu.memref_squeeze %dma_wait3A_84 : memref<1x128xi32, #tpu.memory_space<vmem>> -> memref<128xi32, #tpu.memory_space<vmem>>
      %dma_wait3A_86 = arith.constant 0 : i32
      %dma_wait3A_87 = arith.constant 0 : i32
      %dma_wait3A_88 = tpu.memref_slice %arg2[%dma_wait3A_86, %dma_wait3A_87] : memref<16384x128xf32, #tpu.memory_space<hbm>> -> memref<16384x128xf32, #tpu.memory_space<hbm>>
      tpu.wait_indirect_dma semaphore(%arg8 : memref<!tpu.dma_semaphore, #tpu.memory_space<semaphore_mem>>) src(%dma_wait3A_88 : memref<16384x128xf32, #tpu.memory_space<hbm>>) dst(%dma_wait3A_82 : memref<128x128xf32, #tpu.memory_space<vmem>>)
      %dma_wait3A_89 = arith.constant 128 : i32
      %dma_wait3A_90 = arith.constant 0 : i32
      %dma_wait3A_91 = tpu.memref_slice %arg6[%dma_wait3A_89, %dma_wait3A_90] : memref<640x128xf32, #tpu.memory_space<vmem>> -> memref<128x128xf32, #tpu.memory_space<vmem>>
      %dma_wait3A_92 = arith.constant 0 : i32
      %dma_wait3A_93 = tpu.memref_slice %arg5[%add3A_32, %dma_wait3A_92] : memref<80x128xi32, #tpu.memory_space<vmem>> -> memref<1x128xi32, #tpu.memory_space<vmem>>
      %dma_wait3A_94 = tpu.memref_squeeze %dma_wait3A_93 : memref<1x128xi32, #tpu.memory_space<vmem>> -> memref<128xi32, #tpu.memory_space<vmem>>
      %dma_wait3A_95 = arith.constant 0 : i32
      %dma_wait3A_96 = arith.constant 0 : i32
      %dma_wait3A_97 = tpu.memref_slice %arg2[%dma_wait3A_95, %dma_wait3A_96] : memref<16384x128xf32, #tpu.memory_space<hbm>> -> memref<16384x128xf32, #tpu.memory_space<hbm>>
      tpu.wait_indirect_dma semaphore(%arg8 : memref<!tpu.dma_semaphore, #tpu.memory_space<semaphore_mem>>) src(%dma_wait3A_97 : memref<16384x128xf32, #tpu.memory_space<hbm>>) dst(%dma_wait3A_91 : memref<128x128xf32, #tpu.memory_space<vmem>>)
      %dma_wait3A_98 = arith.constant 256 : i32
      %dma_wait3A_99 = arith.constant 0 : i32
      %dma_wait3A_100 = tpu.memref_slice %arg6[%dma_wait3A_98, %dma_wait3A_99] : memref<640x128xf32, #tpu.memory_space<vmem>> -> memref<128x128xf32, #tpu.memory_space<vmem>>
      %dma_wait3A_101 = arith.constant 0 : i32
      %dma_wait3A_102 = tpu.memref_slice %arg5[%add3A_45, %dma_wait3A_101] : memref<80x128xi32, #tpu.memory_space<vmem>> -> memref<1x128xi32, #tpu.memory_space<vmem>>
      %dma_wait3A_103 = tpu.memref_squeeze %dma_wait3A_102 : memref<1x128xi32, #tpu.memory_space<vmem>> -> memref<128xi32, #tpu.memory_space<vmem>>
      %dma_wait3A_104 = arith.constant 0 : i32
      %dma_wait3A_105 = arith.constant 0 : i32
      %dma_wait3A_106 = tpu.memref_slice %arg2[%dma_wait3A_104, %dma_wait3A_105] : memref<16384x128xf32, #tpu.memory_space<hbm>> -> memref<16384x128xf32, #tpu.memory_space<hbm>>
      tpu.wait_indirect_dma semaphore(%arg8 : memref<!tpu.dma_semaphore, #tpu.memory_space<semaphore_mem>>) src(%dma_wait3A_106 : memref<16384x128xf32, #tpu.memory_space<hbm>>) dst(%dma_wait3A_100 : memref<128x128xf32, #tpu.memory_space<vmem>>)
      %dma_wait3A_107 = arith.constant 384 : i32
      %dma_wait3A_108 = arith.constant 0 : i32
      %dma_wait3A_109 = tpu.memref_slice %arg6[%dma_wait3A_107, %dma_wait3A_108] : memref<640x128xf32, #tpu.memory_space<vmem>> -> memref<128x128xf32, #tpu.memory_space<vmem>>
      %dma_wait3A_110 = arith.constant 0 : i32
      %dma_wait3A_111 = tpu.memref_slice %arg5[%add3A_58, %dma_wait3A_110] : memref<80x128xi32, #tpu.memory_space<vmem>> -> memref<1x128xi32, #tpu.memory_space<vmem>>
      %dma_wait3A_112 = tpu.memref_squeeze %dma_wait3A_111 : memref<1x128xi32, #tpu.memory_space<vmem>> -> memref<128xi32, #tpu.memory_space<vmem>>
      %dma_wait3A_113 = arith.constant 0 : i32
      %dma_wait3A_114 = arith.constant 0 : i32
      %dma_wait3A_115 = tpu.memref_slice %arg2[%dma_wait3A_113, %dma_wait3A_114] : memref<16384x128xf32, #tpu.memory_space<hbm>> -> memref<16384x128xf32, #tpu.memory_space<hbm>>
      tpu.wait_indirect_dma semaphore(%arg8 : memref<!tpu.dma_semaphore, #tpu.memory_space<semaphore_mem>>) src(%dma_wait3A_115 : memref<16384x128xf32, #tpu.memory_space<hbm>>) dst(%dma_wait3A_109 : memref<128x128xf32, #tpu.memory_space<vmem>>)
      %dma_wait3A_116 = arith.constant 512 : i32
      %dma_wait3A_117 = arith.constant 0 : i32
      %dma_wait3A_118 = tpu.memref_slice %arg6[%dma_wait3A_116, %dma_wait3A_117] : memref<640x128xf32, #tpu.memory_space<vmem>> -> memref<128x128xf32, #tpu.memory_space<vmem>>
      %dma_wait3A_119 = arith.constant 0 : i32
      %dma_wait3A_120 = tpu.memref_slice %arg5[%add3A_71, %dma_wait3A_119] : memref<80x128xi32, #tpu.memory_space<vmem>> -> memref<1x128xi32, #tpu.memory_space<vmem>>
      %dma_wait3A_121 = tpu.memref_squeeze %dma_wait3A_120 : memref<1x128xi32, #tpu.memory_space<vmem>> -> memref<128xi32, #tpu.memory_space<vmem>>
      %dma_wait3A_122 = arith.constant 0 : i32
      %dma_wait3A_123 = arith.constant 0 : i32
      %dma_wait3A_124 = tpu.memref_slice %arg2[%dma_wait3A_122, %dma_wait3A_123] : memref<16384x128xf32, #tpu.memory_space<hbm>> -> memref<16384x128xf32, #tpu.memory_space<hbm>>
      tpu.wait_indirect_dma semaphore(%arg8 : memref<!tpu.dma_semaphore, #tpu.memory_space<semaphore_mem>>) src(%dma_wait3A_124 : memref<16384x128xf32, #tpu.memory_space<hbm>>) dst(%dma_wait3A_118 : memref<128x128xf32, #tpu.memory_space<vmem>>)
      %scan3A_125 = arith.constant 0 : i32
      %scan3A_126 = arith.constant 32 : i32
      %scan3A_127 = arith.addi %scan3A_125, %scan3A_126 : i32
      %scan3A_128 = arith.constant 1 : i32
      scf.for %scan3A_130 = %scan3A_125 to %scan3A_127 step %scan3A_128  : i32 {
        %mul3A_131 = arith.constant 1 : i32
        %mul3A_132 = arith.muli %scan3A_130, %mul3A_131 : i32
        %add3A_133 = arith.constant 0 : i32
        %add3A_134 = arith.addi %add3A_133, %mul3A_132 : i32
        %mul3A_135 = arith.constant 20 : i32
        %mul3A_136 = arith.muli %add3A_134, %mul3A_135 : i32
        %get3A = arith.index_cast %mul3A_136 : i32 to index
        %get3A_137 = arith.constant 0 : index
        %get3A_138 = tpu.vector_load %arg6[%get3A, %get3A_137] {strides = array<i32>} : memref<640x128xf32, #tpu.memory_space<vmem>>, vector<1x16xf32>,
        %get3A_139 = vector.shape_cast %get3A_138 : vector<1x16xf32> to vector<16xf32>
        %mul3A_140 = arith.constant 20 : i32
        %mul3A_141 = arith.muli %add3A_134, %mul3A_140 : i32
        %add3A_142 = arith.constant 1 : i32
        %add3A_143 = arith.addi %mul3A_141, %add3A_142 : i32
        %get3A_144 = arith.index_cast %add3A_143 : i32 to index
        %get3A_145 = arith.constant 0 : index
        %get3A_146 = tpu.vector_load %arg6[%get3A_144, %get3A_145] {strides = array<i32>} : memref<640x128xf32, #tpu.memory_space<vmem>>, vector<1x16xf32>,
        %get3A_147 = vector.shape_cast %get3A_146 : vector<1x16xf32> to vector<16xf32>
        %max3A = arith.maximumf %get3A_139, %get3A_147 : vector<16xf32>
        %mul3A_148 = arith.constant 20 : i32
        %mul3A_149 = arith.muli %add3A_134, %mul3A_148 : i32
        %add3A_150 = arith.constant 2 : i32
        %add3A_151 = arith.addi %mul3A_149, %add3A_150 : i32
        %get3A_152 = arith.index_cast %add3A_151 : i32 to index
        %get3A_153 = arith.constant 0 : index
        %get3A_154 = tpu.vector_load %arg6[%get3A_152, %get3A_153] {strides = array<i32>} : memref<640x128xf32, #tpu.memory_space<vmem>>, vector<1x16xf32>,
        %get3A_155 = vector.shape_cast %get3A_154 : vector<1x16xf32> to vector<16xf32>
        %max3A_156 = arith.maximumf %max3A, %get3A_155 : vector<16xf32>
        %mul3A_157 = arith.constant 20 : i32
        %mul3A_158 = arith.muli %add3A_134, %mul3A_157 : i32
        %add3A_159 = arith.constant 3 : i32
        %add3A_160 = arith.addi %mul3A_158, %add3A_159 : i32
        %get3A_161 = arith.index_cast %add3A_160 : i32 to index
        %get3A_162 = arith.constant 0 : index
        %get3A_163 = tpu.vector_load %arg6[%get3A_161, %get3A_162] {strides = array<i32>} : memref<640x128xf32, #tpu.memory_space<vmem>>, vector<1x16xf32>,
        %get3A_164 = vector.shape_cast %get3A_163 : vector<1x16xf32> to vector<16xf32>
        %max3A_165 = arith.maximumf %max3A_156, %get3A_164 : vector<16xf32>
        %mul3A_166 = arith.constant 20 : i32
        %mul3A_167 = arith.muli %add3A_134, %mul3A_166 : i32
        %add3A_168 = arith.constant 4 : i32
        %add3A_169 = arith.addi %mul3A_167, %add3A_168 : i32
        %get3A_170 = arith.index_cast %add3A_169 : i32 to index
        %get3A_171 = arith.constant 0 : index
        %get3A_172 = tpu.vector_load %arg6[%get3A_170, %get3A_171] {strides = array<i32>} : memref<640x128xf32, #tpu.memory_space<vmem>>, vector<1x16xf32>,
        %get3A_173 = vector.shape_cast %get3A_172 : vector<1x16xf32> to vector<16xf32>
        %max3A_174 = arith.maximumf %max3A_165, %get3A_173 : vector<16xf32>
        %mul3A_175 = arith.constant 20 : i32
        %mul3A_176 = arith.muli %add3A_134, %mul3A_175 : i32
        %add3A_177 = arith.constant 5 : i32
        %add3A_178 = arith.addi %mul3A_176, %add3A_177 : i32
        %get3A_179 = arith.index_cast %add3A_178 : i32 to index
        %get3A_180 = arith.constant 0 : index
        %get3A_181 = tpu.vector_load %arg6[%get3A_179, %get3A_180] {strides = array<i32>} : memref<640x128xf32, #tpu.memory_space<vmem>>, vector<1x16xf32>,
        %get3A_182 = vector.shape_cast %get3A_181 : vector<1x16xf32> to vector<16xf32>
        %max3A_183 = arith.maximumf %max3A_174, %get3A_182 : vector<16xf32>
        %mul3A_184 = arith.constant 20 : i32
        %mul3A_185 = arith.muli %add3A_134, %mul3A_184 : i32
        %add3A_186 = arith.constant 6 : i32
        %add3A_187 = arith.addi %mul3A_185, %add3A_186 : i32
        %get3A_188 = arith.index_cast %add3A_187 : i32 to index
        %get3A_189 = arith.constant 0 : index
        %get3A_190 = tpu.vector_load %arg6[%get3A_188, %get3A_189] {strides = array<i32>} : memref<640x128xf32, #tpu.memory_space<vmem>>, vector<1x16xf32>,
        %get3A_191 = vector.shape_cast %get3A_190 : vector<1x16xf32> to vector<16xf32>
        %max3A_192 = arith.maximumf %max3A_183, %get3A_191 : vector<16xf32>
        %mul3A_193 = arith.constant 20 : i32
        %mul3A_194 = arith.muli %add3A_134, %mul3A_193 : i32
        %add3A_195 = arith.constant 7 : i32
        %add3A_196 = arith.addi %mul3A_194, %add3A_195 : i32
        %get3A_197 = arith.index_cast %add3A_196 : i32 to index
        %get3A_198 = arith.constant 0 : index
        %get3A_199 = tpu.vector_load %arg6[%get3A_197, %get3A_198] {strides = array<i32>} : memref<640x128xf32, #tpu.memory_space<vmem>>, vector<1x16xf32>,
        %get3A_200 = vector.shape_cast %get3A_199 : vector<1x16xf32> to vector<16xf32>
        %max3A_201 = arith.maximumf %max3A_192, %get3A_200 : vector<16xf32>
        %mul3A_202 = arith.constant 20 : i32
        %mul3A_203 = arith.muli %add3A_134, %mul3A_202 : i32
        %add3A_204 = arith.constant 8 : i32
        %add3A_205 = arith.addi %mul3A_203, %add3A_204 : i32
        %get3A_206 = arith.index_cast %add3A_205 : i32 to index
        %get3A_207 = arith.constant 0 : index
        %get3A_208 = tpu.vector_load %arg6[%get3A_206, %get3A_207] {strides = array<i32>} : memref<640x128xf32, #tpu.memory_space<vmem>>, vector<1x16xf32>,
        %get3A_209 = vector.shape_cast %get3A_208 : vector<1x16xf32> to vector<16xf32>
        %max3A_210 = arith.maximumf %max3A_201, %get3A_209 : vector<16xf32>
        %mul3A_211 = arith.constant 20 : i32
        %mul3A_212 = arith.muli %add3A_134, %mul3A_211 : i32
        %add3A_213 = arith.constant 9 : i32
        %add3A_214 = arith.addi %mul3A_212, %add3A_213 : i32
        %get3A_215 = arith.index_cast %add3A_214 : i32 to index
        %get3A_216 = arith.constant 0 : index
        %get3A_217 = tpu.vector_load %arg6[%get3A_215, %get3A_216] {strides = array<i32>} : memref<640x128xf32, #tpu.memory_space<vmem>>, vector<1x16xf32>,
        %get3A_218 = vector.shape_cast %get3A_217 : vector<1x16xf32> to vector<16xf32>
        %max3A_219 = arith.maximumf %max3A_210, %get3A_218 : vector<16xf32>
        %mul3A_220 = arith.constant 20 : i32
        %mul3A_221 = arith.muli %add3A_134, %mul3A_220 : i32
        %add3A_222 = arith.constant 10 : i32
        %add3A_223 = arith.addi %mul3A_221, %add3A_222 : i32
        %get3A_224 = arith.index_cast %add3A_223 : i32 to index
        %get3A_225 = arith.constant 0 : index
        %get3A_226 = tpu.vector_load %arg6[%get3A_224, %get3A_225] {strides = array<i32>} : memref<640x128xf32, #tpu.memory_space<vmem>>, vector<1x16xf32>,
        %get3A_227 = vector.shape_cast %get3A_226 : vector<1x16xf32> to vector<16xf32>
        %max3A_228 = arith.maximumf %max3A_219, %get3A_227 : vector<16xf32>
        %mul3A_229 = arith.constant 20 : i32
        %mul3A_230 = arith.muli %add3A_134, %mul3A_229 : i32
        %add3A_231 = arith.constant 11 : i32
        %add3A_232 = arith.addi %mul3A_230, %add3A_231 : i32
        %get3A_233 = arith.index_cast %add3A_232 : i32 to index
        %get3A_234 = arith.constant 0 : index
        %get3A_235 = tpu.vector_load %arg6[%get3A_233, %get3A_234] {strides = array<i32>} : memref<640x128xf32, #tpu.memory_space<vmem>>, vector<1x16xf32>,
        %get3A_236 = vector.shape_cast %get3A_235 : vector<1x16xf32> to vector<16xf32>
        %max3A_237 = arith.maximumf %max3A_228, %get3A_236 : vector<16xf32>
        %mul3A_238 = arith.constant 20 : i32
        %mul3A_239 = arith.muli %add3A_134, %mul3A_238 : i32
        %add3A_240 = arith.constant 12 : i32
        %add3A_241 = arith.addi %mul3A_239, %add3A_240 : i32
        %get3A_242 = arith.index_cast %add3A_241 : i32 to index
        %get3A_243 = arith.constant 0 : index
        %get3A_244 = tpu.vector_load %arg6[%get3A_242, %get3A_243] {strides = array<i32>} : memref<640x128xf32, #tpu.memory_space<vmem>>, vector<1x16xf32>,
        %get3A_245 = vector.shape_cast %get3A_244 : vector<1x16xf32> to vector<16xf32>
        %max3A_246 = arith.maximumf %max3A_237, %get3A_245 : vector<16xf32>
        %mul3A_247 = arith.constant 20 : i32
        %mul3A_248 = arith.muli %add3A_134, %mul3A_247 : i32
        %add3A_249 = arith.constant 13 : i32
        %add3A_250 = arith.addi %mul3A_248, %add3A_249 : i32
        %get3A_251 = arith.index_cast %add3A_250 : i32 to index
        %get3A_252 = arith.constant 0 : index
        %get3A_253 = tpu.vector_load %arg6[%get3A_251, %get3A_252] {strides = array<i32>} : memref<640x128xf32, #tpu.memory_space<vmem>>, vector<1x16xf32>,
        %get3A_254 = vector.shape_cast %get3A_253 : vector<1x16xf32> to vector<16xf32>
        %max3A_255 = arith.maximumf %max3A_246, %get3A_254 : vector<16xf32>
        %mul3A_256 = arith.constant 20 : i32
        %mul3A_257 = arith.muli %add3A_134, %mul3A_256 : i32
        %add3A_258 = arith.constant 14 : i32
        %add3A_259 = arith.addi %mul3A_257, %add3A_258 : i32
        %get3A_260 = arith.index_cast %add3A_259 : i32 to index
        %get3A_261 = arith.constant 0 : index
        %get3A_262 = tpu.vector_load %arg6[%get3A_260, %get3A_261] {strides = array<i32>} : memref<640x128xf32, #tpu.memory_space<vmem>>, vector<1x16xf32>,
        %get3A_263 = vector.shape_cast %get3A_262 : vector<1x16xf32> to vector<16xf32>
        %max3A_264 = arith.maximumf %max3A_255, %get3A_263 : vector<16xf32>
        %mul3A_265 = arith.constant 20 : i32
        %mul3A_266 = arith.muli %add3A_134, %mul3A_265 : i32
        %add3A_267 = arith.constant 15 : i32
        %add3A_268 = arith.addi %mul3A_266, %add3A_267 : i32
        %get3A_269 = arith.index_cast %add3A_268 : i32 to index
        %get3A_270 = arith.constant 0 : index
        %get3A_271 = tpu.vector_load %arg6[%get3A_269, %get3A_270] {strides = array<i32>} : memref<640x128xf32, #tpu.memory_space<vmem>>, vector<1x16xf32>,
        %get3A_272 = vector.shape_cast %get3A_271 : vector<1x16xf32> to vector<16xf32>
        %max3A_273 = arith.maximumf %max3A_264, %get3A_272 : vector<16xf32>
        %mul3A_274 = arith.constant 20 : i32
        %mul3A_275 = arith.muli %add3A_134, %mul3A_274 : i32
        %add3A_276 = arith.constant 16 : i32
        %add3A_277 = arith.addi %mul3A_275, %add3A_276 : i32
        %get3A_278 = arith.index_cast %add3A_277 : i32 to index
        %get3A_279 = arith.constant 0 : index
        %get3A_280 = tpu.vector_load %arg6[%get3A_278, %get3A_279] {strides = array<i32>} : memref<640x128xf32, #tpu.memory_space<vmem>>, vector<1x16xf32>,
        %get3A_281 = vector.shape_cast %get3A_280 : vector<1x16xf32> to vector<16xf32>
        %max3A_282 = arith.maximumf %max3A_273, %get3A_281 : vector<16xf32>
        %mul3A_283 = arith.constant 20 : i32
        %mul3A_284 = arith.muli %add3A_134, %mul3A_283 : i32
        %add3A_285 = arith.constant 17 : i32
        %add3A_286 = arith.addi %mul3A_284, %add3A_285 : i32
        %get3A_287 = arith.index_cast %add3A_286 : i32 to index
        %get3A_288 = arith.constant 0 : index
        %get3A_289 = tpu.vector_load %arg6[%get3A_287, %get3A_288] {strides = array<i32>} : memref<640x128xf32, #tpu.memory_space<vmem>>, vector<1x16xf32>,
        %get3A_290 = vector.shape_cast %get3A_289 : vector<1x16xf32> to vector<16xf32>
        %max3A_291 = arith.maximumf %max3A_282, %get3A_290 : vector<16xf32>
        %mul3A_292 = arith.constant 20 : i32
        %mul3A_293 = arith.muli %add3A_134, %mul3A_292 : i32
        %add3A_294 = arith.constant 18 : i32
        %add3A_295 = arith.addi %mul3A_293, %add3A_294 : i32
        %get3A_296 = arith.index_cast %add3A_295 : i32 to index
        %get3A_297 = arith.constant 0 : index
        %get3A_298 = tpu.vector_load %arg6[%get3A_296, %get3A_297] {strides = array<i32>} : memref<640x128xf32, #tpu.memory_space<vmem>>, vector<1x16xf32>,
        %get3A_299 = vector.shape_cast %get3A_298 : vector<1x16xf32> to vector<16xf32>
        %max3A_300 = arith.maximumf %max3A_291, %get3A_299 : vector<16xf32>
        %mul3A_301 = arith.constant 20 : i32
        %mul3A_302 = arith.muli %add3A_134, %mul3A_301 : i32
        %add3A_303 = arith.constant 19 : i32
        %add3A_304 = arith.addi %mul3A_302, %add3A_303 : i32
        %get3A_305 = arith.index_cast %add3A_304 : i32 to index
        %get3A_306 = arith.constant 0 : index
        %get3A_307 = tpu.vector_load %arg6[%get3A_305, %get3A_306] {strides = array<i32>} : memref<640x128xf32, #tpu.memory_space<vmem>>, vector<1x16xf32>,
        %get3A_308 = vector.shape_cast %get3A_307 : vector<1x16xf32> to vector<16xf32>
        %max3A_309 = arith.maximumf %max3A_300, %get3A_308 : vector<16xf32>
        %swap3A = arith.index_cast %add3A_134 : i32 to index
        %swap3A_310 = arith.constant 0 : index
        %swap3A_311 = tpu.vector_load %arg7[%swap3A, %swap3A_310] {strides = array<i32>} : memref<32x128xf32, #tpu.memory_space<vmem>>, vector<1x16xf32>,
        %swap3A_312 = vector.shape_cast %swap3A_311 : vector<1x16xf32> to vector<16xf32>
        %swap3A_313 = vector.shape_cast %max3A_309 : vector<16xf32> to vector<1x16xf32>
        tpu.vector_store %arg7[%swap3A, %swap3A_310], %swap3A_313 {strides = array<i32>} : memref<32x128xf32, #tpu.memory_space<vmem>>, vector<1x16xf32>,
        %mul3A_314 = arith.constant 20 : i32
        %mul3A_315 = arith.muli %add3A_134, %mul3A_314 : i32
        %get3A_316 = arith.index_cast %mul3A_315 : i32 to index
        %get3A_317 = arith.constant 16 : index
        %get3A_318 = tpu.vector_load %arg6[%get3A_316, %get3A_317] {strides = array<i32>} : memref<640x128xf32, #tpu.memory_space<vmem>>, vector<1x16xf32>,
        %get3A_319 = vector.shape_cast %get3A_318 : vector<1x16xf32> to vector<16xf32>
        %mul3A_320 = arith.constant 20 : i32
        %mul3A_321 = arith.muli %add3A_134, %mul3A_320 : i32
        %add3A_322 = arith.constant 1 : i32
        %add3A_323 = arith.addi %mul3A_321, %add3A_322 : i32
        %get3A_324 = arith.index_cast %add3A_323 : i32 to index
        %get3A_325 = arith.constant 16 : index
        %get3A_326 = tpu.vector_load %arg6[%get3A_324, %get3A_325] {strides = array<i32>} : memref<640x128xf32, #tpu.memory_space<vmem>>, vector<1x16xf32>,
        %get3A_327 = vector.shape_cast %get3A_326 : vector<1x16xf32> to vector<16xf32>
        %max3A_328 = arith.maximumf %get3A_319, %get3A_327 : vector<16xf32>
        %mul3A_329 = arith.constant 20 : i32
        %mul3A_330 = arith.muli %add3A_134, %mul3A_329 : i32
        %add3A_331 = arith.constant 2 : i32
        %add3A_332 = arith.addi %mul3A_330, %add3A_331 : i32
        %get3A_333 = arith.index_cast %add3A_332 : i32 to index
        %get3A_334 = arith.constant 16 : index
        %get3A_335 = tpu.vector_load %arg6[%get3A_333, %get3A_334] {strides = array<i32>} : memref<640x128xf32, #tpu.memory_space<vmem>>, vector<1x16xf32>,
        %get3A_336 = vector.shape_cast %get3A_335 : vector<1x16xf32> to vector<16xf32>
        %max3A_337 = arith.maximumf %max3A_328, %get3A_336 : vector<16xf32>
        %mul3A_338 = arith.constant 20 : i32
        %mul3A_339 = arith.muli %add3A_134, %mul3A_338 : i32
        %add3A_340 = arith.constant 3 : i32
        %add3A_341 = arith.addi %mul3A_339, %add3A_340 : i32
        %get3A_342 = arith.index_cast %add3A_341 : i32 to index
        %get3A_343 = arith.constant 16 : index
        %get3A_344 = tpu.vector_load %arg6[%get3A_342, %get3A_343] {strides = array<i32>} : memref<640x128xf32, #tpu.memory_space<vmem>>, vector<1x16xf32>,
        %get3A_345 = vector.shape_cast %get3A_344 : vector<1x16xf32> to vector<16xf32>
        %max3A_346 = arith.maximumf %max3A_337, %get3A_345 : vector<16xf32>
        %mul3A_347 = arith.constant 20 : i32
        %mul3A_348 = arith.muli %add3A_134, %mul3A_347 : i32
        %add3A_349 = arith.constant 4 : i32
        %add3A_350 = arith.addi %mul3A_348, %add3A_349 : i32
        %get3A_351 = arith.index_cast %add3A_350 : i32 to index
        %get3A_352 = arith.constant 16 : index
        %get3A_353 = tpu.vector_load %arg6[%get3A_351, %get3A_352] {strides = array<i32>} : memref<640x128xf32, #tpu.memory_space<vmem>>, vector<1x16xf32>,
        %get3A_354 = vector.shape_cast %get3A_353 : vector<1x16xf32> to vector<16xf32>
        %max3A_355 = arith.maximumf %max3A_346, %get3A_354 : vector<16xf32>
        %mul3A_356 = arith.constant 20 : i32
        %mul3A_357 = arith.muli %add3A_134, %mul3A_356 : i32
        %add3A_358 = arith.constant 5 : i32
        %add3A_359 = arith.addi %mul3A_357, %add3A_358 : i32
        %get3A_360 = arith.index_cast %add3A_359 : i32 to index
        %get3A_361 = arith.constant 16 : index
        %get3A_362 = tpu.vector_load %arg6[%get3A_360, %get3A_361] {strides = array<i32>} : memref<640x128xf32, #tpu.memory_space<vmem>>, vector<1x16xf32>,
        %get3A_363 = vector.shape_cast %get3A_362 : vector<1x16xf32> to vector<16xf32>
        %max3A_364 = arith.maximumf %max3A_355, %get3A_363 : vector<16xf32>
        %mul3A_365 = arith.constant 20 : i32
        %mul3A_366 = arith.muli %add3A_134, %mul3A_365 : i32
        %add3A_367 = arith.constant 6 : i32
        %add3A_368 = arith.addi %mul3A_366, %add3A_367 : i32
        %get3A_369 = arith.index_cast %add3A_368 : i32 to index
        %get3A_370 = arith.constant 16 : index
        %get3A_371 = tpu.vector_load %arg6[%get3A_369, %get3A_370] {strides = array<i32>} : memref<640x128xf32, #tpu.memory_space<vmem>>, vector<1x16xf32>,
        %get3A_372 = vector.shape_cast %get3A_371 : vector<1x16xf32> to vector<16xf32>
        %max3A_373 = arith.maximumf %max3A_364, %get3A_372 : vector<16xf32>
        %mul3A_374 = arith.constant 20 : i32
        %mul3A_375 = arith.muli %add3A_134, %mul3A_374 : i32
        %add3A_376 = arith.constant 7 : i32
        %add3A_377 = arith.addi %mul3A_375, %add3A_376 : i32
        %get3A_378 = arith.index_cast %add3A_377 : i32 to index
        %get3A_379 = arith.constant 16 : index
        %get3A_380 = tpu.vector_load %arg6[%get3A_378, %get3A_379] {strides = array<i32>} : memref<640x128xf32, #tpu.memory_space<vmem>>, vector<1x16xf32>,
        %get3A_381 = vector.shape_cast %get3A_380 : vector<1x16xf32> to vector<16xf32>
        %max3A_382 = arith.maximumf %max3A_373, %get3A_381 : vector<16xf32>
        %mul3A_383 = arith.constant 20 : i32
        %mul3A_384 = arith.muli %add3A_134, %mul3A_383 : i32
        %add3A_385 = arith.constant 8 : i32
        %add3A_386 = arith.addi %mul3A_384, %add3A_385 : i32
        %get3A_387 = arith.index_cast %add3A_386 : i32 to index
        %get3A_388 = arith.constant 16 : index
        %get3A_389 = tpu.vector_load %arg6[%get3A_387, %get3A_388] {strides = array<i32>} : memref<640x128xf32, #tpu.memory_space<vmem>>, vector<1x16xf32>,
        %get3A_390 = vector.shape_cast %get3A_389 : vector<1x16xf32> to vector<16xf32>
        %max3A_391 = arith.maximumf %max3A_382, %get3A_390 : vector<16xf32>
        %mul3A_392 = arith.constant 20 : i32
        %mul3A_393 = arith.muli %add3A_134, %mul3A_392 : i32
        %add3A_394 = arith.constant 9 : i32
        %add3A_395 = arith.addi %mul3A_393, %add3A_394 : i32
        %get3A_396 = arith.index_cast %add3A_395 : i32 to index
        %get3A_397 = arith.constant 16 : index
        %get3A_398 = tpu.vector_load %arg6[%get3A_396, %get3A_397] {strides = array<i32>} : memref<640x128xf32, #tpu.memory_space<vmem>>, vector<1x16xf32>,
        %get3A_399 = vector.shape_cast %get3A_398 : vector<1x16xf32> to vector<16xf32>
        %max3A_400 = arith.maximumf %max3A_391, %get3A_399 : vector<16xf32>
        %mul3A_401 = arith.constant 20 : i32
        %mul3A_402 = arith.muli %add3A_134, %mul3A_401 : i32
        %add3A_403 = arith.constant 10 : i32
        %add3A_404 = arith.addi %mul3A_402, %add3A_403 : i32
        %get3A_405 = arith.index_cast %add3A_404 : i32 to index
        %get3A_406 = arith.constant 16 : index
        %get3A_407 = tpu.vector_load %arg6[%get3A_405, %get3A_406] {strides = array<i32>} : memref<640x128xf32, #tpu.memory_space<vmem>>, vector<1x16xf32>,
        %get3A_408 = vector.shape_cast %get3A_407 : vector<1x16xf32> to vector<16xf32>
        %max3A_409 = arith.maximumf %max3A_400, %get3A_408 : vector<16xf32>
        %mul3A_410 = arith.constant 20 : i32
        %mul3A_411 = arith.muli %add3A_134, %mul3A_410 : i32
        %add3A_412 = arith.constant 11 : i32
        %add3A_413 = arith.addi %mul3A_411, %add3A_412 : i32
        %get3A_414 = arith.index_cast %add3A_413 : i32 to index
        %get3A_415 = arith.constant 16 : index
        %get3A_416 = tpu.vector_load %arg6[%get3A_414, %get3A_415] {strides = array<i32>} : memref<640x128xf32, #tpu.memory_space<vmem>>, vector<1x16xf32>,
        %get3A_417 = vector.shape_cast %get3A_416 : vector<1x16xf32> to vector<16xf32>
        %max3A_418 = arith.maximumf %max3A_409, %get3A_417 : vector<16xf32>
        %mul3A_419 = arith.constant 20 : i32
        %mul3A_420 = arith.muli %add3A_134, %mul3A_419 : i32
        %add3A_421 = arith.constant 12 : i32
        %add3A_422 = arith.addi %mul3A_420, %add3A_421 : i32
        %get3A_423 = arith.index_cast %add3A_422 : i32 to index
        %get3A_424 = arith.constant 16 : index
        %get3A_425 = tpu.vector_load %arg6[%get3A_423, %get3A_424] {strides = array<i32>} : memref<640x128xf32, #tpu.memory_space<vmem>>, vector<1x16xf32>,
        %get3A_426 = vector.shape_cast %get3A_425 : vector<1x16xf32> to vector<16xf32>
        %max3A_427 = arith.maximumf %max3A_418, %get3A_426 : vector<16xf32>
        %mul3A_428 = arith.constant 20 : i32
        %mul3A_429 = arith.muli %add3A_134, %mul3A_428 : i32
        %add3A_430 = arith.constant 13 : i32
        %add3A_431 = arith.addi %mul3A_429, %add3A_430 : i32
        %get3A_432 = arith.index_cast %add3A_431 : i32 to index
        %get3A_433 = arith.constant 16 : index
        %get3A_434 = tpu.vector_load %arg6[%get3A_432, %get3A_433] {strides = array<i32>} : memref<640x128xf32, #tpu.memory_space<vmem>>, vector<1x16xf32>,
        %get3A_435 = vector.shape_cast %get3A_434 : vector<1x16xf32> to vector<16xf32>
        %max3A_436 = arith.maximumf %max3A_427, %get3A_435 : vector<16xf32>
        %mul3A_437 = arith.constant 20 : i32
        %mul3A_438 = arith.muli %add3A_134, %mul3A_437 : i32
        %add3A_439 = arith.constant 14 : i32
        %add3A_440 = arith.addi %mul3A_438, %add3A_439 : i32
        %get3A_441 = arith.index_cast %add3A_440 : i32 to index
        %get3A_442 = arith.constant 16 : index
        %get3A_443 = tpu.vector_load %arg6[%get3A_441, %get3A_442] {strides = array<i32>} : memref<640x128xf32, #tpu.memory_space<vmem>>, vector<1x16xf32>,
        %get3A_444 = vector.shape_cast %get3A_443 : vector<1x16xf32> to vector<16xf32>
        %max3A_445 = arith.maximumf %max3A_436, %get3A_444 : vector<16xf32>
        %mul3A_446 = arith.constant 20 : i32
        %mul3A_447 = arith.muli %add3A_134, %mul3A_446 : i32
        %add3A_448 = arith.constant 15 : i32
        %add3A_449 = arith.addi %mul3A_447, %add3A_448 : i32
        %get3A_450 = arith.index_cast %add3A_449 : i32 to index
        %get3A_451 = arith.constant 16 : index
        %get3A_452 = tpu.vector_load %arg6[%get3A_450, %get3A_451] {strides = array<i32>} : memref<640x128xf32, #tpu.memory_space<vmem>>, vector<1x16xf32>,
        %get3A_453 = vector.shape_cast %get3A_452 : vector<1x16xf32> to vector<16xf32>
        %max3A_454 = arith.maximumf %max3A_445, %get3A_453 : vector<16xf32>
        %mul3A_455 = arith.constant 20 : i32
        %mul3A_456 = arith.muli %add3A_134, %mul3A_455 : i32
        %add3A_457 = arith.constant 16 : i32
        %add3A_458 = arith.addi %mul3A_456, %add3A_457 : i32
        %get3A_459 = arith.index_cast %add3A_458 : i32 to index
        %get3A_460 = arith.constant 16 : index
        %get3A_461 = tpu.vector_load %arg6[%get3A_459, %get3A_460] {strides = array<i32>} : memref<640x128xf32, #tpu.memory_space<vmem>>, vector<1x16xf32>,
        %get3A_462 = vector.shape_cast %get3A_461 : vector<1x16xf32> to vector<16xf32>
        %max3A_463 = arith.maximumf %max3A_454, %get3A_462 : vector<16xf32>
        %mul3A_464 = arith.constant 20 : i32
        %mul3A_465 = arith.muli %add3A_134, %mul3A_464 : i32
        %add3A_466 = arith.constant 17 : i32
        %add3A_467 = arith.addi %mul3A_465, %add3A_466 : i32
        %get3A_468 = arith.index_cast %add3A_467 : i32 to index
        %get3A_469 = arith.constant 16 : index
        %get3A_470 = tpu.vector_load %arg6[%get3A_468, %get3A_469] {strides = array<i32>} : memref<640x128xf32, #tpu.memory_space<vmem>>, vector<1x16xf32>,
        %get3A_471 = vector.shape_cast %get3A_470 : vector<1x16xf32> to vector<16xf32>
        %max3A_472 = arith.maximumf %max3A_463, %get3A_471 : vector<16xf32>
        %mul3A_473 = arith.constant 20 : i32
        %mul3A_474 = arith.muli %add3A_134, %mul3A_473 : i32
        %add3A_475 = arith.constant 18 : i32
        %add3A_476 = arith.addi %mul3A_474, %add3A_475 : i32
        %get3A_477 = arith.index_cast %add3A_476 : i32 to index
        %get3A_478 = arith.constant 16 : index
        %get3A_479 = tpu.vector_load %arg6[%get3A_477, %get3A_478] {strides = array<i32>} : memref<640x128xf32, #tpu.memory_space<vmem>>, vector<1x16xf32>,
        %get3A_480 = vector.shape_cast %get3A_479 : vector<1x16xf32> to vector<16xf32>
        %max3A_481 = arith.maximumf %max3A_472, %get3A_480 : vector<16xf32>
        %mul3A_482 = arith.constant 20 : i32
        %mul3A_483 = arith.muli %add3A_134, %mul3A_482 : i32
        %add3A_484 = arith.constant 19 : i32
        %add3A_485 = arith.addi %mul3A_483, %add3A_484 : i32
        %get3A_486 = arith.index_cast %add3A_485 : i32 to index
        %get3A_487 = arith.constant 16 : index
        %get3A_488 = tpu.vector_load %arg6[%get3A_486, %get3A_487] {strides = array<i32>} : memref<640x128xf32, #tpu.memory_space<vmem>>, vector<1x16xf32>,
        %get3A_489 = vector.shape_cast %get3A_488 : vector<1x16xf32> to vector<16xf32>
        %max3A_490 = arith.maximumf %max3A_481, %get3A_489 : vector<16xf32>
        %swap3A_491 = arith.index_cast %add3A_134 : i32 to index
        %swap3A_492 = arith.constant 16 : index
        %swap3A_493 = tpu.vector_load %arg7[%swap3A_491, %swap3A_492] {strides = array<i32>} : memref<32x128xf32, #tpu.memory_space<vmem>>, vector<1x16xf32>,
        %swap3A_494 = vector.shape_cast %swap3A_493 : vector<1x16xf32> to vector<16xf32>
        %swap3A_495 = vector.shape_cast %max3A_490 : vector<16xf32> to vector<1x16xf32>
        tpu.vector_store %arg7[%swap3A_491, %swap3A_492], %swap3A_495 {strides = array<i32>} : memref<32x128xf32, #tpu.memory_space<vmem>>, vector<1x16xf32>,
        %mul3A_496 = arith.constant 20 : i32
        %mul3A_497 = arith.muli %add3A_134, %mul3A_496 : i32
        %get3A_498 = arith.index_cast %mul3A_497 : i32 to index
        %get3A_499 = arith.constant 32 : index
        %get3A_500 = tpu.vector_load %arg6[%get3A_498, %get3A_499] {strides = array<i32>} : memref<640x128xf32, #tpu.memory_space<vmem>>, vector<1x16xf32>,
        %get3A_501 = vector.shape_cast %get3A_500 : vector<1x16xf32> to vector<16xf32>
        %mul3A_502 = arith.constant 20 : i32
        %mul3A_503 = arith.muli %add3A_134, %mul3A_502 : i32
        %add3A_504 = arith.constant 1 : i32
        %add3A_505 = arith.addi %mul3A_503, %add3A_504 : i32
        %get3A_506 = arith.index_cast %add3A_505 : i32 to index
        %get3A_507 = arith.constant 32 : index
        %get3A_508 = tpu.vector_load %arg6[%get3A_506, %get3A_507] {strides = array<i32>} : memref<640x128xf32, #tpu.memory_space<vmem>>, vector<1x16xf32>,
        %get3A_509 = vector.shape_cast %get3A_508 : vector<1x16xf32> to vector<16xf32>
        %max3A_510 = arith.maximumf %get3A_501, %get3A_509 : vector<16xf32>
        %mul3A_511 = arith.constant 20 : i32
        %mul3A_512 = arith.muli %add3A_134, %mul3A_511 : i32
        %add3A_513 = arith.constant 2 : i32
        %add3A_514 = arith.addi %mul3A_512, %add3A_513 : i32
        %get3A_515 = arith.index_cast %add3A_514 : i32 to index
        %get3A_516 = arith.constant 32 : index
        %get3A_517 = tpu.vector_load %arg6[%get3A_515, %get3A_516] {strides = array<i32>} : memref<640x128xf32, #tpu.memory_space<vmem>>, vector<1x16xf32>,
        %get3A_518 = vector.shape_cast %get3A_517 : vector<1x16xf32> to vector<16xf32>
        %max3A_519 = arith.maximumf %max3A_510, %get3A_518 : vector<16xf32>
        %mul3A_520 = arith.constant 20 : i32
        %mul3A_521 = arith.muli %add3A_134, %mul3A_520 : i32
        %add3A_522 = arith.constant 3 : i32
        %add3A_523 = arith.addi %mul3A_521, %add3A_522 : i32
        %get3A_524 = arith.index_cast %add3A_523 : i32 to index
        %get3A_525 = arith.constant 32 : index
        %get3A_526 = tpu.vector_load %arg6[%get3A_524, %get3A_525] {strides = array<i32>} : memref<640x128xf32, #tpu.memory_space<vmem>>, vector<1x16xf32>,
        %get3A_527 = vector.shape_cast %get3A_526 : vector<1x16xf32> to vector<16xf32>
        %max3A_528 = arith.maximumf %max3A_519, %get3A_527 : vector<16xf32>
        %mul3A_529 = arith.constant 20 : i32
        %mul3A_530 = arith.muli %add3A_134, %mul3A_529 : i32
        %add3A_531 = arith.constant 4 : i32
        %add3A_532 = arith.addi %mul3A_530, %add3A_531 : i32
        %get3A_533 = arith.index_cast %add3A_532 : i32 to index
        %get3A_534 = arith.constant 32 : index
        %get3A_535 = tpu.vector_load %arg6[%get3A_533, %get3A_534] {strides = array<i32>} : memref<640x128xf32, #tpu.memory_space<vmem>>, vector<1x16xf32>,
        %get3A_536 = vector.shape_cast %get3A_535 : vector<1x16xf32> to vector<16xf32>
        %max3A_537 = arith.maximumf %max3A_528, %get3A_536 : vector<16xf32>
        %mul3A_538 = arith.constant 20 : i32
        %mul3A_539 = arith.muli %add3A_134, %mul3A_538 : i32
        %add3A_540 = arith.constant 5 : i32
        %add3A_541 = arith.addi %mul3A_539, %add3A_540 : i32
        %get3A_542 = arith.index_cast %add3A_541 : i32 to index
        %get3A_543 = arith.constant 32 : index
        %get3A_544 = tpu.vector_load %arg6[%get3A_542, %get3A_543] {strides = array<i32>} : memref<640x128xf32, #tpu.memory_space<vmem>>, vector<1x16xf32>,
        %get3A_545 = vector.shape_cast %get3A_544 : vector<1x16xf32> to vector<16xf32>
        %max3A_546 = arith.maximumf %max3A_537, %get3A_545 : vector<16xf32>
        %mul3A_547 = arith.constant 20 : i32
        %mul3A_548 = arith.muli %add3A_134, %mul3A_547 : i32
        %add3A_549 = arith.constant 6 : i32
        %add3A_550 = arith.addi %mul3A_548, %add3A_549 : i32
        %get3A_551 = arith.index_cast %add3A_550 : i32 to index
        %get3A_552 = arith.constant 32 : index
        %get3A_553 = tpu.vector_load %arg6[%get3A_551, %get3A_552] {strides = array<i32>} : memref<640x128xf32, #tpu.memory_space<vmem>>, vector<1x16xf32>,
        %get3A_554 = vector.shape_cast %get3A_553 : vector<1x16xf32> to vector<16xf32>
        %max3A_555 = arith.maximumf %max3A_546, %get3A_554 : vector<16xf32>
        %mul3A_556 = arith.constant 20 : i32
        %mul3A_557 = arith.muli %add3A_134, %mul3A_556 : i32
        %add3A_558 = arith.constant 7 : i32
        %add3A_559 = arith.addi %mul3A_557, %add3A_558 : i32
        %get3A_560 = arith.index_cast %add3A_559 : i32 to index
        %get3A_561 = arith.constant 32 : index
        %get3A_562 = tpu.vector_load %arg6[%get3A_560, %get3A_561] {strides = array<i32>} : memref<640x128xf32, #tpu.memory_space<vmem>>, vector<1x16xf32>,
        %get3A_563 = vector.shape_cast %get3A_562 : vector<1x16xf32> to vector<16xf32>
        %max3A_564 = arith.maximumf %max3A_555, %get3A_563 : vector<16xf32>
        %mul3A_565 = arith.constant 20 : i32
        %mul3A_566 = arith.muli %add3A_134, %mul3A_565 : i32
        %add3A_567 = arith.constant 8 : i32
        %add3A_568 = arith.addi %mul3A_566, %add3A_567 : i32
        %get3A_569 = arith.index_cast %add3A_568 : i32 to index
        %get3A_570 = arith.constant 32 : index
        %get3A_571 = tpu.vector_load %arg6[%get3A_569, %get3A_570] {strides = array<i32>} : memref<640x128xf32, #tpu.memory_space<vmem>>, vector<1x16xf32>,
        %get3A_572 = vector.shape_cast %get3A_571 : vector<1x16xf32> to vector<16xf32>
        %max3A_573 = arith.maximumf %max3A_564, %get3A_572 : vector<16xf32>
        %mul3A_574 = arith.constant 20 : i32
        %mul3A_575 = arith.muli %add3A_134, %mul3A_574 : i32
        %add3A_576 = arith.constant 9 : i32
        %add3A_577 = arith.addi %mul3A_575, %add3A_576 : i32
        %get3A_578 = arith.index_cast %add3A_577 : i32 to index
        %get3A_579 = arith.constant 32 : index
        %get3A_580 = tpu.vector_load %arg6[%get3A_578, %get3A_579] {strides = array<i32>} : memref<640x128xf32, #tpu.memory_space<vmem>>, vector<1x16xf32>,
        %get3A_581 = vector.shape_cast %get3A_580 : vector<1x16xf32> to vector<16xf32>
        %max3A_582 = arith.maximumf %max3A_573, %get3A_581 : vector<16xf32>
        %mul3A_583 = arith.constant 20 : i32
        %mul3A_584 = arith.muli %add3A_134, %mul3A_583 : i32
        %add3A_585 = arith.constant 10 : i32
        %add3A_586 = arith.addi %mul3A_584, %add3A_585 : i32
        %get3A_587 = arith.index_cast %add3A_586 : i32 to index
        %get3A_588 = arith.constant 32 : index
        %get3A_589 = tpu.vector_load %arg6[%get3A_587, %get3A_588] {strides = array<i32>} : memref<640x128xf32, #tpu.memory_space<vmem>>, vector<1x16xf32>,
        %get3A_590 = vector.shape_cast %get3A_589 : vector<1x16xf32> to vector<16xf32>
        %max3A_591 = arith.maximumf %max3A_582, %get3A_590 : vector<16xf32>
        %mul3A_592 = arith.constant 20 : i32
        %mul3A_593 = arith.muli %add3A_134, %mul3A_592 : i32
        %add3A_594 = arith.constant 11 : i32
        %add3A_595 = arith.addi %mul3A_593, %add3A_594 : i32
        %get3A_596 = arith.index_cast %add3A_595 : i32 to index
        %get3A_597 = arith.constant 32 : index
        %get3A_598 = tpu.vector_load %arg6[%get3A_596, %get3A_597] {strides = array<i32>} : memref<640x128xf32, #tpu.memory_space<vmem>>, vector<1x16xf32>,
        %get3A_599 = vector.shape_cast %get3A_598 : vector<1x16xf32> to vector<16xf32>
        %max3A_600 = arith.maximumf %max3A_591, %get3A_599 : vector<16xf32>
        %mul3A_601 = arith.constant 20 : i32
        %mul3A_602 = arith.muli %add3A_134, %mul3A_601 : i32
        %add3A_603 = arith.constant 12 : i32
        %add3A_604 = arith.addi %mul3A_602, %add3A_603 : i32
        %get3A_605 = arith.index_cast %add3A_604 : i32 to index
        %get3A_606 = arith.constant 32 : index
        %get3A_607 = tpu.vector_load %arg6[%get3A_605, %get3A_606] {strides = array<i32>} : memref<640x128xf32, #tpu.memory_space<vmem>>, vector<1x16xf32>,
        %get3A_608 = vector.shape_cast %get3A_607 : vector<1x16xf32> to vector<16xf32>
        %max3A_609 = arith.maximumf %max3A_600, %get3A_608 : vector<16xf32>
        %mul3A_610 = arith.constant 20 : i32
        %mul3A_611 = arith.muli %add3A_134, %mul3A_610 : i32
        %add3A_612 = arith.constant 13 : i32
        %add3A_613 = arith.addi %mul3A_611, %add3A_612 : i32
        %get3A_614 = arith.index_cast %add3A_613 : i32 to index
        %get3A_615 = arith.constant 32 : index
        %get3A_616 = tpu.vector_load %arg6[%get3A_614, %get3A_615] {strides = array<i32>} : memref<640x128xf32, #tpu.memory_space<vmem>>, vector<1x16xf32>,
        %get3A_617 = vector.shape_cast %get3A_616 : vector<1x16xf32> to vector<16xf32>
        %max3A_618 = arith.maximumf %max3A_609, %get3A_617 : vector<16xf32>
        %mul3A_619 = arith.constant 20 : i32
        %mul3A_620 = arith.muli %add3A_134, %mul3A_619 : i32
        %add3A_621 = arith.constant 14 : i32
        %add3A_622 = arith.addi %mul3A_620, %add3A_621 : i32
        %get3A_623 = arith.index_cast %add3A_622 : i32 to index
        %get3A_624 = arith.constant 32 : index
        %get3A_625 = tpu.vector_load %arg6[%get3A_623, %get3A_624] {strides = array<i32>} : memref<640x128xf32, #tpu.memory_space<vmem>>, vector<1x16xf32>,
        %get3A_626 = vector.shape_cast %get3A_625 : vector<1x16xf32> to vector<16xf32>
        %max3A_627 = arith.maximumf %max3A_618, %get3A_626 : vector<16xf32>
        %mul3A_628 = arith.constant 20 : i32
        %mul3A_629 = arith.muli %add3A_134, %mul3A_628 : i32
        %add3A_630 = arith.constant 15 : i32
        %add3A_631 = arith.addi %mul3A_629, %add3A_630 : i32
        %get3A_632 = arith.index_cast %add3A_631 : i32 to index
        %get3A_633 = arith.constant 32 : index
        %get3A_634 = tpu.vector_load %arg6[%get3A_632, %get3A_633] {strides = array<i32>} : memref<640x128xf32, #tpu.memory_space<vmem>>, vector<1x16xf32>,
        %get3A_635 = vector.shape_cast %get3A_634 : vector<1x16xf32> to vector<16xf32>
        %max3A_636 = arith.maximumf %max3A_627, %get3A_635 : vector<16xf32>
        %mul3A_637 = arith.constant 20 : i32
        %mul3A_638 = arith.muli %add3A_134, %mul3A_637 : i32
        %add3A_639 = arith.constant 16 : i32
        %add3A_640 = arith.addi %mul3A_638, %add3A_639 : i32
        %get3A_641 = arith.index_cast %add3A_640 : i32 to index
        %get3A_642 = arith.constant 32 : index
        %get3A_643 = tpu.vector_load %arg6[%get3A_641, %get3A_642] {strides = array<i32>} : memref<640x128xf32, #tpu.memory_space<vmem>>, vector<1x16xf32>,
        %get3A_644 = vector.shape_cast %get3A_643 : vector<1x16xf32> to vector<16xf32>
        %max3A_645 = arith.maximumf %max3A_636, %get3A_644 : vector<16xf32>
        %mul3A_646 = arith.constant 20 : i32
        %mul3A_647 = arith.muli %add3A_134, %mul3A_646 : i32
        %add3A_648 = arith.constant 17 : i32
        %add3A_649 = arith.addi %mul3A_647, %add3A_648 : i32
        %get3A_650 = arith.index_cast %add3A_649 : i32 to index
        %get3A_651 = arith.constant 32 : index
        %get3A_652 = tpu.vector_load %arg6[%get3A_650, %get3A_651] {strides = array<i32>} : memref<640x128xf32, #tpu.memory_space<vmem>>, vector<1x16xf32>,
        %get3A_653 = vector.shape_cast %get3A_652 : vector<1x16xf32> to vector<16xf32>
        %max3A_654 = arith.maximumf %max3A_645, %get3A_653 : vector<16xf32>
        %mul3A_655 = arith.constant 20 : i32
        %mul3A_656 = arith.muli %add3A_134, %mul3A_655 : i32
        %add3A_657 = arith.constant 18 : i32
        %add3A_658 = arith.addi %mul3A_656, %add3A_657 : i32
        %get3A_659 = arith.index_cast %add3A_658 : i32 to index
        %get3A_660 = arith.constant 32 : index
        %get3A_661 = tpu.vector_load %arg6[%get3A_659, %get3A_660] {strides = array<i32>} : memref<640x128xf32, #tpu.memory_space<vmem>>, vector<1x16xf32>,
        %get3A_662 = vector.shape_cast %get3A_661 : vector<1x16xf32> to vector<16xf32>
        %max3A_663 = arith.maximumf %max3A_654, %get3A_662 : vector<16xf32>
        %mul3A_664 = arith.constant 20 : i32
        %mul3A_665 = arith.muli %add3A_134, %mul3A_664 : i32
        %add3A_666 = arith.constant 19 : i32
        %add3A_667 = arith.addi %mul3A_665, %add3A_666 : i32
        %get3A_668 = arith.index_cast %add3A_667 : i32 to index
        %get3A_669 = arith.constant 32 : index
        %get3A_670 = tpu.vector_load %arg6[%get3A_668, %get3A_669] {strides = array<i32>} : memref<640x128xf32, #tpu.memory_space<vmem>>, vector<1x16xf32>,
        %get3A_671 = vector.shape_cast %get3A_670 : vector<1x16xf32> to vector<16xf32>
        %max3A_672 = arith.maximumf %max3A_663, %get3A_671 : vector<16xf32>
        %swap3A_673 = arith.index_cast %add3A_134 : i32 to index
        %swap3A_674 = arith.constant 32 : index
        %swap3A_675 = tpu.vector_load %arg7[%swap3A_673, %swap3A_674] {strides = array<i32>} : memref<32x128xf32, #tpu.memory_space<vmem>>, vector<1x16xf32>,
        %swap3A_676 = vector.shape_cast %swap3A_675 : vector<1x16xf32> to vector<16xf32>
        %swap3A_677 = vector.shape_cast %max3A_672 : vector<16xf32> to vector<1x16xf32>
        tpu.vector_store %arg7[%swap3A_673, %swap3A_674], %swap3A_677 {strides = array<i32>} : memref<32x128xf32, #tpu.memory_space<vmem>>, vector<1x16xf32>,
        %mul3A_678 = arith.constant 20 : i32
        %mul3A_679 = arith.muli %add3A_134, %mul3A_678 : i32
        %get3A_680 = arith.index_cast %mul3A_679 : i32 to index
        %get3A_681 = arith.constant 48 : index
        %get3A_682 = tpu.vector_load %arg6[%get3A_680, %get3A_681] {strides = array<i32>} : memref<640x128xf32, #tpu.memory_space<vmem>>, vector<1x16xf32>,
        %get3A_683 = vector.shape_cast %get3A_682 : vector<1x16xf32> to vector<16xf32>
        %mul3A_684 = arith.constant 20 : i32
        %mul3A_685 = arith.muli %add3A_134, %mul3A_684 : i32
        %add3A_686 = arith.constant 1 : i32
        %add3A_687 = arith.addi %mul3A_685, %add3A_686 : i32
        %get3A_688 = arith.index_cast %add3A_687 : i32 to index
        %get3A_689 = arith.constant 48 : index
        %get3A_690 = tpu.vector_load %arg6[%get3A_688, %get3A_689] {strides = array<i32>} : memref<640x128xf32, #tpu.memory_space<vmem>>, vector<1x16xf32>,
        %get3A_691 = vector.shape_cast %get3A_690 : vector<1x16xf32> to vector<16xf32>
        %max3A_692 = arith.maximumf %get3A_683, %get3A_691 : vector<16xf32>
        %mul3A_693 = arith.constant 20 : i32
        %mul3A_694 = arith.muli %add3A_134, %mul3A_693 : i32
        %add3A_695 = arith.constant 2 : i32
        %add3A_696 = arith.addi %mul3A_694, %add3A_695 : i32
        %get3A_697 = arith.index_cast %add3A_696 : i32 to index
        %get3A_698 = arith.constant 48 : index
        %get3A_699 = tpu.vector_load %arg6[%get3A_697, %get3A_698] {strides = array<i32>} : memref<640x128xf32, #tpu.memory_space<vmem>>, vector<1x16xf32>,
        %get3A_700 = vector.shape_cast %get3A_699 : vector<1x16xf32> to vector<16xf32>
        %max3A_701 = arith.maximumf %max3A_692, %get3A_700 : vector<16xf32>
        %mul3A_702 = arith.constant 20 : i32
        %mul3A_703 = arith.muli %add3A_134, %mul3A_702 : i32
        %add3A_704 = arith.constant 3 : i32
        %add3A_705 = arith.addi %mul3A_703, %add3A_704 : i32
        %get3A_706 = arith.index_cast %add3A_705 : i32 to index
        %get3A_707 = arith.constant 48 : index
        %get3A_708 = tpu.vector_load %arg6[%get3A_706, %get3A_707] {strides = array<i32>} : memref<640x128xf32, #tpu.memory_space<vmem>>, vector<1x16xf32>,
        %get3A_709 = vector.shape_cast %get3A_708 : vector<1x16xf32> to vector<16xf32>
        %max3A_710 = arith.maximumf %max3A_701, %get3A_709 : vector<16xf32>
        %mul3A_711 = arith.constant 20 : i32
        %mul3A_712 = arith.muli %add3A_134, %mul3A_711 : i32
        %add3A_713 = arith.constant 4 : i32
        %add3A_714 = arith.addi %mul3A_712, %add3A_713 : i32
        %get3A_715 = arith.index_cast %add3A_714 : i32 to index
        %get3A_716 = arith.constant 48 : index
        %get3A_717 = tpu.vector_load %arg6[%get3A_715, %get3A_716] {strides = array<i32>} : memref<640x128xf32, #tpu.memory_space<vmem>>, vector<1x16xf32>,
        %get3A_718 = vector.shape_cast %get3A_717 : vector<1x16xf32> to vector<16xf32>
        %max3A_719 = arith.maximumf %max3A_710, %get3A_718 : vector<16xf32>
        %mul3A_720 = arith.constant 20 : i32
        %mul3A_721 = arith.muli %add3A_134, %mul3A_720 : i32
        %add3A_722 = arith.constant 5 : i32
        %add3A_723 = arith.addi %mul3A_721, %add3A_722 : i32
        %get3A_724 = arith.index_cast %add3A_723 : i32 to index
        %get3A_725 = arith.constant 48 : index
        %get3A_726 = tpu.vector_load %arg6[%get3A_724, %get3A_725] {strides = array<i32>} : memref<640x128xf32, #tpu.memory_space<vmem>>, vector<1x16xf32>,
        %get3A_727 = vector.shape_cast %get3A_726 : vector<1x16xf32> to vector<16xf32>
        %max3A_728 = arith.maximumf %max3A_719, %get3A_727 : vector<16xf32>
        %mul3A_729 = arith.constant 20 : i32
        %mul3A_730 = arith.muli %add3A_134, %mul3A_729 : i32
        %add3A_731 = arith.constant 6 : i32
        %add3A_732 = arith.addi %mul3A_730, %add3A_731 : i32
        %get3A_733 = arith.index_cast %add3A_732 : i32 to index
        %get3A_734 = arith.constant 48 : index
        %get3A_735 = tpu.vector_load %arg6[%get3A_733, %get3A_734] {strides = array<i32>} : memref<640x128xf32, #tpu.memory_space<vmem>>, vector<1x16xf32>,
        %get3A_736 = vector.shape_cast %get3A_735 : vector<1x16xf32> to vector<16xf32>
        %max3A_737 = arith.maximumf %max3A_728, %get3A_736 : vector<16xf32>
        %mul3A_738 = arith.constant 20 : i32
        %mul3A_739 = arith.muli %add3A_134, %mul3A_738 : i32
        %add3A_740 = arith.constant 7 : i32
        %add3A_741 = arith.addi %mul3A_739, %add3A_740 : i32
        %get3A_742 = arith.index_cast %add3A_741 : i32 to index
        %get3A_743 = arith.constant 48 : index
        %get3A_744 = tpu.vector_load %arg6[%get3A_742, %get3A_743] {strides = array<i32>} : memref<640x128xf32, #tpu.memory_space<vmem>>, vector<1x16xf32>,
        %get3A_745 = vector.shape_cast %get3A_744 : vector<1x16xf32> to vector<16xf32>
        %max3A_746 = arith.maximumf %max3A_737, %get3A_745 : vector<16xf32>
        %mul3A_747 = arith.constant 20 : i32
        %mul3A_748 = arith.muli %add3A_134, %mul3A_747 : i32
        %add3A_749 = arith.constant 8 : i32
        %add3A_750 = arith.addi %mul3A_748, %add3A_749 : i32
        %get3A_751 = arith.index_cast %add3A_750 : i32 to index
        %get3A_752 = arith.constant 48 : index
        %get3A_753 = tpu.vector_load %arg6[%get3A_751, %get3A_752] {strides = array<i32>} : memref<640x128xf32, #tpu.memory_space<vmem>>, vector<1x16xf32>,
        %get3A_754 = vector.shape_cast %get3A_753 : vector<1x16xf32> to vector<16xf32>
        %max3A_755 = arith.maximumf %max3A_746, %get3A_754 : vector<16xf32>
        %mul3A_756 = arith.constant 20 : i32
        %mul3A_757 = arith.muli %add3A_134, %mul3A_756 : i32
        %add3A_758 = arith.constant 9 : i32
        %add3A_759 = arith.addi %mul3A_757, %add3A_758 : i32
        %get3A_760 = arith.index_cast %add3A_759 : i32 to index
        %get3A_761 = arith.constant 48 : index
        %get3A_762 = tpu.vector_load %arg6[%get3A_760, %get3A_761] {strides = array<i32>} : memref<640x128xf32, #tpu.memory_space<vmem>>, vector<1x16xf32>,
        %get3A_763 = vector.shape_cast %get3A_762 : vector<1x16xf32> to vector<16xf32>
        %max3A_764 = arith.maximumf %max3A_755, %get3A_763 : vector<16xf32>
        %mul3A_765 = arith.constant 20 : i32
        %mul3A_766 = arith.muli %add3A_134, %mul3A_765 : i32
        %add3A_767 = arith.constant 10 : i32
        %add3A_768 = arith.addi %mul3A_766, %add3A_767 : i32
        %get3A_769 = arith.index_cast %add3A_768 : i32 to index
        %get3A_770 = arith.constant 48 : index
        %get3A_771 = tpu.vector_load %arg6[%get3A_769, %get3A_770] {strides = array<i32>} : memref<640x128xf32, #tpu.memory_space<vmem>>, vector<1x16xf32>,
        %get3A_772 = vector.shape_cast %get3A_771 : vector<1x16xf32> to vector<16xf32>
        %max3A_773 = arith.maximumf %max3A_764, %get3A_772 : vector<16xf32>
        %mul3A_774 = arith.constant 20 : i32
        %mul3A_775 = arith.muli %add3A_134, %mul3A_774 : i32
        %add3A_776 = arith.constant 11 : i32
        %add3A_777 = arith.addi %mul3A_775, %add3A_776 : i32
        %get3A_778 = arith.index_cast %add3A_777 : i32 to index
        %get3A_779 = arith.constant 48 : index
        %get3A_780 = tpu.vector_load %arg6[%get3A_778, %get3A_779] {strides = array<i32>} : memref<640x128xf32, #tpu.memory_space<vmem>>, vector<1x16xf32>,
        %get3A_781 = vector.shape_cast %get3A_780 : vector<1x16xf32> to vector<16xf32>
        %max3A_782 = arith.maximumf %max3A_773, %get3A_781 : vector<16xf32>
        %mul3A_783 = arith.constant 20 : i32
        %mul3A_784 = arith.muli %add3A_134, %mul3A_783 : i32
        %add3A_785 = arith.constant 12 : i32
        %add3A_786 = arith.addi %mul3A_784, %add3A_785 : i32
        %get3A_787 = arith.index_cast %add3A_786 : i32 to index
        %get3A_788 = arith.constant 48 : index
        %get3A_789 = tpu.vector_load %arg6[%get3A_787, %get3A_788] {strides = array<i32>} : memref<640x128xf32, #tpu.memory_space<vmem>>, vector<1x16xf32>,
        %get3A_790 = vector.shape_cast %get3A_789 : vector<1x16xf32> to vector<16xf32>
        %max3A_791 = arith.maximumf %max3A_782, %get3A_790 : vector<16xf32>
        %mul3A_792 = arith.constant 20 : i32
        %mul3A_793 = arith.muli %add3A_134, %mul3A_792 : i32
        %add3A_794 = arith.constant 13 : i32
        %add3A_795 = arith.addi %mul3A_793, %add3A_794 : i32
        %get3A_796 = arith.index_cast %add3A_795 : i32 to index
        %get3A_797 = arith.constant 48 : index
        %get3A_798 = tpu.vector_load %arg6[%get3A_796, %get3A_797] {strides = array<i32>} : memref<640x128xf32, #tpu.memory_space<vmem>>, vector<1x16xf32>,
        %get3A_799 = vector.shape_cast %get3A_798 : vector<1x16xf32> to vector<16xf32>
        %max3A_800 = arith.maximumf %max3A_791, %get3A_799 : vector<16xf32>
        %mul3A_801 = arith.constant 20 : i32
        %mul3A_802 = arith.muli %add3A_134, %mul3A_801 : i32
        %add3A_803 = arith.constant 14 : i32
        %add3A_804 = arith.addi %mul3A_802, %add3A_803 : i32
        %get3A_805 = arith.index_cast %add3A_804 : i32 to index
        %get3A_806 = arith.constant 48 : index
        %get3A_807 = tpu.vector_load %arg6[%get3A_805, %get3A_806] {strides = array<i32>} : memref<640x128xf32, #tpu.memory_space<vmem>>, vector<1x16xf32>,
        %get3A_808 = vector.shape_cast %get3A_807 : vector<1x16xf32> to vector<16xf32>
        %max3A_809 = arith.maximumf %max3A_800, %get3A_808 : vector<16xf32>
        %mul3A_810 = arith.constant 20 : i32
        %mul3A_811 = arith.muli %add3A_134, %mul3A_810 : i32
        %add3A_812 = arith.constant 15 : i32
        %add3A_813 = arith.addi %mul3A_811, %add3A_812 : i32
        %get3A_814 = arith.index_cast %add3A_813 : i32 to index
        %get3A_815 = arith.constant 48 : index
        %get3A_816 = tpu.vector_load %arg6[%get3A_814, %get3A_815] {strides = array<i32>} : memref<640x128xf32, #tpu.memory_space<vmem>>, vector<1x16xf32>,
        %get3A_817 = vector.shape_cast %get3A_816 : vector<1x16xf32> to vector<16xf32>
        %max3A_818 = arith.maximumf %max3A_809, %get3A_817 : vector<16xf32>
        %mul3A_819 = arith.constant 20 : i32
        %mul3A_820 = arith.muli %add3A_134, %mul3A_819 : i32
        %add3A_821 = arith.constant 16 : i32
        %add3A_822 = arith.addi %mul3A_820, %add3A_821 : i32
        %get3A_823 = arith.index_cast %add3A_822 : i32 to index
        %get3A_824 = arith.constant 48 : index
        %get3A_825 = tpu.vector_load %arg6[%get3A_823, %get3A_824] {strides = array<i32>} : memref<640x128xf32, #tpu.memory_space<vmem>>, vector<1x16xf32>,
        %get3A_826 = vector.shape_cast %get3A_825 : vector<1x16xf32> to vector<16xf32>
        %max3A_827 = arith.maximumf %max3A_818, %get3A_826 : vector<16xf32>
        %mul3A_828 = arith.constant 20 : i32
        %mul3A_829 = arith.muli %add3A_134, %mul3A_828 : i32
        %add3A_830 = arith.constant 17 : i32
        %add3A_831 = arith.addi %mul3A_829, %add3A_830 : i32
        %get3A_832 = arith.index_cast %add3A_831 : i32 to index
        %get3A_833 = arith.constant 48 : index
        %get3A_834 = tpu.vector_load %arg6[%get3A_832, %get3A_833] {strides = array<i32>} : memref<640x128xf32, #tpu.memory_space<vmem>>, vector<1x16xf32>,
        %get3A_835 = vector.shape_cast %get3A_834 : vector<1x16xf32> to vector<16xf32>
        %max3A_836 = arith.maximumf %max3A_827, %get3A_835 : vector<16xf32>
        %mul3A_837 = arith.constant 20 : i32
        %mul3A_838 = arith.muli %add3A_134, %mul3A_837 : i32
        %add3A_839 = arith.constant 18 : i32
        %add3A_840 = arith.addi %mul3A_838, %add3A_839 : i32
        %get3A_841 = arith.index_cast %add3A_840 : i32 to index
        %get3A_842 = arith.constant 48 : index
        %get3A_843 = tpu.vector_load %arg6[%get3A_841, %get3A_842] {strides = array<i32>} : memref<640x128xf32, #tpu.memory_space<vmem>>, vector<1x16xf32>,
        %get3A_844 = vector.shape_cast %get3A_843 : vector<1x16xf32> to vector<16xf32>
        %max3A_845 = arith.maximumf %max3A_836, %get3A_844 : vector<16xf32>
        %mul3A_846 = arith.constant 20 : i32
        %mul3A_847 = arith.muli %add3A_134, %mul3A_846 : i32
        %add3A_848 = arith.constant 19 : i32
        %add3A_849 = arith.addi %mul3A_847, %add3A_848 : i32
        %get3A_850 = arith.index_cast %add3A_849 : i32 to index
        %get3A_851 = arith.constant 48 : index
        %get3A_852 = tpu.vector_load %arg6[%get3A_850, %get3A_851] {strides = array<i32>} : memref<640x128xf32, #tpu.memory_space<vmem>>, vector<1x16xf32>,
        %get3A_853 = vector.shape_cast %get3A_852 : vector<1x16xf32> to vector<16xf32>
        %max3A_854 = arith.maximumf %max3A_845, %get3A_853 : vector<16xf32>
        %swap3A_855 = arith.index_cast %add3A_134 : i32 to index
        %swap3A_856 = arith.constant 48 : index
        %swap3A_857 = tpu.vector_load %arg7[%swap3A_855, %swap3A_856] {strides = array<i32>} : memref<32x128xf32, #tpu.memory_space<vmem>>, vector<1x16xf32>,
        %swap3A_858 = vector.shape_cast %swap3A_857 : vector<1x16xf32> to vector<16xf32>
        %swap3A_859 = vector.shape_cast %max3A_854 : vector<16xf32> to vector<1x16xf32>
        tpu.vector_store %arg7[%swap3A_855, %swap3A_856], %swap3A_859 {strides = array<i32>} : memref<32x128xf32, #tpu.memory_space<vmem>>, vector<1x16xf32>,
        %mul3A_860 = arith.constant 20 : i32
        %mul3A_861 = arith.muli %add3A_134, %mul3A_860 : i32
        %get3A_862 = arith.index_cast %mul3A_861 : i32 to index
        %get3A_863 = arith.constant 64 : index
        %get3A_864 = tpu.vector_load %arg6[%get3A_862, %get3A_863] {strides = array<i32>} : memref<640x128xf32, #tpu.memory_space<vmem>>, vector<1x16xf32>,
        %get3A_865 = vector.shape_cast %get3A_864 : vector<1x16xf32> to vector<16xf32>
        %mul3A_866 = arith.constant 20 : i32
        %mul3A_867 = arith.muli %add3A_134, %mul3A_866 : i32
        %add3A_868 = arith.constant 1 : i32
        %add3A_869 = arith.addi %mul3A_867, %add3A_868 : i32
        %get3A_870 = arith.index_cast %add3A_869 : i32 to index
        %get3A_871 = arith.constant 64 : index
        %get3A_872 = tpu.vector_load %arg6[%get3A_870, %get3A_871] {strides = array<i32>} : memref<640x128xf32, #tpu.memory_space<vmem>>, vector<1x16xf32>,
        %get3A_873 = vector.shape_cast %get3A_872 : vector<1x16xf32> to vector<16xf32>
        %max3A_874 = arith.maximumf %get3A_865, %get3A_873 : vector<16xf32>
        %mul3A_875 = arith.constant 20 : i32
        %mul3A_876 = arith.muli %add3A_134, %mul3A_875 : i32
        %add3A_877 = arith.constant 2 : i32
        %add3A_878 = arith.addi %mul3A_876, %add3A_877 : i32
        %get3A_879 = arith.index_cast %add3A_878 : i32 to index
        %get3A_880 = arith.constant 64 : index
        %get3A_881 = tpu.vector_load %arg6[%get3A_879, %get3A_880] {strides = array<i32>} : memref<640x128xf32, #tpu.memory_space<vmem>>, vector<1x16xf32>,
        %get3A_882 = vector.shape_cast %get3A_881 : vector<1x16xf32> to vector<16xf32>
        %max3A_883 = arith.maximumf %max3A_874, %get3A_882 : vector<16xf32>
        %mul3A_884 = arith.constant 20 : i32
        %mul3A_885 = arith.muli %add3A_134, %mul3A_884 : i32
        %add3A_886 = arith.constant 3 : i32
        %add3A_887 = arith.addi %mul3A_885, %add3A_886 : i32
        %get3A_888 = arith.index_cast %add3A_887 : i32 to index
        %get3A_889 = arith.constant 64 : index
        %get3A_890 = tpu.vector_load %arg6[%get3A_888, %get3A_889] {strides = array<i32>} : memref<640x128xf32, #tpu.memory_space<vmem>>, vector<1x16xf32>,
        %get3A_891 = vector.shape_cast %get3A_890 : vector<1x16xf32> to vector<16xf32>
        %max3A_892 = arith.maximumf %max3A_883, %get3A_891 : vector<16xf32>
        %mul3A_893 = arith.constant 20 : i32
        %mul3A_894 = arith.muli %add3A_134, %mul3A_893 : i32
        %add3A_895 = arith.constant 4 : i32
        %add3A_896 = arith.addi %mul3A_894, %add3A_895 : i32
        %get3A_897 = arith.index_cast %add3A_896 : i32 to index
        %get3A_898 = arith.constant 64 : index
        %get3A_899 = tpu.vector_load %arg6[%get3A_897, %get3A_898] {strides = array<i32>} : memref<640x128xf32, #tpu.memory_space<vmem>>, vector<1x16xf32>,
        %get3A_900 = vector.shape_cast %get3A_899 : vector<1x16xf32> to vector<16xf32>
        %max3A_901 = arith.maximumf %max3A_892, %get3A_900 : vector<16xf32>
        %mul3A_902 = arith.constant 20 : i32
        %mul3A_903 = arith.muli %add3A_134, %mul3A_902 : i32
        %add3A_904 = arith.constant 5 : i32
        %add3A_905 = arith.addi %mul3A_903, %add3A_904 : i32
        %get3A_906 = arith.index_cast %add3A_905 : i32 to index
        %get3A_907 = arith.constant 64 : index
        %get3A_908 = tpu.vector_load %arg6[%get3A_906, %get3A_907] {strides = array<i32>} : memref<640x128xf32, #tpu.memory_space<vmem>>, vector<1x16xf32>,
        %get3A_909 = vector.shape_cast %get3A_908 : vector<1x16xf32> to vector<16xf32>
        %max3A_910 = arith.maximumf %max3A_901, %get3A_909 : vector<16xf32>
        %mul3A_911 = arith.constant 20 : i32
        %mul3A_912 = arith.muli %add3A_134, %mul3A_911 : i32
        %add3A_913 = arith.constant 6 : i32
        %add3A_914 = arith.addi %mul3A_912, %add3A_913 : i32
        %get3A_915 = arith.index_cast %add3A_914 : i32 to index
        %get3A_916 = arith.constant 64 : index
        %get3A_917 = tpu.vector_load %arg6[%get3A_915, %get3A_916] {strides = array<i32>} : memref<640x128xf32, #tpu.memory_space<vmem>>, vector<1x16xf32>,
        %get3A_918 = vector.shape_cast %get3A_917 : vector<1x16xf32> to vector<16xf32>
        %max3A_919 = arith.maximumf %max3A_910, %get3A_918 : vector<16xf32>
        %mul3A_920 = arith.constant 20 : i32
        %mul3A_921 = arith.muli %add3A_134, %mul3A_920 : i32
        %add3A_922 = arith.constant 7 : i32
        %add3A_923 = arith.addi %mul3A_921, %add3A_922 : i32
        %get3A_924 = arith.index_cast %add3A_923 : i32 to index
        %get3A_925 = arith.constant 64 : index
        %get3A_926 = tpu.vector_load %arg6[%get3A_924, %get3A_925] {strides = array<i32>} : memref<640x128xf32, #tpu.memory_space<vmem>>, vector<1x16xf32>,
        %get3A_927 = vector.shape_cast %get3A_926 : vector<1x16xf32> to vector<16xf32>
        %max3A_928 = arith.maximumf %max3A_919, %get3A_927 : vector<16xf32>
        %mul3A_929 = arith.constant 20 : i32
        %mul3A_930 = arith.muli %add3A_134, %mul3A_929 : i32
        %add3A_931 = arith.constant 8 : i32
        %add3A_932 = arith.addi %mul3A_930, %add3A_931 : i32
        %get3A_933 = arith.index_cast %add3A_932 : i32 to index
        %get3A_934 = arith.constant 64 : index
        %get3A_935 = tpu.vector_load %arg6[%get3A_933, %get3A_934] {strides = array<i32>} : memref<640x128xf32, #tpu.memory_space<vmem>>, vector<1x16xf32>,
        %get3A_936 = vector.shape_cast %get3A_935 : vector<1x16xf32> to vector<16xf32>
        %max3A_937 = arith.maximumf %max3A_928, %get3A_936 : vector<16xf32>
        %mul3A_938 = arith.constant 20 : i32
        %mul3A_939 = arith.muli %add3A_134, %mul3A_938 : i32
        %add3A_940 = arith.constant 9 : i32
        %add3A_941 = arith.addi %mul3A_939, %add3A_940 : i32
        %get3A_942 = arith.index_cast %add3A_941 : i32 to index
        %get3A_943 = arith.constant 64 : index
        %get3A_944 = tpu.vector_load %arg6[%get3A_942, %get3A_943] {strides = array<i32>} : memref<640x128xf32, #tpu.memory_space<vmem>>, vector<1x16xf32>,
        %get3A_945 = vector.shape_cast %get3A_944 : vector<1x16xf32> to vector<16xf32>
        %max3A_946 = arith.maximumf %max3A_937, %get3A_945 : vector<16xf32>
        %mul3A_947 = arith.constant 20 : i32
        %mul3A_948 = arith.muli %add3A_134, %mul3A_947 : i32
        %add3A_949 = arith.constant 10 : i32
        %add3A_950 = arith.addi %mul3A_948, %add3A_949 : i32
        %get3A_951 = arith.index_cast %add3A_950 : i32 to index
        %get3A_952 = arith.constant 64 : index
        %get3A_953 = tpu.vector_load %arg6[%get3A_951, %get3A_952] {strides = array<i32>} : memref<640x128xf32, #tpu.memory_space<vmem>>, vector<1x16xf32>,
        %get3A_954 = vector.shape_cast %get3A_953 : vector<1x16xf32> to vector<16xf32>
        %max3A_955 = arith.maximumf %max3A_946, %get3A_954 : vector<16xf32>
        %mul3A_956 = arith.constant 20 : i32
        %mul3A_957 = arith.muli %add3A_134, %mul3A_956 : i32
        %add3A_958 = arith.constant 11 : i32
        %add3A_959 = arith.addi %mul3A_957, %add3A_958 : i32
        %get3A_960 = arith.index_cast %add3A_959 : i32 to index
        %get3A_961 = arith.constant 64 : index
        %get3A_962 = tpu.vector_load %arg6[%get3A_960, %get3A_961] {strides = array<i32>} : memref<640x128xf32, #tpu.memory_space<vmem>>, vector<1x16xf32>,
        %get3A_963 = vector.shape_cast %get3A_962 : vector<1x16xf32> to vector<16xf32>
        %max3A_964 = arith.maximumf %max3A_955, %get3A_963 : vector<16xf32>
        %mul3A_965 = arith.constant 20 : i32
        %mul3A_966 = arith.muli %add3A_134, %mul3A_965 : i32
        %add3A_967 = arith.constant 12 : i32
        %add3A_968 = arith.addi %mul3A_966, %add3A_967 : i32
        %get3A_969 = arith.index_cast %add3A_968 : i32 to index
        %get3A_970 = arith.constant 64 : index
        %get3A_971 = tpu.vector_load %arg6[%get3A_969, %get3A_970] {strides = array<i32>} : memref<640x128xf32, #tpu.memory_space<vmem>>, vector<1x16xf32>,
        %get3A_972 = vector.shape_cast %get3A_971 : vector<1x16xf32> to vector<16xf32>
        %max3A_973 = arith.maximumf %max3A_964, %get3A_972 : vector<16xf32>
        %mul3A_974 = arith.constant 20 : i32
        %mul3A_975 = arith.muli %add3A_134, %mul3A_974 : i32
        %add3A_976 = arith.constant 13 : i32
        %add3A_977 = arith.addi %mul3A_975, %add3A_976 : i32
        %get3A_978 = arith.index_cast %add3A_977 : i32 to index
        %get3A_979 = arith.constant 64 : index
        %get3A_980 = tpu.vector_load %arg6[%get3A_978, %get3A_979] {strides = array<i32>} : memref<640x128xf32, #tpu.memory_space<vmem>>, vector<1x16xf32>,
        %get3A_981 = vector.shape_cast %get3A_980 : vector<1x16xf32> to vector<16xf32>
        %max3A_982 = arith.maximumf %max3A_973, %get3A_981 : vector<16xf32>
        %mul3A_983 = arith.constant 20 : i32
        %mul3A_984 = arith.muli %add3A_134, %mul3A_983 : i32
        %add3A_985 = arith.constant 14 : i32
        %add3A_986 = arith.addi %mul3A_984, %add3A_985 : i32
        %get3A_987 = arith.index_cast %add3A_986 : i32 to index
        %get3A_988 = arith.constant 64 : index
        %get3A_989 = tpu.vector_load %arg6[%get3A_987, %get3A_988] {strides = array<i32>} : memref<640x128xf32, #tpu.memory_space<vmem>>, vector<1x16xf32>,
        %get3A_990 = vector.shape_cast %get3A_989 : vector<1x16xf32> to vector<16xf32>
        %max3A_991 = arith.maximumf %max3A_982, %get3A_990 : vector<16xf32>
        %mul3A_992 = arith.constant 20 : i32
        %mul3A_993 = arith.muli %add3A_134, %mul3A_992 : i32
        %add3A_994 = arith.constant 15 : i32
        %add3A_995 = arith.addi %mul3A_993, %add3A_994 : i32
        %get3A_996 = arith.index_cast %add3A_995 : i32 to index
        %get3A_997 = arith.constant 64 : index
        %get3A_998 = tpu.vector_load %arg6[%get3A_996, %get3A_997] {strides = array<i32>} : memref<640x128xf32, #tpu.memory_space<vmem>>, vector<1x16xf32>,
        %get3A_999 = vector.shape_cast %get3A_998 : vector<1x16xf32> to vector<16xf32>
        %max3A_1000 = arith.maximumf %max3A_991, %get3A_999 : vector<16xf32>
        %mul3A_1001 = arith.constant 20 : i32
        %mul3A_1002 = arith.muli %add3A_134, %mul3A_1001 : i32
        %add3A_1003 = arith.constant 16 : i32
        %add3A_1004 = arith.addi %mul3A_1002, %add3A_1003 : i32
        %get3A_1005 = arith.index_cast %add3A_1004 : i32 to index
        %get3A_1006 = arith.constant 64 : index
        %get3A_1007 = tpu.vector_load %arg6[%get3A_1005, %get3A_1006] {strides = array<i32>} : memref<640x128xf32, #tpu.memory_space<vmem>>, vector<1x16xf32>,
        %get3A_1008 = vector.shape_cast %get3A_1007 : vector<1x16xf32> to vector<16xf32>
        %max3A_1009 = arith.maximumf %max3A_1000, %get3A_1008 : vector<16xf32>
        %mul3A_1010 = arith.constant 20 : i32
        %mul3A_1011 = arith.muli %add3A_134, %mul3A_1010 : i32
        %add3A_1012 = arith.constant 17 : i32
        %add3A_1013 = arith.addi %mul3A_1011, %add3A_1012 : i32
        %get3A_1014 = arith.index_cast %add3A_1013 : i32 to index
        %get3A_1015 = arith.constant 64 : index
        %get3A_1016 = tpu.vector_load %arg6[%get3A_1014, %get3A_1015] {strides = array<i32>} : memref<640x128xf32, #tpu.memory_space<vmem>>, vector<1x16xf32>,
        %get3A_1017 = vector.shape_cast %get3A_1016 : vector<1x16xf32> to vector<16xf32>
        %max3A_1018 = arith.maximumf %max3A_1009, %get3A_1017 : vector<16xf32>
        %mul3A_1019 = arith.constant 20 : i32
        %mul3A_1020 = arith.muli %add3A_134, %mul3A_1019 : i32
        %add3A_1021 = arith.constant 18 : i32
        %add3A_1022 = arith.addi %mul3A_1020, %add3A_1021 : i32
        %get3A_1023 = arith.index_cast %add3A_1022 : i32 to index
        %get3A_1024 = arith.constant 64 : index
        %get3A_1025 = tpu.vector_load %arg6[%get3A_1023, %get3A_1024] {strides = array<i32>} : memref<640x128xf32, #tpu.memory_space<vmem>>, vector<1x16xf32>,
        %get3A_1026 = vector.shape_cast %get3A_1025 : vector<1x16xf32> to vector<16xf32>
        %max3A_1027 = arith.maximumf %max3A_1018, %get3A_1026 : vector<16xf32>
        %mul3A_1028 = arith.constant 20 : i32
        %mul3A_1029 = arith.muli %add3A_134, %mul3A_1028 : i32
        %add3A_1030 = arith.constant 19 : i32
        %add3A_1031 = arith.addi %mul3A_1029, %add3A_1030 : i32
        %get3A_1032 = arith.index_cast %add3A_1031 : i32 to index
        %get3A_1033 = arith.constant 64 : index
        %get3A_1034 = tpu.vector_load %arg6[%get3A_1032, %get3A_1033] {strides = array<i32>} : memref<640x128xf32, #tpu.memory_space<vmem>>, vector<1x16xf32>,
        %get3A_1035 = vector.shape_cast %get3A_1034 : vector<1x16xf32> to vector<16xf32>
        %max3A_1036 = arith.maximumf %max3A_1027, %get3A_1035 : vector<16xf32>
        %swap3A_1037 = arith.index_cast %add3A_134 : i32 to index
        %swap3A_1038 = arith.constant 64 : index
        %swap3A_1039 = tpu.vector_load %arg7[%swap3A_1037, %swap3A_1038] {strides = array<i32>} : memref<32x128xf32, #tpu.memory_space<vmem>>, vector<1x16xf32>,
        %swap3A_1040 = vector.shape_cast %swap3A_1039 : vector<1x16xf32> to vector<16xf32>
        %swap3A_1041 = vector.shape_cast %max3A_1036 : vector<16xf32> to vector<1x16xf32>
        tpu.vector_store %arg7[%swap3A_1037, %swap3A_1038], %swap3A_1041 {strides = array<i32>} : memref<32x128xf32, #tpu.memory_space<vmem>>, vector<1x16xf32>,
        %mul3A_1042 = arith.constant 20 : i32
        %mul3A_1043 = arith.muli %add3A_134, %mul3A_1042 : i32
        %get3A_1044 = arith.index_cast %mul3A_1043 : i32 to index
        %get3A_1045 = arith.constant 80 : index
        %get3A_1046 = tpu.vector_load %arg6[%get3A_1044, %get3A_1045] {strides = array<i32>} : memref<640x128xf32, #tpu.memory_space<vmem>>, vector<1x16xf32>,
        %get3A_1047 = vector.shape_cast %get3A_1046 : vector<1x16xf32> to vector<16xf32>
        %mul3A_1048 = arith.constant 20 : i32
        %mul3A_1049 = arith.muli %add3A_134, %mul3A_1048 : i32
        %add3A_1050 = arith.constant 1 : i32
        %add3A_1051 = arith.addi %mul3A_1049, %add3A_1050 : i32
        %get3A_1052 = arith.index_cast %add3A_1051 : i32 to index
        %get3A_1053 = arith.constant 80 : index
        %get3A_1054 = tpu.vector_load %arg6[%get3A_1052, %get3A_1053] {strides = array<i32>} : memref<640x128xf32, #tpu.memory_space<vmem>>, vector<1x16xf32>,
        %get3A_1055 = vector.shape_cast %get3A_1054 : vector<1x16xf32> to vector<16xf32>
        %max3A_1056 = arith.maximumf %get3A_1047, %get3A_1055 : vector<16xf32>
        %mul3A_1057 = arith.constant 20 : i32
        %mul3A_1058 = arith.muli %add3A_134, %mul3A_1057 : i32
        %add3A_1059 = arith.constant 2 : i32
        %add3A_1060 = arith.addi %mul3A_1058, %add3A_1059 : i32
        %get3A_1061 = arith.index_cast %add3A_1060 : i32 to index
        %get3A_1062 = arith.constant 80 : index
        %get3A_1063 = tpu.vector_load %arg6[%get3A_1061, %get3A_1062] {strides = array<i32>} : memref<640x128xf32, #tpu.memory_space<vmem>>, vector<1x16xf32>,
        %get3A_1064 = vector.shape_cast %get3A_1063 : vector<1x16xf32> to vector<16xf32>
        %max3A_1065 = arith.maximumf %max3A_1056, %get3A_1064 : vector<16xf32>
        %mul3A_1066 = arith.constant 20 : i32
        %mul3A_1067 = arith.muli %add3A_134, %mul3A_1066 : i32
        %add3A_1068 = arith.constant 3 : i32
        %add3A_1069 = arith.addi %mul3A_1067, %add3A_1068 : i32
        %get3A_1070 = arith.index_cast %add3A_1069 : i32 to index
        %get3A_1071 = arith.constant 80 : index
        %get3A_1072 = tpu.vector_load %arg6[%get3A_1070, %get3A_1071] {strides = array<i32>} : memref<640x128xf32, #tpu.memory_space<vmem>>, vector<1x16xf32>,
        %get3A_1073 = vector.shape_cast %get3A_1072 : vector<1x16xf32> to vector<16xf32>
        %max3A_1074 = arith.maximumf %max3A_1065, %get3A_1073 : vector<16xf32>
        %mul3A_1075 = arith.constant 20 : i32
        %mul3A_1076 = arith.muli %add3A_134, %mul3A_1075 : i32
        %add3A_1077 = arith.constant 4 : i32
        %add3A_1078 = arith.addi %mul3A_1076, %add3A_1077 : i32
        %get3A_1079 = arith.index_cast %add3A_1078 : i32 to index
        %get3A_1080 = arith.constant 80 : index
        %get3A_1081 = tpu.vector_load %arg6[%get3A_1079, %get3A_1080] {strides = array<i32>} : memref<640x128xf32, #tpu.memory_space<vmem>>, vector<1x16xf32>,
        %get3A_1082 = vector.shape_cast %get3A_1081 : vector<1x16xf32> to vector<16xf32>
        %max3A_1083 = arith.maximumf %max3A_1074, %get3A_1082 : vector<16xf32>
        %mul3A_1084 = arith.constant 20 : i32
        %mul3A_1085 = arith.muli %add3A_134, %mul3A_1084 : i32
        %add3A_1086 = arith.constant 5 : i32
        %add3A_1087 = arith.addi %mul3A_1085, %add3A_1086 : i32
        %get3A_1088 = arith.index_cast %add3A_1087 : i32 to index
        %get3A_1089 = arith.constant 80 : index
        %get3A_1090 = tpu.vector_load %arg6[%get3A_1088, %get3A_1089] {strides = array<i32>} : memref<640x128xf32, #tpu.memory_space<vmem>>, vector<1x16xf32>,
        %get3A_1091 = vector.shape_cast %get3A_1090 : vector<1x16xf32> to vector<16xf32>
        %max3A_1092 = arith.maximumf %max3A_1083, %get3A_1091 : vector<16xf32>
        %mul3A_1093 = arith.constant 20 : i32
        %mul3A_1094 = arith.muli %add3A_134, %mul3A_1093 : i32
        %add3A_1095 = arith.constant 6 : i32
        %add3A_1096 = arith.addi %mul3A_1094, %add3A_1095 : i32
        %get3A_1097 = arith.index_cast %add3A_1096 : i32 to index
        %get3A_1098 = arith.constant 80 : index
        %get3A_1099 = tpu.vector_load %arg6[%get3A_1097, %get3A_1098] {strides = array<i32>} : memref<640x128xf32, #tpu.memory_space<vmem>>, vector<1x16xf32>,
        %get3A_1100 = vector.shape_cast %get3A_1099 : vector<1x16xf32> to vector<16xf32>
        %max3A_1101 = arith.maximumf %max3A_1092, %get3A_1100 : vector<16xf32>
        %mul3A_1102 = arith.constant 20 : i32
        %mul3A_1103 = arith.muli %add3A_134, %mul3A_1102 : i32
        %add3A_1104 = arith.constant 7 : i32
        %add3A_1105 = arith.addi %mul3A_1103, %add3A_1104 : i32
        %get3A_1106 = arith.index_cast %add3A_1105 : i32 to index
        %get3A_1107 = arith.constant 80 : index
        %get3A_1108 = tpu.vector_load %arg6[%get3A_1106, %get3A_1107] {strides = array<i32>} : memref<640x128xf32, #tpu.memory_space<vmem>>, vector<1x16xf32>,
        %get3A_1109 = vector.shape_cast %get3A_1108 : vector<1x16xf32> to vector<16xf32>
        %max3A_1110 = arith.maximumf %max3A_1101, %get3A_1109 : vector<16xf32>
        %mul3A_1111 = arith.constant 20 : i32
        %mul3A_1112 = arith.muli %add3A_134, %mul3A_1111 : i32
        %add3A_1113 = arith.constant 8 : i32
        %add3A_1114 = arith.addi %mul3A_1112, %add3A_1113 : i32
        %get3A_1115 = arith.index_cast %add3A_1114 : i32 to index
        %get3A_1116 = arith.constant 80 : index
        %get3A_1117 = tpu.vector_load %arg6[%get3A_1115, %get3A_1116] {strides = array<i32>} : memref<640x128xf32, #tpu.memory_space<vmem>>, vector<1x16xf32>,
        %get3A_1118 = vector.shape_cast %get3A_1117 : vector<1x16xf32> to vector<16xf32>
        %max3A_1119 = arith.maximumf %max3A_1110, %get3A_1118 : vector<16xf32>
        %mul3A_1120 = arith.constant 20 : i32
        %mul3A_1121 = arith.muli %add3A_134, %mul3A_1120 : i32
        %add3A_1122 = arith.constant 9 : i32
        %add3A_1123 = arith.addi %mul3A_1121, %add3A_1122 : i32
        %get3A_1124 = arith.index_cast %add3A_1123 : i32 to index
        %get3A_1125 = arith.constant 80 : index
        %get3A_1126 = tpu.vector_load %arg6[%get3A_1124, %get3A_1125] {strides = array<i32>} : memref<640x128xf32, #tpu.memory_space<vmem>>, vector<1x16xf32>,
        %get3A_1127 = vector.shape_cast %get3A_1126 : vector<1x16xf32> to vector<16xf32>
        %max3A_1128 = arith.maximumf %max3A_1119, %get3A_1127 : vector<16xf32>
        %mul3A_1129 = arith.constant 20 : i32
        %mul3A_1130 = arith.muli %add3A_134, %mul3A_1129 : i32
        %add3A_1131 = arith.constant 10 : i32
        %add3A_1132 = arith.addi %mul3A_1130, %add3A_1131 : i32
        %get3A_1133 = arith.index_cast %add3A_1132 : i32 to index
        %get3A_1134 = arith.constant 80 : index
        %get3A_1135 = tpu.vector_load %arg6[%get3A_1133, %get3A_1134] {strides = array<i32>} : memref<640x128xf32, #tpu.memory_space<vmem>>, vector<1x16xf32>,
        %get3A_1136 = vector.shape_cast %get3A_1135 : vector<1x16xf32> to vector<16xf32>
        %max3A_1137 = arith.maximumf %max3A_1128, %get3A_1136 : vector<16xf32>
        %mul3A_1138 = arith.constant 20 : i32
        %mul3A_1139 = arith.muli %add3A_134, %mul3A_1138 : i32
        %add3A_1140 = arith.constant 11 : i32
        %add3A_1141 = arith.addi %mul3A_1139, %add3A_1140 : i32
        %get3A_1142 = arith.index_cast %add3A_1141 : i32 to index
        %get3A_1143 = arith.constant 80 : index
        %get3A_1144 = tpu.vector_load %arg6[%get3A_1142, %get3A_1143] {strides = array<i32>} : memref<640x128xf32, #tpu.memory_space<vmem>>, vector<1x16xf32>,
        %get3A_1145 = vector.shape_cast %get3A_1144 : vector<1x16xf32> to vector<16xf32>
        %max3A_1146 = arith.maximumf %max3A_1137, %get3A_1145 : vector<16xf32>
        %mul3A_1147 = arith.constant 20 : i32
        %mul3A_1148 = arith.muli %add3A_134, %mul3A_1147 : i32
        %add3A_1149 = arith.constant 12 : i32
        %add3A_1150 = arith.addi %mul3A_1148, %add3A_1149 : i32
        %get3A_1151 = arith.index_cast %add3A_1150 : i32 to index
        %get3A_1152 = arith.constant 80 : index
        %get3A_1153 = tpu.vector_load %arg6[%get3A_1151, %get3A_1152] {strides = array<i32>} : memref<640x128xf32, #tpu.memory_space<vmem>>, vector<1x16xf32>,
        %get3A_1154 = vector.shape_cast %get3A_1153 : vector<1x16xf32> to vector<16xf32>
        %max3A_1155 = arith.maximumf %max3A_1146, %get3A_1154 : vector<16xf32>
        %mul3A_1156 = arith.constant 20 : i32
        %mul3A_1157 = arith.muli %add3A_134, %mul3A_1156 : i32
        %add3A_1158 = arith.constant 13 : i32
        %add3A_1159 = arith.addi %mul3A_1157, %add3A_1158 : i32
        %get3A_1160 = arith.index_cast %add3A_1159 : i32 to index
        %get3A_1161 = arith.constant 80 : index
        %get3A_1162 = tpu.vector_load %arg6[%get3A_1160, %get3A_1161] {strides = array<i32>} : memref<640x128xf32, #tpu.memory_space<vmem>>, vector<1x16xf32>,
        %get3A_1163 = vector.shape_cast %get3A_1162 : vector<1x16xf32> to vector<16xf32>
        %max3A_1164 = arith.maximumf %max3A_1155, %get3A_1163 : vector<16xf32>
        %mul3A_1165 = arith.constant 20 : i32
        %mul3A_1166 = arith.muli %add3A_134, %mul3A_1165 : i32
        %add3A_1167 = arith.constant 14 : i32
        %add3A_1168 = arith.addi %mul3A_1166, %add3A_1167 : i32
        %get3A_1169 = arith.index_cast %add3A_1168 : i32 to index
        %get3A_1170 = arith.constant 80 : index
        %get3A_1171 = tpu.vector_load %arg6[%get3A_1169, %get3A_1170] {strides = array<i32>} : memref<640x128xf32, #tpu.memory_space<vmem>>, vector<1x16xf32>,
        %get3A_1172 = vector.shape_cast %get3A_1171 : vector<1x16xf32> to vector<16xf32>
        %max3A_1173 = arith.maximumf %max3A_1164, %get3A_1172 : vector<16xf32>
        %mul3A_1174 = arith.constant 20 : i32
        %mul3A_1175 = arith.muli %add3A_134, %mul3A_1174 : i32
        %add3A_1176 = arith.constant 15 : i32
        %add3A_1177 = arith.addi %mul3A_1175, %add3A_1176 : i32
        %get3A_1178 = arith.index_cast %add3A_1177 : i32 to index
        %get3A_1179 = arith.constant 80 : index
        %get3A_1180 = tpu.vector_load %arg6[%get3A_1178, %get3A_1179] {strides = array<i32>} : memref<640x128xf32, #tpu.memory_space<vmem>>, vector<1x16xf32>,
        %get3A_1181 = vector.shape_cast %get3A_1180 : vector<1x16xf32> to vector<16xf32>
        %max3A_1182 = arith.maximumf %max3A_1173, %get3A_1181 : vector<16xf32>
        %mul3A_1183 = arith.constant 20 : i32
        %mul3A_1184 = arith.muli %add3A_134, %mul3A_1183 : i32
        %add3A_1185 = arith.constant 16 : i32
        %add3A_1186 = arith.addi %mul3A_1184, %add3A_1185 : i32
        %get3A_1187 = arith.index_cast %add3A_1186 : i32 to index
        %get3A_1188 = arith.constant 80 : index
        %get3A_1189 = tpu.vector_load %arg6[%get3A_1187, %get3A_1188] {strides = array<i32>} : memref<640x128xf32, #tpu.memory_space<vmem>>, vector<1x16xf32>,
        %get3A_1190 = vector.shape_cast %get3A_1189 : vector<1x16xf32> to vector<16xf32>
        %max3A_1191 = arith.maximumf %max3A_1182, %get3A_1190 : vector<16xf32>
        %mul3A_1192 = arith.constant 20 : i32
        %mul3A_1193 = arith.muli %add3A_134, %mul3A_1192 : i32
        %add3A_1194 = arith.constant 17 : i32
        %add3A_1195 = arith.addi %mul3A_1193, %add3A_1194 : i32
        %get3A_1196 = arith.index_cast %add3A_1195 : i32 to index
        %get3A_1197 = arith.constant 80 : index
        %get3A_1198 = tpu.vector_load %arg6[%get3A_1196, %get3A_1197] {strides = array<i32>} : memref<640x128xf32, #tpu.memory_space<vmem>>, vector<1x16xf32>,
        %get3A_1199 = vector.shape_cast %get3A_1198 : vector<1x16xf32> to vector<16xf32>
        %max3A_1200 = arith.maximumf %max3A_1191, %get3A_1199 : vector<16xf32>
        %mul3A_1201 = arith.constant 20 : i32
        %mul3A_1202 = arith.muli %add3A_134, %mul3A_1201 : i32
        %add3A_1203 = arith.constant 18 : i32
        %add3A_1204 = arith.addi %mul3A_1202, %add3A_1203 : i32
        %get3A_1205 = arith.index_cast %add3A_1204 : i32 to index
        %get3A_1206 = arith.constant 80 : index
        %get3A_1207 = tpu.vector_load %arg6[%get3A_1205, %get3A_1206] {strides = array<i32>} : memref<640x128xf32, #tpu.memory_space<vmem>>, vector<1x16xf32>,
        %get3A_1208 = vector.shape_cast %get3A_1207 : vector<1x16xf32> to vector<16xf32>
        %max3A_1209 = arith.maximumf %max3A_1200, %get3A_1208 : vector<16xf32>
        %mul3A_1210 = arith.constant 20 : i32
        %mul3A_1211 = arith.muli %add3A_134, %mul3A_1210 : i32
        %add3A_1212 = arith.constant 19 : i32
        %add3A_1213 = arith.addi %mul3A_1211, %add3A_1212 : i32
        %get3A_1214 = arith.index_cast %add3A_1213 : i32 to index
        %get3A_1215 = arith.constant 80 : index
        %get3A_1216 = tpu.vector_load %arg6[%get3A_1214, %get3A_1215] {strides = array<i32>} : memref<640x128xf32, #tpu.memory_space<vmem>>, vector<1x16xf32>,
        %get3A_1217 = vector.shape_cast %get3A_1216 : vector<1x16xf32> to vector<16xf32>
        %max3A_1218 = arith.maximumf %max3A_1209, %get3A_1217 : vector<16xf32>
        %swap3A_1219 = arith.index_cast %add3A_134 : i32 to index
        %swap3A_1220 = arith.constant 80 : index
        %swap3A_1221 = tpu.vector_load %arg7[%swap3A_1219, %swap3A_1220] {strides = array<i32>} : memref<32x128xf32, #tpu.memory_space<vmem>>, vector<1x16xf32>,
        %swap3A_1222 = vector.shape_cast %swap3A_1221 : vector<1x16xf32> to vector<16xf32>
        %swap3A_1223 = vector.shape_cast %max3A_1218 : vector<16xf32> to vector<1x16xf32>
        tpu.vector_store %arg7[%swap3A_1219, %swap3A_1220], %swap3A_1223 {strides = array<i32>} : memref<32x128xf32, #tpu.memory_space<vmem>>, vector<1x16xf32>,
        %mul3A_1224 = arith.constant 20 : i32
        %mul3A_1225 = arith.muli %add3A_134, %mul3A_1224 : i32
        %get3A_1226 = arith.index_cast %mul3A_1225 : i32 to index
        %get3A_1227 = arith.constant 96 : index
        %get3A_1228 = tpu.vector_load %arg6[%get3A_1226, %get3A_1227] {strides = array<i32>} : memref<640x128xf32, #tpu.memory_space<vmem>>, vector<1x16xf32>,
        %get3A_1229 = vector.shape_cast %get3A_1228 : vector<1x16xf32> to vector<16xf32>
        %mul3A_1230 = arith.constant 20 : i32
        %mul3A_1231 = arith.muli %add3A_134, %mul3A_1230 : i32
        %add3A_1232 = arith.constant 1 : i32
        %add3A_1233 = arith.addi %mul3A_1231, %add3A_1232 : i32
        %get3A_1234 = arith.index_cast %add3A_1233 : i32 to index
        %get3A_1235 = arith.constant 96 : index
        %get3A_1236 = tpu.vector_load %arg6[%get3A_1234, %get3A_1235] {strides = array<i32>} : memref<640x128xf32, #tpu.memory_space<vmem>>, vector<1x16xf32>,
        %get3A_1237 = vector.shape_cast %get3A_1236 : vector<1x16xf32> to vector<16xf32>
        %max3A_1238 = arith.maximumf %get3A_1229, %get3A_1237 : vector<16xf32>
        %mul3A_1239 = arith.constant 20 : i32
        %mul3A_1240 = arith.muli %add3A_134, %mul3A_1239 : i32
        %add3A_1241 = arith.constant 2 : i32
        %add3A_1242 = arith.addi %mul3A_1240, %add3A_1241 : i32
        %get3A_1243 = arith.index_cast %add3A_1242 : i32 to index
        %get3A_1244 = arith.constant 96 : index
        %get3A_1245 = tpu.vector_load %arg6[%get3A_1243, %get3A_1244] {strides = array<i32>} : memref<640x128xf32, #tpu.memory_space<vmem>>, vector<1x16xf32>,
        %get3A_1246 = vector.shape_cast %get3A_1245 : vector<1x16xf32> to vector<16xf32>
        %max3A_1247 = arith.maximumf %max3A_1238, %get3A_1246 : vector<16xf32>
        %mul3A_1248 = arith.constant 20 : i32
        %mul3A_1249 = arith.muli %add3A_134, %mul3A_1248 : i32
        %add3A_1250 = arith.constant 3 : i32
        %add3A_1251 = arith.addi %mul3A_1249, %add3A_1250 : i32
        %get3A_1252 = arith.index_cast %add3A_1251 : i32 to index
        %get3A_1253 = arith.constant 96 : index
        %get3A_1254 = tpu.vector_load %arg6[%get3A_1252, %get3A_1253] {strides = array<i32>} : memref<640x128xf32, #tpu.memory_space<vmem>>, vector<1x16xf32>,
        %get3A_1255 = vector.shape_cast %get3A_1254 : vector<1x16xf32> to vector<16xf32>
        %max3A_1256 = arith.maximumf %max3A_1247, %get3A_1255 : vector<16xf32>
        %mul3A_1257 = arith.constant 20 : i32
        %mul3A_1258 = arith.muli %add3A_134, %mul3A_1257 : i32
        %add3A_1259 = arith.constant 4 : i32
        %add3A_1260 = arith.addi %mul3A_1258, %add3A_1259 : i32
        %get3A_1261 = arith.index_cast %add3A_1260 : i32 to index
        %get3A_1262 = arith.constant 96 : index
        %get3A_1263 = tpu.vector_load %arg6[%get3A_1261, %get3A_1262] {strides = array<i32>} : memref<640x128xf32, #tpu.memory_space<vmem>>, vector<1x16xf32>,
        %get3A_1264 = vector.shape_cast %get3A_1263 : vector<1x16xf32> to vector<16xf32>
        %max3A_1265 = arith.maximumf %max3A_1256, %get3A_1264 : vector<16xf32>
        %mul3A_1266 = arith.constant 20 : i32
        %mul3A_1267 = arith.muli %add3A_134, %mul3A_1266 : i32
        %add3A_1268 = arith.constant 5 : i32
        %add3A_1269 = arith.addi %mul3A_1267, %add3A_1268 : i32
        %get3A_1270 = arith.index_cast %add3A_1269 : i32 to index
        %get3A_1271 = arith.constant 96 : index
        %get3A_1272 = tpu.vector_load %arg6[%get3A_1270, %get3A_1271] {strides = array<i32>} : memref<640x128xf32, #tpu.memory_space<vmem>>, vector<1x16xf32>,
        %get3A_1273 = vector.shape_cast %get3A_1272 : vector<1x16xf32> to vector<16xf32>
        %max3A_1274 = arith.maximumf %max3A_1265, %get3A_1273 : vector<16xf32>
        %mul3A_1275 = arith.constant 20 : i32
        %mul3A_1276 = arith.muli %add3A_134, %mul3A_1275 : i32
        %add3A_1277 = arith.constant 6 : i32
        %add3A_1278 = arith.addi %mul3A_1276, %add3A_1277 : i32
        %get3A_1279 = arith.index_cast %add3A_1278 : i32 to index
        %get3A_1280 = arith.constant 96 : index
        %get3A_1281 = tpu.vector_load %arg6[%get3A_1279, %get3A_1280] {strides = array<i32>} : memref<640x128xf32, #tpu.memory_space<vmem>>, vector<1x16xf32>,
        %get3A_1282 = vector.shape_cast %get3A_1281 : vector<1x16xf32> to vector<16xf32>
        %max3A_1283 = arith.maximumf %max3A_1274, %get3A_1282 : vector<16xf32>
        %mul3A_1284 = arith.constant 20 : i32
        %mul3A_1285 = arith.muli %add3A_134, %mul3A_1284 : i32
        %add3A_1286 = arith.constant 7 : i32
        %add3A_1287 = arith.addi %mul3A_1285, %add3A_1286 : i32
        %get3A_1288 = arith.index_cast %add3A_1287 : i32 to index
        %get3A_1289 = arith.constant 96 : index
        %get3A_1290 = tpu.vector_load %arg6[%get3A_1288, %get3A_1289] {strides = array<i32>} : memref<640x128xf32, #tpu.memory_space<vmem>>, vector<1x16xf32>,
        %get3A_1291 = vector.shape_cast %get3A_1290 : vector<1x16xf32> to vector<16xf32>
        %max3A_1292 = arith.maximumf %max3A_1283, %get3A_1291 : vector<16xf32>
        %mul3A_1293 = arith.constant 20 : i32
        %mul3A_1294 = arith.muli %add3A_134, %mul3A_1293 : i32
        %add3A_1295 = arith.constant 8 : i32
        %add3A_1296 = arith.addi %mul3A_1294, %add3A_1295 : i32
        %get3A_1297 = arith.index_cast %add3A_1296 : i32 to index
        %get3A_1298 = arith.constant 96 : index
        %get3A_1299 = tpu.vector_load %arg6[%get3A_1297, %get3A_1298] {strides = array<i32>} : memref<640x128xf32, #tpu.memory_space<vmem>>, vector<1x16xf32>,
        %get3A_1300 = vector.shape_cast %get3A_1299 : vector<1x16xf32> to vector<16xf32>
        %max3A_1301 = arith.maximumf %max3A_1292, %get3A_1300 : vector<16xf32>
        %mul3A_1302 = arith.constant 20 : i32
        %mul3A_1303 = arith.muli %add3A_134, %mul3A_1302 : i32
        %add3A_1304 = arith.constant 9 : i32
        %add3A_1305 = arith.addi %mul3A_1303, %add3A_1304 : i32
        %get3A_1306 = arith.index_cast %add3A_1305 : i32 to index
        %get3A_1307 = arith.constant 96 : index
        %get3A_1308 = tpu.vector_load %arg6[%get3A_1306, %get3A_1307] {strides = array<i32>} : memref<640x128xf32, #tpu.memory_space<vmem>>, vector<1x16xf32>,
        %get3A_1309 = vector.shape_cast %get3A_1308 : vector<1x16xf32> to vector<16xf32>
        %max3A_1310 = arith.maximumf %max3A_1301, %get3A_1309 : vector<16xf32>
        %mul3A_1311 = arith.constant 20 : i32
        %mul3A_1312 = arith.muli %add3A_134, %mul3A_1311 : i32
        %add3A_1313 = arith.constant 10 : i32
        %add3A_1314 = arith.addi %mul3A_1312, %add3A_1313 : i32
        %get3A_1315 = arith.index_cast %add3A_1314 : i32 to index
        %get3A_1316 = arith.constant 96 : index
        %get3A_1317 = tpu.vector_load %arg6[%get3A_1315, %get3A_1316] {strides = array<i32>} : memref<640x128xf32, #tpu.memory_space<vmem>>, vector<1x16xf32>,
        %get3A_1318 = vector.shape_cast %get3A_1317 : vector<1x16xf32> to vector<16xf32>
        %max3A_1319 = arith.maximumf %max3A_1310, %get3A_1318 : vector<16xf32>
        %mul3A_1320 = arith.constant 20 : i32
        %mul3A_1321 = arith.muli %add3A_134, %mul3A_1320 : i32
        %add3A_1322 = arith.constant 11 : i32
        %add3A_1323 = arith.addi %mul3A_1321, %add3A_1322 : i32
        %get3A_1324 = arith.index_cast %add3A_1323 : i32 to index
        %get3A_1325 = arith.constant 96 : index
        %get3A_1326 = tpu.vector_load %arg6[%get3A_1324, %get3A_1325] {strides = array<i32>} : memref<640x128xf32, #tpu.memory_space<vmem>>, vector<1x16xf32>,
        %get3A_1327 = vector.shape_cast %get3A_1326 : vector<1x16xf32> to vector<16xf32>
        %max3A_1328 = arith.maximumf %max3A_1319, %get3A_1327 : vector<16xf32>
        %mul3A_1329 = arith.constant 20 : i32
        %mul3A_1330 = arith.muli %add3A_134, %mul3A_1329 : i32
        %add3A_1331 = arith.constant 12 : i32
        %add3A_1332 = arith.addi %mul3A_1330, %add3A_1331 : i32
        %get3A_1333 = arith.index_cast %add3A_1332 : i32 to index
        %get3A_1334 = arith.constant 96 : index
        %get3A_1335 = tpu.vector_load %arg6[%get3A_1333, %get3A_1334] {strides = array<i32>} : memref<640x128xf32, #tpu.memory_space<vmem>>, vector<1x16xf32>,
        %get3A_1336 = vector.shape_cast %get3A_1335 : vector<1x16xf32> to vector<16xf32>
        %max3A_1337 = arith.maximumf %max3A_1328, %get3A_1336 : vector<16xf32>
        %mul3A_1338 = arith.constant 20 : i32
        %mul3A_1339 = arith.muli %add3A_134, %mul3A_1338 : i32
        %add3A_1340 = arith.constant 13 : i32
        %add3A_1341 = arith.addi %mul3A_1339, %add3A_1340 : i32
        %get3A_1342 = arith.index_cast %add3A_1341 : i32 to index
        %get3A_1343 = arith.constant 96 : index
        %get3A_1344 = tpu.vector_load %arg6[%get3A_1342, %get3A_1343] {strides = array<i32>} : memref<640x128xf32, #tpu.memory_space<vmem>>, vector<1x16xf32>,
        %get3A_1345 = vector.shape_cast %get3A_1344 : vector<1x16xf32> to vector<16xf32>
        %max3A_1346 = arith.maximumf %max3A_1337, %get3A_1345 : vector<16xf32>
        %mul3A_1347 = arith.constant 20 : i32
        %mul3A_1348 = arith.muli %add3A_134, %mul3A_1347 : i32
        %add3A_1349 = arith.constant 14 : i32
        %add3A_1350 = arith.addi %mul3A_1348, %add3A_1349 : i32
        %get3A_1351 = arith.index_cast %add3A_1350 : i32 to index
        %get3A_1352 = arith.constant 96 : index
        %get3A_1353 = tpu.vector_load %arg6[%get3A_1351, %get3A_1352] {strides = array<i32>} : memref<640x128xf32, #tpu.memory_space<vmem>>, vector<1x16xf32>,
        %get3A_1354 = vector.shape_cast %get3A_1353 : vector<1x16xf32> to vector<16xf32>
        %max3A_1355 = arith.maximumf %max3A_1346, %get3A_1354 : vector<16xf32>
        %mul3A_1356 = arith.constant 20 : i32
        %mul3A_1357 = arith.muli %add3A_134, %mul3A_1356 : i32
        %add3A_1358 = arith.constant 15 : i32
        %add3A_1359 = arith.addi %mul3A_1357, %add3A_1358 : i32
        %get3A_1360 = arith.index_cast %add3A_1359 : i32 to index
        %get3A_1361 = arith.constant 96 : index
        %get3A_1362 = tpu.vector_load %arg6[%get3A_1360, %get3A_1361] {strides = array<i32>} : memref<640x128xf32, #tpu.memory_space<vmem>>, vector<1x16xf32>,
        %get3A_1363 = vector.shape_cast %get3A_1362 : vector<1x16xf32> to vector<16xf32>
        %max3A_1364 = arith.maximumf %max3A_1355, %get3A_1363 : vector<16xf32>
        %mul3A_1365 = arith.constant 20 : i32
        %mul3A_1366 = arith.muli %add3A_134, %mul3A_1365 : i32
        %add3A_1367 = arith.constant 16 : i32
        %add3A_1368 = arith.addi %mul3A_1366, %add3A_1367 : i32
        %get3A_1369 = arith.index_cast %add3A_1368 : i32 to index
        %get3A_1370 = arith.constant 96 : index
        %get3A_1371 = tpu.vector_load %arg6[%get3A_1369, %get3A_1370] {strides = array<i32>} : memref<640x128xf32, #tpu.memory_space<vmem>>, vector<1x16xf32>,
        %get3A_1372 = vector.shape_cast %get3A_1371 : vector<1x16xf32> to vector<16xf32>
        %max3A_1373 = arith.maximumf %max3A_1364, %get3A_1372 : vector<16xf32>
        %mul3A_1374 = arith.constant 20 : i32
        %mul3A_1375 = arith.muli %add3A_134, %mul3A_1374 : i32
        %add3A_1376 = arith.constant 17 : i32
        %add3A_1377 = arith.addi %mul3A_1375, %add3A_1376 : i32
        %get3A_1378 = arith.index_cast %add3A_1377 : i32 to index
        %get3A_1379 = arith.constant 96 : index
        %get3A_1380 = tpu.vector_load %arg6[%get3A_1378, %get3A_1379] {strides = array<i32>} : memref<640x128xf32, #tpu.memory_space<vmem>>, vector<1x16xf32>,
        %get3A_1381 = vector.shape_cast %get3A_1380 : vector<1x16xf32> to vector<16xf32>
        %max3A_1382 = arith.maximumf %max3A_1373, %get3A_1381 : vector<16xf32>
        %mul3A_1383 = arith.constant 20 : i32
        %mul3A_1384 = arith.muli %add3A_134, %mul3A_1383 : i32
        %add3A_1385 = arith.constant 18 : i32
        %add3A_1386 = arith.addi %mul3A_1384, %add3A_1385 : i32
        %get3A_1387 = arith.index_cast %add3A_1386 : i32 to index
        %get3A_1388 = arith.constant 96 : index
        %get3A_1389 = tpu.vector_load %arg6[%get3A_1387, %get3A_1388] {strides = array<i32>} : memref<640x128xf32, #tpu.memory_space<vmem>>, vector<1x16xf32>,
        %get3A_1390 = vector.shape_cast %get3A_1389 : vector<1x16xf32> to vector<16xf32>
        %max3A_1391 = arith.maximumf %max3A_1382, %get3A_1390 : vector<16xf32>
        %mul3A_1392 = arith.constant 20 : i32
        %mul3A_1393 = arith.muli %add3A_134, %mul3A_1392 : i32
        %add3A_1394 = arith.constant 19 : i32
        %add3A_1395 = arith.addi %mul3A_1393, %add3A_1394 : i32
        %get3A_1396 = arith.index_cast %add3A_1395 : i32 to index
        %get3A_1397 = arith.constant 96 : index
        %get3A_1398 = tpu.vector_load %arg6[%get3A_1396, %get3A_1397] {strides = array<i32>} : memref<640x128xf32, #tpu.memory_space<vmem>>, vector<1x16xf32>,
        %get3A_1399 = vector.shape_cast %get3A_1398 : vector<1x16xf32> to vector<16xf32>
        %max3A_1400 = arith.maximumf %max3A_1391, %get3A_1399 : vector<16xf32>
        %swap3A_1401 = arith.index_cast %add3A_134 : i32 to index
        %swap3A_1402 = arith.constant 96 : index
        %swap3A_1403 = tpu.vector_load %arg7[%swap3A_1401, %swap3A_1402] {strides = array<i32>} : memref<32x128xf32, #tpu.memory_space<vmem>>, vector<1x16xf32>,
        %swap3A_1404 = vector.shape_cast %swap3A_1403 : vector<1x16xf32> to vector<16xf32>
        %swap3A_1405 = vector.shape_cast %max3A_1400 : vector<16xf32> to vector<1x16xf32>
        tpu.vector_store %arg7[%swap3A_1401, %swap3A_1402], %swap3A_1405 {strides = array<i32>} : memref<32x128xf32, #tpu.memory_space<vmem>>, vector<1x16xf32>,
        %mul3A_1406 = arith.constant 20 : i32
        %mul3A_1407 = arith.muli %add3A_134, %mul3A_1406 : i32
        %get3A_1408 = arith.index_cast %mul3A_1407 : i32 to index
        %get3A_1409 = arith.constant 112 : index
        %get3A_1410 = tpu.vector_load %arg6[%get3A_1408, %get3A_1409] {strides = array<i32>} : memref<640x128xf32, #tpu.memory_space<vmem>>, vector<1x16xf32>,
        %get3A_1411 = vector.shape_cast %get3A_1410 : vector<1x16xf32> to vector<16xf32>
        %mul3A_1412 = arith.constant 20 : i32
        %mul3A_1413 = arith.muli %add3A_134, %mul3A_1412 : i32
        %add3A_1414 = arith.constant 1 : i32
        %add3A_1415 = arith.addi %mul3A_1413, %add3A_1414 : i32
        %get3A_1416 = arith.index_cast %add3A_1415 : i32 to index
        %get3A_1417 = arith.constant 112 : index
        %get3A_1418 = tpu.vector_load %arg6[%get3A_1416, %get3A_1417] {strides = array<i32>} : memref<640x128xf32, #tpu.memory_space<vmem>>, vector<1x16xf32>,
        %get3A_1419 = vector.shape_cast %get3A_1418 : vector<1x16xf32> to vector<16xf32>
        %max3A_1420 = arith.maximumf %get3A_1411, %get3A_1419 : vector<16xf32>
        %mul3A_1421 = arith.constant 20 : i32
        %mul3A_1422 = arith.muli %add3A_134, %mul3A_1421 : i32
        %add3A_1423 = arith.constant 2 : i32
        %add3A_1424 = arith.addi %mul3A_1422, %add3A_1423 : i32
        %get3A_1425 = arith.index_cast %add3A_1424 : i32 to index
        %get3A_1426 = arith.constant 112 : index
        %get3A_1427 = tpu.vector_load %arg6[%get3A_1425, %get3A_1426] {strides = array<i32>} : memref<640x128xf32, #tpu.memory_space<vmem>>, vector<1x16xf32>,
        %get3A_1428 = vector.shape_cast %get3A_1427 : vector<1x16xf32> to vector<16xf32>
        %max3A_1429 = arith.maximumf %max3A_1420, %get3A_1428 : vector<16xf32>
        %mul3A_1430 = arith.constant 20 : i32
        %mul3A_1431 = arith.muli %add3A_134, %mul3A_1430 : i32
        %add3A_1432 = arith.constant 3 : i32
        %add3A_1433 = arith.addi %mul3A_1431, %add3A_1432 : i32
        %get3A_1434 = arith.index_cast %add3A_1433 : i32 to index
        %get3A_1435 = arith.constant 112 : index
        %get3A_1436 = tpu.vector_load %arg6[%get3A_1434, %get3A_1435] {strides = array<i32>} : memref<640x128xf32, #tpu.memory_space<vmem>>, vector<1x16xf32>,
        %get3A_1437 = vector.shape_cast %get3A_1436 : vector<1x16xf32> to vector<16xf32>
        %max3A_1438 = arith.maximumf %max3A_1429, %get3A_1437 : vector<16xf32>
        %mul3A_1439 = arith.constant 20 : i32
        %mul3A_1440 = arith.muli %add3A_134, %mul3A_1439 : i32
        %add3A_1441 = arith.constant 4 : i32
        %add3A_1442 = arith.addi %mul3A_1440, %add3A_1441 : i32
        %get3A_1443 = arith.index_cast %add3A_1442 : i32 to index
        %get3A_1444 = arith.constant 112 : index
        %get3A_1445 = tpu.vector_load %arg6[%get3A_1443, %get3A_1444] {strides = array<i32>} : memref<640x128xf32, #tpu.memory_space<vmem>>, vector<1x16xf32>,
        %get3A_1446 = vector.shape_cast %get3A_1445 : vector<1x16xf32> to vector<16xf32>
        %max3A_1447 = arith.maximumf %max3A_1438, %get3A_1446 : vector<16xf32>
        %mul3A_1448 = arith.constant 20 : i32
        %mul3A_1449 = arith.muli %add3A_134, %mul3A_1448 : i32
        %add3A_1450 = arith.constant 5 : i32
        %add3A_1451 = arith.addi %mul3A_1449, %add3A_1450 : i32
        %get3A_1452 = arith.index_cast %add3A_1451 : i32 to index
        %get3A_1453 = arith.constant 112 : index
        %get3A_1454 = tpu.vector_load %arg6[%get3A_1452, %get3A_1453] {strides = array<i32>} : memref<640x128xf32, #tpu.memory_space<vmem>>, vector<1x16xf32>,
        %get3A_1455 = vector.shape_cast %get3A_1454 : vector<1x16xf32> to vector<16xf32>
        %max3A_1456 = arith.maximumf %max3A_1447, %get3A_1455 : vector<16xf32>
        %mul3A_1457 = arith.constant 20 : i32
        %mul3A_1458 = arith.muli %add3A_134, %mul3A_1457 : i32
        %add3A_1459 = arith.constant 6 : i32
        %add3A_1460 = arith.addi %mul3A_1458, %add3A_1459 : i32
        %get3A_1461 = arith.index_cast %add3A_1460 : i32 to index
        %get3A_1462 = arith.constant 112 : index
        %get3A_1463 = tpu.vector_load %arg6[%get3A_1461, %get3A_1462] {strides = array<i32>} : memref<640x128xf32, #tpu.memory_space<vmem>>, vector<1x16xf32>,
        %get3A_1464 = vector.shape_cast %get3A_1463 : vector<1x16xf32> to vector<16xf32>
        %max3A_1465 = arith.maximumf %max3A_1456, %get3A_1464 : vector<16xf32>
        %mul3A_1466 = arith.constant 20 : i32
        %mul3A_1467 = arith.muli %add3A_134, %mul3A_1466 : i32
        %add3A_1468 = arith.constant 7 : i32
        %add3A_1469 = arith.addi %mul3A_1467, %add3A_1468 : i32
        %get3A_1470 = arith.index_cast %add3A_1469 : i32 to index
        %get3A_1471 = arith.constant 112 : index
        %get3A_1472 = tpu.vector_load %arg6[%get3A_1470, %get3A_1471] {strides = array<i32>} : memref<640x128xf32, #tpu.memory_space<vmem>>, vector<1x16xf32>,
        %get3A_1473 = vector.shape_cast %get3A_1472 : vector<1x16xf32> to vector<16xf32>
        %max3A_1474 = arith.maximumf %max3A_1465, %get3A_1473 : vector<16xf32>
        %mul3A_1475 = arith.constant 20 : i32
        %mul3A_1476 = arith.muli %add3A_134, %mul3A_1475 : i32
        %add3A_1477 = arith.constant 8 : i32
        %add3A_1478 = arith.addi %mul3A_1476, %add3A_1477 : i32
        %get3A_1479 = arith.index_cast %add3A_1478 : i32 to index
        %get3A_1480 = arith.constant 112 : index
        %get3A_1481 = tpu.vector_load %arg6[%get3A_1479, %get3A_1480] {strides = array<i32>} : memref<640x128xf32, #tpu.memory_space<vmem>>, vector<1x16xf32>,
        %get3A_1482 = vector.shape_cast %get3A_1481 : vector<1x16xf32> to vector<16xf32>
        %max3A_1483 = arith.maximumf %max3A_1474, %get3A_1482 : vector<16xf32>
        %mul3A_1484 = arith.constant 20 : i32
        %mul3A_1485 = arith.muli %add3A_134, %mul3A_1484 : i32
        %add3A_1486 = arith.constant 9 : i32
        %add3A_1487 = arith.addi %mul3A_1485, %add3A_1486 : i32
        %get3A_1488 = arith.index_cast %add3A_1487 : i32 to index
        %get3A_1489 = arith.constant 112 : index
        %get3A_1490 = tpu.vector_load %arg6[%get3A_1488, %get3A_1489] {strides = array<i32>} : memref<640x128xf32, #tpu.memory_space<vmem>>, vector<1x16xf32>,
        %get3A_1491 = vector.shape_cast %get3A_1490 : vector<1x16xf32> to vector<16xf32>
        %max3A_1492 = arith.maximumf %max3A_1483, %get3A_1491 : vector<16xf32>
        %mul3A_1493 = arith.constant 20 : i32
        %mul3A_1494 = arith.muli %add3A_134, %mul3A_1493 : i32
        %add3A_1495 = arith.constant 10 : i32
        %add3A_1496 = arith.addi %mul3A_1494, %add3A_1495 : i32
        %get3A_1497 = arith.index_cast %add3A_1496 : i32 to index
        %get3A_1498 = arith.constant 112 : index
        %get3A_1499 = tpu.vector_load %arg6[%get3A_1497, %get3A_1498] {strides = array<i32>} : memref<640x128xf32, #tpu.memory_space<vmem>>, vector<1x16xf32>,
        %get3A_1500 = vector.shape_cast %get3A_1499 : vector<1x16xf32> to vector<16xf32>
        %max3A_1501 = arith.maximumf %max3A_1492, %get3A_1500 : vector<16xf32>
        %mul3A_1502 = arith.constant 20 : i32
        %mul3A_1503 = arith.muli %add3A_134, %mul3A_1502 : i32
        %add3A_1504 = arith.constant 11 : i32
        %add3A_1505 = arith.addi %mul3A_1503, %add3A_1504 : i32
        %get3A_1506 = arith.index_cast %add3A_1505 : i32 to index
        %get3A_1507 = arith.constant 112 : index
        %get3A_1508 = tpu.vector_load %arg6[%get3A_1506, %get3A_1507] {strides = array<i32>} : memref<640x128xf32, #tpu.memory_space<vmem>>, vector<1x16xf32>,
        %get3A_1509 = vector.shape_cast %get3A_1508 : vector<1x16xf32> to vector<16xf32>
        %max3A_1510 = arith.maximumf %max3A_1501, %get3A_1509 : vector<16xf32>
        %mul3A_1511 = arith.constant 20 : i32
        %mul3A_1512 = arith.muli %add3A_134, %mul3A_1511 : i32
        %add3A_1513 = arith.constant 12 : i32
        %add3A_1514 = arith.addi %mul3A_1512, %add3A_1513 : i32
        %get3A_1515 = arith.index_cast %add3A_1514 : i32 to index
        %get3A_1516 = arith.constant 112 : index
        %get3A_1517 = tpu.vector_load %arg6[%get3A_1515, %get3A_1516] {strides = array<i32>} : memref<640x128xf32, #tpu.memory_space<vmem>>, vector<1x16xf32>,
        %get3A_1518 = vector.shape_cast %get3A_1517 : vector<1x16xf32> to vector<16xf32>
        %max3A_1519 = arith.maximumf %max3A_1510, %get3A_1518 : vector<16xf32>
        %mul3A_1520 = arith.constant 20 : i32
        %mul3A_1521 = arith.muli %add3A_134, %mul3A_1520 : i32
        %add3A_1522 = arith.constant 13 : i32
        %add3A_1523 = arith.addi %mul3A_1521, %add3A_1522 : i32
        %get3A_1524 = arith.index_cast %add3A_1523 : i32 to index
        %get3A_1525 = arith.constant 112 : index
        %get3A_1526 = tpu.vector_load %arg6[%get3A_1524, %get3A_1525] {strides = array<i32>} : memref<640x128xf32, #tpu.memory_space<vmem>>, vector<1x16xf32>,
        %get3A_1527 = vector.shape_cast %get3A_1526 : vector<1x16xf32> to vector<16xf32>
        %max3A_1528 = arith.maximumf %max3A_1519, %get3A_1527 : vector<16xf32>
        %mul3A_1529 = arith.constant 20 : i32
        %mul3A_1530 = arith.muli %add3A_134, %mul3A_1529 : i32
        %add3A_1531 = arith.constant 14 : i32
        %add3A_1532 = arith.addi %mul3A_1530, %add3A_1531 : i32
        %get3A_1533 = arith.index_cast %add3A_1532 : i32 to index
        %get3A_1534 = arith.constant 112 : index
        %get3A_1535 = tpu.vector_load %arg6[%get3A_1533, %get3A_1534] {strides = array<i32>} : memref<640x128xf32, #tpu.memory_space<vmem>>, vector<1x16xf32>,
        %get3A_1536 = vector.shape_cast %get3A_1535 : vector<1x16xf32> to vector<16xf32>
        %max3A_1537 = arith.maximumf %max3A_1528, %get3A_1536 : vector<16xf32>
        %mul3A_1538 = arith.constant 20 : i32
        %mul3A_1539 = arith.muli %add3A_134, %mul3A_1538 : i32
        %add3A_1540 = arith.constant 15 : i32
        %add3A_1541 = arith.addi %mul3A_1539, %add3A_1540 : i32
        %get3A_1542 = arith.index_cast %add3A_1541 : i32 to index
        %get3A_1543 = arith.constant 112 : index
        %get3A_1544 = tpu.vector_load %arg6[%get3A_1542, %get3A_1543] {strides = array<i32>} : memref<640x128xf32, #tpu.memory_space<vmem>>, vector<1x16xf32>,
        %get3A_1545 = vector.shape_cast %get3A_1544 : vector<1x16xf32> to vector<16xf32>
        %max3A_1546 = arith.maximumf %max3A_1537, %get3A_1545 : vector<16xf32>
        %mul3A_1547 = arith.constant 20 : i32
        %mul3A_1548 = arith.muli %add3A_134, %mul3A_1547 : i32
        %add3A_1549 = arith.constant 16 : i32
        %add3A_1550 = arith.addi %mul3A_1548, %add3A_1549 : i32
        %get3A_1551 = arith.index_cast %add3A_1550 : i32 to index
        %get3A_1552 = arith.constant 112 : index
        %get3A_1553 = tpu.vector_load %arg6[%get3A_1551, %get3A_1552] {strides = array<i32>} : memref<640x128xf32, #tpu.memory_space<vmem>>, vector<1x16xf32>,
        %get3A_1554 = vector.shape_cast %get3A_1553 : vector<1x16xf32> to vector<16xf32>
        %max3A_1555 = arith.maximumf %max3A_1546, %get3A_1554 : vector<16xf32>
        %mul3A_1556 = arith.constant 20 : i32
        %mul3A_1557 = arith.muli %add3A_134, %mul3A_1556 : i32
        %add3A_1558 = arith.constant 17 : i32
        %add3A_1559 = arith.addi %mul3A_1557, %add3A_1558 : i32
        %get3A_1560 = arith.index_cast %add3A_1559 : i32 to index
        %get3A_1561 = arith.constant 112 : index
        %get3A_1562 = tpu.vector_load %arg6[%get3A_1560, %get3A_1561] {strides = array<i32>} : memref<640x128xf32, #tpu.memory_space<vmem>>, vector<1x16xf32>,
        %get3A_1563 = vector.shape_cast %get3A_1562 : vector<1x16xf32> to vector<16xf32>
        %max3A_1564 = arith.maximumf %max3A_1555, %get3A_1563 : vector<16xf32>
        %mul3A_1565 = arith.constant 20 : i32
        %mul3A_1566 = arith.muli %add3A_134, %mul3A_1565 : i32
        %add3A_1567 = arith.constant 18 : i32
        %add3A_1568 = arith.addi %mul3A_1566, %add3A_1567 : i32
        %get3A_1569 = arith.index_cast %add3A_1568 : i32 to index
        %get3A_1570 = arith.constant 112 : index
        %get3A_1571 = tpu.vector_load %arg6[%get3A_1569, %get3A_1570] {strides = array<i32>} : memref<640x128xf32, #tpu.memory_space<vmem>>, vector<1x16xf32>,
        %get3A_1572 = vector.shape_cast %get3A_1571 : vector<1x16xf32> to vector<16xf32>
        %max3A_1573 = arith.maximumf %max3A_1564, %get3A_1572 : vector<16xf32>
        %mul3A_1574 = arith.constant 20 : i32
        %mul3A_1575 = arith.muli %add3A_134, %mul3A_1574 : i32
        %add3A_1576 = arith.constant 19 : i32
        %add3A_1577 = arith.addi %mul3A_1575, %add3A_1576 : i32
        %get3A_1578 = arith.index_cast %add3A_1577 : i32 to index
        %get3A_1579 = arith.constant 112 : index
        %get3A_1580 = tpu.vector_load %arg6[%get3A_1578, %get3A_1579] {strides = array<i32>} : memref<640x128xf32, #tpu.memory_space<vmem>>, vector<1x16xf32>,
        %get3A_1581 = vector.shape_cast %get3A_1580 : vector<1x16xf32> to vector<16xf32>
        %max3A_1582 = arith.maximumf %max3A_1573, %get3A_1581 : vector<16xf32>
        %swap3A_1583 = arith.index_cast %add3A_134 : i32 to index
        %swap3A_1584 = arith.constant 112 : index
        %swap3A_1585 = tpu.vector_load %arg7[%swap3A_1583, %swap3A_1584] {strides = array<i32>} : memref<32x128xf32, #tpu.memory_space<vmem>>, vector<1x16xf32>,
        %swap3A_1586 = vector.shape_cast %swap3A_1585 : vector<1x16xf32> to vector<16xf32>
        %swap3A_1587 = vector.shape_cast %max3A_1582 : vector<16xf32> to vector<1x16xf32>
        tpu.vector_store %arg7[%swap3A_1583, %swap3A_1584], %swap3A_1587 {strides = array<i32>} : memref<32x128xf32, #tpu.memory_space<vmem>>, vector<1x16xf32>,
      }
      %scan3A_129 = arith.constant 32 : i32
      "tpu.region"() ({
        %run_scoped3A = tpu.sem_alloc : memref<!tpu.dma_semaphore, #tpu.memory_space<semaphore_mem>>
        %dma_start3A_130 = arith.constant 0 : i32
        %dma_start3A_131 = tpu.memref_slice %arg4[%add3A_16, %dma_start3A_130] : memref<16384x128xf32, #tpu.memory_space<hbm>> -> memref<32x128xf32, #tpu.memory_space<hbm>>
        %dma_start3A_132 = arith.constant 0 : i32
        %dma_start3A_133 = tpu.memref_slice %arg4[%add3A_16, %dma_start3A_132] : memref<16384x128xf32, #tpu.memory_space<hbm>> -> memref<32x128xf32, #tpu.memory_space<hbm>>
        tpu.enqueue_dma source(%arg7 : memref<32x128xf32, #tpu.memory_space<vmem>>) target(%dma_start3A_133 : memref<32x128xf32, #tpu.memory_space<hbm>>) target_semaphore(%run_scoped3A : memref<!tpu.dma_semaphore, #tpu.memory_space<semaphore_mem>>)
        %dma_wait3A_134 = arith.constant 0 : i32
        %dma_wait3A_135 = tpu.memref_slice %arg4[%add3A_16, %dma_wait3A_134] : memref<16384x128xf32, #tpu.memory_space<hbm>> -> memref<32x128xf32, #tpu.memory_space<hbm>>
        %dma_wait3A_136 = arith.constant 0 : i32
        %dma_wait3A_137 = tpu.memref_slice %arg4[%add3A_16, %dma_wait3A_136] : memref<16384x128xf32, #tpu.memory_space<hbm>> -> memref<32x128xf32, #tpu.memory_space<hbm>>
        tpu.wait_dma2 semaphore(%run_scoped3A : memref<!tpu.dma_semaphore, #tpu.memory_space<semaphore_mem>>) src(%arg7 : memref<32x128xf32, #tpu.memory_space<vmem>>) dst(%dma_wait3A_137 : memref<32x128xf32, #tpu.memory_space<hbm>>)
        tpu.yield
      }) : () -> ()
    }
    %scan3A_8 = arith.constant 16 : i32
    return
  }
}

#map = affine_map<(d0, d1) -> (0, 0)>
module attributes {stable_mosaic.version = 14 : i64} {
  func.func @kern(%arg0: i32, %arg1: i32, %arg2: memref<16384x64xf32, #tpu.memory_space<hbm>>, %arg3: memref<2560x128xi32, #tpu.memory_space<hbm>>, %arg4: memref<16384x64xf32, #tpu.memory_space<hbm>>, %arg5: memref<80x128xi32, #tpu.memory_space<vmem>>, %arg6: memref<640x64xf32, #tpu.memory_space<vmem>>, %arg7: memref<32x64xf32, #tpu.memory_space<vmem>>, %arg8: memref<!tpu.dma_semaphore, #tpu.memory_space<semaphore_mem>>) attributes {dimension_semantics = [#tpu.dimension_semantics<core_parallel>, #tpu.dimension_semantics<subcore_parallel>], iteration_bounds = array<i64: 2, 16>, scalar_prefetch = 0 : i64, scratch_operands = 4 : i64, tpu.core_type = #tpu.core_type<sc_vector_subcore>, window_params = [{transform_indices = #map}, {transform_indices = #map}, {transform_indices = #map}]} {
    %mul3A = arith.constant 2 : i32
    %mul3A_0 = arith.muli %arg1, %mul3A : i32
    %add3A = arith.addi %mul3A_0, %arg0 : i32
    %mul3A_1 = arith.constant 512 : i32
    %mul3A_2 = arith.muli %add3A, %mul3A_1 : i32
    %mul3A_3 = arith.constant 80 : i32
    %mul3A_4 = arith.muli %add3A, %mul3A_3 : i32
    "tpu.region"() ({
      %run_scoped3A = tpu.sem_alloc : memref<!tpu.dma_semaphore, #tpu.memory_space<semaphore_mem>>
      %dma_start3A = arith.constant 0 : i32
      %dma_start3A_9 = tpu.memref_slice %arg3[%mul3A_4, %dma_start3A] : memref<2560x128xi32, #tpu.memory_space<hbm>> -> memref<80x128xi32, #tpu.memory_space<hbm>>
      %dma_start3A_10 = arith.constant 0 : i32
      %dma_start3A_11 = tpu.memref_slice %arg3[%mul3A_4, %dma_start3A_10] : memref<2560x128xi32, #tpu.memory_space<hbm>> -> memref<80x128xi32, #tpu.memory_space<hbm>>
      tpu.enqueue_dma source(%dma_start3A_11 : memref<80x128xi32, #tpu.memory_space<hbm>>) target(%arg5 : memref<80x128xi32, #tpu.memory_space<vmem>>) target_semaphore(%run_scoped3A : memref<!tpu.dma_semaphore, #tpu.memory_space<semaphore_mem>>)
      %dma_wait3A = arith.constant 0 : i32
      %dma_wait3A_12 = tpu.memref_slice %arg3[%mul3A_4, %dma_wait3A] : memref<2560x128xi32, #tpu.memory_space<hbm>> -> memref<80x128xi32, #tpu.memory_space<hbm>>
      %dma_wait3A_13 = arith.constant 0 : i32
      %dma_wait3A_14 = tpu.memref_slice %arg3[%mul3A_4, %dma_wait3A_13] : memref<2560x128xi32, #tpu.memory_space<hbm>> -> memref<80x128xi32, #tpu.memory_space<hbm>>
      tpu.wait_dma2 semaphore(%run_scoped3A : memref<!tpu.dma_semaphore, #tpu.memory_space<semaphore_mem>>) src(%dma_wait3A_14 : memref<80x128xi32, #tpu.memory_space<hbm>>) dst(%arg5 : memref<80x128xi32, #tpu.memory_space<vmem>>)
      tpu.yield
    }) : () -> ()
    %scan3A = arith.constant 0 : i32
    %scan3A_5 = arith.constant 16 : i32
    %scan3A_6 = arith.addi %scan3A, %scan3A_5 : i32
    %scan3A_7 = arith.constant 1 : i32
    scf.for %scan3A_9 = %scan3A to %scan3A_6 step %scan3A_7  : i32 {
      %mul3A_10 = arith.constant 1 : i32
      %mul3A_11 = arith.muli %scan3A_9, %mul3A_10 : i32
      %add3A_12 = arith.constant 0 : i32
      %add3A_13 = arith.addi %add3A_12, %mul3A_11 : i32
      %mul3A_14 = arith.constant 32 : i32
      %mul3A_15 = arith.muli %add3A_13, %mul3A_14 : i32
      %add3A_16 = arith.addi %mul3A_2, %mul3A_15 : i32
      %mul3A_17 = arith.constant 5 : i32
      %mul3A_18 = arith.muli %add3A_13, %mul3A_17 : i32
      %add3A_19 = arith.constant 0 : i32
      %add3A_20 = arith.addi %mul3A_18, %add3A_19 : i32
      %dma_start3A = arith.constant 0 : i32
      %dma_start3A_21 = arith.constant 0 : i32
      %dma_start3A_22 = tpu.memref_slice %arg6[%dma_start3A, %dma_start3A_21] : memref<640x64xf32, #tpu.memory_space<vmem>> -> memref<128x64xf32, #tpu.memory_space<vmem>>
      %dma_start3A_23 = arith.constant 0 : i32
      %dma_start3A_24 = tpu.memref_slice %arg5[%add3A_20, %dma_start3A_23] : memref<80x128xi32, #tpu.memory_space<vmem>> -> memref<1x128xi32, #tpu.memory_space<vmem>>
      %dma_start3A_25 = tpu.memref_squeeze %dma_start3A_24 : memref<1x128xi32, #tpu.memory_space<vmem>> -> memref<128xi32, #tpu.memory_space<vmem>>
      %dma_start3A_26 = arith.constant 0 : i32
      %dma_start3A_27 = arith.constant 0 : i32
      %dma_start3A_28 = tpu.memref_slice %arg2[%dma_start3A_26, %dma_start3A_27] : memref<16384x64xf32, #tpu.memory_space<hbm>> -> memref<16384x64xf32, #tpu.memory_space<hbm>>
      tpu.enqueue_indirect_dma source(%dma_start3A_28 : memref<16384x64xf32, #tpu.memory_space<hbm>>) target(%dma_start3A_22 : memref<128x64xf32, #tpu.memory_space<vmem>>) offsets(%dma_start3A_25 : memref<128xi32, #tpu.memory_space<vmem>>) semaphore(%arg8 : memref<!tpu.dma_semaphore, #tpu.memory_space<semaphore_mem>>)
      %mul3A_29 = arith.constant 5 : i32
      %mul3A_30 = arith.muli %add3A_13, %mul3A_29 : i32
      %add3A_31 = arith.constant 1 : i32
      %add3A_32 = arith.addi %mul3A_30, %add3A_31 : i32
      %dma_start3A_33 = arith.constant 128 : i32
      %dma_start3A_34 = arith.constant 0 : i32
      %dma_start3A_35 = tpu.memref_slice %arg6[%dma_start3A_33, %dma_start3A_34] : memref<640x64xf32, #tpu.memory_space<vmem>> -> memref<128x64xf32, #tpu.memory_space<vmem>>
      %dma_start3A_36 = arith.constant 0 : i32
      %dma_start3A_37 = tpu.memref_slice %arg5[%add3A_32, %dma_start3A_36] : memref<80x128xi32, #tpu.memory_space<vmem>> -> memref<1x128xi32, #tpu.memory_space<vmem>>
      %dma_start3A_38 = tpu.memref_squeeze %dma_start3A_37 : memref<1x128xi32, #tpu.memory_space<vmem>> -> memref<128xi32, #tpu.memory_space<vmem>>
      %dma_start3A_39 = arith.constant 0 : i32
      %dma_start3A_40 = arith.constant 0 : i32
      %dma_start3A_41 = tpu.memref_slice %arg2[%dma_start3A_39, %dma_start3A_40] : memref<16384x64xf32, #tpu.memory_space<hbm>> -> memref<16384x64xf32, #tpu.memory_space<hbm>>
      tpu.enqueue_indirect_dma source(%dma_start3A_41 : memref<16384x64xf32, #tpu.memory_space<hbm>>) target(%dma_start3A_35 : memref<128x64xf32, #tpu.memory_space<vmem>>) offsets(%dma_start3A_38 : memref<128xi32, #tpu.memory_space<vmem>>) semaphore(%arg8 : memref<!tpu.dma_semaphore, #tpu.memory_space<semaphore_mem>>)
      %mul3A_42 = arith.constant 5 : i32
      %mul3A_43 = arith.muli %add3A_13, %mul3A_42 : i32
      %add3A_44 = arith.constant 2 : i32
      %add3A_45 = arith.addi %mul3A_43, %add3A_44 : i32
      %dma_start3A_46 = arith.constant 256 : i32
      %dma_start3A_47 = arith.constant 0 : i32
      %dma_start3A_48 = tpu.memref_slice %arg6[%dma_start3A_46, %dma_start3A_47] : memref<640x64xf32, #tpu.memory_space<vmem>> -> memref<128x64xf32, #tpu.memory_space<vmem>>
      %dma_start3A_49 = arith.constant 0 : i32
      %dma_start3A_50 = tpu.memref_slice %arg5[%add3A_45, %dma_start3A_49] : memref<80x128xi32, #tpu.memory_space<vmem>> -> memref<1x128xi32, #tpu.memory_space<vmem>>
      %dma_start3A_51 = tpu.memref_squeeze %dma_start3A_50 : memref<1x128xi32, #tpu.memory_space<vmem>> -> memref<128xi32, #tpu.memory_space<vmem>>
      %dma_start3A_52 = arith.constant 0 : i32
      %dma_start3A_53 = arith.constant 0 : i32
      %dma_start3A_54 = tpu.memref_slice %arg2[%dma_start3A_52, %dma_start3A_53] : memref<16384x64xf32, #tpu.memory_space<hbm>> -> memref<16384x64xf32, #tpu.memory_space<hbm>>
      tpu.enqueue_indirect_dma source(%dma_start3A_54 : memref<16384x64xf32, #tpu.memory_space<hbm>>) target(%dma_start3A_48 : memref<128x64xf32, #tpu.memory_space<vmem>>) offsets(%dma_start3A_51 : memref<128xi32, #tpu.memory_space<vmem>>) semaphore(%arg8 : memref<!tpu.dma_semaphore, #tpu.memory_space<semaphore_mem>>)
      %mul3A_55 = arith.constant 5 : i32
      %mul3A_56 = arith.muli %add3A_13, %mul3A_55 : i32
      %add3A_57 = arith.constant 3 : i32
      %add3A_58 = arith.addi %mul3A_56, %add3A_57 : i32
      %dma_start3A_59 = arith.constant 384 : i32
      %dma_start3A_60 = arith.constant 0 : i32
      %dma_start3A_61 = tpu.memref_slice %arg6[%dma_start3A_59, %dma_start3A_60] : memref<640x64xf32, #tpu.memory_space<vmem>> -> memref<128x64xf32, #tpu.memory_space<vmem>>
      %dma_start3A_62 = arith.constant 0 : i32
      %dma_start3A_63 = tpu.memref_slice %arg5[%add3A_58, %dma_start3A_62] : memref<80x128xi32, #tpu.memory_space<vmem>> -> memref<1x128xi32, #tpu.memory_space<vmem>>
      %dma_start3A_64 = tpu.memref_squeeze %dma_start3A_63 : memref<1x128xi32, #tpu.memory_space<vmem>> -> memref<128xi32, #tpu.memory_space<vmem>>
      %dma_start3A_65 = arith.constant 0 : i32
      %dma_start3A_66 = arith.constant 0 : i32
      %dma_start3A_67 = tpu.memref_slice %arg2[%dma_start3A_65, %dma_start3A_66] : memref<16384x64xf32, #tpu.memory_space<hbm>> -> memref<16384x64xf32, #tpu.memory_space<hbm>>
      tpu.enqueue_indirect_dma source(%dma_start3A_67 : memref<16384x64xf32, #tpu.memory_space<hbm>>) target(%dma_start3A_61 : memref<128x64xf32, #tpu.memory_space<vmem>>) offsets(%dma_start3A_64 : memref<128xi32, #tpu.memory_space<vmem>>) semaphore(%arg8 : memref<!tpu.dma_semaphore, #tpu.memory_space<semaphore_mem>>)
      %mul3A_68 = arith.constant 5 : i32
      %mul3A_69 = arith.muli %add3A_13, %mul3A_68 : i32
      %add3A_70 = arith.constant 4 : i32
      %add3A_71 = arith.addi %mul3A_69, %add3A_70 : i32
      %dma_start3A_72 = arith.constant 512 : i32
      %dma_start3A_73 = arith.constant 0 : i32
      %dma_start3A_74 = tpu.memref_slice %arg6[%dma_start3A_72, %dma_start3A_73] : memref<640x64xf32, #tpu.memory_space<vmem>> -> memref<128x64xf32, #tpu.memory_space<vmem>>
      %dma_start3A_75 = arith.constant 0 : i32
      %dma_start3A_76 = tpu.memref_slice %arg5[%add3A_71, %dma_start3A_75] : memref<80x128xi32, #tpu.memory_space<vmem>> -> memref<1x128xi32, #tpu.memory_space<vmem>>
      %dma_start3A_77 = tpu.memref_squeeze %dma_start3A_76 : memref<1x128xi32, #tpu.memory_space<vmem>> -> memref<128xi32, #tpu.memory_space<vmem>>
      %dma_start3A_78 = arith.constant 0 : i32
      %dma_start3A_79 = arith.constant 0 : i32
      %dma_start3A_80 = tpu.memref_slice %arg2[%dma_start3A_78, %dma_start3A_79] : memref<16384x64xf32, #tpu.memory_space<hbm>> -> memref<16384x64xf32, #tpu.memory_space<hbm>>
      tpu.enqueue_indirect_dma source(%dma_start3A_80 : memref<16384x64xf32, #tpu.memory_space<hbm>>) target(%dma_start3A_74 : memref<128x64xf32, #tpu.memory_space<vmem>>) offsets(%dma_start3A_77 : memref<128xi32, #tpu.memory_space<vmem>>) semaphore(%arg8 : memref<!tpu.dma_semaphore, #tpu.memory_space<semaphore_mem>>)
      %dma_wait3A = arith.constant 0 : i32
      %dma_wait3A_81 = arith.constant 0 : i32
      %dma_wait3A_82 = tpu.memref_slice %arg6[%dma_wait3A, %dma_wait3A_81] : memref<640x64xf32, #tpu.memory_space<vmem>> -> memref<128x64xf32, #tpu.memory_space<vmem>>
      %dma_wait3A_83 = arith.constant 0 : i32
      %dma_wait3A_84 = tpu.memref_slice %arg5[%add3A_20, %dma_wait3A_83] : memref<80x128xi32, #tpu.memory_space<vmem>> -> memref<1x128xi32, #tpu.memory_space<vmem>>
      %dma_wait3A_85 = tpu.memref_squeeze %dma_wait3A_84 : memref<1x128xi32, #tpu.memory_space<vmem>> -> memref<128xi32, #tpu.memory_space<vmem>>
      %dma_wait3A_86 = arith.constant 0 : i32
      %dma_wait3A_87 = arith.constant 0 : i32
      %dma_wait3A_88 = tpu.memref_slice %arg2[%dma_wait3A_86, %dma_wait3A_87] : memref<16384x64xf32, #tpu.memory_space<hbm>> -> memref<16384x64xf32, #tpu.memory_space<hbm>>
      tpu.wait_indirect_dma semaphore(%arg8 : memref<!tpu.dma_semaphore, #tpu.memory_space<semaphore_mem>>) src(%dma_wait3A_88 : memref<16384x64xf32, #tpu.memory_space<hbm>>) dst(%dma_wait3A_82 : memref<128x64xf32, #tpu.memory_space<vmem>>)
      %dma_wait3A_89 = arith.constant 128 : i32
      %dma_wait3A_90 = arith.constant 0 : i32
      %dma_wait3A_91 = tpu.memref_slice %arg6[%dma_wait3A_89, %dma_wait3A_90] : memref<640x64xf32, #tpu.memory_space<vmem>> -> memref<128x64xf32, #tpu.memory_space<vmem>>
      %dma_wait3A_92 = arith.constant 0 : i32
      %dma_wait3A_93 = tpu.memref_slice %arg5[%add3A_32, %dma_wait3A_92] : memref<80x128xi32, #tpu.memory_space<vmem>> -> memref<1x128xi32, #tpu.memory_space<vmem>>
      %dma_wait3A_94 = tpu.memref_squeeze %dma_wait3A_93 : memref<1x128xi32, #tpu.memory_space<vmem>> -> memref<128xi32, #tpu.memory_space<vmem>>
      %dma_wait3A_95 = arith.constant 0 : i32
      %dma_wait3A_96 = arith.constant 0 : i32
      %dma_wait3A_97 = tpu.memref_slice %arg2[%dma_wait3A_95, %dma_wait3A_96] : memref<16384x64xf32, #tpu.memory_space<hbm>> -> memref<16384x64xf32, #tpu.memory_space<hbm>>
      tpu.wait_indirect_dma semaphore(%arg8 : memref<!tpu.dma_semaphore, #tpu.memory_space<semaphore_mem>>) src(%dma_wait3A_97 : memref<16384x64xf32, #tpu.memory_space<hbm>>) dst(%dma_wait3A_91 : memref<128x64xf32, #tpu.memory_space<vmem>>)
      %dma_wait3A_98 = arith.constant 256 : i32
      %dma_wait3A_99 = arith.constant 0 : i32
      %dma_wait3A_100 = tpu.memref_slice %arg6[%dma_wait3A_98, %dma_wait3A_99] : memref<640x64xf32, #tpu.memory_space<vmem>> -> memref<128x64xf32, #tpu.memory_space<vmem>>
      %dma_wait3A_101 = arith.constant 0 : i32
      %dma_wait3A_102 = tpu.memref_slice %arg5[%add3A_45, %dma_wait3A_101] : memref<80x128xi32, #tpu.memory_space<vmem>> -> memref<1x128xi32, #tpu.memory_space<vmem>>
      %dma_wait3A_103 = tpu.memref_squeeze %dma_wait3A_102 : memref<1x128xi32, #tpu.memory_space<vmem>> -> memref<128xi32, #tpu.memory_space<vmem>>
      %dma_wait3A_104 = arith.constant 0 : i32
      %dma_wait3A_105 = arith.constant 0 : i32
      %dma_wait3A_106 = tpu.memref_slice %arg2[%dma_wait3A_104, %dma_wait3A_105] : memref<16384x64xf32, #tpu.memory_space<hbm>> -> memref<16384x64xf32, #tpu.memory_space<hbm>>
      tpu.wait_indirect_dma semaphore(%arg8 : memref<!tpu.dma_semaphore, #tpu.memory_space<semaphore_mem>>) src(%dma_wait3A_106 : memref<16384x64xf32, #tpu.memory_space<hbm>>) dst(%dma_wait3A_100 : memref<128x64xf32, #tpu.memory_space<vmem>>)
      %dma_wait3A_107 = arith.constant 384 : i32
      %dma_wait3A_108 = arith.constant 0 : i32
      %dma_wait3A_109 = tpu.memref_slice %arg6[%dma_wait3A_107, %dma_wait3A_108] : memref<640x64xf32, #tpu.memory_space<vmem>> -> memref<128x64xf32, #tpu.memory_space<vmem>>
      %dma_wait3A_110 = arith.constant 0 : i32
      %dma_wait3A_111 = tpu.memref_slice %arg5[%add3A_58, %dma_wait3A_110] : memref<80x128xi32, #tpu.memory_space<vmem>> -> memref<1x128xi32, #tpu.memory_space<vmem>>
      %dma_wait3A_112 = tpu.memref_squeeze %dma_wait3A_111 : memref<1x128xi32, #tpu.memory_space<vmem>> -> memref<128xi32, #tpu.memory_space<vmem>>
      %dma_wait3A_113 = arith.constant 0 : i32
      %dma_wait3A_114 = arith.constant 0 : i32
      %dma_wait3A_115 = tpu.memref_slice %arg2[%dma_wait3A_113, %dma_wait3A_114] : memref<16384x64xf32, #tpu.memory_space<hbm>> -> memref<16384x64xf32, #tpu.memory_space<hbm>>
      tpu.wait_indirect_dma semaphore(%arg8 : memref<!tpu.dma_semaphore, #tpu.memory_space<semaphore_mem>>) src(%dma_wait3A_115 : memref<16384x64xf32, #tpu.memory_space<hbm>>) dst(%dma_wait3A_109 : memref<128x64xf32, #tpu.memory_space<vmem>>)
      %dma_wait3A_116 = arith.constant 512 : i32
      %dma_wait3A_117 = arith.constant 0 : i32
      %dma_wait3A_118 = tpu.memref_slice %arg6[%dma_wait3A_116, %dma_wait3A_117] : memref<640x64xf32, #tpu.memory_space<vmem>> -> memref<128x64xf32, #tpu.memory_space<vmem>>
      %dma_wait3A_119 = arith.constant 0 : i32
      %dma_wait3A_120 = tpu.memref_slice %arg5[%add3A_71, %dma_wait3A_119] : memref<80x128xi32, #tpu.memory_space<vmem>> -> memref<1x128xi32, #tpu.memory_space<vmem>>
      %dma_wait3A_121 = tpu.memref_squeeze %dma_wait3A_120 : memref<1x128xi32, #tpu.memory_space<vmem>> -> memref<128xi32, #tpu.memory_space<vmem>>
      %dma_wait3A_122 = arith.constant 0 : i32
      %dma_wait3A_123 = arith.constant 0 : i32
      %dma_wait3A_124 = tpu.memref_slice %arg2[%dma_wait3A_122, %dma_wait3A_123] : memref<16384x64xf32, #tpu.memory_space<hbm>> -> memref<16384x64xf32, #tpu.memory_space<hbm>>
      tpu.wait_indirect_dma semaphore(%arg8 : memref<!tpu.dma_semaphore, #tpu.memory_space<semaphore_mem>>) src(%dma_wait3A_124 : memref<16384x64xf32, #tpu.memory_space<hbm>>) dst(%dma_wait3A_118 : memref<128x64xf32, #tpu.memory_space<vmem>>)
      %scan3A_125 = arith.constant 0 : i32
      %scan3A_126 = arith.constant 32 : i32
      %scan3A_127 = arith.addi %scan3A_125, %scan3A_126 : i32
      %scan3A_128 = arith.constant 1 : i32
      scf.for %scan3A_130 = %scan3A_125 to %scan3A_127 step %scan3A_128  : i32 {
        %mul3A_131 = arith.constant 1 : i32
        %mul3A_132 = arith.muli %scan3A_130, %mul3A_131 : i32
        %add3A_133 = arith.constant 0 : i32
        %add3A_134 = arith.addi %add3A_133, %mul3A_132 : i32
        %mul3A_135 = arith.constant 20 : i32
        %mul3A_136 = arith.muli %add3A_134, %mul3A_135 : i32
        %get3A = arith.index_cast %mul3A_136 : i32 to index
        %get3A_137 = arith.constant 0 : index
        %get3A_138 = tpu.vector_load %arg6[%get3A, %get3A_137] {strides = array<i32>} : memref<640x64xf32, #tpu.memory_space<vmem>>, vector<1x16xf32>,
        %get3A_139 = vector.shape_cast %get3A_138 : vector<1x16xf32> to vector<16xf32>
        %mul3A_140 = arith.constant 20 : i32
        %mul3A_141 = arith.muli %add3A_134, %mul3A_140 : i32
        %add3A_142 = arith.constant 1 : i32
        %add3A_143 = arith.addi %mul3A_141, %add3A_142 : i32
        %get3A_144 = arith.index_cast %add3A_143 : i32 to index
        %get3A_145 = arith.constant 0 : index
        %get3A_146 = tpu.vector_load %arg6[%get3A_144, %get3A_145] {strides = array<i32>} : memref<640x64xf32, #tpu.memory_space<vmem>>, vector<1x16xf32>,
        %get3A_147 = vector.shape_cast %get3A_146 : vector<1x16xf32> to vector<16xf32>
        %max3A = arith.maximumf %get3A_139, %get3A_147 : vector<16xf32>
        %mul3A_148 = arith.constant 20 : i32
        %mul3A_149 = arith.muli %add3A_134, %mul3A_148 : i32
        %add3A_150 = arith.constant 2 : i32
        %add3A_151 = arith.addi %mul3A_149, %add3A_150 : i32
        %get3A_152 = arith.index_cast %add3A_151 : i32 to index
        %get3A_153 = arith.constant 0 : index
        %get3A_154 = tpu.vector_load %arg6[%get3A_152, %get3A_153] {strides = array<i32>} : memref<640x64xf32, #tpu.memory_space<vmem>>, vector<1x16xf32>,
        %get3A_155 = vector.shape_cast %get3A_154 : vector<1x16xf32> to vector<16xf32>
        %max3A_156 = arith.maximumf %max3A, %get3A_155 : vector<16xf32>
        %mul3A_157 = arith.constant 20 : i32
        %mul3A_158 = arith.muli %add3A_134, %mul3A_157 : i32
        %add3A_159 = arith.constant 3 : i32
        %add3A_160 = arith.addi %mul3A_158, %add3A_159 : i32
        %get3A_161 = arith.index_cast %add3A_160 : i32 to index
        %get3A_162 = arith.constant 0 : index
        %get3A_163 = tpu.vector_load %arg6[%get3A_161, %get3A_162] {strides = array<i32>} : memref<640x64xf32, #tpu.memory_space<vmem>>, vector<1x16xf32>,
        %get3A_164 = vector.shape_cast %get3A_163 : vector<1x16xf32> to vector<16xf32>
        %max3A_165 = arith.maximumf %max3A_156, %get3A_164 : vector<16xf32>
        %mul3A_166 = arith.constant 20 : i32
        %mul3A_167 = arith.muli %add3A_134, %mul3A_166 : i32
        %add3A_168 = arith.constant 4 : i32
        %add3A_169 = arith.addi %mul3A_167, %add3A_168 : i32
        %get3A_170 = arith.index_cast %add3A_169 : i32 to index
        %get3A_171 = arith.constant 0 : index
        %get3A_172 = tpu.vector_load %arg6[%get3A_170, %get3A_171] {strides = array<i32>} : memref<640x64xf32, #tpu.memory_space<vmem>>, vector<1x16xf32>,
        %get3A_173 = vector.shape_cast %get3A_172 : vector<1x16xf32> to vector<16xf32>
        %max3A_174 = arith.maximumf %max3A_165, %get3A_173 : vector<16xf32>
        %mul3A_175 = arith.constant 20 : i32
        %mul3A_176 = arith.muli %add3A_134, %mul3A_175 : i32
        %add3A_177 = arith.constant 5 : i32
        %add3A_178 = arith.addi %mul3A_176, %add3A_177 : i32
        %get3A_179 = arith.index_cast %add3A_178 : i32 to index
        %get3A_180 = arith.constant 0 : index
        %get3A_181 = tpu.vector_load %arg6[%get3A_179, %get3A_180] {strides = array<i32>} : memref<640x64xf32, #tpu.memory_space<vmem>>, vector<1x16xf32>,
        %get3A_182 = vector.shape_cast %get3A_181 : vector<1x16xf32> to vector<16xf32>
        %max3A_183 = arith.maximumf %max3A_174, %get3A_182 : vector<16xf32>
        %mul3A_184 = arith.constant 20 : i32
        %mul3A_185 = arith.muli %add3A_134, %mul3A_184 : i32
        %add3A_186 = arith.constant 6 : i32
        %add3A_187 = arith.addi %mul3A_185, %add3A_186 : i32
        %get3A_188 = arith.index_cast %add3A_187 : i32 to index
        %get3A_189 = arith.constant 0 : index
        %get3A_190 = tpu.vector_load %arg6[%get3A_188, %get3A_189] {strides = array<i32>} : memref<640x64xf32, #tpu.memory_space<vmem>>, vector<1x16xf32>,
        %get3A_191 = vector.shape_cast %get3A_190 : vector<1x16xf32> to vector<16xf32>
        %max3A_192 = arith.maximumf %max3A_183, %get3A_191 : vector<16xf32>
        %mul3A_193 = arith.constant 20 : i32
        %mul3A_194 = arith.muli %add3A_134, %mul3A_193 : i32
        %add3A_195 = arith.constant 7 : i32
        %add3A_196 = arith.addi %mul3A_194, %add3A_195 : i32
        %get3A_197 = arith.index_cast %add3A_196 : i32 to index
        %get3A_198 = arith.constant 0 : index
        %get3A_199 = tpu.vector_load %arg6[%get3A_197, %get3A_198] {strides = array<i32>} : memref<640x64xf32, #tpu.memory_space<vmem>>, vector<1x16xf32>,
        %get3A_200 = vector.shape_cast %get3A_199 : vector<1x16xf32> to vector<16xf32>
        %max3A_201 = arith.maximumf %max3A_192, %get3A_200 : vector<16xf32>
        %mul3A_202 = arith.constant 20 : i32
        %mul3A_203 = arith.muli %add3A_134, %mul3A_202 : i32
        %add3A_204 = arith.constant 8 : i32
        %add3A_205 = arith.addi %mul3A_203, %add3A_204 : i32
        %get3A_206 = arith.index_cast %add3A_205 : i32 to index
        %get3A_207 = arith.constant 0 : index
        %get3A_208 = tpu.vector_load %arg6[%get3A_206, %get3A_207] {strides = array<i32>} : memref<640x64xf32, #tpu.memory_space<vmem>>, vector<1x16xf32>,
        %get3A_209 = vector.shape_cast %get3A_208 : vector<1x16xf32> to vector<16xf32>
        %max3A_210 = arith.maximumf %max3A_201, %get3A_209 : vector<16xf32>
        %mul3A_211 = arith.constant 20 : i32
        %mul3A_212 = arith.muli %add3A_134, %mul3A_211 : i32
        %add3A_213 = arith.constant 9 : i32
        %add3A_214 = arith.addi %mul3A_212, %add3A_213 : i32
        %get3A_215 = arith.index_cast %add3A_214 : i32 to index
        %get3A_216 = arith.constant 0 : index
        %get3A_217 = tpu.vector_load %arg6[%get3A_215, %get3A_216] {strides = array<i32>} : memref<640x64xf32, #tpu.memory_space<vmem>>, vector<1x16xf32>,
        %get3A_218 = vector.shape_cast %get3A_217 : vector<1x16xf32> to vector<16xf32>
        %max3A_219 = arith.maximumf %max3A_210, %get3A_218 : vector<16xf32>
        %mul3A_220 = arith.constant 20 : i32
        %mul3A_221 = arith.muli %add3A_134, %mul3A_220 : i32
        %add3A_222 = arith.constant 10 : i32
        %add3A_223 = arith.addi %mul3A_221, %add3A_222 : i32
        %get3A_224 = arith.index_cast %add3A_223 : i32 to index
        %get3A_225 = arith.constant 0 : index
        %get3A_226 = tpu.vector_load %arg6[%get3A_224, %get3A_225] {strides = array<i32>} : memref<640x64xf32, #tpu.memory_space<vmem>>, vector<1x16xf32>,
        %get3A_227 = vector.shape_cast %get3A_226 : vector<1x16xf32> to vector<16xf32>
        %max3A_228 = arith.maximumf %max3A_219, %get3A_227 : vector<16xf32>
        %mul3A_229 = arith.constant 20 : i32
        %mul3A_230 = arith.muli %add3A_134, %mul3A_229 : i32
        %add3A_231 = arith.constant 11 : i32
        %add3A_232 = arith.addi %mul3A_230, %add3A_231 : i32
        %get3A_233 = arith.index_cast %add3A_232 : i32 to index
        %get3A_234 = arith.constant 0 : index
        %get3A_235 = tpu.vector_load %arg6[%get3A_233, %get3A_234] {strides = array<i32>} : memref<640x64xf32, #tpu.memory_space<vmem>>, vector<1x16xf32>,
        %get3A_236 = vector.shape_cast %get3A_235 : vector<1x16xf32> to vector<16xf32>
        %max3A_237 = arith.maximumf %max3A_228, %get3A_236 : vector<16xf32>
        %mul3A_238 = arith.constant 20 : i32
        %mul3A_239 = arith.muli %add3A_134, %mul3A_238 : i32
        %add3A_240 = arith.constant 12 : i32
        %add3A_241 = arith.addi %mul3A_239, %add3A_240 : i32
        %get3A_242 = arith.index_cast %add3A_241 : i32 to index
        %get3A_243 = arith.constant 0 : index
        %get3A_244 = tpu.vector_load %arg6[%get3A_242, %get3A_243] {strides = array<i32>} : memref<640x64xf32, #tpu.memory_space<vmem>>, vector<1x16xf32>,
        %get3A_245 = vector.shape_cast %get3A_244 : vector<1x16xf32> to vector<16xf32>
        %max3A_246 = arith.maximumf %max3A_237, %get3A_245 : vector<16xf32>
        %mul3A_247 = arith.constant 20 : i32
        %mul3A_248 = arith.muli %add3A_134, %mul3A_247 : i32
        %add3A_249 = arith.constant 13 : i32
        %add3A_250 = arith.addi %mul3A_248, %add3A_249 : i32
        %get3A_251 = arith.index_cast %add3A_250 : i32 to index
        %get3A_252 = arith.constant 0 : index
        %get3A_253 = tpu.vector_load %arg6[%get3A_251, %get3A_252] {strides = array<i32>} : memref<640x64xf32, #tpu.memory_space<vmem>>, vector<1x16xf32>,
        %get3A_254 = vector.shape_cast %get3A_253 : vector<1x16xf32> to vector<16xf32>
        %max3A_255 = arith.maximumf %max3A_246, %get3A_254 : vector<16xf32>
        %mul3A_256 = arith.constant 20 : i32
        %mul3A_257 = arith.muli %add3A_134, %mul3A_256 : i32
        %add3A_258 = arith.constant 14 : i32
        %add3A_259 = arith.addi %mul3A_257, %add3A_258 : i32
        %get3A_260 = arith.index_cast %add3A_259 : i32 to index
        %get3A_261 = arith.constant 0 : index
        %get3A_262 = tpu.vector_load %arg6[%get3A_260, %get3A_261] {strides = array<i32>} : memref<640x64xf32, #tpu.memory_space<vmem>>, vector<1x16xf32>,
        %get3A_263 = vector.shape_cast %get3A_262 : vector<1x16xf32> to vector<16xf32>
        %max3A_264 = arith.maximumf %max3A_255, %get3A_263 : vector<16xf32>
        %mul3A_265 = arith.constant 20 : i32
        %mul3A_266 = arith.muli %add3A_134, %mul3A_265 : i32
        %add3A_267 = arith.constant 15 : i32
        %add3A_268 = arith.addi %mul3A_266, %add3A_267 : i32
        %get3A_269 = arith.index_cast %add3A_268 : i32 to index
        %get3A_270 = arith.constant 0 : index
        %get3A_271 = tpu.vector_load %arg6[%get3A_269, %get3A_270] {strides = array<i32>} : memref<640x64xf32, #tpu.memory_space<vmem>>, vector<1x16xf32>,
        %get3A_272 = vector.shape_cast %get3A_271 : vector<1x16xf32> to vector<16xf32>
        %max3A_273 = arith.maximumf %max3A_264, %get3A_272 : vector<16xf32>
        %mul3A_274 = arith.constant 20 : i32
        %mul3A_275 = arith.muli %add3A_134, %mul3A_274 : i32
        %add3A_276 = arith.constant 16 : i32
        %add3A_277 = arith.addi %mul3A_275, %add3A_276 : i32
        %get3A_278 = arith.index_cast %add3A_277 : i32 to index
        %get3A_279 = arith.constant 0 : index
        %get3A_280 = tpu.vector_load %arg6[%get3A_278, %get3A_279] {strides = array<i32>} : memref<640x64xf32, #tpu.memory_space<vmem>>, vector<1x16xf32>,
        %get3A_281 = vector.shape_cast %get3A_280 : vector<1x16xf32> to vector<16xf32>
        %max3A_282 = arith.maximumf %max3A_273, %get3A_281 : vector<16xf32>
        %mul3A_283 = arith.constant 20 : i32
        %mul3A_284 = arith.muli %add3A_134, %mul3A_283 : i32
        %add3A_285 = arith.constant 17 : i32
        %add3A_286 = arith.addi %mul3A_284, %add3A_285 : i32
        %get3A_287 = arith.index_cast %add3A_286 : i32 to index
        %get3A_288 = arith.constant 0 : index
        %get3A_289 = tpu.vector_load %arg6[%get3A_287, %get3A_288] {strides = array<i32>} : memref<640x64xf32, #tpu.memory_space<vmem>>, vector<1x16xf32>,
        %get3A_290 = vector.shape_cast %get3A_289 : vector<1x16xf32> to vector<16xf32>
        %max3A_291 = arith.maximumf %max3A_282, %get3A_290 : vector<16xf32>
        %mul3A_292 = arith.constant 20 : i32
        %mul3A_293 = arith.muli %add3A_134, %mul3A_292 : i32
        %add3A_294 = arith.constant 18 : i32
        %add3A_295 = arith.addi %mul3A_293, %add3A_294 : i32
        %get3A_296 = arith.index_cast %add3A_295 : i32 to index
        %get3A_297 = arith.constant 0 : index
        %get3A_298 = tpu.vector_load %arg6[%get3A_296, %get3A_297] {strides = array<i32>} : memref<640x64xf32, #tpu.memory_space<vmem>>, vector<1x16xf32>,
        %get3A_299 = vector.shape_cast %get3A_298 : vector<1x16xf32> to vector<16xf32>
        %max3A_300 = arith.maximumf %max3A_291, %get3A_299 : vector<16xf32>
        %mul3A_301 = arith.constant 20 : i32
        %mul3A_302 = arith.muli %add3A_134, %mul3A_301 : i32
        %add3A_303 = arith.constant 19 : i32
        %add3A_304 = arith.addi %mul3A_302, %add3A_303 : i32
        %get3A_305 = arith.index_cast %add3A_304 : i32 to index
        %get3A_306 = arith.constant 0 : index
        %get3A_307 = tpu.vector_load %arg6[%get3A_305, %get3A_306] {strides = array<i32>} : memref<640x64xf32, #tpu.memory_space<vmem>>, vector<1x16xf32>,
        %get3A_308 = vector.shape_cast %get3A_307 : vector<1x16xf32> to vector<16xf32>
        %max3A_309 = arith.maximumf %max3A_300, %get3A_308 : vector<16xf32>
        %swap3A = arith.index_cast %add3A_134 : i32 to index
        %swap3A_310 = arith.constant 0 : index
        %swap3A_311 = tpu.vector_load %arg7[%swap3A, %swap3A_310] {strides = array<i32>} : memref<32x64xf32, #tpu.memory_space<vmem>>, vector<1x16xf32>,
        %swap3A_312 = vector.shape_cast %swap3A_311 : vector<1x16xf32> to vector<16xf32>
        %swap3A_313 = vector.shape_cast %max3A_309 : vector<16xf32> to vector<1x16xf32>
        tpu.vector_store %arg7[%swap3A, %swap3A_310], %swap3A_313 {strides = array<i32>} : memref<32x64xf32, #tpu.memory_space<vmem>>, vector<1x16xf32>,
        %mul3A_314 = arith.constant 20 : i32
        %mul3A_315 = arith.muli %add3A_134, %mul3A_314 : i32
        %get3A_316 = arith.index_cast %mul3A_315 : i32 to index
        %get3A_317 = arith.constant 16 : index
        %get3A_318 = tpu.vector_load %arg6[%get3A_316, %get3A_317] {strides = array<i32>} : memref<640x64xf32, #tpu.memory_space<vmem>>, vector<1x16xf32>,
        %get3A_319 = vector.shape_cast %get3A_318 : vector<1x16xf32> to vector<16xf32>
        %mul3A_320 = arith.constant 20 : i32
        %mul3A_321 = arith.muli %add3A_134, %mul3A_320 : i32
        %add3A_322 = arith.constant 1 : i32
        %add3A_323 = arith.addi %mul3A_321, %add3A_322 : i32
        %get3A_324 = arith.index_cast %add3A_323 : i32 to index
        %get3A_325 = arith.constant 16 : index
        %get3A_326 = tpu.vector_load %arg6[%get3A_324, %get3A_325] {strides = array<i32>} : memref<640x64xf32, #tpu.memory_space<vmem>>, vector<1x16xf32>,
        %get3A_327 = vector.shape_cast %get3A_326 : vector<1x16xf32> to vector<16xf32>
        %max3A_328 = arith.maximumf %get3A_319, %get3A_327 : vector<16xf32>
        %mul3A_329 = arith.constant 20 : i32
        %mul3A_330 = arith.muli %add3A_134, %mul3A_329 : i32
        %add3A_331 = arith.constant 2 : i32
        %add3A_332 = arith.addi %mul3A_330, %add3A_331 : i32
        %get3A_333 = arith.index_cast %add3A_332 : i32 to index
        %get3A_334 = arith.constant 16 : index
        %get3A_335 = tpu.vector_load %arg6[%get3A_333, %get3A_334] {strides = array<i32>} : memref<640x64xf32, #tpu.memory_space<vmem>>, vector<1x16xf32>,
        %get3A_336 = vector.shape_cast %get3A_335 : vector<1x16xf32> to vector<16xf32>
        %max3A_337 = arith.maximumf %max3A_328, %get3A_336 : vector<16xf32>
        %mul3A_338 = arith.constant 20 : i32
        %mul3A_339 = arith.muli %add3A_134, %mul3A_338 : i32
        %add3A_340 = arith.constant 3 : i32
        %add3A_341 = arith.addi %mul3A_339, %add3A_340 : i32
        %get3A_342 = arith.index_cast %add3A_341 : i32 to index
        %get3A_343 = arith.constant 16 : index
        %get3A_344 = tpu.vector_load %arg6[%get3A_342, %get3A_343] {strides = array<i32>} : memref<640x64xf32, #tpu.memory_space<vmem>>, vector<1x16xf32>,
        %get3A_345 = vector.shape_cast %get3A_344 : vector<1x16xf32> to vector<16xf32>
        %max3A_346 = arith.maximumf %max3A_337, %get3A_345 : vector<16xf32>
        %mul3A_347 = arith.constant 20 : i32
        %mul3A_348 = arith.muli %add3A_134, %mul3A_347 : i32
        %add3A_349 = arith.constant 4 : i32
        %add3A_350 = arith.addi %mul3A_348, %add3A_349 : i32
        %get3A_351 = arith.index_cast %add3A_350 : i32 to index
        %get3A_352 = arith.constant 16 : index
        %get3A_353 = tpu.vector_load %arg6[%get3A_351, %get3A_352] {strides = array<i32>} : memref<640x64xf32, #tpu.memory_space<vmem>>, vector<1x16xf32>,
        %get3A_354 = vector.shape_cast %get3A_353 : vector<1x16xf32> to vector<16xf32>
        %max3A_355 = arith.maximumf %max3A_346, %get3A_354 : vector<16xf32>
        %mul3A_356 = arith.constant 20 : i32
        %mul3A_357 = arith.muli %add3A_134, %mul3A_356 : i32
        %add3A_358 = arith.constant 5 : i32
        %add3A_359 = arith.addi %mul3A_357, %add3A_358 : i32
        %get3A_360 = arith.index_cast %add3A_359 : i32 to index
        %get3A_361 = arith.constant 16 : index
        %get3A_362 = tpu.vector_load %arg6[%get3A_360, %get3A_361] {strides = array<i32>} : memref<640x64xf32, #tpu.memory_space<vmem>>, vector<1x16xf32>,
        %get3A_363 = vector.shape_cast %get3A_362 : vector<1x16xf32> to vector<16xf32>
        %max3A_364 = arith.maximumf %max3A_355, %get3A_363 : vector<16xf32>
        %mul3A_365 = arith.constant 20 : i32
        %mul3A_366 = arith.muli %add3A_134, %mul3A_365 : i32
        %add3A_367 = arith.constant 6 : i32
        %add3A_368 = arith.addi %mul3A_366, %add3A_367 : i32
        %get3A_369 = arith.index_cast %add3A_368 : i32 to index
        %get3A_370 = arith.constant 16 : index
        %get3A_371 = tpu.vector_load %arg6[%get3A_369, %get3A_370] {strides = array<i32>} : memref<640x64xf32, #tpu.memory_space<vmem>>, vector<1x16xf32>,
        %get3A_372 = vector.shape_cast %get3A_371 : vector<1x16xf32> to vector<16xf32>
        %max3A_373 = arith.maximumf %max3A_364, %get3A_372 : vector<16xf32>
        %mul3A_374 = arith.constant 20 : i32
        %mul3A_375 = arith.muli %add3A_134, %mul3A_374 : i32
        %add3A_376 = arith.constant 7 : i32
        %add3A_377 = arith.addi %mul3A_375, %add3A_376 : i32
        %get3A_378 = arith.index_cast %add3A_377 : i32 to index
        %get3A_379 = arith.constant 16 : index
        %get3A_380 = tpu.vector_load %arg6[%get3A_378, %get3A_379] {strides = array<i32>} : memref<640x64xf32, #tpu.memory_space<vmem>>, vector<1x16xf32>,
        %get3A_381 = vector.shape_cast %get3A_380 : vector<1x16xf32> to vector<16xf32>
        %max3A_382 = arith.maximumf %max3A_373, %get3A_381 : vector<16xf32>
        %mul3A_383 = arith.constant 20 : i32
        %mul3A_384 = arith.muli %add3A_134, %mul3A_383 : i32
        %add3A_385 = arith.constant 8 : i32
        %add3A_386 = arith.addi %mul3A_384, %add3A_385 : i32
        %get3A_387 = arith.index_cast %add3A_386 : i32 to index
        %get3A_388 = arith.constant 16 : index
        %get3A_389 = tpu.vector_load %arg6[%get3A_387, %get3A_388] {strides = array<i32>} : memref<640x64xf32, #tpu.memory_space<vmem>>, vector<1x16xf32>,
        %get3A_390 = vector.shape_cast %get3A_389 : vector<1x16xf32> to vector<16xf32>
        %max3A_391 = arith.maximumf %max3A_382, %get3A_390 : vector<16xf32>
        %mul3A_392 = arith.constant 20 : i32
        %mul3A_393 = arith.muli %add3A_134, %mul3A_392 : i32
        %add3A_394 = arith.constant 9 : i32
        %add3A_395 = arith.addi %mul3A_393, %add3A_394 : i32
        %get3A_396 = arith.index_cast %add3A_395 : i32 to index
        %get3A_397 = arith.constant 16 : index
        %get3A_398 = tpu.vector_load %arg6[%get3A_396, %get3A_397] {strides = array<i32>} : memref<640x64xf32, #tpu.memory_space<vmem>>, vector<1x16xf32>,
        %get3A_399 = vector.shape_cast %get3A_398 : vector<1x16xf32> to vector<16xf32>
        %max3A_400 = arith.maximumf %max3A_391, %get3A_399 : vector<16xf32>
        %mul3A_401 = arith.constant 20 : i32
        %mul3A_402 = arith.muli %add3A_134, %mul3A_401 : i32
        %add3A_403 = arith.constant 10 : i32
        %add3A_404 = arith.addi %mul3A_402, %add3A_403 : i32
        %get3A_405 = arith.index_cast %add3A_404 : i32 to index
        %get3A_406 = arith.constant 16 : index
        %get3A_407 = tpu.vector_load %arg6[%get3A_405, %get3A_406] {strides = array<i32>} : memref<640x64xf32, #tpu.memory_space<vmem>>, vector<1x16xf32>,
        %get3A_408 = vector.shape_cast %get3A_407 : vector<1x16xf32> to vector<16xf32>
        %max3A_409 = arith.maximumf %max3A_400, %get3A_408 : vector<16xf32>
        %mul3A_410 = arith.constant 20 : i32
        %mul3A_411 = arith.muli %add3A_134, %mul3A_410 : i32
        %add3A_412 = arith.constant 11 : i32
        %add3A_413 = arith.addi %mul3A_411, %add3A_412 : i32
        %get3A_414 = arith.index_cast %add3A_413 : i32 to index
        %get3A_415 = arith.constant 16 : index
        %get3A_416 = tpu.vector_load %arg6[%get3A_414, %get3A_415] {strides = array<i32>} : memref<640x64xf32, #tpu.memory_space<vmem>>, vector<1x16xf32>,
        %get3A_417 = vector.shape_cast %get3A_416 : vector<1x16xf32> to vector<16xf32>
        %max3A_418 = arith.maximumf %max3A_409, %get3A_417 : vector<16xf32>
        %mul3A_419 = arith.constant 20 : i32
        %mul3A_420 = arith.muli %add3A_134, %mul3A_419 : i32
        %add3A_421 = arith.constant 12 : i32
        %add3A_422 = arith.addi %mul3A_420, %add3A_421 : i32
        %get3A_423 = arith.index_cast %add3A_422 : i32 to index
        %get3A_424 = arith.constant 16 : index
        %get3A_425 = tpu.vector_load %arg6[%get3A_423, %get3A_424] {strides = array<i32>} : memref<640x64xf32, #tpu.memory_space<vmem>>, vector<1x16xf32>,
        %get3A_426 = vector.shape_cast %get3A_425 : vector<1x16xf32> to vector<16xf32>
        %max3A_427 = arith.maximumf %max3A_418, %get3A_426 : vector<16xf32>
        %mul3A_428 = arith.constant 20 : i32
        %mul3A_429 = arith.muli %add3A_134, %mul3A_428 : i32
        %add3A_430 = arith.constant 13 : i32
        %add3A_431 = arith.addi %mul3A_429, %add3A_430 : i32
        %get3A_432 = arith.index_cast %add3A_431 : i32 to index
        %get3A_433 = arith.constant 16 : index
        %get3A_434 = tpu.vector_load %arg6[%get3A_432, %get3A_433] {strides = array<i32>} : memref<640x64xf32, #tpu.memory_space<vmem>>, vector<1x16xf32>,
        %get3A_435 = vector.shape_cast %get3A_434 : vector<1x16xf32> to vector<16xf32>
        %max3A_436 = arith.maximumf %max3A_427, %get3A_435 : vector<16xf32>
        %mul3A_437 = arith.constant 20 : i32
        %mul3A_438 = arith.muli %add3A_134, %mul3A_437 : i32
        %add3A_439 = arith.constant 14 : i32
        %add3A_440 = arith.addi %mul3A_438, %add3A_439 : i32
        %get3A_441 = arith.index_cast %add3A_440 : i32 to index
        %get3A_442 = arith.constant 16 : index
        %get3A_443 = tpu.vector_load %arg6[%get3A_441, %get3A_442] {strides = array<i32>} : memref<640x64xf32, #tpu.memory_space<vmem>>, vector<1x16xf32>,
        %get3A_444 = vector.shape_cast %get3A_443 : vector<1x16xf32> to vector<16xf32>
        %max3A_445 = arith.maximumf %max3A_436, %get3A_444 : vector<16xf32>
        %mul3A_446 = arith.constant 20 : i32
        %mul3A_447 = arith.muli %add3A_134, %mul3A_446 : i32
        %add3A_448 = arith.constant 15 : i32
        %add3A_449 = arith.addi %mul3A_447, %add3A_448 : i32
        %get3A_450 = arith.index_cast %add3A_449 : i32 to index
        %get3A_451 = arith.constant 16 : index
        %get3A_452 = tpu.vector_load %arg6[%get3A_450, %get3A_451] {strides = array<i32>} : memref<640x64xf32, #tpu.memory_space<vmem>>, vector<1x16xf32>,
        %get3A_453 = vector.shape_cast %get3A_452 : vector<1x16xf32> to vector<16xf32>
        %max3A_454 = arith.maximumf %max3A_445, %get3A_453 : vector<16xf32>
        %mul3A_455 = arith.constant 20 : i32
        %mul3A_456 = arith.muli %add3A_134, %mul3A_455 : i32
        %add3A_457 = arith.constant 16 : i32
        %add3A_458 = arith.addi %mul3A_456, %add3A_457 : i32
        %get3A_459 = arith.index_cast %add3A_458 : i32 to index
        %get3A_460 = arith.constant 16 : index
        %get3A_461 = tpu.vector_load %arg6[%get3A_459, %get3A_460] {strides = array<i32>} : memref<640x64xf32, #tpu.memory_space<vmem>>, vector<1x16xf32>,
        %get3A_462 = vector.shape_cast %get3A_461 : vector<1x16xf32> to vector<16xf32>
        %max3A_463 = arith.maximumf %max3A_454, %get3A_462 : vector<16xf32>
        %mul3A_464 = arith.constant 20 : i32
        %mul3A_465 = arith.muli %add3A_134, %mul3A_464 : i32
        %add3A_466 = arith.constant 17 : i32
        %add3A_467 = arith.addi %mul3A_465, %add3A_466 : i32
        %get3A_468 = arith.index_cast %add3A_467 : i32 to index
        %get3A_469 = arith.constant 16 : index
        %get3A_470 = tpu.vector_load %arg6[%get3A_468, %get3A_469] {strides = array<i32>} : memref<640x64xf32, #tpu.memory_space<vmem>>, vector<1x16xf32>,
        %get3A_471 = vector.shape_cast %get3A_470 : vector<1x16xf32> to vector<16xf32>
        %max3A_472 = arith.maximumf %max3A_463, %get3A_471 : vector<16xf32>
        %mul3A_473 = arith.constant 20 : i32
        %mul3A_474 = arith.muli %add3A_134, %mul3A_473 : i32
        %add3A_475 = arith.constant 18 : i32
        %add3A_476 = arith.addi %mul3A_474, %add3A_475 : i32
        %get3A_477 = arith.index_cast %add3A_476 : i32 to index
        %get3A_478 = arith.constant 16 : index
        %get3A_479 = tpu.vector_load %arg6[%get3A_477, %get3A_478] {strides = array<i32>} : memref<640x64xf32, #tpu.memory_space<vmem>>, vector<1x16xf32>,
        %get3A_480 = vector.shape_cast %get3A_479 : vector<1x16xf32> to vector<16xf32>
        %max3A_481 = arith.maximumf %max3A_472, %get3A_480 : vector<16xf32>
        %mul3A_482 = arith.constant 20 : i32
        %mul3A_483 = arith.muli %add3A_134, %mul3A_482 : i32
        %add3A_484 = arith.constant 19 : i32
        %add3A_485 = arith.addi %mul3A_483, %add3A_484 : i32
        %get3A_486 = arith.index_cast %add3A_485 : i32 to index
        %get3A_487 = arith.constant 16 : index
        %get3A_488 = tpu.vector_load %arg6[%get3A_486, %get3A_487] {strides = array<i32>} : memref<640x64xf32, #tpu.memory_space<vmem>>, vector<1x16xf32>,
        %get3A_489 = vector.shape_cast %get3A_488 : vector<1x16xf32> to vector<16xf32>
        %max3A_490 = arith.maximumf %max3A_481, %get3A_489 : vector<16xf32>
        %swap3A_491 = arith.index_cast %add3A_134 : i32 to index
        %swap3A_492 = arith.constant 16 : index
        %swap3A_493 = tpu.vector_load %arg7[%swap3A_491, %swap3A_492] {strides = array<i32>} : memref<32x64xf32, #tpu.memory_space<vmem>>, vector<1x16xf32>,
        %swap3A_494 = vector.shape_cast %swap3A_493 : vector<1x16xf32> to vector<16xf32>
        %swap3A_495 = vector.shape_cast %max3A_490 : vector<16xf32> to vector<1x16xf32>
        tpu.vector_store %arg7[%swap3A_491, %swap3A_492], %swap3A_495 {strides = array<i32>} : memref<32x64xf32, #tpu.memory_space<vmem>>, vector<1x16xf32>,
        %mul3A_496 = arith.constant 20 : i32
        %mul3A_497 = arith.muli %add3A_134, %mul3A_496 : i32
        %get3A_498 = arith.index_cast %mul3A_497 : i32 to index
        %get3A_499 = arith.constant 32 : index
        %get3A_500 = tpu.vector_load %arg6[%get3A_498, %get3A_499] {strides = array<i32>} : memref<640x64xf32, #tpu.memory_space<vmem>>, vector<1x16xf32>,
        %get3A_501 = vector.shape_cast %get3A_500 : vector<1x16xf32> to vector<16xf32>
        %mul3A_502 = arith.constant 20 : i32
        %mul3A_503 = arith.muli %add3A_134, %mul3A_502 : i32
        %add3A_504 = arith.constant 1 : i32
        %add3A_505 = arith.addi %mul3A_503, %add3A_504 : i32
        %get3A_506 = arith.index_cast %add3A_505 : i32 to index
        %get3A_507 = arith.constant 32 : index
        %get3A_508 = tpu.vector_load %arg6[%get3A_506, %get3A_507] {strides = array<i32>} : memref<640x64xf32, #tpu.memory_space<vmem>>, vector<1x16xf32>,
        %get3A_509 = vector.shape_cast %get3A_508 : vector<1x16xf32> to vector<16xf32>
        %max3A_510 = arith.maximumf %get3A_501, %get3A_509 : vector<16xf32>
        %mul3A_511 = arith.constant 20 : i32
        %mul3A_512 = arith.muli %add3A_134, %mul3A_511 : i32
        %add3A_513 = arith.constant 2 : i32
        %add3A_514 = arith.addi %mul3A_512, %add3A_513 : i32
        %get3A_515 = arith.index_cast %add3A_514 : i32 to index
        %get3A_516 = arith.constant 32 : index
        %get3A_517 = tpu.vector_load %arg6[%get3A_515, %get3A_516] {strides = array<i32>} : memref<640x64xf32, #tpu.memory_space<vmem>>, vector<1x16xf32>,
        %get3A_518 = vector.shape_cast %get3A_517 : vector<1x16xf32> to vector<16xf32>
        %max3A_519 = arith.maximumf %max3A_510, %get3A_518 : vector<16xf32>
        %mul3A_520 = arith.constant 20 : i32
        %mul3A_521 = arith.muli %add3A_134, %mul3A_520 : i32
        %add3A_522 = arith.constant 3 : i32
        %add3A_523 = arith.addi %mul3A_521, %add3A_522 : i32
        %get3A_524 = arith.index_cast %add3A_523 : i32 to index
        %get3A_525 = arith.constant 32 : index
        %get3A_526 = tpu.vector_load %arg6[%get3A_524, %get3A_525] {strides = array<i32>} : memref<640x64xf32, #tpu.memory_space<vmem>>, vector<1x16xf32>,
        %get3A_527 = vector.shape_cast %get3A_526 : vector<1x16xf32> to vector<16xf32>
        %max3A_528 = arith.maximumf %max3A_519, %get3A_527 : vector<16xf32>
        %mul3A_529 = arith.constant 20 : i32
        %mul3A_530 = arith.muli %add3A_134, %mul3A_529 : i32
        %add3A_531 = arith.constant 4 : i32
        %add3A_532 = arith.addi %mul3A_530, %add3A_531 : i32
        %get3A_533 = arith.index_cast %add3A_532 : i32 to index
        %get3A_534 = arith.constant 32 : index
        %get3A_535 = tpu.vector_load %arg6[%get3A_533, %get3A_534] {strides = array<i32>} : memref<640x64xf32, #tpu.memory_space<vmem>>, vector<1x16xf32>,
        %get3A_536 = vector.shape_cast %get3A_535 : vector<1x16xf32> to vector<16xf32>
        %max3A_537 = arith.maximumf %max3A_528, %get3A_536 : vector<16xf32>
        %mul3A_538 = arith.constant 20 : i32
        %mul3A_539 = arith.muli %add3A_134, %mul3A_538 : i32
        %add3A_540 = arith.constant 5 : i32
        %add3A_541 = arith.addi %mul3A_539, %add3A_540 : i32
        %get3A_542 = arith.index_cast %add3A_541 : i32 to index
        %get3A_543 = arith.constant 32 : index
        %get3A_544 = tpu.vector_load %arg6[%get3A_542, %get3A_543] {strides = array<i32>} : memref<640x64xf32, #tpu.memory_space<vmem>>, vector<1x16xf32>,
        %get3A_545 = vector.shape_cast %get3A_544 : vector<1x16xf32> to vector<16xf32>
        %max3A_546 = arith.maximumf %max3A_537, %get3A_545 : vector<16xf32>
        %mul3A_547 = arith.constant 20 : i32
        %mul3A_548 = arith.muli %add3A_134, %mul3A_547 : i32
        %add3A_549 = arith.constant 6 : i32
        %add3A_550 = arith.addi %mul3A_548, %add3A_549 : i32
        %get3A_551 = arith.index_cast %add3A_550 : i32 to index
        %get3A_552 = arith.constant 32 : index
        %get3A_553 = tpu.vector_load %arg6[%get3A_551, %get3A_552] {strides = array<i32>} : memref<640x64xf32, #tpu.memory_space<vmem>>, vector<1x16xf32>,
        %get3A_554 = vector.shape_cast %get3A_553 : vector<1x16xf32> to vector<16xf32>
        %max3A_555 = arith.maximumf %max3A_546, %get3A_554 : vector<16xf32>
        %mul3A_556 = arith.constant 20 : i32
        %mul3A_557 = arith.muli %add3A_134, %mul3A_556 : i32
        %add3A_558 = arith.constant 7 : i32
        %add3A_559 = arith.addi %mul3A_557, %add3A_558 : i32
        %get3A_560 = arith.index_cast %add3A_559 : i32 to index
        %get3A_561 = arith.constant 32 : index
        %get3A_562 = tpu.vector_load %arg6[%get3A_560, %get3A_561] {strides = array<i32>} : memref<640x64xf32, #tpu.memory_space<vmem>>, vector<1x16xf32>,
        %get3A_563 = vector.shape_cast %get3A_562 : vector<1x16xf32> to vector<16xf32>
        %max3A_564 = arith.maximumf %max3A_555, %get3A_563 : vector<16xf32>
        %mul3A_565 = arith.constant 20 : i32
        %mul3A_566 = arith.muli %add3A_134, %mul3A_565 : i32
        %add3A_567 = arith.constant 8 : i32
        %add3A_568 = arith.addi %mul3A_566, %add3A_567 : i32
        %get3A_569 = arith.index_cast %add3A_568 : i32 to index
        %get3A_570 = arith.constant 32 : index
        %get3A_571 = tpu.vector_load %arg6[%get3A_569, %get3A_570] {strides = array<i32>} : memref<640x64xf32, #tpu.memory_space<vmem>>, vector<1x16xf32>,
        %get3A_572 = vector.shape_cast %get3A_571 : vector<1x16xf32> to vector<16xf32>
        %max3A_573 = arith.maximumf %max3A_564, %get3A_572 : vector<16xf32>
        %mul3A_574 = arith.constant 20 : i32
        %mul3A_575 = arith.muli %add3A_134, %mul3A_574 : i32
        %add3A_576 = arith.constant 9 : i32
        %add3A_577 = arith.addi %mul3A_575, %add3A_576 : i32
        %get3A_578 = arith.index_cast %add3A_577 : i32 to index
        %get3A_579 = arith.constant 32 : index
        %get3A_580 = tpu.vector_load %arg6[%get3A_578, %get3A_579] {strides = array<i32>} : memref<640x64xf32, #tpu.memory_space<vmem>>, vector<1x16xf32>,
        %get3A_581 = vector.shape_cast %get3A_580 : vector<1x16xf32> to vector<16xf32>
        %max3A_582 = arith.maximumf %max3A_573, %get3A_581 : vector<16xf32>
        %mul3A_583 = arith.constant 20 : i32
        %mul3A_584 = arith.muli %add3A_134, %mul3A_583 : i32
        %add3A_585 = arith.constant 10 : i32
        %add3A_586 = arith.addi %mul3A_584, %add3A_585 : i32
        %get3A_587 = arith.index_cast %add3A_586 : i32 to index
        %get3A_588 = arith.constant 32 : index
        %get3A_589 = tpu.vector_load %arg6[%get3A_587, %get3A_588] {strides = array<i32>} : memref<640x64xf32, #tpu.memory_space<vmem>>, vector<1x16xf32>,
        %get3A_590 = vector.shape_cast %get3A_589 : vector<1x16xf32> to vector<16xf32>
        %max3A_591 = arith.maximumf %max3A_582, %get3A_590 : vector<16xf32>
        %mul3A_592 = arith.constant 20 : i32
        %mul3A_593 = arith.muli %add3A_134, %mul3A_592 : i32
        %add3A_594 = arith.constant 11 : i32
        %add3A_595 = arith.addi %mul3A_593, %add3A_594 : i32
        %get3A_596 = arith.index_cast %add3A_595 : i32 to index
        %get3A_597 = arith.constant 32 : index
        %get3A_598 = tpu.vector_load %arg6[%get3A_596, %get3A_597] {strides = array<i32>} : memref<640x64xf32, #tpu.memory_space<vmem>>, vector<1x16xf32>,
        %get3A_599 = vector.shape_cast %get3A_598 : vector<1x16xf32> to vector<16xf32>
        %max3A_600 = arith.maximumf %max3A_591, %get3A_599 : vector<16xf32>
        %mul3A_601 = arith.constant 20 : i32
        %mul3A_602 = arith.muli %add3A_134, %mul3A_601 : i32
        %add3A_603 = arith.constant 12 : i32
        %add3A_604 = arith.addi %mul3A_602, %add3A_603 : i32
        %get3A_605 = arith.index_cast %add3A_604 : i32 to index
        %get3A_606 = arith.constant 32 : index
        %get3A_607 = tpu.vector_load %arg6[%get3A_605, %get3A_606] {strides = array<i32>} : memref<640x64xf32, #tpu.memory_space<vmem>>, vector<1x16xf32>,
        %get3A_608 = vector.shape_cast %get3A_607 : vector<1x16xf32> to vector<16xf32>
        %max3A_609 = arith.maximumf %max3A_600, %get3A_608 : vector<16xf32>
        %mul3A_610 = arith.constant 20 : i32
        %mul3A_611 = arith.muli %add3A_134, %mul3A_610 : i32
        %add3A_612 = arith.constant 13 : i32
        %add3A_613 = arith.addi %mul3A_611, %add3A_612 : i32
        %get3A_614 = arith.index_cast %add3A_613 : i32 to index
        %get3A_615 = arith.constant 32 : index
        %get3A_616 = tpu.vector_load %arg6[%get3A_614, %get3A_615] {strides = array<i32>} : memref<640x64xf32, #tpu.memory_space<vmem>>, vector<1x16xf32>,
        %get3A_617 = vector.shape_cast %get3A_616 : vector<1x16xf32> to vector<16xf32>
        %max3A_618 = arith.maximumf %max3A_609, %get3A_617 : vector<16xf32>
        %mul3A_619 = arith.constant 20 : i32
        %mul3A_620 = arith.muli %add3A_134, %mul3A_619 : i32
        %add3A_621 = arith.constant 14 : i32
        %add3A_622 = arith.addi %mul3A_620, %add3A_621 : i32
        %get3A_623 = arith.index_cast %add3A_622 : i32 to index
        %get3A_624 = arith.constant 32 : index
        %get3A_625 = tpu.vector_load %arg6[%get3A_623, %get3A_624] {strides = array<i32>} : memref<640x64xf32, #tpu.memory_space<vmem>>, vector<1x16xf32>,
        %get3A_626 = vector.shape_cast %get3A_625 : vector<1x16xf32> to vector<16xf32>
        %max3A_627 = arith.maximumf %max3A_618, %get3A_626 : vector<16xf32>
        %mul3A_628 = arith.constant 20 : i32
        %mul3A_629 = arith.muli %add3A_134, %mul3A_628 : i32
        %add3A_630 = arith.constant 15 : i32
        %add3A_631 = arith.addi %mul3A_629, %add3A_630 : i32
        %get3A_632 = arith.index_cast %add3A_631 : i32 to index
        %get3A_633 = arith.constant 32 : index
        %get3A_634 = tpu.vector_load %arg6[%get3A_632, %get3A_633] {strides = array<i32>} : memref<640x64xf32, #tpu.memory_space<vmem>>, vector<1x16xf32>,
        %get3A_635 = vector.shape_cast %get3A_634 : vector<1x16xf32> to vector<16xf32>
        %max3A_636 = arith.maximumf %max3A_627, %get3A_635 : vector<16xf32>
        %mul3A_637 = arith.constant 20 : i32
        %mul3A_638 = arith.muli %add3A_134, %mul3A_637 : i32
        %add3A_639 = arith.constant 16 : i32
        %add3A_640 = arith.addi %mul3A_638, %add3A_639 : i32
        %get3A_641 = arith.index_cast %add3A_640 : i32 to index
        %get3A_642 = arith.constant 32 : index
        %get3A_643 = tpu.vector_load %arg6[%get3A_641, %get3A_642] {strides = array<i32>} : memref<640x64xf32, #tpu.memory_space<vmem>>, vector<1x16xf32>,
        %get3A_644 = vector.shape_cast %get3A_643 : vector<1x16xf32> to vector<16xf32>
        %max3A_645 = arith.maximumf %max3A_636, %get3A_644 : vector<16xf32>
        %mul3A_646 = arith.constant 20 : i32
        %mul3A_647 = arith.muli %add3A_134, %mul3A_646 : i32
        %add3A_648 = arith.constant 17 : i32
        %add3A_649 = arith.addi %mul3A_647, %add3A_648 : i32
        %get3A_650 = arith.index_cast %add3A_649 : i32 to index
        %get3A_651 = arith.constant 32 : index
        %get3A_652 = tpu.vector_load %arg6[%get3A_650, %get3A_651] {strides = array<i32>} : memref<640x64xf32, #tpu.memory_space<vmem>>, vector<1x16xf32>,
        %get3A_653 = vector.shape_cast %get3A_652 : vector<1x16xf32> to vector<16xf32>
        %max3A_654 = arith.maximumf %max3A_645, %get3A_653 : vector<16xf32>
        %mul3A_655 = arith.constant 20 : i32
        %mul3A_656 = arith.muli %add3A_134, %mul3A_655 : i32
        %add3A_657 = arith.constant 18 : i32
        %add3A_658 = arith.addi %mul3A_656, %add3A_657 : i32
        %get3A_659 = arith.index_cast %add3A_658 : i32 to index
        %get3A_660 = arith.constant 32 : index
        %get3A_661 = tpu.vector_load %arg6[%get3A_659, %get3A_660] {strides = array<i32>} : memref<640x64xf32, #tpu.memory_space<vmem>>, vector<1x16xf32>,
        %get3A_662 = vector.shape_cast %get3A_661 : vector<1x16xf32> to vector<16xf32>
        %max3A_663 = arith.maximumf %max3A_654, %get3A_662 : vector<16xf32>
        %mul3A_664 = arith.constant 20 : i32
        %mul3A_665 = arith.muli %add3A_134, %mul3A_664 : i32
        %add3A_666 = arith.constant 19 : i32
        %add3A_667 = arith.addi %mul3A_665, %add3A_666 : i32
        %get3A_668 = arith.index_cast %add3A_667 : i32 to index
        %get3A_669 = arith.constant 32 : index
        %get3A_670 = tpu.vector_load %arg6[%get3A_668, %get3A_669] {strides = array<i32>} : memref<640x64xf32, #tpu.memory_space<vmem>>, vector<1x16xf32>,
        %get3A_671 = vector.shape_cast %get3A_670 : vector<1x16xf32> to vector<16xf32>
        %max3A_672 = arith.maximumf %max3A_663, %get3A_671 : vector<16xf32>
        %swap3A_673 = arith.index_cast %add3A_134 : i32 to index
        %swap3A_674 = arith.constant 32 : index
        %swap3A_675 = tpu.vector_load %arg7[%swap3A_673, %swap3A_674] {strides = array<i32>} : memref<32x64xf32, #tpu.memory_space<vmem>>, vector<1x16xf32>,
        %swap3A_676 = vector.shape_cast %swap3A_675 : vector<1x16xf32> to vector<16xf32>
        %swap3A_677 = vector.shape_cast %max3A_672 : vector<16xf32> to vector<1x16xf32>
        tpu.vector_store %arg7[%swap3A_673, %swap3A_674], %swap3A_677 {strides = array<i32>} : memref<32x64xf32, #tpu.memory_space<vmem>>, vector<1x16xf32>,
        %mul3A_678 = arith.constant 20 : i32
        %mul3A_679 = arith.muli %add3A_134, %mul3A_678 : i32
        %get3A_680 = arith.index_cast %mul3A_679 : i32 to index
        %get3A_681 = arith.constant 48 : index
        %get3A_682 = tpu.vector_load %arg6[%get3A_680, %get3A_681] {strides = array<i32>} : memref<640x64xf32, #tpu.memory_space<vmem>>, vector<1x16xf32>,
        %get3A_683 = vector.shape_cast %get3A_682 : vector<1x16xf32> to vector<16xf32>
        %mul3A_684 = arith.constant 20 : i32
        %mul3A_685 = arith.muli %add3A_134, %mul3A_684 : i32
        %add3A_686 = arith.constant 1 : i32
        %add3A_687 = arith.addi %mul3A_685, %add3A_686 : i32
        %get3A_688 = arith.index_cast %add3A_687 : i32 to index
        %get3A_689 = arith.constant 48 : index
        %get3A_690 = tpu.vector_load %arg6[%get3A_688, %get3A_689] {strides = array<i32>} : memref<640x64xf32, #tpu.memory_space<vmem>>, vector<1x16xf32>,
        %get3A_691 = vector.shape_cast %get3A_690 : vector<1x16xf32> to vector<16xf32>
        %max3A_692 = arith.maximumf %get3A_683, %get3A_691 : vector<16xf32>
        %mul3A_693 = arith.constant 20 : i32
        %mul3A_694 = arith.muli %add3A_134, %mul3A_693 : i32
        %add3A_695 = arith.constant 2 : i32
        %add3A_696 = arith.addi %mul3A_694, %add3A_695 : i32
        %get3A_697 = arith.index_cast %add3A_696 : i32 to index
        %get3A_698 = arith.constant 48 : index
        %get3A_699 = tpu.vector_load %arg6[%get3A_697, %get3A_698] {strides = array<i32>} : memref<640x64xf32, #tpu.memory_space<vmem>>, vector<1x16xf32>,
        %get3A_700 = vector.shape_cast %get3A_699 : vector<1x16xf32> to vector<16xf32>
        %max3A_701 = arith.maximumf %max3A_692, %get3A_700 : vector<16xf32>
        %mul3A_702 = arith.constant 20 : i32
        %mul3A_703 = arith.muli %add3A_134, %mul3A_702 : i32
        %add3A_704 = arith.constant 3 : i32
        %add3A_705 = arith.addi %mul3A_703, %add3A_704 : i32
        %get3A_706 = arith.index_cast %add3A_705 : i32 to index
        %get3A_707 = arith.constant 48 : index
        %get3A_708 = tpu.vector_load %arg6[%get3A_706, %get3A_707] {strides = array<i32>} : memref<640x64xf32, #tpu.memory_space<vmem>>, vector<1x16xf32>,
        %get3A_709 = vector.shape_cast %get3A_708 : vector<1x16xf32> to vector<16xf32>
        %max3A_710 = arith.maximumf %max3A_701, %get3A_709 : vector<16xf32>
        %mul3A_711 = arith.constant 20 : i32
        %mul3A_712 = arith.muli %add3A_134, %mul3A_711 : i32
        %add3A_713 = arith.constant 4 : i32
        %add3A_714 = arith.addi %mul3A_712, %add3A_713 : i32
        %get3A_715 = arith.index_cast %add3A_714 : i32 to index
        %get3A_716 = arith.constant 48 : index
        %get3A_717 = tpu.vector_load %arg6[%get3A_715, %get3A_716] {strides = array<i32>} : memref<640x64xf32, #tpu.memory_space<vmem>>, vector<1x16xf32>,
        %get3A_718 = vector.shape_cast %get3A_717 : vector<1x16xf32> to vector<16xf32>
        %max3A_719 = arith.maximumf %max3A_710, %get3A_718 : vector<16xf32>
        %mul3A_720 = arith.constant 20 : i32
        %mul3A_721 = arith.muli %add3A_134, %mul3A_720 : i32
        %add3A_722 = arith.constant 5 : i32
        %add3A_723 = arith.addi %mul3A_721, %add3A_722 : i32
        %get3A_724 = arith.index_cast %add3A_723 : i32 to index
        %get3A_725 = arith.constant 48 : index
        %get3A_726 = tpu.vector_load %arg6[%get3A_724, %get3A_725] {strides = array<i32>} : memref<640x64xf32, #tpu.memory_space<vmem>>, vector<1x16xf32>,
        %get3A_727 = vector.shape_cast %get3A_726 : vector<1x16xf32> to vector<16xf32>
        %max3A_728 = arith.maximumf %max3A_719, %get3A_727 : vector<16xf32>
        %mul3A_729 = arith.constant 20 : i32
        %mul3A_730 = arith.muli %add3A_134, %mul3A_729 : i32
        %add3A_731 = arith.constant 6 : i32
        %add3A_732 = arith.addi %mul3A_730, %add3A_731 : i32
        %get3A_733 = arith.index_cast %add3A_732 : i32 to index
        %get3A_734 = arith.constant 48 : index
        %get3A_735 = tpu.vector_load %arg6[%get3A_733, %get3A_734] {strides = array<i32>} : memref<640x64xf32, #tpu.memory_space<vmem>>, vector<1x16xf32>,
        %get3A_736 = vector.shape_cast %get3A_735 : vector<1x16xf32> to vector<16xf32>
        %max3A_737 = arith.maximumf %max3A_728, %get3A_736 : vector<16xf32>
        %mul3A_738 = arith.constant 20 : i32
        %mul3A_739 = arith.muli %add3A_134, %mul3A_738 : i32
        %add3A_740 = arith.constant 7 : i32
        %add3A_741 = arith.addi %mul3A_739, %add3A_740 : i32
        %get3A_742 = arith.index_cast %add3A_741 : i32 to index
        %get3A_743 = arith.constant 48 : index
        %get3A_744 = tpu.vector_load %arg6[%get3A_742, %get3A_743] {strides = array<i32>} : memref<640x64xf32, #tpu.memory_space<vmem>>, vector<1x16xf32>,
        %get3A_745 = vector.shape_cast %get3A_744 : vector<1x16xf32> to vector<16xf32>
        %max3A_746 = arith.maximumf %max3A_737, %get3A_745 : vector<16xf32>
        %mul3A_747 = arith.constant 20 : i32
        %mul3A_748 = arith.muli %add3A_134, %mul3A_747 : i32
        %add3A_749 = arith.constant 8 : i32
        %add3A_750 = arith.addi %mul3A_748, %add3A_749 : i32
        %get3A_751 = arith.index_cast %add3A_750 : i32 to index
        %get3A_752 = arith.constant 48 : index
        %get3A_753 = tpu.vector_load %arg6[%get3A_751, %get3A_752] {strides = array<i32>} : memref<640x64xf32, #tpu.memory_space<vmem>>, vector<1x16xf32>,
        %get3A_754 = vector.shape_cast %get3A_753 : vector<1x16xf32> to vector<16xf32>
        %max3A_755 = arith.maximumf %max3A_746, %get3A_754 : vector<16xf32>
        %mul3A_756 = arith.constant 20 : i32
        %mul3A_757 = arith.muli %add3A_134, %mul3A_756 : i32
        %add3A_758 = arith.constant 9 : i32
        %add3A_759 = arith.addi %mul3A_757, %add3A_758 : i32
        %get3A_760 = arith.index_cast %add3A_759 : i32 to index
        %get3A_761 = arith.constant 48 : index
        %get3A_762 = tpu.vector_load %arg6[%get3A_760, %get3A_761] {strides = array<i32>} : memref<640x64xf32, #tpu.memory_space<vmem>>, vector<1x16xf32>,
        %get3A_763 = vector.shape_cast %get3A_762 : vector<1x16xf32> to vector<16xf32>
        %max3A_764 = arith.maximumf %max3A_755, %get3A_763 : vector<16xf32>
        %mul3A_765 = arith.constant 20 : i32
        %mul3A_766 = arith.muli %add3A_134, %mul3A_765 : i32
        %add3A_767 = arith.constant 10 : i32
        %add3A_768 = arith.addi %mul3A_766, %add3A_767 : i32
        %get3A_769 = arith.index_cast %add3A_768 : i32 to index
        %get3A_770 = arith.constant 48 : index
        %get3A_771 = tpu.vector_load %arg6[%get3A_769, %get3A_770] {strides = array<i32>} : memref<640x64xf32, #tpu.memory_space<vmem>>, vector<1x16xf32>,
        %get3A_772 = vector.shape_cast %get3A_771 : vector<1x16xf32> to vector<16xf32>
        %max3A_773 = arith.maximumf %max3A_764, %get3A_772 : vector<16xf32>
        %mul3A_774 = arith.constant 20 : i32
        %mul3A_775 = arith.muli %add3A_134, %mul3A_774 : i32
        %add3A_776 = arith.constant 11 : i32
        %add3A_777 = arith.addi %mul3A_775, %add3A_776 : i32
        %get3A_778 = arith.index_cast %add3A_777 : i32 to index
        %get3A_779 = arith.constant 48 : index
        %get3A_780 = tpu.vector_load %arg6[%get3A_778, %get3A_779] {strides = array<i32>} : memref<640x64xf32, #tpu.memory_space<vmem>>, vector<1x16xf32>,
        %get3A_781 = vector.shape_cast %get3A_780 : vector<1x16xf32> to vector<16xf32>
        %max3A_782 = arith.maximumf %max3A_773, %get3A_781 : vector<16xf32>
        %mul3A_783 = arith.constant 20 : i32
        %mul3A_784 = arith.muli %add3A_134, %mul3A_783 : i32
        %add3A_785 = arith.constant 12 : i32
        %add3A_786 = arith.addi %mul3A_784, %add3A_785 : i32
        %get3A_787 = arith.index_cast %add3A_786 : i32 to index
        %get3A_788 = arith.constant 48 : index
        %get3A_789 = tpu.vector_load %arg6[%get3A_787, %get3A_788] {strides = array<i32>} : memref<640x64xf32, #tpu.memory_space<vmem>>, vector<1x16xf32>,
        %get3A_790 = vector.shape_cast %get3A_789 : vector<1x16xf32> to vector<16xf32>
        %max3A_791 = arith.maximumf %max3A_782, %get3A_790 : vector<16xf32>
        %mul3A_792 = arith.constant 20 : i32
        %mul3A_793 = arith.muli %add3A_134, %mul3A_792 : i32
        %add3A_794 = arith.constant 13 : i32
        %add3A_795 = arith.addi %mul3A_793, %add3A_794 : i32
        %get3A_796 = arith.index_cast %add3A_795 : i32 to index
        %get3A_797 = arith.constant 48 : index
        %get3A_798 = tpu.vector_load %arg6[%get3A_796, %get3A_797] {strides = array<i32>} : memref<640x64xf32, #tpu.memory_space<vmem>>, vector<1x16xf32>,
        %get3A_799 = vector.shape_cast %get3A_798 : vector<1x16xf32> to vector<16xf32>
        %max3A_800 = arith.maximumf %max3A_791, %get3A_799 : vector<16xf32>
        %mul3A_801 = arith.constant 20 : i32
        %mul3A_802 = arith.muli %add3A_134, %mul3A_801 : i32
        %add3A_803 = arith.constant 14 : i32
        %add3A_804 = arith.addi %mul3A_802, %add3A_803 : i32
        %get3A_805 = arith.index_cast %add3A_804 : i32 to index
        %get3A_806 = arith.constant 48 : index
        %get3A_807 = tpu.vector_load %arg6[%get3A_805, %get3A_806] {strides = array<i32>} : memref<640x64xf32, #tpu.memory_space<vmem>>, vector<1x16xf32>,
        %get3A_808 = vector.shape_cast %get3A_807 : vector<1x16xf32> to vector<16xf32>
        %max3A_809 = arith.maximumf %max3A_800, %get3A_808 : vector<16xf32>
        %mul3A_810 = arith.constant 20 : i32
        %mul3A_811 = arith.muli %add3A_134, %mul3A_810 : i32
        %add3A_812 = arith.constant 15 : i32
        %add3A_813 = arith.addi %mul3A_811, %add3A_812 : i32
        %get3A_814 = arith.index_cast %add3A_813 : i32 to index
        %get3A_815 = arith.constant 48 : index
        %get3A_816 = tpu.vector_load %arg6[%get3A_814, %get3A_815] {strides = array<i32>} : memref<640x64xf32, #tpu.memory_space<vmem>>, vector<1x16xf32>,
        %get3A_817 = vector.shape_cast %get3A_816 : vector<1x16xf32> to vector<16xf32>
        %max3A_818 = arith.maximumf %max3A_809, %get3A_817 : vector<16xf32>
        %mul3A_819 = arith.constant 20 : i32
        %mul3A_820 = arith.muli %add3A_134, %mul3A_819 : i32
        %add3A_821 = arith.constant 16 : i32
        %add3A_822 = arith.addi %mul3A_820, %add3A_821 : i32
        %get3A_823 = arith.index_cast %add3A_822 : i32 to index
        %get3A_824 = arith.constant 48 : index
        %get3A_825 = tpu.vector_load %arg6[%get3A_823, %get3A_824] {strides = array<i32>} : memref<640x64xf32, #tpu.memory_space<vmem>>, vector<1x16xf32>,
        %get3A_826 = vector.shape_cast %get3A_825 : vector<1x16xf32> to vector<16xf32>
        %max3A_827 = arith.maximumf %max3A_818, %get3A_826 : vector<16xf32>
        %mul3A_828 = arith.constant 20 : i32
        %mul3A_829 = arith.muli %add3A_134, %mul3A_828 : i32
        %add3A_830 = arith.constant 17 : i32
        %add3A_831 = arith.addi %mul3A_829, %add3A_830 : i32
        %get3A_832 = arith.index_cast %add3A_831 : i32 to index
        %get3A_833 = arith.constant 48 : index
        %get3A_834 = tpu.vector_load %arg6[%get3A_832, %get3A_833] {strides = array<i32>} : memref<640x64xf32, #tpu.memory_space<vmem>>, vector<1x16xf32>,
        %get3A_835 = vector.shape_cast %get3A_834 : vector<1x16xf32> to vector<16xf32>
        %max3A_836 = arith.maximumf %max3A_827, %get3A_835 : vector<16xf32>
        %mul3A_837 = arith.constant 20 : i32
        %mul3A_838 = arith.muli %add3A_134, %mul3A_837 : i32
        %add3A_839 = arith.constant 18 : i32
        %add3A_840 = arith.addi %mul3A_838, %add3A_839 : i32
        %get3A_841 = arith.index_cast %add3A_840 : i32 to index
        %get3A_842 = arith.constant 48 : index
        %get3A_843 = tpu.vector_load %arg6[%get3A_841, %get3A_842] {strides = array<i32>} : memref<640x64xf32, #tpu.memory_space<vmem>>, vector<1x16xf32>,
        %get3A_844 = vector.shape_cast %get3A_843 : vector<1x16xf32> to vector<16xf32>
        %max3A_845 = arith.maximumf %max3A_836, %get3A_844 : vector<16xf32>
        %mul3A_846 = arith.constant 20 : i32
        %mul3A_847 = arith.muli %add3A_134, %mul3A_846 : i32
        %add3A_848 = arith.constant 19 : i32
        %add3A_849 = arith.addi %mul3A_847, %add3A_848 : i32
        %get3A_850 = arith.index_cast %add3A_849 : i32 to index
        %get3A_851 = arith.constant 48 : index
        %get3A_852 = tpu.vector_load %arg6[%get3A_850, %get3A_851] {strides = array<i32>} : memref<640x64xf32, #tpu.memory_space<vmem>>, vector<1x16xf32>,
        %get3A_853 = vector.shape_cast %get3A_852 : vector<1x16xf32> to vector<16xf32>
        %max3A_854 = arith.maximumf %max3A_845, %get3A_853 : vector<16xf32>
        %swap3A_855 = arith.index_cast %add3A_134 : i32 to index
        %swap3A_856 = arith.constant 48 : index
        %swap3A_857 = tpu.vector_load %arg7[%swap3A_855, %swap3A_856] {strides = array<i32>} : memref<32x64xf32, #tpu.memory_space<vmem>>, vector<1x16xf32>,
        %swap3A_858 = vector.shape_cast %swap3A_857 : vector<1x16xf32> to vector<16xf32>
        %swap3A_859 = vector.shape_cast %max3A_854 : vector<16xf32> to vector<1x16xf32>
        tpu.vector_store %arg7[%swap3A_855, %swap3A_856], %swap3A_859 {strides = array<i32>} : memref<32x64xf32, #tpu.memory_space<vmem>>, vector<1x16xf32>,
      }
      %scan3A_129 = arith.constant 32 : i32
      "tpu.region"() ({
        %run_scoped3A = tpu.sem_alloc : memref<!tpu.dma_semaphore, #tpu.memory_space<semaphore_mem>>
        %dma_start3A_130 = arith.constant 0 : i32
        %dma_start3A_131 = tpu.memref_slice %arg4[%add3A_16, %dma_start3A_130] : memref<16384x64xf32, #tpu.memory_space<hbm>> -> memref<32x64xf32, #tpu.memory_space<hbm>>
        %dma_start3A_132 = arith.constant 0 : i32
        %dma_start3A_133 = tpu.memref_slice %arg4[%add3A_16, %dma_start3A_132] : memref<16384x64xf32, #tpu.memory_space<hbm>> -> memref<32x64xf32, #tpu.memory_space<hbm>>
        tpu.enqueue_dma source(%arg7 : memref<32x64xf32, #tpu.memory_space<vmem>>) target(%dma_start3A_133 : memref<32x64xf32, #tpu.memory_space<hbm>>) target_semaphore(%run_scoped3A : memref<!tpu.dma_semaphore, #tpu.memory_space<semaphore_mem>>)
        %dma_wait3A_134 = arith.constant 0 : i32
        %dma_wait3A_135 = tpu.memref_slice %arg4[%add3A_16, %dma_wait3A_134] : memref<16384x64xf32, #tpu.memory_space<hbm>> -> memref<32x64xf32, #tpu.memory_space<hbm>>
        %dma_wait3A_136 = arith.constant 0 : i32
        %dma_wait3A_137 = tpu.memref_slice %arg4[%add3A_16, %dma_wait3A_136] : memref<16384x64xf32, #tpu.memory_space<hbm>> -> memref<32x64xf32, #tpu.memory_space<hbm>>
        tpu.wait_dma2 semaphore(%run_scoped3A : memref<!tpu.dma_semaphore, #tpu.memory_space<semaphore_mem>>) src(%arg7 : memref<32x64xf32, #tpu.memory_space<vmem>>) dst(%dma_wait3A_137 : memref<32x64xf32, #tpu.memory_space<hbm>>)
        tpu.yield
      }) : () -> ()
    }
    %scan3A_8 = arith.constant 16 : i32
    return
  }
}

#map = affine_map<(d0, d1) -> (0, 0)>
module attributes {stable_mosaic.version = 14 : i64} {
  func.func @kern(%arg0: i32, %arg1: i32, %arg2: memref<16384x64xf32, #tpu.memory_space<hbm>>, %arg3: memref<2560x128xi32, #tpu.memory_space<hbm>>, %arg4: memref<16384x64xf32, #tpu.memory_space<hbm>>, %arg5: memref<80x128xi32, #tpu.memory_space<vmem>>, %arg6: memref<640x64xf32, #tpu.memory_space<vmem>>, %arg7: memref<32x64xf32, #tpu.memory_space<vmem>>, %arg8: memref<!tpu.dma_semaphore, #tpu.memory_space<semaphore_mem>>) attributes {dimension_semantics = [#tpu.dimension_semantics<core_parallel>, #tpu.dimension_semantics<subcore_parallel>], iteration_bounds = array<i64: 2, 16>, scalar_prefetch = 0 : i64, scratch_operands = 4 : i64, tpu.core_type = #tpu.core_type<sc_vector_subcore>, window_params = [{transform_indices = #map}, {transform_indices = #map}, {transform_indices = #map}]} {
    %mul3A = arith.constant 2 : i32
    %mul3A_0 = arith.muli %arg1, %mul3A : i32
    %add3A = arith.addi %mul3A_0, %arg0 : i32
    %mul3A_1 = arith.constant 512 : i32
    %mul3A_2 = arith.muli %add3A, %mul3A_1 : i32
    %mul3A_3 = arith.constant 80 : i32
    %mul3A_4 = arith.muli %add3A, %mul3A_3 : i32
    "tpu.region"() ({
      %run_scoped3A = tpu.sem_alloc : memref<!tpu.dma_semaphore, #tpu.memory_space<semaphore_mem>>
      %dma_start3A = arith.constant 0 : i32
      %dma_start3A_9 = tpu.memref_slice %arg3[%mul3A_4, %dma_start3A] : memref<2560x128xi32, #tpu.memory_space<hbm>> -> memref<80x128xi32, #tpu.memory_space<hbm>>
      %dma_start3A_10 = arith.constant 0 : i32
      %dma_start3A_11 = tpu.memref_slice %arg3[%mul3A_4, %dma_start3A_10] : memref<2560x128xi32, #tpu.memory_space<hbm>> -> memref<80x128xi32, #tpu.memory_space<hbm>>
      tpu.enqueue_dma source(%dma_start3A_11 : memref<80x128xi32, #tpu.memory_space<hbm>>) target(%arg5 : memref<80x128xi32, #tpu.memory_space<vmem>>) target_semaphore(%run_scoped3A : memref<!tpu.dma_semaphore, #tpu.memory_space<semaphore_mem>>)
      %dma_wait3A = arith.constant 0 : i32
      %dma_wait3A_12 = tpu.memref_slice %arg3[%mul3A_4, %dma_wait3A] : memref<2560x128xi32, #tpu.memory_space<hbm>> -> memref<80x128xi32, #tpu.memory_space<hbm>>
      %dma_wait3A_13 = arith.constant 0 : i32
      %dma_wait3A_14 = tpu.memref_slice %arg3[%mul3A_4, %dma_wait3A_13] : memref<2560x128xi32, #tpu.memory_space<hbm>> -> memref<80x128xi32, #tpu.memory_space<hbm>>
      tpu.wait_dma2 semaphore(%run_scoped3A : memref<!tpu.dma_semaphore, #tpu.memory_space<semaphore_mem>>) src(%dma_wait3A_14 : memref<80x128xi32, #tpu.memory_space<hbm>>) dst(%arg5 : memref<80x128xi32, #tpu.memory_space<vmem>>)
      tpu.yield
    }) : () -> ()
    %scan3A = arith.constant 0 : i32
    %scan3A_5 = arith.constant 16 : i32
    %scan3A_6 = arith.addi %scan3A, %scan3A_5 : i32
    %scan3A_7 = arith.constant 1 : i32
    scf.for %scan3A_9 = %scan3A to %scan3A_6 step %scan3A_7  : i32 {
      %mul3A_10 = arith.constant 1 : i32
      %mul3A_11 = arith.muli %scan3A_9, %mul3A_10 : i32
      %add3A_12 = arith.constant 0 : i32
      %add3A_13 = arith.addi %add3A_12, %mul3A_11 : i32
      %mul3A_14 = arith.constant 32 : i32
      %mul3A_15 = arith.muli %add3A_13, %mul3A_14 : i32
      %add3A_16 = arith.addi %mul3A_2, %mul3A_15 : i32
      %mul3A_17 = arith.constant 5 : i32
      %mul3A_18 = arith.muli %add3A_13, %mul3A_17 : i32
      %add3A_19 = arith.constant 0 : i32
      %add3A_20 = arith.addi %mul3A_18, %add3A_19 : i32
      %dma_start3A = arith.constant 0 : i32
      %dma_start3A_21 = arith.constant 0 : i32
      %dma_start3A_22 = tpu.memref_slice %arg6[%dma_start3A, %dma_start3A_21] : memref<640x64xf32, #tpu.memory_space<vmem>> -> memref<128x64xf32, #tpu.memory_space<vmem>>
      %dma_start3A_23 = arith.constant 0 : i32
      %dma_start3A_24 = tpu.memref_slice %arg5[%add3A_20, %dma_start3A_23] : memref<80x128xi32, #tpu.memory_space<vmem>> -> memref<1x128xi32, #tpu.memory_space<vmem>>
      %dma_start3A_25 = tpu.memref_squeeze %dma_start3A_24 : memref<1x128xi32, #tpu.memory_space<vmem>> -> memref<128xi32, #tpu.memory_space<vmem>>
      %dma_start3A_26 = arith.constant 0 : i32
      %dma_start3A_27 = arith.constant 0 : i32
      %dma_start3A_28 = tpu.memref_slice %arg2[%dma_start3A_26, %dma_start3A_27] : memref<16384x64xf32, #tpu.memory_space<hbm>> -> memref<16384x64xf32, #tpu.memory_space<hbm>>
      tpu.enqueue_indirect_dma source(%dma_start3A_28 : memref<16384x64xf32, #tpu.memory_space<hbm>>) target(%dma_start3A_22 : memref<128x64xf32, #tpu.memory_space<vmem>>) offsets(%dma_start3A_25 : memref<128xi32, #tpu.memory_space<vmem>>) semaphore(%arg8 : memref<!tpu.dma_semaphore, #tpu.memory_space<semaphore_mem>>)
      %mul3A_29 = arith.constant 5 : i32
      %mul3A_30 = arith.muli %add3A_13, %mul3A_29 : i32
      %add3A_31 = arith.constant 1 : i32
      %add3A_32 = arith.addi %mul3A_30, %add3A_31 : i32
      %dma_start3A_33 = arith.constant 128 : i32
      %dma_start3A_34 = arith.constant 0 : i32
      %dma_start3A_35 = tpu.memref_slice %arg6[%dma_start3A_33, %dma_start3A_34] : memref<640x64xf32, #tpu.memory_space<vmem>> -> memref<128x64xf32, #tpu.memory_space<vmem>>
      %dma_start3A_36 = arith.constant 0 : i32
      %dma_start3A_37 = tpu.memref_slice %arg5[%add3A_32, %dma_start3A_36] : memref<80x128xi32, #tpu.memory_space<vmem>> -> memref<1x128xi32, #tpu.memory_space<vmem>>
      %dma_start3A_38 = tpu.memref_squeeze %dma_start3A_37 : memref<1x128xi32, #tpu.memory_space<vmem>> -> memref<128xi32, #tpu.memory_space<vmem>>
      %dma_start3A_39 = arith.constant 0 : i32
      %dma_start3A_40 = arith.constant 0 : i32
      %dma_start3A_41 = tpu.memref_slice %arg2[%dma_start3A_39, %dma_start3A_40] : memref<16384x64xf32, #tpu.memory_space<hbm>> -> memref<16384x64xf32, #tpu.memory_space<hbm>>
      tpu.enqueue_indirect_dma source(%dma_start3A_41 : memref<16384x64xf32, #tpu.memory_space<hbm>>) target(%dma_start3A_35 : memref<128x64xf32, #tpu.memory_space<vmem>>) offsets(%dma_start3A_38 : memref<128xi32, #tpu.memory_space<vmem>>) semaphore(%arg8 : memref<!tpu.dma_semaphore, #tpu.memory_space<semaphore_mem>>)
      %mul3A_42 = arith.constant 5 : i32
      %mul3A_43 = arith.muli %add3A_13, %mul3A_42 : i32
      %add3A_44 = arith.constant 2 : i32
      %add3A_45 = arith.addi %mul3A_43, %add3A_44 : i32
      %dma_start3A_46 = arith.constant 256 : i32
      %dma_start3A_47 = arith.constant 0 : i32
      %dma_start3A_48 = tpu.memref_slice %arg6[%dma_start3A_46, %dma_start3A_47] : memref<640x64xf32, #tpu.memory_space<vmem>> -> memref<128x64xf32, #tpu.memory_space<vmem>>
      %dma_start3A_49 = arith.constant 0 : i32
      %dma_start3A_50 = tpu.memref_slice %arg5[%add3A_45, %dma_start3A_49] : memref<80x128xi32, #tpu.memory_space<vmem>> -> memref<1x128xi32, #tpu.memory_space<vmem>>
      %dma_start3A_51 = tpu.memref_squeeze %dma_start3A_50 : memref<1x128xi32, #tpu.memory_space<vmem>> -> memref<128xi32, #tpu.memory_space<vmem>>
      %dma_start3A_52 = arith.constant 0 : i32
      %dma_start3A_53 = arith.constant 0 : i32
      %dma_start3A_54 = tpu.memref_slice %arg2[%dma_start3A_52, %dma_start3A_53] : memref<16384x64xf32, #tpu.memory_space<hbm>> -> memref<16384x64xf32, #tpu.memory_space<hbm>>
      tpu.enqueue_indirect_dma source(%dma_start3A_54 : memref<16384x64xf32, #tpu.memory_space<hbm>>) target(%dma_start3A_48 : memref<128x64xf32, #tpu.memory_space<vmem>>) offsets(%dma_start3A_51 : memref<128xi32, #tpu.memory_space<vmem>>) semaphore(%arg8 : memref<!tpu.dma_semaphore, #tpu.memory_space<semaphore_mem>>)
      %mul3A_55 = arith.constant 5 : i32
      %mul3A_56 = arith.muli %add3A_13, %mul3A_55 : i32
      %add3A_57 = arith.constant 3 : i32
      %add3A_58 = arith.addi %mul3A_56, %add3A_57 : i32
      %dma_start3A_59 = arith.constant 384 : i32
      %dma_start3A_60 = arith.constant 0 : i32
      %dma_start3A_61 = tpu.memref_slice %arg6[%dma_start3A_59, %dma_start3A_60] : memref<640x64xf32, #tpu.memory_space<vmem>> -> memref<128x64xf32, #tpu.memory_space<vmem>>
      %dma_start3A_62 = arith.constant 0 : i32
      %dma_start3A_63 = tpu.memref_slice %arg5[%add3A_58, %dma_start3A_62] : memref<80x128xi32, #tpu.memory_space<vmem>> -> memref<1x128xi32, #tpu.memory_space<vmem>>
      %dma_start3A_64 = tpu.memref_squeeze %dma_start3A_63 : memref<1x128xi32, #tpu.memory_space<vmem>> -> memref<128xi32, #tpu.memory_space<vmem>>
      %dma_start3A_65 = arith.constant 0 : i32
      %dma_start3A_66 = arith.constant 0 : i32
      %dma_start3A_67 = tpu.memref_slice %arg2[%dma_start3A_65, %dma_start3A_66] : memref<16384x64xf32, #tpu.memory_space<hbm>> -> memref<16384x64xf32, #tpu.memory_space<hbm>>
      tpu.enqueue_indirect_dma source(%dma_start3A_67 : memref<16384x64xf32, #tpu.memory_space<hbm>>) target(%dma_start3A_61 : memref<128x64xf32, #tpu.memory_space<vmem>>) offsets(%dma_start3A_64 : memref<128xi32, #tpu.memory_space<vmem>>) semaphore(%arg8 : memref<!tpu.dma_semaphore, #tpu.memory_space<semaphore_mem>>)
      %mul3A_68 = arith.constant 5 : i32
      %mul3A_69 = arith.muli %add3A_13, %mul3A_68 : i32
      %add3A_70 = arith.constant 4 : i32
      %add3A_71 = arith.addi %mul3A_69, %add3A_70 : i32
      %dma_start3A_72 = arith.constant 512 : i32
      %dma_start3A_73 = arith.constant 0 : i32
      %dma_start3A_74 = tpu.memref_slice %arg6[%dma_start3A_72, %dma_start3A_73] : memref<640x64xf32, #tpu.memory_space<vmem>> -> memref<128x64xf32, #tpu.memory_space<vmem>>
      %dma_start3A_75 = arith.constant 0 : i32
      %dma_start3A_76 = tpu.memref_slice %arg5[%add3A_71, %dma_start3A_75] : memref<80x128xi32, #tpu.memory_space<vmem>> -> memref<1x128xi32, #tpu.memory_space<vmem>>
      %dma_start3A_77 = tpu.memref_squeeze %dma_start3A_76 : memref<1x128xi32, #tpu.memory_space<vmem>> -> memref<128xi32, #tpu.memory_space<vmem>>
      %dma_start3A_78 = arith.constant 0 : i32
      %dma_start3A_79 = arith.constant 0 : i32
      %dma_start3A_80 = tpu.memref_slice %arg2[%dma_start3A_78, %dma_start3A_79] : memref<16384x64xf32, #tpu.memory_space<hbm>> -> memref<16384x64xf32, #tpu.memory_space<hbm>>
      tpu.enqueue_indirect_dma source(%dma_start3A_80 : memref<16384x64xf32, #tpu.memory_space<hbm>>) target(%dma_start3A_74 : memref<128x64xf32, #tpu.memory_space<vmem>>) offsets(%dma_start3A_77 : memref<128xi32, #tpu.memory_space<vmem>>) semaphore(%arg8 : memref<!tpu.dma_semaphore, #tpu.memory_space<semaphore_mem>>)
      %dma_wait3A = arith.constant 0 : i32
      %dma_wait3A_81 = arith.constant 0 : i32
      %dma_wait3A_82 = tpu.memref_slice %arg6[%dma_wait3A, %dma_wait3A_81] : memref<640x64xf32, #tpu.memory_space<vmem>> -> memref<128x64xf32, #tpu.memory_space<vmem>>
      %dma_wait3A_83 = arith.constant 0 : i32
      %dma_wait3A_84 = tpu.memref_slice %arg5[%add3A_20, %dma_wait3A_83] : memref<80x128xi32, #tpu.memory_space<vmem>> -> memref<1x128xi32, #tpu.memory_space<vmem>>
      %dma_wait3A_85 = tpu.memref_squeeze %dma_wait3A_84 : memref<1x128xi32, #tpu.memory_space<vmem>> -> memref<128xi32, #tpu.memory_space<vmem>>
      %dma_wait3A_86 = arith.constant 0 : i32
      %dma_wait3A_87 = arith.constant 0 : i32
      %dma_wait3A_88 = tpu.memref_slice %arg2[%dma_wait3A_86, %dma_wait3A_87] : memref<16384x64xf32, #tpu.memory_space<hbm>> -> memref<16384x64xf32, #tpu.memory_space<hbm>>
      tpu.wait_indirect_dma semaphore(%arg8 : memref<!tpu.dma_semaphore, #tpu.memory_space<semaphore_mem>>) src(%dma_wait3A_88 : memref<16384x64xf32, #tpu.memory_space<hbm>>) dst(%dma_wait3A_82 : memref<128x64xf32, #tpu.memory_space<vmem>>)
      %dma_wait3A_89 = arith.constant 128 : i32
      %dma_wait3A_90 = arith.constant 0 : i32
      %dma_wait3A_91 = tpu.memref_slice %arg6[%dma_wait3A_89, %dma_wait3A_90] : memref<640x64xf32, #tpu.memory_space<vmem>> -> memref<128x64xf32, #tpu.memory_space<vmem>>
      %dma_wait3A_92 = arith.constant 0 : i32
      %dma_wait3A_93 = tpu.memref_slice %arg5[%add3A_32, %dma_wait3A_92] : memref<80x128xi32, #tpu.memory_space<vmem>> -> memref<1x128xi32, #tpu.memory_space<vmem>>
      %dma_wait3A_94 = tpu.memref_squeeze %dma_wait3A_93 : memref<1x128xi32, #tpu.memory_space<vmem>> -> memref<128xi32, #tpu.memory_space<vmem>>
      %dma_wait3A_95 = arith.constant 0 : i32
      %dma_wait3A_96 = arith.constant 0 : i32
      %dma_wait3A_97 = tpu.memref_slice %arg2[%dma_wait3A_95, %dma_wait3A_96] : memref<16384x64xf32, #tpu.memory_space<hbm>> -> memref<16384x64xf32, #tpu.memory_space<hbm>>
      tpu.wait_indirect_dma semaphore(%arg8 : memref<!tpu.dma_semaphore, #tpu.memory_space<semaphore_mem>>) src(%dma_wait3A_97 : memref<16384x64xf32, #tpu.memory_space<hbm>>) dst(%dma_wait3A_91 : memref<128x64xf32, #tpu.memory_space<vmem>>)
      %dma_wait3A_98 = arith.constant 256 : i32
      %dma_wait3A_99 = arith.constant 0 : i32
      %dma_wait3A_100 = tpu.memref_slice %arg6[%dma_wait3A_98, %dma_wait3A_99] : memref<640x64xf32, #tpu.memory_space<vmem>> -> memref<128x64xf32, #tpu.memory_space<vmem>>
      %dma_wait3A_101 = arith.constant 0 : i32
      %dma_wait3A_102 = tpu.memref_slice %arg5[%add3A_45, %dma_wait3A_101] : memref<80x128xi32, #tpu.memory_space<vmem>> -> memref<1x128xi32, #tpu.memory_space<vmem>>
      %dma_wait3A_103 = tpu.memref_squeeze %dma_wait3A_102 : memref<1x128xi32, #tpu.memory_space<vmem>> -> memref<128xi32, #tpu.memory_space<vmem>>
      %dma_wait3A_104 = arith.constant 0 : i32
      %dma_wait3A_105 = arith.constant 0 : i32
      %dma_wait3A_106 = tpu.memref_slice %arg2[%dma_wait3A_104, %dma_wait3A_105] : memref<16384x64xf32, #tpu.memory_space<hbm>> -> memref<16384x64xf32, #tpu.memory_space<hbm>>
      tpu.wait_indirect_dma semaphore(%arg8 : memref<!tpu.dma_semaphore, #tpu.memory_space<semaphore_mem>>) src(%dma_wait3A_106 : memref<16384x64xf32, #tpu.memory_space<hbm>>) dst(%dma_wait3A_100 : memref<128x64xf32, #tpu.memory_space<vmem>>)
      %dma_wait3A_107 = arith.constant 384 : i32
      %dma_wait3A_108 = arith.constant 0 : i32
      %dma_wait3A_109 = tpu.memref_slice %arg6[%dma_wait3A_107, %dma_wait3A_108] : memref<640x64xf32, #tpu.memory_space<vmem>> -> memref<128x64xf32, #tpu.memory_space<vmem>>
      %dma_wait3A_110 = arith.constant 0 : i32
      %dma_wait3A_111 = tpu.memref_slice %arg5[%add3A_58, %dma_wait3A_110] : memref<80x128xi32, #tpu.memory_space<vmem>> -> memref<1x128xi32, #tpu.memory_space<vmem>>
      %dma_wait3A_112 = tpu.memref_squeeze %dma_wait3A_111 : memref<1x128xi32, #tpu.memory_space<vmem>> -> memref<128xi32, #tpu.memory_space<vmem>>
      %dma_wait3A_113 = arith.constant 0 : i32
      %dma_wait3A_114 = arith.constant 0 : i32
      %dma_wait3A_115 = tpu.memref_slice %arg2[%dma_wait3A_113, %dma_wait3A_114] : memref<16384x64xf32, #tpu.memory_space<hbm>> -> memref<16384x64xf32, #tpu.memory_space<hbm>>
      tpu.wait_indirect_dma semaphore(%arg8 : memref<!tpu.dma_semaphore, #tpu.memory_space<semaphore_mem>>) src(%dma_wait3A_115 : memref<16384x64xf32, #tpu.memory_space<hbm>>) dst(%dma_wait3A_109 : memref<128x64xf32, #tpu.memory_space<vmem>>)
      %dma_wait3A_116 = arith.constant 512 : i32
      %dma_wait3A_117 = arith.constant 0 : i32
      %dma_wait3A_118 = tpu.memref_slice %arg6[%dma_wait3A_116, %dma_wait3A_117] : memref<640x64xf32, #tpu.memory_space<vmem>> -> memref<128x64xf32, #tpu.memory_space<vmem>>
      %dma_wait3A_119 = arith.constant 0 : i32
      %dma_wait3A_120 = tpu.memref_slice %arg5[%add3A_71, %dma_wait3A_119] : memref<80x128xi32, #tpu.memory_space<vmem>> -> memref<1x128xi32, #tpu.memory_space<vmem>>
      %dma_wait3A_121 = tpu.memref_squeeze %dma_wait3A_120 : memref<1x128xi32, #tpu.memory_space<vmem>> -> memref<128xi32, #tpu.memory_space<vmem>>
      %dma_wait3A_122 = arith.constant 0 : i32
      %dma_wait3A_123 = arith.constant 0 : i32
      %dma_wait3A_124 = tpu.memref_slice %arg2[%dma_wait3A_122, %dma_wait3A_123] : memref<16384x64xf32, #tpu.memory_space<hbm>> -> memref<16384x64xf32, #tpu.memory_space<hbm>>
      tpu.wait_indirect_dma semaphore(%arg8 : memref<!tpu.dma_semaphore, #tpu.memory_space<semaphore_mem>>) src(%dma_wait3A_124 : memref<16384x64xf32, #tpu.memory_space<hbm>>) dst(%dma_wait3A_118 : memref<128x64xf32, #tpu.memory_space<vmem>>)
      %scan3A_125 = arith.constant 0 : i32
      %scan3A_126 = arith.constant 32 : i32
      %scan3A_127 = arith.addi %scan3A_125, %scan3A_126 : i32
      %scan3A_128 = arith.constant 1 : i32
      scf.for %scan3A_130 = %scan3A_125 to %scan3A_127 step %scan3A_128  : i32 {
        %mul3A_131 = arith.constant 1 : i32
        %mul3A_132 = arith.muli %scan3A_130, %mul3A_131 : i32
        %add3A_133 = arith.constant 0 : i32
        %add3A_134 = arith.addi %add3A_133, %mul3A_132 : i32
        %mul3A_135 = arith.constant 20 : i32
        %mul3A_136 = arith.muli %add3A_134, %mul3A_135 : i32
        %get3A = arith.index_cast %mul3A_136 : i32 to index
        %get3A_137 = arith.constant 0 : index
        %get3A_138 = tpu.vector_load %arg6[%get3A, %get3A_137] {strides = array<i32>} : memref<640x64xf32, #tpu.memory_space<vmem>>, vector<1x16xf32>,
        %get3A_139 = vector.shape_cast %get3A_138 : vector<1x16xf32> to vector<16xf32>
        %mul3A_140 = arith.constant 20 : i32
        %mul3A_141 = arith.muli %add3A_134, %mul3A_140 : i32
        %add3A_142 = arith.constant 1 : i32
        %add3A_143 = arith.addi %mul3A_141, %add3A_142 : i32
        %get3A_144 = arith.index_cast %add3A_143 : i32 to index
        %get3A_145 = arith.constant 0 : index
        %get3A_146 = tpu.vector_load %arg6[%get3A_144, %get3A_145] {strides = array<i32>} : memref<640x64xf32, #tpu.memory_space<vmem>>, vector<1x16xf32>,
        %get3A_147 = vector.shape_cast %get3A_146 : vector<1x16xf32> to vector<16xf32>
        %max3A = arith.maximumf %get3A_139, %get3A_147 : vector<16xf32>
        %mul3A_148 = arith.constant 20 : i32
        %mul3A_149 = arith.muli %add3A_134, %mul3A_148 : i32
        %add3A_150 = arith.constant 2 : i32
        %add3A_151 = arith.addi %mul3A_149, %add3A_150 : i32
        %get3A_152 = arith.index_cast %add3A_151 : i32 to index
        %get3A_153 = arith.constant 0 : index
        %get3A_154 = tpu.vector_load %arg6[%get3A_152, %get3A_153] {strides = array<i32>} : memref<640x64xf32, #tpu.memory_space<vmem>>, vector<1x16xf32>,
        %get3A_155 = vector.shape_cast %get3A_154 : vector<1x16xf32> to vector<16xf32>
        %max3A_156 = arith.maximumf %max3A, %get3A_155 : vector<16xf32>
        %mul3A_157 = arith.constant 20 : i32
        %mul3A_158 = arith.muli %add3A_134, %mul3A_157 : i32
        %add3A_159 = arith.constant 3 : i32
        %add3A_160 = arith.addi %mul3A_158, %add3A_159 : i32
        %get3A_161 = arith.index_cast %add3A_160 : i32 to index
        %get3A_162 = arith.constant 0 : index
        %get3A_163 = tpu.vector_load %arg6[%get3A_161, %get3A_162] {strides = array<i32>} : memref<640x64xf32, #tpu.memory_space<vmem>>, vector<1x16xf32>,
        %get3A_164 = vector.shape_cast %get3A_163 : vector<1x16xf32> to vector<16xf32>
        %max3A_165 = arith.maximumf %max3A_156, %get3A_164 : vector<16xf32>
        %mul3A_166 = arith.constant 20 : i32
        %mul3A_167 = arith.muli %add3A_134, %mul3A_166 : i32
        %add3A_168 = arith.constant 4 : i32
        %add3A_169 = arith.addi %mul3A_167, %add3A_168 : i32
        %get3A_170 = arith.index_cast %add3A_169 : i32 to index
        %get3A_171 = arith.constant 0 : index
        %get3A_172 = tpu.vector_load %arg6[%get3A_170, %get3A_171] {strides = array<i32>} : memref<640x64xf32, #tpu.memory_space<vmem>>, vector<1x16xf32>,
        %get3A_173 = vector.shape_cast %get3A_172 : vector<1x16xf32> to vector<16xf32>
        %max3A_174 = arith.maximumf %max3A_165, %get3A_173 : vector<16xf32>
        %mul3A_175 = arith.constant 20 : i32
        %mul3A_176 = arith.muli %add3A_134, %mul3A_175 : i32
        %add3A_177 = arith.constant 5 : i32
        %add3A_178 = arith.addi %mul3A_176, %add3A_177 : i32
        %get3A_179 = arith.index_cast %add3A_178 : i32 to index
        %get3A_180 = arith.constant 0 : index
        %get3A_181 = tpu.vector_load %arg6[%get3A_179, %get3A_180] {strides = array<i32>} : memref<640x64xf32, #tpu.memory_space<vmem>>, vector<1x16xf32>,
        %get3A_182 = vector.shape_cast %get3A_181 : vector<1x16xf32> to vector<16xf32>
        %max3A_183 = arith.maximumf %max3A_174, %get3A_182 : vector<16xf32>
        %mul3A_184 = arith.constant 20 : i32
        %mul3A_185 = arith.muli %add3A_134, %mul3A_184 : i32
        %add3A_186 = arith.constant 6 : i32
        %add3A_187 = arith.addi %mul3A_185, %add3A_186 : i32
        %get3A_188 = arith.index_cast %add3A_187 : i32 to index
        %get3A_189 = arith.constant 0 : index
        %get3A_190 = tpu.vector_load %arg6[%get3A_188, %get3A_189] {strides = array<i32>} : memref<640x64xf32, #tpu.memory_space<vmem>>, vector<1x16xf32>,
        %get3A_191 = vector.shape_cast %get3A_190 : vector<1x16xf32> to vector<16xf32>
        %max3A_192 = arith.maximumf %max3A_183, %get3A_191 : vector<16xf32>
        %mul3A_193 = arith.constant 20 : i32
        %mul3A_194 = arith.muli %add3A_134, %mul3A_193 : i32
        %add3A_195 = arith.constant 7 : i32
        %add3A_196 = arith.addi %mul3A_194, %add3A_195 : i32
        %get3A_197 = arith.index_cast %add3A_196 : i32 to index
        %get3A_198 = arith.constant 0 : index
        %get3A_199 = tpu.vector_load %arg6[%get3A_197, %get3A_198] {strides = array<i32>} : memref<640x64xf32, #tpu.memory_space<vmem>>, vector<1x16xf32>,
        %get3A_200 = vector.shape_cast %get3A_199 : vector<1x16xf32> to vector<16xf32>
        %max3A_201 = arith.maximumf %max3A_192, %get3A_200 : vector<16xf32>
        %mul3A_202 = arith.constant 20 : i32
        %mul3A_203 = arith.muli %add3A_134, %mul3A_202 : i32
        %add3A_204 = arith.constant 8 : i32
        %add3A_205 = arith.addi %mul3A_203, %add3A_204 : i32
        %get3A_206 = arith.index_cast %add3A_205 : i32 to index
        %get3A_207 = arith.constant 0 : index
        %get3A_208 = tpu.vector_load %arg6[%get3A_206, %get3A_207] {strides = array<i32>} : memref<640x64xf32, #tpu.memory_space<vmem>>, vector<1x16xf32>,
        %get3A_209 = vector.shape_cast %get3A_208 : vector<1x16xf32> to vector<16xf32>
        %max3A_210 = arith.maximumf %max3A_201, %get3A_209 : vector<16xf32>
        %mul3A_211 = arith.constant 20 : i32
        %mul3A_212 = arith.muli %add3A_134, %mul3A_211 : i32
        %add3A_213 = arith.constant 9 : i32
        %add3A_214 = arith.addi %mul3A_212, %add3A_213 : i32
        %get3A_215 = arith.index_cast %add3A_214 : i32 to index
        %get3A_216 = arith.constant 0 : index
        %get3A_217 = tpu.vector_load %arg6[%get3A_215, %get3A_216] {strides = array<i32>} : memref<640x64xf32, #tpu.memory_space<vmem>>, vector<1x16xf32>,
        %get3A_218 = vector.shape_cast %get3A_217 : vector<1x16xf32> to vector<16xf32>
        %max3A_219 = arith.maximumf %max3A_210, %get3A_218 : vector<16xf32>
        %mul3A_220 = arith.constant 20 : i32
        %mul3A_221 = arith.muli %add3A_134, %mul3A_220 : i32
        %add3A_222 = arith.constant 10 : i32
        %add3A_223 = arith.addi %mul3A_221, %add3A_222 : i32
        %get3A_224 = arith.index_cast %add3A_223 : i32 to index
        %get3A_225 = arith.constant 0 : index
        %get3A_226 = tpu.vector_load %arg6[%get3A_224, %get3A_225] {strides = array<i32>} : memref<640x64xf32, #tpu.memory_space<vmem>>, vector<1x16xf32>,
        %get3A_227 = vector.shape_cast %get3A_226 : vector<1x16xf32> to vector<16xf32>
        %max3A_228 = arith.maximumf %max3A_219, %get3A_227 : vector<16xf32>
        %mul3A_229 = arith.constant 20 : i32
        %mul3A_230 = arith.muli %add3A_134, %mul3A_229 : i32
        %add3A_231 = arith.constant 11 : i32
        %add3A_232 = arith.addi %mul3A_230, %add3A_231 : i32
        %get3A_233 = arith.index_cast %add3A_232 : i32 to index
        %get3A_234 = arith.constant 0 : index
        %get3A_235 = tpu.vector_load %arg6[%get3A_233, %get3A_234] {strides = array<i32>} : memref<640x64xf32, #tpu.memory_space<vmem>>, vector<1x16xf32>,
        %get3A_236 = vector.shape_cast %get3A_235 : vector<1x16xf32> to vector<16xf32>
        %max3A_237 = arith.maximumf %max3A_228, %get3A_236 : vector<16xf32>
        %mul3A_238 = arith.constant 20 : i32
        %mul3A_239 = arith.muli %add3A_134, %mul3A_238 : i32
        %add3A_240 = arith.constant 12 : i32
        %add3A_241 = arith.addi %mul3A_239, %add3A_240 : i32
        %get3A_242 = arith.index_cast %add3A_241 : i32 to index
        %get3A_243 = arith.constant 0 : index
        %get3A_244 = tpu.vector_load %arg6[%get3A_242, %get3A_243] {strides = array<i32>} : memref<640x64xf32, #tpu.memory_space<vmem>>, vector<1x16xf32>,
        %get3A_245 = vector.shape_cast %get3A_244 : vector<1x16xf32> to vector<16xf32>
        %max3A_246 = arith.maximumf %max3A_237, %get3A_245 : vector<16xf32>
        %mul3A_247 = arith.constant 20 : i32
        %mul3A_248 = arith.muli %add3A_134, %mul3A_247 : i32
        %add3A_249 = arith.constant 13 : i32
        %add3A_250 = arith.addi %mul3A_248, %add3A_249 : i32
        %get3A_251 = arith.index_cast %add3A_250 : i32 to index
        %get3A_252 = arith.constant 0 : index
        %get3A_253 = tpu.vector_load %arg6[%get3A_251, %get3A_252] {strides = array<i32>} : memref<640x64xf32, #tpu.memory_space<vmem>>, vector<1x16xf32>,
        %get3A_254 = vector.shape_cast %get3A_253 : vector<1x16xf32> to vector<16xf32>
        %max3A_255 = arith.maximumf %max3A_246, %get3A_254 : vector<16xf32>
        %mul3A_256 = arith.constant 20 : i32
        %mul3A_257 = arith.muli %add3A_134, %mul3A_256 : i32
        %add3A_258 = arith.constant 14 : i32
        %add3A_259 = arith.addi %mul3A_257, %add3A_258 : i32
        %get3A_260 = arith.index_cast %add3A_259 : i32 to index
        %get3A_261 = arith.constant 0 : index
        %get3A_262 = tpu.vector_load %arg6[%get3A_260, %get3A_261] {strides = array<i32>} : memref<640x64xf32, #tpu.memory_space<vmem>>, vector<1x16xf32>,
        %get3A_263 = vector.shape_cast %get3A_262 : vector<1x16xf32> to vector<16xf32>
        %max3A_264 = arith.maximumf %max3A_255, %get3A_263 : vector<16xf32>
        %mul3A_265 = arith.constant 20 : i32
        %mul3A_266 = arith.muli %add3A_134, %mul3A_265 : i32
        %add3A_267 = arith.constant 15 : i32
        %add3A_268 = arith.addi %mul3A_266, %add3A_267 : i32
        %get3A_269 = arith.index_cast %add3A_268 : i32 to index
        %get3A_270 = arith.constant 0 : index
        %get3A_271 = tpu.vector_load %arg6[%get3A_269, %get3A_270] {strides = array<i32>} : memref<640x64xf32, #tpu.memory_space<vmem>>, vector<1x16xf32>,
        %get3A_272 = vector.shape_cast %get3A_271 : vector<1x16xf32> to vector<16xf32>
        %max3A_273 = arith.maximumf %max3A_264, %get3A_272 : vector<16xf32>
        %mul3A_274 = arith.constant 20 : i32
        %mul3A_275 = arith.muli %add3A_134, %mul3A_274 : i32
        %add3A_276 = arith.constant 16 : i32
        %add3A_277 = arith.addi %mul3A_275, %add3A_276 : i32
        %get3A_278 = arith.index_cast %add3A_277 : i32 to index
        %get3A_279 = arith.constant 0 : index
        %get3A_280 = tpu.vector_load %arg6[%get3A_278, %get3A_279] {strides = array<i32>} : memref<640x64xf32, #tpu.memory_space<vmem>>, vector<1x16xf32>,
        %get3A_281 = vector.shape_cast %get3A_280 : vector<1x16xf32> to vector<16xf32>
        %max3A_282 = arith.maximumf %max3A_273, %get3A_281 : vector<16xf32>
        %mul3A_283 = arith.constant 20 : i32
        %mul3A_284 = arith.muli %add3A_134, %mul3A_283 : i32
        %add3A_285 = arith.constant 17 : i32
        %add3A_286 = arith.addi %mul3A_284, %add3A_285 : i32
        %get3A_287 = arith.index_cast %add3A_286 : i32 to index
        %get3A_288 = arith.constant 0 : index
        %get3A_289 = tpu.vector_load %arg6[%get3A_287, %get3A_288] {strides = array<i32>} : memref<640x64xf32, #tpu.memory_space<vmem>>, vector<1x16xf32>,
        %get3A_290 = vector.shape_cast %get3A_289 : vector<1x16xf32> to vector<16xf32>
        %max3A_291 = arith.maximumf %max3A_282, %get3A_290 : vector<16xf32>
        %mul3A_292 = arith.constant 20 : i32
        %mul3A_293 = arith.muli %add3A_134, %mul3A_292 : i32
        %add3A_294 = arith.constant 18 : i32
        %add3A_295 = arith.addi %mul3A_293, %add3A_294 : i32
        %get3A_296 = arith.index_cast %add3A_295 : i32 to index
        %get3A_297 = arith.constant 0 : index
        %get3A_298 = tpu.vector_load %arg6[%get3A_296, %get3A_297] {strides = array<i32>} : memref<640x64xf32, #tpu.memory_space<vmem>>, vector<1x16xf32>,
        %get3A_299 = vector.shape_cast %get3A_298 : vector<1x16xf32> to vector<16xf32>
        %max3A_300 = arith.maximumf %max3A_291, %get3A_299 : vector<16xf32>
        %mul3A_301 = arith.constant 20 : i32
        %mul3A_302 = arith.muli %add3A_134, %mul3A_301 : i32
        %add3A_303 = arith.constant 19 : i32
        %add3A_304 = arith.addi %mul3A_302, %add3A_303 : i32
        %get3A_305 = arith.index_cast %add3A_304 : i32 to index
        %get3A_306 = arith.constant 0 : index
        %get3A_307 = tpu.vector_load %arg6[%get3A_305, %get3A_306] {strides = array<i32>} : memref<640x64xf32, #tpu.memory_space<vmem>>, vector<1x16xf32>,
        %get3A_308 = vector.shape_cast %get3A_307 : vector<1x16xf32> to vector<16xf32>
        %max3A_309 = arith.maximumf %max3A_300, %get3A_308 : vector<16xf32>
        %swap3A = arith.index_cast %add3A_134 : i32 to index
        %swap3A_310 = arith.constant 0 : index
        %swap3A_311 = tpu.vector_load %arg7[%swap3A, %swap3A_310] {strides = array<i32>} : memref<32x64xf32, #tpu.memory_space<vmem>>, vector<1x16xf32>,
        %swap3A_312 = vector.shape_cast %swap3A_311 : vector<1x16xf32> to vector<16xf32>
        %swap3A_313 = vector.shape_cast %max3A_309 : vector<16xf32> to vector<1x16xf32>
        tpu.vector_store %arg7[%swap3A, %swap3A_310], %swap3A_313 {strides = array<i32>} : memref<32x64xf32, #tpu.memory_space<vmem>>, vector<1x16xf32>,
        %mul3A_314 = arith.constant 20 : i32
        %mul3A_315 = arith.muli %add3A_134, %mul3A_314 : i32
        %get3A_316 = arith.index_cast %mul3A_315 : i32 to index
        %get3A_317 = arith.constant 16 : index
        %get3A_318 = tpu.vector_load %arg6[%get3A_316, %get3A_317] {strides = array<i32>} : memref<640x64xf32, #tpu.memory_space<vmem>>, vector<1x16xf32>,
        %get3A_319 = vector.shape_cast %get3A_318 : vector<1x16xf32> to vector<16xf32>
        %mul3A_320 = arith.constant 20 : i32
        %mul3A_321 = arith.muli %add3A_134, %mul3A_320 : i32
        %add3A_322 = arith.constant 1 : i32
        %add3A_323 = arith.addi %mul3A_321, %add3A_322 : i32
        %get3A_324 = arith.index_cast %add3A_323 : i32 to index
        %get3A_325 = arith.constant 16 : index
        %get3A_326 = tpu.vector_load %arg6[%get3A_324, %get3A_325] {strides = array<i32>} : memref<640x64xf32, #tpu.memory_space<vmem>>, vector<1x16xf32>,
        %get3A_327 = vector.shape_cast %get3A_326 : vector<1x16xf32> to vector<16xf32>
        %max3A_328 = arith.maximumf %get3A_319, %get3A_327 : vector<16xf32>
        %mul3A_329 = arith.constant 20 : i32
        %mul3A_330 = arith.muli %add3A_134, %mul3A_329 : i32
        %add3A_331 = arith.constant 2 : i32
        %add3A_332 = arith.addi %mul3A_330, %add3A_331 : i32
        %get3A_333 = arith.index_cast %add3A_332 : i32 to index
        %get3A_334 = arith.constant 16 : index
        %get3A_335 = tpu.vector_load %arg6[%get3A_333, %get3A_334] {strides = array<i32>} : memref<640x64xf32, #tpu.memory_space<vmem>>, vector<1x16xf32>,
        %get3A_336 = vector.shape_cast %get3A_335 : vector<1x16xf32> to vector<16xf32>
        %max3A_337 = arith.maximumf %max3A_328, %get3A_336 : vector<16xf32>
        %mul3A_338 = arith.constant 20 : i32
        %mul3A_339 = arith.muli %add3A_134, %mul3A_338 : i32
        %add3A_340 = arith.constant 3 : i32
        %add3A_341 = arith.addi %mul3A_339, %add3A_340 : i32
        %get3A_342 = arith.index_cast %add3A_341 : i32 to index
        %get3A_343 = arith.constant 16 : index
        %get3A_344 = tpu.vector_load %arg6[%get3A_342, %get3A_343] {strides = array<i32>} : memref<640x64xf32, #tpu.memory_space<vmem>>, vector<1x16xf32>,
        %get3A_345 = vector.shape_cast %get3A_344 : vector<1x16xf32> to vector<16xf32>
        %max3A_346 = arith.maximumf %max3A_337, %get3A_345 : vector<16xf32>
        %mul3A_347 = arith.constant 20 : i32
        %mul3A_348 = arith.muli %add3A_134, %mul3A_347 : i32
        %add3A_349 = arith.constant 4 : i32
        %add3A_350 = arith.addi %mul3A_348, %add3A_349 : i32
        %get3A_351 = arith.index_cast %add3A_350 : i32 to index
        %get3A_352 = arith.constant 16 : index
        %get3A_353 = tpu.vector_load %arg6[%get3A_351, %get3A_352] {strides = array<i32>} : memref<640x64xf32, #tpu.memory_space<vmem>>, vector<1x16xf32>,
        %get3A_354 = vector.shape_cast %get3A_353 : vector<1x16xf32> to vector<16xf32>
        %max3A_355 = arith.maximumf %max3A_346, %get3A_354 : vector<16xf32>
        %mul3A_356 = arith.constant 20 : i32
        %mul3A_357 = arith.muli %add3A_134, %mul3A_356 : i32
        %add3A_358 = arith.constant 5 : i32
        %add3A_359 = arith.addi %mul3A_357, %add3A_358 : i32
        %get3A_360 = arith.index_cast %add3A_359 : i32 to index
        %get3A_361 = arith.constant 16 : index
        %get3A_362 = tpu.vector_load %arg6[%get3A_360, %get3A_361] {strides = array<i32>} : memref<640x64xf32, #tpu.memory_space<vmem>>, vector<1x16xf32>,
        %get3A_363 = vector.shape_cast %get3A_362 : vector<1x16xf32> to vector<16xf32>
        %max3A_364 = arith.maximumf %max3A_355, %get3A_363 : vector<16xf32>
        %mul3A_365 = arith.constant 20 : i32
        %mul3A_366 = arith.muli %add3A_134, %mul3A_365 : i32
        %add3A_367 = arith.constant 6 : i32
        %add3A_368 = arith.addi %mul3A_366, %add3A_367 : i32
        %get3A_369 = arith.index_cast %add3A_368 : i32 to index
        %get3A_370 = arith.constant 16 : index
        %get3A_371 = tpu.vector_load %arg6[%get3A_369, %get3A_370] {strides = array<i32>} : memref<640x64xf32, #tpu.memory_space<vmem>>, vector<1x16xf32>,
        %get3A_372 = vector.shape_cast %get3A_371 : vector<1x16xf32> to vector<16xf32>
        %max3A_373 = arith.maximumf %max3A_364, %get3A_372 : vector<16xf32>
        %mul3A_374 = arith.constant 20 : i32
        %mul3A_375 = arith.muli %add3A_134, %mul3A_374 : i32
        %add3A_376 = arith.constant 7 : i32
        %add3A_377 = arith.addi %mul3A_375, %add3A_376 : i32
        %get3A_378 = arith.index_cast %add3A_377 : i32 to index
        %get3A_379 = arith.constant 16 : index
        %get3A_380 = tpu.vector_load %arg6[%get3A_378, %get3A_379] {strides = array<i32>} : memref<640x64xf32, #tpu.memory_space<vmem>>, vector<1x16xf32>,
        %get3A_381 = vector.shape_cast %get3A_380 : vector<1x16xf32> to vector<16xf32>
        %max3A_382 = arith.maximumf %max3A_373, %get3A_381 : vector<16xf32>
        %mul3A_383 = arith.constant 20 : i32
        %mul3A_384 = arith.muli %add3A_134, %mul3A_383 : i32
        %add3A_385 = arith.constant 8 : i32
        %add3A_386 = arith.addi %mul3A_384, %add3A_385 : i32
        %get3A_387 = arith.index_cast %add3A_386 : i32 to index
        %get3A_388 = arith.constant 16 : index
        %get3A_389 = tpu.vector_load %arg6[%get3A_387, %get3A_388] {strides = array<i32>} : memref<640x64xf32, #tpu.memory_space<vmem>>, vector<1x16xf32>,
        %get3A_390 = vector.shape_cast %get3A_389 : vector<1x16xf32> to vector<16xf32>
        %max3A_391 = arith.maximumf %max3A_382, %get3A_390 : vector<16xf32>
        %mul3A_392 = arith.constant 20 : i32
        %mul3A_393 = arith.muli %add3A_134, %mul3A_392 : i32
        %add3A_394 = arith.constant 9 : i32
        %add3A_395 = arith.addi %mul3A_393, %add3A_394 : i32
        %get3A_396 = arith.index_cast %add3A_395 : i32 to index
        %get3A_397 = arith.constant 16 : index
        %get3A_398 = tpu.vector_load %arg6[%get3A_396, %get3A_397] {strides = array<i32>} : memref<640x64xf32, #tpu.memory_space<vmem>>, vector<1x16xf32>,
        %get3A_399 = vector.shape_cast %get3A_398 : vector<1x16xf32> to vector<16xf32>
        %max3A_400 = arith.maximumf %max3A_391, %get3A_399 : vector<16xf32>
        %mul3A_401 = arith.constant 20 : i32
        %mul3A_402 = arith.muli %add3A_134, %mul3A_401 : i32
        %add3A_403 = arith.constant 10 : i32
        %add3A_404 = arith.addi %mul3A_402, %add3A_403 : i32
        %get3A_405 = arith.index_cast %add3A_404 : i32 to index
        %get3A_406 = arith.constant 16 : index
        %get3A_407 = tpu.vector_load %arg6[%get3A_405, %get3A_406] {strides = array<i32>} : memref<640x64xf32, #tpu.memory_space<vmem>>, vector<1x16xf32>,
        %get3A_408 = vector.shape_cast %get3A_407 : vector<1x16xf32> to vector<16xf32>
        %max3A_409 = arith.maximumf %max3A_400, %get3A_408 : vector<16xf32>
        %mul3A_410 = arith.constant 20 : i32
        %mul3A_411 = arith.muli %add3A_134, %mul3A_410 : i32
        %add3A_412 = arith.constant 11 : i32
        %add3A_413 = arith.addi %mul3A_411, %add3A_412 : i32
        %get3A_414 = arith.index_cast %add3A_413 : i32 to index
        %get3A_415 = arith.constant 16 : index
        %get3A_416 = tpu.vector_load %arg6[%get3A_414, %get3A_415] {strides = array<i32>} : memref<640x64xf32, #tpu.memory_space<vmem>>, vector<1x16xf32>,
        %get3A_417 = vector.shape_cast %get3A_416 : vector<1x16xf32> to vector<16xf32>
        %max3A_418 = arith.maximumf %max3A_409, %get3A_417 : vector<16xf32>
        %mul3A_419 = arith.constant 20 : i32
        %mul3A_420 = arith.muli %add3A_134, %mul3A_419 : i32
        %add3A_421 = arith.constant 12 : i32
        %add3A_422 = arith.addi %mul3A_420, %add3A_421 : i32
        %get3A_423 = arith.index_cast %add3A_422 : i32 to index
        %get3A_424 = arith.constant 16 : index
        %get3A_425 = tpu.vector_load %arg6[%get3A_423, %get3A_424] {strides = array<i32>} : memref<640x64xf32, #tpu.memory_space<vmem>>, vector<1x16xf32>,
        %get3A_426 = vector.shape_cast %get3A_425 : vector<1x16xf32> to vector<16xf32>
        %max3A_427 = arith.maximumf %max3A_418, %get3A_426 : vector<16xf32>
        %mul3A_428 = arith.constant 20 : i32
        %mul3A_429 = arith.muli %add3A_134, %mul3A_428 : i32
        %add3A_430 = arith.constant 13 : i32
        %add3A_431 = arith.addi %mul3A_429, %add3A_430 : i32
        %get3A_432 = arith.index_cast %add3A_431 : i32 to index
        %get3A_433 = arith.constant 16 : index
        %get3A_434 = tpu.vector_load %arg6[%get3A_432, %get3A_433] {strides = array<i32>} : memref<640x64xf32, #tpu.memory_space<vmem>>, vector<1x16xf32>,
        %get3A_435 = vector.shape_cast %get3A_434 : vector<1x16xf32> to vector<16xf32>
        %max3A_436 = arith.maximumf %max3A_427, %get3A_435 : vector<16xf32>
        %mul3A_437 = arith.constant 20 : i32
        %mul3A_438 = arith.muli %add3A_134, %mul3A_437 : i32
        %add3A_439 = arith.constant 14 : i32
        %add3A_440 = arith.addi %mul3A_438, %add3A_439 : i32
        %get3A_441 = arith.index_cast %add3A_440 : i32 to index
        %get3A_442 = arith.constant 16 : index
        %get3A_443 = tpu.vector_load %arg6[%get3A_441, %get3A_442] {strides = array<i32>} : memref<640x64xf32, #tpu.memory_space<vmem>>, vector<1x16xf32>,
        %get3A_444 = vector.shape_cast %get3A_443 : vector<1x16xf32> to vector<16xf32>
        %max3A_445 = arith.maximumf %max3A_436, %get3A_444 : vector<16xf32>
        %mul3A_446 = arith.constant 20 : i32
        %mul3A_447 = arith.muli %add3A_134, %mul3A_446 : i32
        %add3A_448 = arith.constant 15 : i32
        %add3A_449 = arith.addi %mul3A_447, %add3A_448 : i32
        %get3A_450 = arith.index_cast %add3A_449 : i32 to index
        %get3A_451 = arith.constant 16 : index
        %get3A_452 = tpu.vector_load %arg6[%get3A_450, %get3A_451] {strides = array<i32>} : memref<640x64xf32, #tpu.memory_space<vmem>>, vector<1x16xf32>,
        %get3A_453 = vector.shape_cast %get3A_452 : vector<1x16xf32> to vector<16xf32>
        %max3A_454 = arith.maximumf %max3A_445, %get3A_453 : vector<16xf32>
        %mul3A_455 = arith.constant 20 : i32
        %mul3A_456 = arith.muli %add3A_134, %mul3A_455 : i32
        %add3A_457 = arith.constant 16 : i32
        %add3A_458 = arith.addi %mul3A_456, %add3A_457 : i32
        %get3A_459 = arith.index_cast %add3A_458 : i32 to index
        %get3A_460 = arith.constant 16 : index
        %get3A_461 = tpu.vector_load %arg6[%get3A_459, %get3A_460] {strides = array<i32>} : memref<640x64xf32, #tpu.memory_space<vmem>>, vector<1x16xf32>,
        %get3A_462 = vector.shape_cast %get3A_461 : vector<1x16xf32> to vector<16xf32>
        %max3A_463 = arith.maximumf %max3A_454, %get3A_462 : vector<16xf32>
        %mul3A_464 = arith.constant 20 : i32
        %mul3A_465 = arith.muli %add3A_134, %mul3A_464 : i32
        %add3A_466 = arith.constant 17 : i32
        %add3A_467 = arith.addi %mul3A_465, %add3A_466 : i32
        %get3A_468 = arith.index_cast %add3A_467 : i32 to index
        %get3A_469 = arith.constant 16 : index
        %get3A_470 = tpu.vector_load %arg6[%get3A_468, %get3A_469] {strides = array<i32>} : memref<640x64xf32, #tpu.memory_space<vmem>>, vector<1x16xf32>,
        %get3A_471 = vector.shape_cast %get3A_470 : vector<1x16xf32> to vector<16xf32>
        %max3A_472 = arith.maximumf %max3A_463, %get3A_471 : vector<16xf32>
        %mul3A_473 = arith.constant 20 : i32
        %mul3A_474 = arith.muli %add3A_134, %mul3A_473 : i32
        %add3A_475 = arith.constant 18 : i32
        %add3A_476 = arith.addi %mul3A_474, %add3A_475 : i32
        %get3A_477 = arith.index_cast %add3A_476 : i32 to index
        %get3A_478 = arith.constant 16 : index
        %get3A_479 = tpu.vector_load %arg6[%get3A_477, %get3A_478] {strides = array<i32>} : memref<640x64xf32, #tpu.memory_space<vmem>>, vector<1x16xf32>,
        %get3A_480 = vector.shape_cast %get3A_479 : vector<1x16xf32> to vector<16xf32>
        %max3A_481 = arith.maximumf %max3A_472, %get3A_480 : vector<16xf32>
        %mul3A_482 = arith.constant 20 : i32
        %mul3A_483 = arith.muli %add3A_134, %mul3A_482 : i32
        %add3A_484 = arith.constant 19 : i32
        %add3A_485 = arith.addi %mul3A_483, %add3A_484 : i32
        %get3A_486 = arith.index_cast %add3A_485 : i32 to index
        %get3A_487 = arith.constant 16 : index
        %get3A_488 = tpu.vector_load %arg6[%get3A_486, %get3A_487] {strides = array<i32>} : memref<640x64xf32, #tpu.memory_space<vmem>>, vector<1x16xf32>,
        %get3A_489 = vector.shape_cast %get3A_488 : vector<1x16xf32> to vector<16xf32>
        %max3A_490 = arith.maximumf %max3A_481, %get3A_489 : vector<16xf32>
        %swap3A_491 = arith.index_cast %add3A_134 : i32 to index
        %swap3A_492 = arith.constant 16 : index
        %swap3A_493 = tpu.vector_load %arg7[%swap3A_491, %swap3A_492] {strides = array<i32>} : memref<32x64xf32, #tpu.memory_space<vmem>>, vector<1x16xf32>,
        %swap3A_494 = vector.shape_cast %swap3A_493 : vector<1x16xf32> to vector<16xf32>
        %swap3A_495 = vector.shape_cast %max3A_490 : vector<16xf32> to vector<1x16xf32>
        tpu.vector_store %arg7[%swap3A_491, %swap3A_492], %swap3A_495 {strides = array<i32>} : memref<32x64xf32, #tpu.memory_space<vmem>>, vector<1x16xf32>,
        %mul3A_496 = arith.constant 20 : i32
        %mul3A_497 = arith.muli %add3A_134, %mul3A_496 : i32
        %get3A_498 = arith.index_cast %mul3A_497 : i32 to index
        %get3A_499 = arith.constant 32 : index
        %get3A_500 = tpu.vector_load %arg6[%get3A_498, %get3A_499] {strides = array<i32>} : memref<640x64xf32, #tpu.memory_space<vmem>>, vector<1x16xf32>,
        %get3A_501 = vector.shape_cast %get3A_500 : vector<1x16xf32> to vector<16xf32>
        %mul3A_502 = arith.constant 20 : i32
        %mul3A_503 = arith.muli %add3A_134, %mul3A_502 : i32
        %add3A_504 = arith.constant 1 : i32
        %add3A_505 = arith.addi %mul3A_503, %add3A_504 : i32
        %get3A_506 = arith.index_cast %add3A_505 : i32 to index
        %get3A_507 = arith.constant 32 : index
        %get3A_508 = tpu.vector_load %arg6[%get3A_506, %get3A_507] {strides = array<i32>} : memref<640x64xf32, #tpu.memory_space<vmem>>, vector<1x16xf32>,
        %get3A_509 = vector.shape_cast %get3A_508 : vector<1x16xf32> to vector<16xf32>
        %max3A_510 = arith.maximumf %get3A_501, %get3A_509 : vector<16xf32>
        %mul3A_511 = arith.constant 20 : i32
        %mul3A_512 = arith.muli %add3A_134, %mul3A_511 : i32
        %add3A_513 = arith.constant 2 : i32
        %add3A_514 = arith.addi %mul3A_512, %add3A_513 : i32
        %get3A_515 = arith.index_cast %add3A_514 : i32 to index
        %get3A_516 = arith.constant 32 : index
        %get3A_517 = tpu.vector_load %arg6[%get3A_515, %get3A_516] {strides = array<i32>} : memref<640x64xf32, #tpu.memory_space<vmem>>, vector<1x16xf32>,
        %get3A_518 = vector.shape_cast %get3A_517 : vector<1x16xf32> to vector<16xf32>
        %max3A_519 = arith.maximumf %max3A_510, %get3A_518 : vector<16xf32>
        %mul3A_520 = arith.constant 20 : i32
        %mul3A_521 = arith.muli %add3A_134, %mul3A_520 : i32
        %add3A_522 = arith.constant 3 : i32
        %add3A_523 = arith.addi %mul3A_521, %add3A_522 : i32
        %get3A_524 = arith.index_cast %add3A_523 : i32 to index
        %get3A_525 = arith.constant 32 : index
        %get3A_526 = tpu.vector_load %arg6[%get3A_524, %get3A_525] {strides = array<i32>} : memref<640x64xf32, #tpu.memory_space<vmem>>, vector<1x16xf32>,
        %get3A_527 = vector.shape_cast %get3A_526 : vector<1x16xf32> to vector<16xf32>
        %max3A_528 = arith.maximumf %max3A_519, %get3A_527 : vector<16xf32>
        %mul3A_529 = arith.constant 20 : i32
        %mul3A_530 = arith.muli %add3A_134, %mul3A_529 : i32
        %add3A_531 = arith.constant 4 : i32
        %add3A_532 = arith.addi %mul3A_530, %add3A_531 : i32
        %get3A_533 = arith.index_cast %add3A_532 : i32 to index
        %get3A_534 = arith.constant 32 : index
        %get3A_535 = tpu.vector_load %arg6[%get3A_533, %get3A_534] {strides = array<i32>} : memref<640x64xf32, #tpu.memory_space<vmem>>, vector<1x16xf32>,
        %get3A_536 = vector.shape_cast %get3A_535 : vector<1x16xf32> to vector<16xf32>
        %max3A_537 = arith.maximumf %max3A_528, %get3A_536 : vector<16xf32>
        %mul3A_538 = arith.constant 20 : i32
        %mul3A_539 = arith.muli %add3A_134, %mul3A_538 : i32
        %add3A_540 = arith.constant 5 : i32
        %add3A_541 = arith.addi %mul3A_539, %add3A_540 : i32
        %get3A_542 = arith.index_cast %add3A_541 : i32 to index
        %get3A_543 = arith.constant 32 : index
        %get3A_544 = tpu.vector_load %arg6[%get3A_542, %get3A_543] {strides = array<i32>} : memref<640x64xf32, #tpu.memory_space<vmem>>, vector<1x16xf32>,
        %get3A_545 = vector.shape_cast %get3A_544 : vector<1x16xf32> to vector<16xf32>
        %max3A_546 = arith.maximumf %max3A_537, %get3A_545 : vector<16xf32>
        %mul3A_547 = arith.constant 20 : i32
        %mul3A_548 = arith.muli %add3A_134, %mul3A_547 : i32
        %add3A_549 = arith.constant 6 : i32
        %add3A_550 = arith.addi %mul3A_548, %add3A_549 : i32
        %get3A_551 = arith.index_cast %add3A_550 : i32 to index
        %get3A_552 = arith.constant 32 : index
        %get3A_553 = tpu.vector_load %arg6[%get3A_551, %get3A_552] {strides = array<i32>} : memref<640x64xf32, #tpu.memory_space<vmem>>, vector<1x16xf32>,
        %get3A_554 = vector.shape_cast %get3A_553 : vector<1x16xf32> to vector<16xf32>
        %max3A_555 = arith.maximumf %max3A_546, %get3A_554 : vector<16xf32>
        %mul3A_556 = arith.constant 20 : i32
        %mul3A_557 = arith.muli %add3A_134, %mul3A_556 : i32
        %add3A_558 = arith.constant 7 : i32
        %add3A_559 = arith.addi %mul3A_557, %add3A_558 : i32
        %get3A_560 = arith.index_cast %add3A_559 : i32 to index
        %get3A_561 = arith.constant 32 : index
        %get3A_562 = tpu.vector_load %arg6[%get3A_560, %get3A_561] {strides = array<i32>} : memref<640x64xf32, #tpu.memory_space<vmem>>, vector<1x16xf32>,
        %get3A_563 = vector.shape_cast %get3A_562 : vector<1x16xf32> to vector<16xf32>
        %max3A_564 = arith.maximumf %max3A_555, %get3A_563 : vector<16xf32>
        %mul3A_565 = arith.constant 20 : i32
        %mul3A_566 = arith.muli %add3A_134, %mul3A_565 : i32
        %add3A_567 = arith.constant 8 : i32
        %add3A_568 = arith.addi %mul3A_566, %add3A_567 : i32
        %get3A_569 = arith.index_cast %add3A_568 : i32 to index
        %get3A_570 = arith.constant 32 : index
        %get3A_571 = tpu.vector_load %arg6[%get3A_569, %get3A_570] {strides = array<i32>} : memref<640x64xf32, #tpu.memory_space<vmem>>, vector<1x16xf32>,
        %get3A_572 = vector.shape_cast %get3A_571 : vector<1x16xf32> to vector<16xf32>
        %max3A_573 = arith.maximumf %max3A_564, %get3A_572 : vector<16xf32>
        %mul3A_574 = arith.constant 20 : i32
        %mul3A_575 = arith.muli %add3A_134, %mul3A_574 : i32
        %add3A_576 = arith.constant 9 : i32
        %add3A_577 = arith.addi %mul3A_575, %add3A_576 : i32
        %get3A_578 = arith.index_cast %add3A_577 : i32 to index
        %get3A_579 = arith.constant 32 : index
        %get3A_580 = tpu.vector_load %arg6[%get3A_578, %get3A_579] {strides = array<i32>} : memref<640x64xf32, #tpu.memory_space<vmem>>, vector<1x16xf32>,
        %get3A_581 = vector.shape_cast %get3A_580 : vector<1x16xf32> to vector<16xf32>
        %max3A_582 = arith.maximumf %max3A_573, %get3A_581 : vector<16xf32>
        %mul3A_583 = arith.constant 20 : i32
        %mul3A_584 = arith.muli %add3A_134, %mul3A_583 : i32
        %add3A_585 = arith.constant 10 : i32
        %add3A_586 = arith.addi %mul3A_584, %add3A_585 : i32
        %get3A_587 = arith.index_cast %add3A_586 : i32 to index
        %get3A_588 = arith.constant 32 : index
        %get3A_589 = tpu.vector_load %arg6[%get3A_587, %get3A_588] {strides = array<i32>} : memref<640x64xf32, #tpu.memory_space<vmem>>, vector<1x16xf32>,
        %get3A_590 = vector.shape_cast %get3A_589 : vector<1x16xf32> to vector<16xf32>
        %max3A_591 = arith.maximumf %max3A_582, %get3A_590 : vector<16xf32>
        %mul3A_592 = arith.constant 20 : i32
        %mul3A_593 = arith.muli %add3A_134, %mul3A_592 : i32
        %add3A_594 = arith.constant 11 : i32
        %add3A_595 = arith.addi %mul3A_593, %add3A_594 : i32
        %get3A_596 = arith.index_cast %add3A_595 : i32 to index
        %get3A_597 = arith.constant 32 : index
        %get3A_598 = tpu.vector_load %arg6[%get3A_596, %get3A_597] {strides = array<i32>} : memref<640x64xf32, #tpu.memory_space<vmem>>, vector<1x16xf32>,
        %get3A_599 = vector.shape_cast %get3A_598 : vector<1x16xf32> to vector<16xf32>
        %max3A_600 = arith.maximumf %max3A_591, %get3A_599 : vector<16xf32>
        %mul3A_601 = arith.constant 20 : i32
        %mul3A_602 = arith.muli %add3A_134, %mul3A_601 : i32
        %add3A_603 = arith.constant 12 : i32
        %add3A_604 = arith.addi %mul3A_602, %add3A_603 : i32
        %get3A_605 = arith.index_cast %add3A_604 : i32 to index
        %get3A_606 = arith.constant 32 : index
        %get3A_607 = tpu.vector_load %arg6[%get3A_605, %get3A_606] {strides = array<i32>} : memref<640x64xf32, #tpu.memory_space<vmem>>, vector<1x16xf32>,
        %get3A_608 = vector.shape_cast %get3A_607 : vector<1x16xf32> to vector<16xf32>
        %max3A_609 = arith.maximumf %max3A_600, %get3A_608 : vector<16xf32>
        %mul3A_610 = arith.constant 20 : i32
        %mul3A_611 = arith.muli %add3A_134, %mul3A_610 : i32
        %add3A_612 = arith.constant 13 : i32
        %add3A_613 = arith.addi %mul3A_611, %add3A_612 : i32
        %get3A_614 = arith.index_cast %add3A_613 : i32 to index
        %get3A_615 = arith.constant 32 : index
        %get3A_616 = tpu.vector_load %arg6[%get3A_614, %get3A_615] {strides = array<i32>} : memref<640x64xf32, #tpu.memory_space<vmem>>, vector<1x16xf32>,
        %get3A_617 = vector.shape_cast %get3A_616 : vector<1x16xf32> to vector<16xf32>
        %max3A_618 = arith.maximumf %max3A_609, %get3A_617 : vector<16xf32>
        %mul3A_619 = arith.constant 20 : i32
        %mul3A_620 = arith.muli %add3A_134, %mul3A_619 : i32
        %add3A_621 = arith.constant 14 : i32
        %add3A_622 = arith.addi %mul3A_620, %add3A_621 : i32
        %get3A_623 = arith.index_cast %add3A_622 : i32 to index
        %get3A_624 = arith.constant 32 : index
        %get3A_625 = tpu.vector_load %arg6[%get3A_623, %get3A_624] {strides = array<i32>} : memref<640x64xf32, #tpu.memory_space<vmem>>, vector<1x16xf32>,
        %get3A_626 = vector.shape_cast %get3A_625 : vector<1x16xf32> to vector<16xf32>
        %max3A_627 = arith.maximumf %max3A_618, %get3A_626 : vector<16xf32>
        %mul3A_628 = arith.constant 20 : i32
        %mul3A_629 = arith.muli %add3A_134, %mul3A_628 : i32
        %add3A_630 = arith.constant 15 : i32
        %add3A_631 = arith.addi %mul3A_629, %add3A_630 : i32
        %get3A_632 = arith.index_cast %add3A_631 : i32 to index
        %get3A_633 = arith.constant 32 : index
        %get3A_634 = tpu.vector_load %arg6[%get3A_632, %get3A_633] {strides = array<i32>} : memref<640x64xf32, #tpu.memory_space<vmem>>, vector<1x16xf32>,
        %get3A_635 = vector.shape_cast %get3A_634 : vector<1x16xf32> to vector<16xf32>
        %max3A_636 = arith.maximumf %max3A_627, %get3A_635 : vector<16xf32>
        %mul3A_637 = arith.constant 20 : i32
        %mul3A_638 = arith.muli %add3A_134, %mul3A_637 : i32
        %add3A_639 = arith.constant 16 : i32
        %add3A_640 = arith.addi %mul3A_638, %add3A_639 : i32
        %get3A_641 = arith.index_cast %add3A_640 : i32 to index
        %get3A_642 = arith.constant 32 : index
        %get3A_643 = tpu.vector_load %arg6[%get3A_641, %get3A_642] {strides = array<i32>} : memref<640x64xf32, #tpu.memory_space<vmem>>, vector<1x16xf32>,
        %get3A_644 = vector.shape_cast %get3A_643 : vector<1x16xf32> to vector<16xf32>
        %max3A_645 = arith.maximumf %max3A_636, %get3A_644 : vector<16xf32>
        %mul3A_646 = arith.constant 20 : i32
        %mul3A_647 = arith.muli %add3A_134, %mul3A_646 : i32
        %add3A_648 = arith.constant 17 : i32
        %add3A_649 = arith.addi %mul3A_647, %add3A_648 : i32
        %get3A_650 = arith.index_cast %add3A_649 : i32 to index
        %get3A_651 = arith.constant 32 : index
        %get3A_652 = tpu.vector_load %arg6[%get3A_650, %get3A_651] {strides = array<i32>} : memref<640x64xf32, #tpu.memory_space<vmem>>, vector<1x16xf32>,
        %get3A_653 = vector.shape_cast %get3A_652 : vector<1x16xf32> to vector<16xf32>
        %max3A_654 = arith.maximumf %max3A_645, %get3A_653 : vector<16xf32>
        %mul3A_655 = arith.constant 20 : i32
        %mul3A_656 = arith.muli %add3A_134, %mul3A_655 : i32
        %add3A_657 = arith.constant 18 : i32
        %add3A_658 = arith.addi %mul3A_656, %add3A_657 : i32
        %get3A_659 = arith.index_cast %add3A_658 : i32 to index
        %get3A_660 = arith.constant 32 : index
        %get3A_661 = tpu.vector_load %arg6[%get3A_659, %get3A_660] {strides = array<i32>} : memref<640x64xf32, #tpu.memory_space<vmem>>, vector<1x16xf32>,
        %get3A_662 = vector.shape_cast %get3A_661 : vector<1x16xf32> to vector<16xf32>
        %max3A_663 = arith.maximumf %max3A_654, %get3A_662 : vector<16xf32>
        %mul3A_664 = arith.constant 20 : i32
        %mul3A_665 = arith.muli %add3A_134, %mul3A_664 : i32
        %add3A_666 = arith.constant 19 : i32
        %add3A_667 = arith.addi %mul3A_665, %add3A_666 : i32
        %get3A_668 = arith.index_cast %add3A_667 : i32 to index
        %get3A_669 = arith.constant 32 : index
        %get3A_670 = tpu.vector_load %arg6[%get3A_668, %get3A_669] {strides = array<i32>} : memref<640x64xf32, #tpu.memory_space<vmem>>, vector<1x16xf32>,
        %get3A_671 = vector.shape_cast %get3A_670 : vector<1x16xf32> to vector<16xf32>
        %max3A_672 = arith.maximumf %max3A_663, %get3A_671 : vector<16xf32>
        %swap3A_673 = arith.index_cast %add3A_134 : i32 to index
        %swap3A_674 = arith.constant 32 : index
        %swap3A_675 = tpu.vector_load %arg7[%swap3A_673, %swap3A_674] {strides = array<i32>} : memref<32x64xf32, #tpu.memory_space<vmem>>, vector<1x16xf32>,
        %swap3A_676 = vector.shape_cast %swap3A_675 : vector<1x16xf32> to vector<16xf32>
        %swap3A_677 = vector.shape_cast %max3A_672 : vector<16xf32> to vector<1x16xf32>
        tpu.vector_store %arg7[%swap3A_673, %swap3A_674], %swap3A_677 {strides = array<i32>} : memref<32x64xf32, #tpu.memory_space<vmem>>, vector<1x16xf32>,
        %mul3A_678 = arith.constant 20 : i32
        %mul3A_679 = arith.muli %add3A_134, %mul3A_678 : i32
        %get3A_680 = arith.index_cast %mul3A_679 : i32 to index
        %get3A_681 = arith.constant 48 : index
        %get3A_682 = tpu.vector_load %arg6[%get3A_680, %get3A_681] {strides = array<i32>} : memref<640x64xf32, #tpu.memory_space<vmem>>, vector<1x16xf32>,
        %get3A_683 = vector.shape_cast %get3A_682 : vector<1x16xf32> to vector<16xf32>
        %mul3A_684 = arith.constant 20 : i32
        %mul3A_685 = arith.muli %add3A_134, %mul3A_684 : i32
        %add3A_686 = arith.constant 1 : i32
        %add3A_687 = arith.addi %mul3A_685, %add3A_686 : i32
        %get3A_688 = arith.index_cast %add3A_687 : i32 to index
        %get3A_689 = arith.constant 48 : index
        %get3A_690 = tpu.vector_load %arg6[%get3A_688, %get3A_689] {strides = array<i32>} : memref<640x64xf32, #tpu.memory_space<vmem>>, vector<1x16xf32>,
        %get3A_691 = vector.shape_cast %get3A_690 : vector<1x16xf32> to vector<16xf32>
        %max3A_692 = arith.maximumf %get3A_683, %get3A_691 : vector<16xf32>
        %mul3A_693 = arith.constant 20 : i32
        %mul3A_694 = arith.muli %add3A_134, %mul3A_693 : i32
        %add3A_695 = arith.constant 2 : i32
        %add3A_696 = arith.addi %mul3A_694, %add3A_695 : i32
        %get3A_697 = arith.index_cast %add3A_696 : i32 to index
        %get3A_698 = arith.constant 48 : index
        %get3A_699 = tpu.vector_load %arg6[%get3A_697, %get3A_698] {strides = array<i32>} : memref<640x64xf32, #tpu.memory_space<vmem>>, vector<1x16xf32>,
        %get3A_700 = vector.shape_cast %get3A_699 : vector<1x16xf32> to vector<16xf32>
        %max3A_701 = arith.maximumf %max3A_692, %get3A_700 : vector<16xf32>
        %mul3A_702 = arith.constant 20 : i32
        %mul3A_703 = arith.muli %add3A_134, %mul3A_702 : i32
        %add3A_704 = arith.constant 3 : i32
        %add3A_705 = arith.addi %mul3A_703, %add3A_704 : i32
        %get3A_706 = arith.index_cast %add3A_705 : i32 to index
        %get3A_707 = arith.constant 48 : index
        %get3A_708 = tpu.vector_load %arg6[%get3A_706, %get3A_707] {strides = array<i32>} : memref<640x64xf32, #tpu.memory_space<vmem>>, vector<1x16xf32>,
        %get3A_709 = vector.shape_cast %get3A_708 : vector<1x16xf32> to vector<16xf32>
        %max3A_710 = arith.maximumf %max3A_701, %get3A_709 : vector<16xf32>
        %mul3A_711 = arith.constant 20 : i32
        %mul3A_712 = arith.muli %add3A_134, %mul3A_711 : i32
        %add3A_713 = arith.constant 4 : i32
        %add3A_714 = arith.addi %mul3A_712, %add3A_713 : i32
        %get3A_715 = arith.index_cast %add3A_714 : i32 to index
        %get3A_716 = arith.constant 48 : index
        %get3A_717 = tpu.vector_load %arg6[%get3A_715, %get3A_716] {strides = array<i32>} : memref<640x64xf32, #tpu.memory_space<vmem>>, vector<1x16xf32>,
        %get3A_718 = vector.shape_cast %get3A_717 : vector<1x16xf32> to vector<16xf32>
        %max3A_719 = arith.maximumf %max3A_710, %get3A_718 : vector<16xf32>
        %mul3A_720 = arith.constant 20 : i32
        %mul3A_721 = arith.muli %add3A_134, %mul3A_720 : i32
        %add3A_722 = arith.constant 5 : i32
        %add3A_723 = arith.addi %mul3A_721, %add3A_722 : i32
        %get3A_724 = arith.index_cast %add3A_723 : i32 to index
        %get3A_725 = arith.constant 48 : index
        %get3A_726 = tpu.vector_load %arg6[%get3A_724, %get3A_725] {strides = array<i32>} : memref<640x64xf32, #tpu.memory_space<vmem>>, vector<1x16xf32>,
        %get3A_727 = vector.shape_cast %get3A_726 : vector<1x16xf32> to vector<16xf32>
        %max3A_728 = arith.maximumf %max3A_719, %get3A_727 : vector<16xf32>
        %mul3A_729 = arith.constant 20 : i32
        %mul3A_730 = arith.muli %add3A_134, %mul3A_729 : i32
        %add3A_731 = arith.constant 6 : i32
        %add3A_732 = arith.addi %mul3A_730, %add3A_731 : i32
        %get3A_733 = arith.index_cast %add3A_732 : i32 to index
        %get3A_734 = arith.constant 48 : index
        %get3A_735 = tpu.vector_load %arg6[%get3A_733, %get3A_734] {strides = array<i32>} : memref<640x64xf32, #tpu.memory_space<vmem>>, vector<1x16xf32>,
        %get3A_736 = vector.shape_cast %get3A_735 : vector<1x16xf32> to vector<16xf32>
        %max3A_737 = arith.maximumf %max3A_728, %get3A_736 : vector<16xf32>
        %mul3A_738 = arith.constant 20 : i32
        %mul3A_739 = arith.muli %add3A_134, %mul3A_738 : i32
        %add3A_740 = arith.constant 7 : i32
        %add3A_741 = arith.addi %mul3A_739, %add3A_740 : i32
        %get3A_742 = arith.index_cast %add3A_741 : i32 to index
        %get3A_743 = arith.constant 48 : index
        %get3A_744 = tpu.vector_load %arg6[%get3A_742, %get3A_743] {strides = array<i32>} : memref<640x64xf32, #tpu.memory_space<vmem>>, vector<1x16xf32>,
        %get3A_745 = vector.shape_cast %get3A_744 : vector<1x16xf32> to vector<16xf32>
        %max3A_746 = arith.maximumf %max3A_737, %get3A_745 : vector<16xf32>
        %mul3A_747 = arith.constant 20 : i32
        %mul3A_748 = arith.muli %add3A_134, %mul3A_747 : i32
        %add3A_749 = arith.constant 8 : i32
        %add3A_750 = arith.addi %mul3A_748, %add3A_749 : i32
        %get3A_751 = arith.index_cast %add3A_750 : i32 to index
        %get3A_752 = arith.constant 48 : index
        %get3A_753 = tpu.vector_load %arg6[%get3A_751, %get3A_752] {strides = array<i32>} : memref<640x64xf32, #tpu.memory_space<vmem>>, vector<1x16xf32>,
        %get3A_754 = vector.shape_cast %get3A_753 : vector<1x16xf32> to vector<16xf32>
        %max3A_755 = arith.maximumf %max3A_746, %get3A_754 : vector<16xf32>
        %mul3A_756 = arith.constant 20 : i32
        %mul3A_757 = arith.muli %add3A_134, %mul3A_756 : i32
        %add3A_758 = arith.constant 9 : i32
        %add3A_759 = arith.addi %mul3A_757, %add3A_758 : i32
        %get3A_760 = arith.index_cast %add3A_759 : i32 to index
        %get3A_761 = arith.constant 48 : index
        %get3A_762 = tpu.vector_load %arg6[%get3A_760, %get3A_761] {strides = array<i32>} : memref<640x64xf32, #tpu.memory_space<vmem>>, vector<1x16xf32>,
        %get3A_763 = vector.shape_cast %get3A_762 : vector<1x16xf32> to vector<16xf32>
        %max3A_764 = arith.maximumf %max3A_755, %get3A_763 : vector<16xf32>
        %mul3A_765 = arith.constant 20 : i32
        %mul3A_766 = arith.muli %add3A_134, %mul3A_765 : i32
        %add3A_767 = arith.constant 10 : i32
        %add3A_768 = arith.addi %mul3A_766, %add3A_767 : i32
        %get3A_769 = arith.index_cast %add3A_768 : i32 to index
        %get3A_770 = arith.constant 48 : index
        %get3A_771 = tpu.vector_load %arg6[%get3A_769, %get3A_770] {strides = array<i32>} : memref<640x64xf32, #tpu.memory_space<vmem>>, vector<1x16xf32>,
        %get3A_772 = vector.shape_cast %get3A_771 : vector<1x16xf32> to vector<16xf32>
        %max3A_773 = arith.maximumf %max3A_764, %get3A_772 : vector<16xf32>
        %mul3A_774 = arith.constant 20 : i32
        %mul3A_775 = arith.muli %add3A_134, %mul3A_774 : i32
        %add3A_776 = arith.constant 11 : i32
        %add3A_777 = arith.addi %mul3A_775, %add3A_776 : i32
        %get3A_778 = arith.index_cast %add3A_777 : i32 to index
        %get3A_779 = arith.constant 48 : index
        %get3A_780 = tpu.vector_load %arg6[%get3A_778, %get3A_779] {strides = array<i32>} : memref<640x64xf32, #tpu.memory_space<vmem>>, vector<1x16xf32>,
        %get3A_781 = vector.shape_cast %get3A_780 : vector<1x16xf32> to vector<16xf32>
        %max3A_782 = arith.maximumf %max3A_773, %get3A_781 : vector<16xf32>
        %mul3A_783 = arith.constant 20 : i32
        %mul3A_784 = arith.muli %add3A_134, %mul3A_783 : i32
        %add3A_785 = arith.constant 12 : i32
        %add3A_786 = arith.addi %mul3A_784, %add3A_785 : i32
        %get3A_787 = arith.index_cast %add3A_786 : i32 to index
        %get3A_788 = arith.constant 48 : index
        %get3A_789 = tpu.vector_load %arg6[%get3A_787, %get3A_788] {strides = array<i32>} : memref<640x64xf32, #tpu.memory_space<vmem>>, vector<1x16xf32>,
        %get3A_790 = vector.shape_cast %get3A_789 : vector<1x16xf32> to vector<16xf32>
        %max3A_791 = arith.maximumf %max3A_782, %get3A_790 : vector<16xf32>
        %mul3A_792 = arith.constant 20 : i32
        %mul3A_793 = arith.muli %add3A_134, %mul3A_792 : i32
        %add3A_794 = arith.constant 13 : i32
        %add3A_795 = arith.addi %mul3A_793, %add3A_794 : i32
        %get3A_796 = arith.index_cast %add3A_795 : i32 to index
        %get3A_797 = arith.constant 48 : index
        %get3A_798 = tpu.vector_load %arg6[%get3A_796, %get3A_797] {strides = array<i32>} : memref<640x64xf32, #tpu.memory_space<vmem>>, vector<1x16xf32>,
        %get3A_799 = vector.shape_cast %get3A_798 : vector<1x16xf32> to vector<16xf32>
        %max3A_800 = arith.maximumf %max3A_791, %get3A_799 : vector<16xf32>
        %mul3A_801 = arith.constant 20 : i32
        %mul3A_802 = arith.muli %add3A_134, %mul3A_801 : i32
        %add3A_803 = arith.constant 14 : i32
        %add3A_804 = arith.addi %mul3A_802, %add3A_803 : i32
        %get3A_805 = arith.index_cast %add3A_804 : i32 to index
        %get3A_806 = arith.constant 48 : index
        %get3A_807 = tpu.vector_load %arg6[%get3A_805, %get3A_806] {strides = array<i32>} : memref<640x64xf32, #tpu.memory_space<vmem>>, vector<1x16xf32>,
        %get3A_808 = vector.shape_cast %get3A_807 : vector<1x16xf32> to vector<16xf32>
        %max3A_809 = arith.maximumf %max3A_800, %get3A_808 : vector<16xf32>
        %mul3A_810 = arith.constant 20 : i32
        %mul3A_811 = arith.muli %add3A_134, %mul3A_810 : i32
        %add3A_812 = arith.constant 15 : i32
        %add3A_813 = arith.addi %mul3A_811, %add3A_812 : i32
        %get3A_814 = arith.index_cast %add3A_813 : i32 to index
        %get3A_815 = arith.constant 48 : index
        %get3A_816 = tpu.vector_load %arg6[%get3A_814, %get3A_815] {strides = array<i32>} : memref<640x64xf32, #tpu.memory_space<vmem>>, vector<1x16xf32>,
        %get3A_817 = vector.shape_cast %get3A_816 : vector<1x16xf32> to vector<16xf32>
        %max3A_818 = arith.maximumf %max3A_809, %get3A_817 : vector<16xf32>
        %mul3A_819 = arith.constant 20 : i32
        %mul3A_820 = arith.muli %add3A_134, %mul3A_819 : i32
        %add3A_821 = arith.constant 16 : i32
        %add3A_822 = arith.addi %mul3A_820, %add3A_821 : i32
        %get3A_823 = arith.index_cast %add3A_822 : i32 to index
        %get3A_824 = arith.constant 48 : index
        %get3A_825 = tpu.vector_load %arg6[%get3A_823, %get3A_824] {strides = array<i32>} : memref<640x64xf32, #tpu.memory_space<vmem>>, vector<1x16xf32>,
        %get3A_826 = vector.shape_cast %get3A_825 : vector<1x16xf32> to vector<16xf32>
        %max3A_827 = arith.maximumf %max3A_818, %get3A_826 : vector<16xf32>
        %mul3A_828 = arith.constant 20 : i32
        %mul3A_829 = arith.muli %add3A_134, %mul3A_828 : i32
        %add3A_830 = arith.constant 17 : i32
        %add3A_831 = arith.addi %mul3A_829, %add3A_830 : i32
        %get3A_832 = arith.index_cast %add3A_831 : i32 to index
        %get3A_833 = arith.constant 48 : index
        %get3A_834 = tpu.vector_load %arg6[%get3A_832, %get3A_833] {strides = array<i32>} : memref<640x64xf32, #tpu.memory_space<vmem>>, vector<1x16xf32>,
        %get3A_835 = vector.shape_cast %get3A_834 : vector<1x16xf32> to vector<16xf32>
        %max3A_836 = arith.maximumf %max3A_827, %get3A_835 : vector<16xf32>
        %mul3A_837 = arith.constant 20 : i32
        %mul3A_838 = arith.muli %add3A_134, %mul3A_837 : i32
        %add3A_839 = arith.constant 18 : i32
        %add3A_840 = arith.addi %mul3A_838, %add3A_839 : i32
        %get3A_841 = arith.index_cast %add3A_840 : i32 to index
        %get3A_842 = arith.constant 48 : index
        %get3A_843 = tpu.vector_load %arg6[%get3A_841, %get3A_842] {strides = array<i32>} : memref<640x64xf32, #tpu.memory_space<vmem>>, vector<1x16xf32>,
        %get3A_844 = vector.shape_cast %get3A_843 : vector<1x16xf32> to vector<16xf32>
        %max3A_845 = arith.maximumf %max3A_836, %get3A_844 : vector<16xf32>
        %mul3A_846 = arith.constant 20 : i32
        %mul3A_847 = arith.muli %add3A_134, %mul3A_846 : i32
        %add3A_848 = arith.constant 19 : i32
        %add3A_849 = arith.addi %mul3A_847, %add3A_848 : i32
        %get3A_850 = arith.index_cast %add3A_849 : i32 to index
        %get3A_851 = arith.constant 48 : index
        %get3A_852 = tpu.vector_load %arg6[%get3A_850, %get3A_851] {strides = array<i32>} : memref<640x64xf32, #tpu.memory_space<vmem>>, vector<1x16xf32>,
        %get3A_853 = vector.shape_cast %get3A_852 : vector<1x16xf32> to vector<16xf32>
        %max3A_854 = arith.maximumf %max3A_845, %get3A_853 : vector<16xf32>
        %swap3A_855 = arith.index_cast %add3A_134 : i32 to index
        %swap3A_856 = arith.constant 48 : index
        %swap3A_857 = tpu.vector_load %arg7[%swap3A_855, %swap3A_856] {strides = array<i32>} : memref<32x64xf32, #tpu.memory_space<vmem>>, vector<1x16xf32>,
        %swap3A_858 = vector.shape_cast %swap3A_857 : vector<1x16xf32> to vector<16xf32>
        %swap3A_859 = vector.shape_cast %max3A_854 : vector<16xf32> to vector<1x16xf32>
        tpu.vector_store %arg7[%swap3A_855, %swap3A_856], %swap3A_859 {strides = array<i32>} : memref<32x64xf32, #tpu.memory_space<vmem>>, vector<1x16xf32>,
      }
      %scan3A_129 = arith.constant 32 : i32
      "tpu.region"() ({
        %run_scoped3A = tpu.sem_alloc : memref<!tpu.dma_semaphore, #tpu.memory_space<semaphore_mem>>
        %dma_start3A_130 = arith.constant 0 : i32
        %dma_start3A_131 = tpu.memref_slice %arg4[%add3A_16, %dma_start3A_130] : memref<16384x64xf32, #tpu.memory_space<hbm>> -> memref<32x64xf32, #tpu.memory_space<hbm>>
        %dma_start3A_132 = arith.constant 0 : i32
        %dma_start3A_133 = tpu.memref_slice %arg4[%add3A_16, %dma_start3A_132] : memref<16384x64xf32, #tpu.memory_space<hbm>> -> memref<32x64xf32, #tpu.memory_space<hbm>>
        tpu.enqueue_dma source(%arg7 : memref<32x64xf32, #tpu.memory_space<vmem>>) target(%dma_start3A_133 : memref<32x64xf32, #tpu.memory_space<hbm>>) target_semaphore(%run_scoped3A : memref<!tpu.dma_semaphore, #tpu.memory_space<semaphore_mem>>)
        %dma_wait3A_134 = arith.constant 0 : i32
        %dma_wait3A_135 = tpu.memref_slice %arg4[%add3A_16, %dma_wait3A_134] : memref<16384x64xf32, #tpu.memory_space<hbm>> -> memref<32x64xf32, #tpu.memory_space<hbm>>
        %dma_wait3A_136 = arith.constant 0 : i32
        %dma_wait3A_137 = tpu.memref_slice %arg4[%add3A_16, %dma_wait3A_136] : memref<16384x64xf32, #tpu.memory_space<hbm>> -> memref<32x64xf32, #tpu.memory_space<hbm>>
        tpu.wait_dma2 semaphore(%run_scoped3A : memref<!tpu.dma_semaphore, #tpu.memory_space<semaphore_mem>>) src(%arg7 : memref<32x64xf32, #tpu.memory_space<vmem>>) dst(%dma_wait3A_137 : memref<32x64xf32, #tpu.memory_space<hbm>>)
        tpu.yield
      }) : () -> ()
    }
    %scan3A_8 = arith.constant 16 : i32
    return
  }
}

#map = affine_map<(d0, d1) -> (0, 0)>
module attributes {stable_mosaic.version = 14 : i64} {
  func.func @kern(%arg0: i32, %arg1: i32, %arg2: memref<16384x64xf32, #tpu.memory_space<hbm>>, %arg3: memref<2560x128xi32, #tpu.memory_space<hbm>>, %arg4: memref<16384x64xf32, #tpu.memory_space<hbm>>, %arg5: memref<80x128xi32, #tpu.memory_space<vmem>>, %arg6: memref<640x64xf32, #tpu.memory_space<vmem>>, %arg7: memref<32x64xf32, #tpu.memory_space<vmem>>, %arg8: memref<!tpu.dma_semaphore, #tpu.memory_space<semaphore_mem>>) attributes {dimension_semantics = [#tpu.dimension_semantics<core_parallel>, #tpu.dimension_semantics<subcore_parallel>], iteration_bounds = array<i64: 2, 16>, scalar_prefetch = 0 : i64, scratch_operands = 4 : i64, tpu.core_type = #tpu.core_type<sc_vector_subcore>, window_params = [{transform_indices = #map}, {transform_indices = #map}, {transform_indices = #map}]} {
    %mul3A = arith.constant 2 : i32
    %mul3A_0 = arith.muli %arg1, %mul3A : i32
    %add3A = arith.addi %mul3A_0, %arg0 : i32
    %mul3A_1 = arith.constant 512 : i32
    %mul3A_2 = arith.muli %add3A, %mul3A_1 : i32
    %mul3A_3 = arith.constant 80 : i32
    %mul3A_4 = arith.muli %add3A, %mul3A_3 : i32
    "tpu.region"() ({
      %run_scoped3A = tpu.sem_alloc : memref<!tpu.dma_semaphore, #tpu.memory_space<semaphore_mem>>
      %dma_start3A = arith.constant 0 : i32
      %dma_start3A_9 = tpu.memref_slice %arg3[%mul3A_4, %dma_start3A] : memref<2560x128xi32, #tpu.memory_space<hbm>> -> memref<80x128xi32, #tpu.memory_space<hbm>>
      %dma_start3A_10 = arith.constant 0 : i32
      %dma_start3A_11 = tpu.memref_slice %arg3[%mul3A_4, %dma_start3A_10] : memref<2560x128xi32, #tpu.memory_space<hbm>> -> memref<80x128xi32, #tpu.memory_space<hbm>>
      tpu.enqueue_dma source(%dma_start3A_11 : memref<80x128xi32, #tpu.memory_space<hbm>>) target(%arg5 : memref<80x128xi32, #tpu.memory_space<vmem>>) target_semaphore(%run_scoped3A : memref<!tpu.dma_semaphore, #tpu.memory_space<semaphore_mem>>)
      %dma_wait3A = arith.constant 0 : i32
      %dma_wait3A_12 = tpu.memref_slice %arg3[%mul3A_4, %dma_wait3A] : memref<2560x128xi32, #tpu.memory_space<hbm>> -> memref<80x128xi32, #tpu.memory_space<hbm>>
      %dma_wait3A_13 = arith.constant 0 : i32
      %dma_wait3A_14 = tpu.memref_slice %arg3[%mul3A_4, %dma_wait3A_13] : memref<2560x128xi32, #tpu.memory_space<hbm>> -> memref<80x128xi32, #tpu.memory_space<hbm>>
      tpu.wait_dma2 semaphore(%run_scoped3A : memref<!tpu.dma_semaphore, #tpu.memory_space<semaphore_mem>>) src(%dma_wait3A_14 : memref<80x128xi32, #tpu.memory_space<hbm>>) dst(%arg5 : memref<80x128xi32, #tpu.memory_space<vmem>>)
      tpu.yield
    }) : () -> ()
    %scan3A = arith.constant 0 : i32
    %scan3A_5 = arith.constant 16 : i32
    %scan3A_6 = arith.addi %scan3A, %scan3A_5 : i32
    %scan3A_7 = arith.constant 1 : i32
    scf.for %scan3A_9 = %scan3A to %scan3A_6 step %scan3A_7  : i32 {
      %mul3A_10 = arith.constant 1 : i32
      %mul3A_11 = arith.muli %scan3A_9, %mul3A_10 : i32
      %add3A_12 = arith.constant 0 : i32
      %add3A_13 = arith.addi %add3A_12, %mul3A_11 : i32
      %mul3A_14 = arith.constant 32 : i32
      %mul3A_15 = arith.muli %add3A_13, %mul3A_14 : i32
      %add3A_16 = arith.addi %mul3A_2, %mul3A_15 : i32
      %mul3A_17 = arith.constant 5 : i32
      %mul3A_18 = arith.muli %add3A_13, %mul3A_17 : i32
      %add3A_19 = arith.constant 0 : i32
      %add3A_20 = arith.addi %mul3A_18, %add3A_19 : i32
      %dma_start3A = arith.constant 0 : i32
      %dma_start3A_21 = arith.constant 0 : i32
      %dma_start3A_22 = tpu.memref_slice %arg6[%dma_start3A, %dma_start3A_21] : memref<640x64xf32, #tpu.memory_space<vmem>> -> memref<128x64xf32, #tpu.memory_space<vmem>>
      %dma_start3A_23 = arith.constant 0 : i32
      %dma_start3A_24 = tpu.memref_slice %arg5[%add3A_20, %dma_start3A_23] : memref<80x128xi32, #tpu.memory_space<vmem>> -> memref<1x128xi32, #tpu.memory_space<vmem>>
      %dma_start3A_25 = tpu.memref_squeeze %dma_start3A_24 : memref<1x128xi32, #tpu.memory_space<vmem>> -> memref<128xi32, #tpu.memory_space<vmem>>
      %dma_start3A_26 = arith.constant 0 : i32
      %dma_start3A_27 = arith.constant 0 : i32
      %dma_start3A_28 = tpu.memref_slice %arg2[%dma_start3A_26, %dma_start3A_27] : memref<16384x64xf32, #tpu.memory_space<hbm>> -> memref<16384x64xf32, #tpu.memory_space<hbm>>
      tpu.enqueue_indirect_dma source(%dma_start3A_28 : memref<16384x64xf32, #tpu.memory_space<hbm>>) target(%dma_start3A_22 : memref<128x64xf32, #tpu.memory_space<vmem>>) offsets(%dma_start3A_25 : memref<128xi32, #tpu.memory_space<vmem>>) semaphore(%arg8 : memref<!tpu.dma_semaphore, #tpu.memory_space<semaphore_mem>>)
      %mul3A_29 = arith.constant 5 : i32
      %mul3A_30 = arith.muli %add3A_13, %mul3A_29 : i32
      %add3A_31 = arith.constant 1 : i32
      %add3A_32 = arith.addi %mul3A_30, %add3A_31 : i32
      %dma_start3A_33 = arith.constant 128 : i32
      %dma_start3A_34 = arith.constant 0 : i32
      %dma_start3A_35 = tpu.memref_slice %arg6[%dma_start3A_33, %dma_start3A_34] : memref<640x64xf32, #tpu.memory_space<vmem>> -> memref<128x64xf32, #tpu.memory_space<vmem>>
      %dma_start3A_36 = arith.constant 0 : i32
      %dma_start3A_37 = tpu.memref_slice %arg5[%add3A_32, %dma_start3A_36] : memref<80x128xi32, #tpu.memory_space<vmem>> -> memref<1x128xi32, #tpu.memory_space<vmem>>
      %dma_start3A_38 = tpu.memref_squeeze %dma_start3A_37 : memref<1x128xi32, #tpu.memory_space<vmem>> -> memref<128xi32, #tpu.memory_space<vmem>>
      %dma_start3A_39 = arith.constant 0 : i32
      %dma_start3A_40 = arith.constant 0 : i32
      %dma_start3A_41 = tpu.memref_slice %arg2[%dma_start3A_39, %dma_start3A_40] : memref<16384x64xf32, #tpu.memory_space<hbm>> -> memref<16384x64xf32, #tpu.memory_space<hbm>>
      tpu.enqueue_indirect_dma source(%dma_start3A_41 : memref<16384x64xf32, #tpu.memory_space<hbm>>) target(%dma_start3A_35 : memref<128x64xf32, #tpu.memory_space<vmem>>) offsets(%dma_start3A_38 : memref<128xi32, #tpu.memory_space<vmem>>) semaphore(%arg8 : memref<!tpu.dma_semaphore, #tpu.memory_space<semaphore_mem>>)
      %mul3A_42 = arith.constant 5 : i32
      %mul3A_43 = arith.muli %add3A_13, %mul3A_42 : i32
      %add3A_44 = arith.constant 2 : i32
      %add3A_45 = arith.addi %mul3A_43, %add3A_44 : i32
      %dma_start3A_46 = arith.constant 256 : i32
      %dma_start3A_47 = arith.constant 0 : i32
      %dma_start3A_48 = tpu.memref_slice %arg6[%dma_start3A_46, %dma_start3A_47] : memref<640x64xf32, #tpu.memory_space<vmem>> -> memref<128x64xf32, #tpu.memory_space<vmem>>
      %dma_start3A_49 = arith.constant 0 : i32
      %dma_start3A_50 = tpu.memref_slice %arg5[%add3A_45, %dma_start3A_49] : memref<80x128xi32, #tpu.memory_space<vmem>> -> memref<1x128xi32, #tpu.memory_space<vmem>>
      %dma_start3A_51 = tpu.memref_squeeze %dma_start3A_50 : memref<1x128xi32, #tpu.memory_space<vmem>> -> memref<128xi32, #tpu.memory_space<vmem>>
      %dma_start3A_52 = arith.constant 0 : i32
      %dma_start3A_53 = arith.constant 0 : i32
      %dma_start3A_54 = tpu.memref_slice %arg2[%dma_start3A_52, %dma_start3A_53] : memref<16384x64xf32, #tpu.memory_space<hbm>> -> memref<16384x64xf32, #tpu.memory_space<hbm>>
      tpu.enqueue_indirect_dma source(%dma_start3A_54 : memref<16384x64xf32, #tpu.memory_space<hbm>>) target(%dma_start3A_48 : memref<128x64xf32, #tpu.memory_space<vmem>>) offsets(%dma_start3A_51 : memref<128xi32, #tpu.memory_space<vmem>>) semaphore(%arg8 : memref<!tpu.dma_semaphore, #tpu.memory_space<semaphore_mem>>)
      %mul3A_55 = arith.constant 5 : i32
      %mul3A_56 = arith.muli %add3A_13, %mul3A_55 : i32
      %add3A_57 = arith.constant 3 : i32
      %add3A_58 = arith.addi %mul3A_56, %add3A_57 : i32
      %dma_start3A_59 = arith.constant 384 : i32
      %dma_start3A_60 = arith.constant 0 : i32
      %dma_start3A_61 = tpu.memref_slice %arg6[%dma_start3A_59, %dma_start3A_60] : memref<640x64xf32, #tpu.memory_space<vmem>> -> memref<128x64xf32, #tpu.memory_space<vmem>>
      %dma_start3A_62 = arith.constant 0 : i32
      %dma_start3A_63 = tpu.memref_slice %arg5[%add3A_58, %dma_start3A_62] : memref<80x128xi32, #tpu.memory_space<vmem>> -> memref<1x128xi32, #tpu.memory_space<vmem>>
      %dma_start3A_64 = tpu.memref_squeeze %dma_start3A_63 : memref<1x128xi32, #tpu.memory_space<vmem>> -> memref<128xi32, #tpu.memory_space<vmem>>
      %dma_start3A_65 = arith.constant 0 : i32
      %dma_start3A_66 = arith.constant 0 : i32
      %dma_start3A_67 = tpu.memref_slice %arg2[%dma_start3A_65, %dma_start3A_66] : memref<16384x64xf32, #tpu.memory_space<hbm>> -> memref<16384x64xf32, #tpu.memory_space<hbm>>
      tpu.enqueue_indirect_dma source(%dma_start3A_67 : memref<16384x64xf32, #tpu.memory_space<hbm>>) target(%dma_start3A_61 : memref<128x64xf32, #tpu.memory_space<vmem>>) offsets(%dma_start3A_64 : memref<128xi32, #tpu.memory_space<vmem>>) semaphore(%arg8 : memref<!tpu.dma_semaphore, #tpu.memory_space<semaphore_mem>>)
      %mul3A_68 = arith.constant 5 : i32
      %mul3A_69 = arith.muli %add3A_13, %mul3A_68 : i32
      %add3A_70 = arith.constant 4 : i32
      %add3A_71 = arith.addi %mul3A_69, %add3A_70 : i32
      %dma_start3A_72 = arith.constant 512 : i32
      %dma_start3A_73 = arith.constant 0 : i32
      %dma_start3A_74 = tpu.memref_slice %arg6[%dma_start3A_72, %dma_start3A_73] : memref<640x64xf32, #tpu.memory_space<vmem>> -> memref<128x64xf32, #tpu.memory_space<vmem>>
      %dma_start3A_75 = arith.constant 0 : i32
      %dma_start3A_76 = tpu.memref_slice %arg5[%add3A_71, %dma_start3A_75] : memref<80x128xi32, #tpu.memory_space<vmem>> -> memref<1x128xi32, #tpu.memory_space<vmem>>
      %dma_start3A_77 = tpu.memref_squeeze %dma_start3A_76 : memref<1x128xi32, #tpu.memory_space<vmem>> -> memref<128xi32, #tpu.memory_space<vmem>>
      %dma_start3A_78 = arith.constant 0 : i32
      %dma_start3A_79 = arith.constant 0 : i32
      %dma_start3A_80 = tpu.memref_slice %arg2[%dma_start3A_78, %dma_start3A_79] : memref<16384x64xf32, #tpu.memory_space<hbm>> -> memref<16384x64xf32, #tpu.memory_space<hbm>>
      tpu.enqueue_indirect_dma source(%dma_start3A_80 : memref<16384x64xf32, #tpu.memory_space<hbm>>) target(%dma_start3A_74 : memref<128x64xf32, #tpu.memory_space<vmem>>) offsets(%dma_start3A_77 : memref<128xi32, #tpu.memory_space<vmem>>) semaphore(%arg8 : memref<!tpu.dma_semaphore, #tpu.memory_space<semaphore_mem>>)
      %dma_wait3A = arith.constant 0 : i32
      %dma_wait3A_81 = arith.constant 0 : i32
      %dma_wait3A_82 = tpu.memref_slice %arg6[%dma_wait3A, %dma_wait3A_81] : memref<640x64xf32, #tpu.memory_space<vmem>> -> memref<128x64xf32, #tpu.memory_space<vmem>>
      %dma_wait3A_83 = arith.constant 0 : i32
      %dma_wait3A_84 = tpu.memref_slice %arg5[%add3A_20, %dma_wait3A_83] : memref<80x128xi32, #tpu.memory_space<vmem>> -> memref<1x128xi32, #tpu.memory_space<vmem>>
      %dma_wait3A_85 = tpu.memref_squeeze %dma_wait3A_84 : memref<1x128xi32, #tpu.memory_space<vmem>> -> memref<128xi32, #tpu.memory_space<vmem>>
      %dma_wait3A_86 = arith.constant 0 : i32
      %dma_wait3A_87 = arith.constant 0 : i32
      %dma_wait3A_88 = tpu.memref_slice %arg2[%dma_wait3A_86, %dma_wait3A_87] : memref<16384x64xf32, #tpu.memory_space<hbm>> -> memref<16384x64xf32, #tpu.memory_space<hbm>>
      tpu.wait_indirect_dma semaphore(%arg8 : memref<!tpu.dma_semaphore, #tpu.memory_space<semaphore_mem>>) src(%dma_wait3A_88 : memref<16384x64xf32, #tpu.memory_space<hbm>>) dst(%dma_wait3A_82 : memref<128x64xf32, #tpu.memory_space<vmem>>)
      %dma_wait3A_89 = arith.constant 128 : i32
      %dma_wait3A_90 = arith.constant 0 : i32
      %dma_wait3A_91 = tpu.memref_slice %arg6[%dma_wait3A_89, %dma_wait3A_90] : memref<640x64xf32, #tpu.memory_space<vmem>> -> memref<128x64xf32, #tpu.memory_space<vmem>>
      %dma_wait3A_92 = arith.constant 0 : i32
      %dma_wait3A_93 = tpu.memref_slice %arg5[%add3A_32, %dma_wait3A_92] : memref<80x128xi32, #tpu.memory_space<vmem>> -> memref<1x128xi32, #tpu.memory_space<vmem>>
      %dma_wait3A_94 = tpu.memref_squeeze %dma_wait3A_93 : memref<1x128xi32, #tpu.memory_space<vmem>> -> memref<128xi32, #tpu.memory_space<vmem>>
      %dma_wait3A_95 = arith.constant 0 : i32
      %dma_wait3A_96 = arith.constant 0 : i32
      %dma_wait3A_97 = tpu.memref_slice %arg2[%dma_wait3A_95, %dma_wait3A_96] : memref<16384x64xf32, #tpu.memory_space<hbm>> -> memref<16384x64xf32, #tpu.memory_space<hbm>>
      tpu.wait_indirect_dma semaphore(%arg8 : memref<!tpu.dma_semaphore, #tpu.memory_space<semaphore_mem>>) src(%dma_wait3A_97 : memref<16384x64xf32, #tpu.memory_space<hbm>>) dst(%dma_wait3A_91 : memref<128x64xf32, #tpu.memory_space<vmem>>)
      %dma_wait3A_98 = arith.constant 256 : i32
      %dma_wait3A_99 = arith.constant 0 : i32
      %dma_wait3A_100 = tpu.memref_slice %arg6[%dma_wait3A_98, %dma_wait3A_99] : memref<640x64xf32, #tpu.memory_space<vmem>> -> memref<128x64xf32, #tpu.memory_space<vmem>>
      %dma_wait3A_101 = arith.constant 0 : i32
      %dma_wait3A_102 = tpu.memref_slice %arg5[%add3A_45, %dma_wait3A_101] : memref<80x128xi32, #tpu.memory_space<vmem>> -> memref<1x128xi32, #tpu.memory_space<vmem>>
      %dma_wait3A_103 = tpu.memref_squeeze %dma_wait3A_102 : memref<1x128xi32, #tpu.memory_space<vmem>> -> memref<128xi32, #tpu.memory_space<vmem>>
      %dma_wait3A_104 = arith.constant 0 : i32
      %dma_wait3A_105 = arith.constant 0 : i32
      %dma_wait3A_106 = tpu.memref_slice %arg2[%dma_wait3A_104, %dma_wait3A_105] : memref<16384x64xf32, #tpu.memory_space<hbm>> -> memref<16384x64xf32, #tpu.memory_space<hbm>>
      tpu.wait_indirect_dma semaphore(%arg8 : memref<!tpu.dma_semaphore, #tpu.memory_space<semaphore_mem>>) src(%dma_wait3A_106 : memref<16384x64xf32, #tpu.memory_space<hbm>>) dst(%dma_wait3A_100 : memref<128x64xf32, #tpu.memory_space<vmem>>)
      %dma_wait3A_107 = arith.constant 384 : i32
      %dma_wait3A_108 = arith.constant 0 : i32
      %dma_wait3A_109 = tpu.memref_slice %arg6[%dma_wait3A_107, %dma_wait3A_108] : memref<640x64xf32, #tpu.memory_space<vmem>> -> memref<128x64xf32, #tpu.memory_space<vmem>>
      %dma_wait3A_110 = arith.constant 0 : i32
      %dma_wait3A_111 = tpu.memref_slice %arg5[%add3A_58, %dma_wait3A_110] : memref<80x128xi32, #tpu.memory_space<vmem>> -> memref<1x128xi32, #tpu.memory_space<vmem>>
      %dma_wait3A_112 = tpu.memref_squeeze %dma_wait3A_111 : memref<1x128xi32, #tpu.memory_space<vmem>> -> memref<128xi32, #tpu.memory_space<vmem>>
      %dma_wait3A_113 = arith.constant 0 : i32
      %dma_wait3A_114 = arith.constant 0 : i32
      %dma_wait3A_115 = tpu.memref_slice %arg2[%dma_wait3A_113, %dma_wait3A_114] : memref<16384x64xf32, #tpu.memory_space<hbm>> -> memref<16384x64xf32, #tpu.memory_space<hbm>>
      tpu.wait_indirect_dma semaphore(%arg8 : memref<!tpu.dma_semaphore, #tpu.memory_space<semaphore_mem>>) src(%dma_wait3A_115 : memref<16384x64xf32, #tpu.memory_space<hbm>>) dst(%dma_wait3A_109 : memref<128x64xf32, #tpu.memory_space<vmem>>)
      %dma_wait3A_116 = arith.constant 512 : i32
      %dma_wait3A_117 = arith.constant 0 : i32
      %dma_wait3A_118 = tpu.memref_slice %arg6[%dma_wait3A_116, %dma_wait3A_117] : memref<640x64xf32, #tpu.memory_space<vmem>> -> memref<128x64xf32, #tpu.memory_space<vmem>>
      %dma_wait3A_119 = arith.constant 0 : i32
      %dma_wait3A_120 = tpu.memref_slice %arg5[%add3A_71, %dma_wait3A_119] : memref<80x128xi32, #tpu.memory_space<vmem>> -> memref<1x128xi32, #tpu.memory_space<vmem>>
      %dma_wait3A_121 = tpu.memref_squeeze %dma_wait3A_120 : memref<1x128xi32, #tpu.memory_space<vmem>> -> memref<128xi32, #tpu.memory_space<vmem>>
      %dma_wait3A_122 = arith.constant 0 : i32
      %dma_wait3A_123 = arith.constant 0 : i32
      %dma_wait3A_124 = tpu.memref_slice %arg2[%dma_wait3A_122, %dma_wait3A_123] : memref<16384x64xf32, #tpu.memory_space<hbm>> -> memref<16384x64xf32, #tpu.memory_space<hbm>>
      tpu.wait_indirect_dma semaphore(%arg8 : memref<!tpu.dma_semaphore, #tpu.memory_space<semaphore_mem>>) src(%dma_wait3A_124 : memref<16384x64xf32, #tpu.memory_space<hbm>>) dst(%dma_wait3A_118 : memref<128x64xf32, #tpu.memory_space<vmem>>)
      %scan3A_125 = arith.constant 0 : i32
      %scan3A_126 = arith.constant 32 : i32
      %scan3A_127 = arith.addi %scan3A_125, %scan3A_126 : i32
      %scan3A_128 = arith.constant 1 : i32
      scf.for %scan3A_130 = %scan3A_125 to %scan3A_127 step %scan3A_128  : i32 {
        %mul3A_131 = arith.constant 1 : i32
        %mul3A_132 = arith.muli %scan3A_130, %mul3A_131 : i32
        %add3A_133 = arith.constant 0 : i32
        %add3A_134 = arith.addi %add3A_133, %mul3A_132 : i32
        %mul3A_135 = arith.constant 20 : i32
        %mul3A_136 = arith.muli %add3A_134, %mul3A_135 : i32
        %get3A = arith.index_cast %mul3A_136 : i32 to index
        %get3A_137 = arith.constant 0 : index
        %get3A_138 = tpu.vector_load %arg6[%get3A, %get3A_137] {strides = array<i32>} : memref<640x64xf32, #tpu.memory_space<vmem>>, vector<1x16xf32>,
        %get3A_139 = vector.shape_cast %get3A_138 : vector<1x16xf32> to vector<16xf32>
        %mul3A_140 = arith.constant 20 : i32
        %mul3A_141 = arith.muli %add3A_134, %mul3A_140 : i32
        %add3A_142 = arith.constant 1 : i32
        %add3A_143 = arith.addi %mul3A_141, %add3A_142 : i32
        %get3A_144 = arith.index_cast %add3A_143 : i32 to index
        %get3A_145 = arith.constant 0 : index
        %get3A_146 = tpu.vector_load %arg6[%get3A_144, %get3A_145] {strides = array<i32>} : memref<640x64xf32, #tpu.memory_space<vmem>>, vector<1x16xf32>,
        %get3A_147 = vector.shape_cast %get3A_146 : vector<1x16xf32> to vector<16xf32>
        %max3A = arith.maximumf %get3A_139, %get3A_147 : vector<16xf32>
        %mul3A_148 = arith.constant 20 : i32
        %mul3A_149 = arith.muli %add3A_134, %mul3A_148 : i32
        %add3A_150 = arith.constant 2 : i32
        %add3A_151 = arith.addi %mul3A_149, %add3A_150 : i32
        %get3A_152 = arith.index_cast %add3A_151 : i32 to index
        %get3A_153 = arith.constant 0 : index
        %get3A_154 = tpu.vector_load %arg6[%get3A_152, %get3A_153] {strides = array<i32>} : memref<640x64xf32, #tpu.memory_space<vmem>>, vector<1x16xf32>,
        %get3A_155 = vector.shape_cast %get3A_154 : vector<1x16xf32> to vector<16xf32>
        %max3A_156 = arith.maximumf %max3A, %get3A_155 : vector<16xf32>
        %mul3A_157 = arith.constant 20 : i32
        %mul3A_158 = arith.muli %add3A_134, %mul3A_157 : i32
        %add3A_159 = arith.constant 3 : i32
        %add3A_160 = arith.addi %mul3A_158, %add3A_159 : i32
        %get3A_161 = arith.index_cast %add3A_160 : i32 to index
        %get3A_162 = arith.constant 0 : index
        %get3A_163 = tpu.vector_load %arg6[%get3A_161, %get3A_162] {strides = array<i32>} : memref<640x64xf32, #tpu.memory_space<vmem>>, vector<1x16xf32>,
        %get3A_164 = vector.shape_cast %get3A_163 : vector<1x16xf32> to vector<16xf32>
        %max3A_165 = arith.maximumf %max3A_156, %get3A_164 : vector<16xf32>
        %mul3A_166 = arith.constant 20 : i32
        %mul3A_167 = arith.muli %add3A_134, %mul3A_166 : i32
        %add3A_168 = arith.constant 4 : i32
        %add3A_169 = arith.addi %mul3A_167, %add3A_168 : i32
        %get3A_170 = arith.index_cast %add3A_169 : i32 to index
        %get3A_171 = arith.constant 0 : index
        %get3A_172 = tpu.vector_load %arg6[%get3A_170, %get3A_171] {strides = array<i32>} : memref<640x64xf32, #tpu.memory_space<vmem>>, vector<1x16xf32>,
        %get3A_173 = vector.shape_cast %get3A_172 : vector<1x16xf32> to vector<16xf32>
        %max3A_174 = arith.maximumf %max3A_165, %get3A_173 : vector<16xf32>
        %mul3A_175 = arith.constant 20 : i32
        %mul3A_176 = arith.muli %add3A_134, %mul3A_175 : i32
        %add3A_177 = arith.constant 5 : i32
        %add3A_178 = arith.addi %mul3A_176, %add3A_177 : i32
        %get3A_179 = arith.index_cast %add3A_178 : i32 to index
        %get3A_180 = arith.constant 0 : index
        %get3A_181 = tpu.vector_load %arg6[%get3A_179, %get3A_180] {strides = array<i32>} : memref<640x64xf32, #tpu.memory_space<vmem>>, vector<1x16xf32>,
        %get3A_182 = vector.shape_cast %get3A_181 : vector<1x16xf32> to vector<16xf32>
        %max3A_183 = arith.maximumf %max3A_174, %get3A_182 : vector<16xf32>
        %mul3A_184 = arith.constant 20 : i32
        %mul3A_185 = arith.muli %add3A_134, %mul3A_184 : i32
        %add3A_186 = arith.constant 6 : i32
        %add3A_187 = arith.addi %mul3A_185, %add3A_186 : i32
        %get3A_188 = arith.index_cast %add3A_187 : i32 to index
        %get3A_189 = arith.constant 0 : index
        %get3A_190 = tpu.vector_load %arg6[%get3A_188, %get3A_189] {strides = array<i32>} : memref<640x64xf32, #tpu.memory_space<vmem>>, vector<1x16xf32>,
        %get3A_191 = vector.shape_cast %get3A_190 : vector<1x16xf32> to vector<16xf32>
        %max3A_192 = arith.maximumf %max3A_183, %get3A_191 : vector<16xf32>
        %mul3A_193 = arith.constant 20 : i32
        %mul3A_194 = arith.muli %add3A_134, %mul3A_193 : i32
        %add3A_195 = arith.constant 7 : i32
        %add3A_196 = arith.addi %mul3A_194, %add3A_195 : i32
        %get3A_197 = arith.index_cast %add3A_196 : i32 to index
        %get3A_198 = arith.constant 0 : index
        %get3A_199 = tpu.vector_load %arg6[%get3A_197, %get3A_198] {strides = array<i32>} : memref<640x64xf32, #tpu.memory_space<vmem>>, vector<1x16xf32>,
        %get3A_200 = vector.shape_cast %get3A_199 : vector<1x16xf32> to vector<16xf32>
        %max3A_201 = arith.maximumf %max3A_192, %get3A_200 : vector<16xf32>
        %mul3A_202 = arith.constant 20 : i32
        %mul3A_203 = arith.muli %add3A_134, %mul3A_202 : i32
        %add3A_204 = arith.constant 8 : i32
        %add3A_205 = arith.addi %mul3A_203, %add3A_204 : i32
        %get3A_206 = arith.index_cast %add3A_205 : i32 to index
        %get3A_207 = arith.constant 0 : index
        %get3A_208 = tpu.vector_load %arg6[%get3A_206, %get3A_207] {strides = array<i32>} : memref<640x64xf32, #tpu.memory_space<vmem>>, vector<1x16xf32>,
        %get3A_209 = vector.shape_cast %get3A_208 : vector<1x16xf32> to vector<16xf32>
        %max3A_210 = arith.maximumf %max3A_201, %get3A_209 : vector<16xf32>
        %mul3A_211 = arith.constant 20 : i32
        %mul3A_212 = arith.muli %add3A_134, %mul3A_211 : i32
        %add3A_213 = arith.constant 9 : i32
        %add3A_214 = arith.addi %mul3A_212, %add3A_213 : i32
        %get3A_215 = arith.index_cast %add3A_214 : i32 to index
        %get3A_216 = arith.constant 0 : index
        %get3A_217 = tpu.vector_load %arg6[%get3A_215, %get3A_216] {strides = array<i32>} : memref<640x64xf32, #tpu.memory_space<vmem>>, vector<1x16xf32>,
        %get3A_218 = vector.shape_cast %get3A_217 : vector<1x16xf32> to vector<16xf32>
        %max3A_219 = arith.maximumf %max3A_210, %get3A_218 : vector<16xf32>
        %mul3A_220 = arith.constant 20 : i32
        %mul3A_221 = arith.muli %add3A_134, %mul3A_220 : i32
        %add3A_222 = arith.constant 10 : i32
        %add3A_223 = arith.addi %mul3A_221, %add3A_222 : i32
        %get3A_224 = arith.index_cast %add3A_223 : i32 to index
        %get3A_225 = arith.constant 0 : index
        %get3A_226 = tpu.vector_load %arg6[%get3A_224, %get3A_225] {strides = array<i32>} : memref<640x64xf32, #tpu.memory_space<vmem>>, vector<1x16xf32>,
        %get3A_227 = vector.shape_cast %get3A_226 : vector<1x16xf32> to vector<16xf32>
        %max3A_228 = arith.maximumf %max3A_219, %get3A_227 : vector<16xf32>
        %mul3A_229 = arith.constant 20 : i32
        %mul3A_230 = arith.muli %add3A_134, %mul3A_229 : i32
        %add3A_231 = arith.constant 11 : i32
        %add3A_232 = arith.addi %mul3A_230, %add3A_231 : i32
        %get3A_233 = arith.index_cast %add3A_232 : i32 to index
        %get3A_234 = arith.constant 0 : index
        %get3A_235 = tpu.vector_load %arg6[%get3A_233, %get3A_234] {strides = array<i32>} : memref<640x64xf32, #tpu.memory_space<vmem>>, vector<1x16xf32>,
        %get3A_236 = vector.shape_cast %get3A_235 : vector<1x16xf32> to vector<16xf32>
        %max3A_237 = arith.maximumf %max3A_228, %get3A_236 : vector<16xf32>
        %mul3A_238 = arith.constant 20 : i32
        %mul3A_239 = arith.muli %add3A_134, %mul3A_238 : i32
        %add3A_240 = arith.constant 12 : i32
        %add3A_241 = arith.addi %mul3A_239, %add3A_240 : i32
        %get3A_242 = arith.index_cast %add3A_241 : i32 to index
        %get3A_243 = arith.constant 0 : index
        %get3A_244 = tpu.vector_load %arg6[%get3A_242, %get3A_243] {strides = array<i32>} : memref<640x64xf32, #tpu.memory_space<vmem>>, vector<1x16xf32>,
        %get3A_245 = vector.shape_cast %get3A_244 : vector<1x16xf32> to vector<16xf32>
        %max3A_246 = arith.maximumf %max3A_237, %get3A_245 : vector<16xf32>
        %mul3A_247 = arith.constant 20 : i32
        %mul3A_248 = arith.muli %add3A_134, %mul3A_247 : i32
        %add3A_249 = arith.constant 13 : i32
        %add3A_250 = arith.addi %mul3A_248, %add3A_249 : i32
        %get3A_251 = arith.index_cast %add3A_250 : i32 to index
        %get3A_252 = arith.constant 0 : index
        %get3A_253 = tpu.vector_load %arg6[%get3A_251, %get3A_252] {strides = array<i32>} : memref<640x64xf32, #tpu.memory_space<vmem>>, vector<1x16xf32>,
        %get3A_254 = vector.shape_cast %get3A_253 : vector<1x16xf32> to vector<16xf32>
        %max3A_255 = arith.maximumf %max3A_246, %get3A_254 : vector<16xf32>
        %mul3A_256 = arith.constant 20 : i32
        %mul3A_257 = arith.muli %add3A_134, %mul3A_256 : i32
        %add3A_258 = arith.constant 14 : i32
        %add3A_259 = arith.addi %mul3A_257, %add3A_258 : i32
        %get3A_260 = arith.index_cast %add3A_259 : i32 to index
        %get3A_261 = arith.constant 0 : index
        %get3A_262 = tpu.vector_load %arg6[%get3A_260, %get3A_261] {strides = array<i32>} : memref<640x64xf32, #tpu.memory_space<vmem>>, vector<1x16xf32>,
        %get3A_263 = vector.shape_cast %get3A_262 : vector<1x16xf32> to vector<16xf32>
        %max3A_264 = arith.maximumf %max3A_255, %get3A_263 : vector<16xf32>
        %mul3A_265 = arith.constant 20 : i32
        %mul3A_266 = arith.muli %add3A_134, %mul3A_265 : i32
        %add3A_267 = arith.constant 15 : i32
        %add3A_268 = arith.addi %mul3A_266, %add3A_267 : i32
        %get3A_269 = arith.index_cast %add3A_268 : i32 to index
        %get3A_270 = arith.constant 0 : index
        %get3A_271 = tpu.vector_load %arg6[%get3A_269, %get3A_270] {strides = array<i32>} : memref<640x64xf32, #tpu.memory_space<vmem>>, vector<1x16xf32>,
        %get3A_272 = vector.shape_cast %get3A_271 : vector<1x16xf32> to vector<16xf32>
        %max3A_273 = arith.maximumf %max3A_264, %get3A_272 : vector<16xf32>
        %mul3A_274 = arith.constant 20 : i32
        %mul3A_275 = arith.muli %add3A_134, %mul3A_274 : i32
        %add3A_276 = arith.constant 16 : i32
        %add3A_277 = arith.addi %mul3A_275, %add3A_276 : i32
        %get3A_278 = arith.index_cast %add3A_277 : i32 to index
        %get3A_279 = arith.constant 0 : index
        %get3A_280 = tpu.vector_load %arg6[%get3A_278, %get3A_279] {strides = array<i32>} : memref<640x64xf32, #tpu.memory_space<vmem>>, vector<1x16xf32>,
        %get3A_281 = vector.shape_cast %get3A_280 : vector<1x16xf32> to vector<16xf32>
        %max3A_282 = arith.maximumf %max3A_273, %get3A_281 : vector<16xf32>
        %mul3A_283 = arith.constant 20 : i32
        %mul3A_284 = arith.muli %add3A_134, %mul3A_283 : i32
        %add3A_285 = arith.constant 17 : i32
        %add3A_286 = arith.addi %mul3A_284, %add3A_285 : i32
        %get3A_287 = arith.index_cast %add3A_286 : i32 to index
        %get3A_288 = arith.constant 0 : index
        %get3A_289 = tpu.vector_load %arg6[%get3A_287, %get3A_288] {strides = array<i32>} : memref<640x64xf32, #tpu.memory_space<vmem>>, vector<1x16xf32>,
        %get3A_290 = vector.shape_cast %get3A_289 : vector<1x16xf32> to vector<16xf32>
        %max3A_291 = arith.maximumf %max3A_282, %get3A_290 : vector<16xf32>
        %mul3A_292 = arith.constant 20 : i32
        %mul3A_293 = arith.muli %add3A_134, %mul3A_292 : i32
        %add3A_294 = arith.constant 18 : i32
        %add3A_295 = arith.addi %mul3A_293, %add3A_294 : i32
        %get3A_296 = arith.index_cast %add3A_295 : i32 to index
        %get3A_297 = arith.constant 0 : index
        %get3A_298 = tpu.vector_load %arg6[%get3A_296, %get3A_297] {strides = array<i32>} : memref<640x64xf32, #tpu.memory_space<vmem>>, vector<1x16xf32>,
        %get3A_299 = vector.shape_cast %get3A_298 : vector<1x16xf32> to vector<16xf32>
        %max3A_300 = arith.maximumf %max3A_291, %get3A_299 : vector<16xf32>
        %mul3A_301 = arith.constant 20 : i32
        %mul3A_302 = arith.muli %add3A_134, %mul3A_301 : i32
        %add3A_303 = arith.constant 19 : i32
        %add3A_304 = arith.addi %mul3A_302, %add3A_303 : i32
        %get3A_305 = arith.index_cast %add3A_304 : i32 to index
        %get3A_306 = arith.constant 0 : index
        %get3A_307 = tpu.vector_load %arg6[%get3A_305, %get3A_306] {strides = array<i32>} : memref<640x64xf32, #tpu.memory_space<vmem>>, vector<1x16xf32>,
        %get3A_308 = vector.shape_cast %get3A_307 : vector<1x16xf32> to vector<16xf32>
        %max3A_309 = arith.maximumf %max3A_300, %get3A_308 : vector<16xf32>
        %swap3A = arith.index_cast %add3A_134 : i32 to index
        %swap3A_310 = arith.constant 0 : index
        %swap3A_311 = tpu.vector_load %arg7[%swap3A, %swap3A_310] {strides = array<i32>} : memref<32x64xf32, #tpu.memory_space<vmem>>, vector<1x16xf32>,
        %swap3A_312 = vector.shape_cast %swap3A_311 : vector<1x16xf32> to vector<16xf32>
        %swap3A_313 = vector.shape_cast %max3A_309 : vector<16xf32> to vector<1x16xf32>
        tpu.vector_store %arg7[%swap3A, %swap3A_310], %swap3A_313 {strides = array<i32>} : memref<32x64xf32, #tpu.memory_space<vmem>>, vector<1x16xf32>,
        %mul3A_314 = arith.constant 20 : i32
        %mul3A_315 = arith.muli %add3A_134, %mul3A_314 : i32
        %get3A_316 = arith.index_cast %mul3A_315 : i32 to index
        %get3A_317 = arith.constant 16 : index
        %get3A_318 = tpu.vector_load %arg6[%get3A_316, %get3A_317] {strides = array<i32>} : memref<640x64xf32, #tpu.memory_space<vmem>>, vector<1x16xf32>,
        %get3A_319 = vector.shape_cast %get3A_318 : vector<1x16xf32> to vector<16xf32>
        %mul3A_320 = arith.constant 20 : i32
        %mul3A_321 = arith.muli %add3A_134, %mul3A_320 : i32
        %add3A_322 = arith.constant 1 : i32
        %add3A_323 = arith.addi %mul3A_321, %add3A_322 : i32
        %get3A_324 = arith.index_cast %add3A_323 : i32 to index
        %get3A_325 = arith.constant 16 : index
        %get3A_326 = tpu.vector_load %arg6[%get3A_324, %get3A_325] {strides = array<i32>} : memref<640x64xf32, #tpu.memory_space<vmem>>, vector<1x16xf32>,
        %get3A_327 = vector.shape_cast %get3A_326 : vector<1x16xf32> to vector<16xf32>
        %max3A_328 = arith.maximumf %get3A_319, %get3A_327 : vector<16xf32>
        %mul3A_329 = arith.constant 20 : i32
        %mul3A_330 = arith.muli %add3A_134, %mul3A_329 : i32
        %add3A_331 = arith.constant 2 : i32
        %add3A_332 = arith.addi %mul3A_330, %add3A_331 : i32
        %get3A_333 = arith.index_cast %add3A_332 : i32 to index
        %get3A_334 = arith.constant 16 : index
        %get3A_335 = tpu.vector_load %arg6[%get3A_333, %get3A_334] {strides = array<i32>} : memref<640x64xf32, #tpu.memory_space<vmem>>, vector<1x16xf32>,
        %get3A_336 = vector.shape_cast %get3A_335 : vector<1x16xf32> to vector<16xf32>
        %max3A_337 = arith.maximumf %max3A_328, %get3A_336 : vector<16xf32>
        %mul3A_338 = arith.constant 20 : i32
        %mul3A_339 = arith.muli %add3A_134, %mul3A_338 : i32
        %add3A_340 = arith.constant 3 : i32
        %add3A_341 = arith.addi %mul3A_339, %add3A_340 : i32
        %get3A_342 = arith.index_cast %add3A_341 : i32 to index
        %get3A_343 = arith.constant 16 : index
        %get3A_344 = tpu.vector_load %arg6[%get3A_342, %get3A_343] {strides = array<i32>} : memref<640x64xf32, #tpu.memory_space<vmem>>, vector<1x16xf32>,
        %get3A_345 = vector.shape_cast %get3A_344 : vector<1x16xf32> to vector<16xf32>
        %max3A_346 = arith.maximumf %max3A_337, %get3A_345 : vector<16xf32>
        %mul3A_347 = arith.constant 20 : i32
        %mul3A_348 = arith.muli %add3A_134, %mul3A_347 : i32
        %add3A_349 = arith.constant 4 : i32
        %add3A_350 = arith.addi %mul3A_348, %add3A_349 : i32
        %get3A_351 = arith.index_cast %add3A_350 : i32 to index
        %get3A_352 = arith.constant 16 : index
        %get3A_353 = tpu.vector_load %arg6[%get3A_351, %get3A_352] {strides = array<i32>} : memref<640x64xf32, #tpu.memory_space<vmem>>, vector<1x16xf32>,
        %get3A_354 = vector.shape_cast %get3A_353 : vector<1x16xf32> to vector<16xf32>
        %max3A_355 = arith.maximumf %max3A_346, %get3A_354 : vector<16xf32>
        %mul3A_356 = arith.constant 20 : i32
        %mul3A_357 = arith.muli %add3A_134, %mul3A_356 : i32
        %add3A_358 = arith.constant 5 : i32
        %add3A_359 = arith.addi %mul3A_357, %add3A_358 : i32
        %get3A_360 = arith.index_cast %add3A_359 : i32 to index
        %get3A_361 = arith.constant 16 : index
        %get3A_362 = tpu.vector_load %arg6[%get3A_360, %get3A_361] {strides = array<i32>} : memref<640x64xf32, #tpu.memory_space<vmem>>, vector<1x16xf32>,
        %get3A_363 = vector.shape_cast %get3A_362 : vector<1x16xf32> to vector<16xf32>
        %max3A_364 = arith.maximumf %max3A_355, %get3A_363 : vector<16xf32>
        %mul3A_365 = arith.constant 20 : i32
        %mul3A_366 = arith.muli %add3A_134, %mul3A_365 : i32
        %add3A_367 = arith.constant 6 : i32
        %add3A_368 = arith.addi %mul3A_366, %add3A_367 : i32
        %get3A_369 = arith.index_cast %add3A_368 : i32 to index
        %get3A_370 = arith.constant 16 : index
        %get3A_371 = tpu.vector_load %arg6[%get3A_369, %get3A_370] {strides = array<i32>} : memref<640x64xf32, #tpu.memory_space<vmem>>, vector<1x16xf32>,
        %get3A_372 = vector.shape_cast %get3A_371 : vector<1x16xf32> to vector<16xf32>
        %max3A_373 = arith.maximumf %max3A_364, %get3A_372 : vector<16xf32>
        %mul3A_374 = arith.constant 20 : i32
        %mul3A_375 = arith.muli %add3A_134, %mul3A_374 : i32
        %add3A_376 = arith.constant 7 : i32
        %add3A_377 = arith.addi %mul3A_375, %add3A_376 : i32
        %get3A_378 = arith.index_cast %add3A_377 : i32 to index
        %get3A_379 = arith.constant 16 : index
        %get3A_380 = tpu.vector_load %arg6[%get3A_378, %get3A_379] {strides = array<i32>} : memref<640x64xf32, #tpu.memory_space<vmem>>, vector<1x16xf32>,
        %get3A_381 = vector.shape_cast %get3A_380 : vector<1x16xf32> to vector<16xf32>
        %max3A_382 = arith.maximumf %max3A_373, %get3A_381 : vector<16xf32>
        %mul3A_383 = arith.constant 20 : i32
        %mul3A_384 = arith.muli %add3A_134, %mul3A_383 : i32
        %add3A_385 = arith.constant 8 : i32
        %add3A_386 = arith.addi %mul3A_384, %add3A_385 : i32
        %get3A_387 = arith.index_cast %add3A_386 : i32 to index
        %get3A_388 = arith.constant 16 : index
        %get3A_389 = tpu.vector_load %arg6[%get3A_387, %get3A_388] {strides = array<i32>} : memref<640x64xf32, #tpu.memory_space<vmem>>, vector<1x16xf32>,
        %get3A_390 = vector.shape_cast %get3A_389 : vector<1x16xf32> to vector<16xf32>
        %max3A_391 = arith.maximumf %max3A_382, %get3A_390 : vector<16xf32>
        %mul3A_392 = arith.constant 20 : i32
        %mul3A_393 = arith.muli %add3A_134, %mul3A_392 : i32
        %add3A_394 = arith.constant 9 : i32
        %add3A_395 = arith.addi %mul3A_393, %add3A_394 : i32
        %get3A_396 = arith.index_cast %add3A_395 : i32 to index
        %get3A_397 = arith.constant 16 : index
        %get3A_398 = tpu.vector_load %arg6[%get3A_396, %get3A_397] {strides = array<i32>} : memref<640x64xf32, #tpu.memory_space<vmem>>, vector<1x16xf32>,
        %get3A_399 = vector.shape_cast %get3A_398 : vector<1x16xf32> to vector<16xf32>
        %max3A_400 = arith.maximumf %max3A_391, %get3A_399 : vector<16xf32>
        %mul3A_401 = arith.constant 20 : i32
        %mul3A_402 = arith.muli %add3A_134, %mul3A_401 : i32
        %add3A_403 = arith.constant 10 : i32
        %add3A_404 = arith.addi %mul3A_402, %add3A_403 : i32
        %get3A_405 = arith.index_cast %add3A_404 : i32 to index
        %get3A_406 = arith.constant 16 : index
        %get3A_407 = tpu.vector_load %arg6[%get3A_405, %get3A_406] {strides = array<i32>} : memref<640x64xf32, #tpu.memory_space<vmem>>, vector<1x16xf32>,
        %get3A_408 = vector.shape_cast %get3A_407 : vector<1x16xf32> to vector<16xf32>
        %max3A_409 = arith.maximumf %max3A_400, %get3A_408 : vector<16xf32>
        %mul3A_410 = arith.constant 20 : i32
        %mul3A_411 = arith.muli %add3A_134, %mul3A_410 : i32
        %add3A_412 = arith.constant 11 : i32
        %add3A_413 = arith.addi %mul3A_411, %add3A_412 : i32
        %get3A_414 = arith.index_cast %add3A_413 : i32 to index
        %get3A_415 = arith.constant 16 : index
        %get3A_416 = tpu.vector_load %arg6[%get3A_414, %get3A_415] {strides = array<i32>} : memref<640x64xf32, #tpu.memory_space<vmem>>, vector<1x16xf32>,
        %get3A_417 = vector.shape_cast %get3A_416 : vector<1x16xf32> to vector<16xf32>
        %max3A_418 = arith.maximumf %max3A_409, %get3A_417 : vector<16xf32>
        %mul3A_419 = arith.constant 20 : i32
        %mul3A_420 = arith.muli %add3A_134, %mul3A_419 : i32
        %add3A_421 = arith.constant 12 : i32
        %add3A_422 = arith.addi %mul3A_420, %add3A_421 : i32
        %get3A_423 = arith.index_cast %add3A_422 : i32 to index
        %get3A_424 = arith.constant 16 : index
        %get3A_425 = tpu.vector_load %arg6[%get3A_423, %get3A_424] {strides = array<i32>} : memref<640x64xf32, #tpu.memory_space<vmem>>, vector<1x16xf32>,
        %get3A_426 = vector.shape_cast %get3A_425 : vector<1x16xf32> to vector<16xf32>
        %max3A_427 = arith.maximumf %max3A_418, %get3A_426 : vector<16xf32>
        %mul3A_428 = arith.constant 20 : i32
        %mul3A_429 = arith.muli %add3A_134, %mul3A_428 : i32
        %add3A_430 = arith.constant 13 : i32
        %add3A_431 = arith.addi %mul3A_429, %add3A_430 : i32
        %get3A_432 = arith.index_cast %add3A_431 : i32 to index
        %get3A_433 = arith.constant 16 : index
        %get3A_434 = tpu.vector_load %arg6[%get3A_432, %get3A_433] {strides = array<i32>} : memref<640x64xf32, #tpu.memory_space<vmem>>, vector<1x16xf32>,
        %get3A_435 = vector.shape_cast %get3A_434 : vector<1x16xf32> to vector<16xf32>
        %max3A_436 = arith.maximumf %max3A_427, %get3A_435 : vector<16xf32>
        %mul3A_437 = arith.constant 20 : i32
        %mul3A_438 = arith.muli %add3A_134, %mul3A_437 : i32
        %add3A_439 = arith.constant 14 : i32
        %add3A_440 = arith.addi %mul3A_438, %add3A_439 : i32
        %get3A_441 = arith.index_cast %add3A_440 : i32 to index
        %get3A_442 = arith.constant 16 : index
        %get3A_443 = tpu.vector_load %arg6[%get3A_441, %get3A_442] {strides = array<i32>} : memref<640x64xf32, #tpu.memory_space<vmem>>, vector<1x16xf32>,
        %get3A_444 = vector.shape_cast %get3A_443 : vector<1x16xf32> to vector<16xf32>
        %max3A_445 = arith.maximumf %max3A_436, %get3A_444 : vector<16xf32>
        %mul3A_446 = arith.constant 20 : i32
        %mul3A_447 = arith.muli %add3A_134, %mul3A_446 : i32
        %add3A_448 = arith.constant 15 : i32
        %add3A_449 = arith.addi %mul3A_447, %add3A_448 : i32
        %get3A_450 = arith.index_cast %add3A_449 : i32 to index
        %get3A_451 = arith.constant 16 : index
        %get3A_452 = tpu.vector_load %arg6[%get3A_450, %get3A_451] {strides = array<i32>} : memref<640x64xf32, #tpu.memory_space<vmem>>, vector<1x16xf32>,
        %get3A_453 = vector.shape_cast %get3A_452 : vector<1x16xf32> to vector<16xf32>
        %max3A_454 = arith.maximumf %max3A_445, %get3A_453 : vector<16xf32>
        %mul3A_455 = arith.constant 20 : i32
        %mul3A_456 = arith.muli %add3A_134, %mul3A_455 : i32
        %add3A_457 = arith.constant 16 : i32
        %add3A_458 = arith.addi %mul3A_456, %add3A_457 : i32
        %get3A_459 = arith.index_cast %add3A_458 : i32 to index
        %get3A_460 = arith.constant 16 : index
        %get3A_461 = tpu.vector_load %arg6[%get3A_459, %get3A_460] {strides = array<i32>} : memref<640x64xf32, #tpu.memory_space<vmem>>, vector<1x16xf32>,
        %get3A_462 = vector.shape_cast %get3A_461 : vector<1x16xf32> to vector<16xf32>
        %max3A_463 = arith.maximumf %max3A_454, %get3A_462 : vector<16xf32>
        %mul3A_464 = arith.constant 20 : i32
        %mul3A_465 = arith.muli %add3A_134, %mul3A_464 : i32
        %add3A_466 = arith.constant 17 : i32
        %add3A_467 = arith.addi %mul3A_465, %add3A_466 : i32
        %get3A_468 = arith.index_cast %add3A_467 : i32 to index
        %get3A_469 = arith.constant 16 : index
        %get3A_470 = tpu.vector_load %arg6[%get3A_468, %get3A_469] {strides = array<i32>} : memref<640x64xf32, #tpu.memory_space<vmem>>, vector<1x16xf32>,
        %get3A_471 = vector.shape_cast %get3A_470 : vector<1x16xf32> to vector<16xf32>
        %max3A_472 = arith.maximumf %max3A_463, %get3A_471 : vector<16xf32>
        %mul3A_473 = arith.constant 20 : i32
        %mul3A_474 = arith.muli %add3A_134, %mul3A_473 : i32
        %add3A_475 = arith.constant 18 : i32
        %add3A_476 = arith.addi %mul3A_474, %add3A_475 : i32
        %get3A_477 = arith.index_cast %add3A_476 : i32 to index
        %get3A_478 = arith.constant 16 : index
        %get3A_479 = tpu.vector_load %arg6[%get3A_477, %get3A_478] {strides = array<i32>} : memref<640x64xf32, #tpu.memory_space<vmem>>, vector<1x16xf32>,
        %get3A_480 = vector.shape_cast %get3A_479 : vector<1x16xf32> to vector<16xf32>
        %max3A_481 = arith.maximumf %max3A_472, %get3A_480 : vector<16xf32>
        %mul3A_482 = arith.constant 20 : i32
        %mul3A_483 = arith.muli %add3A_134, %mul3A_482 : i32
        %add3A_484 = arith.constant 19 : i32
        %add3A_485 = arith.addi %mul3A_483, %add3A_484 : i32
        %get3A_486 = arith.index_cast %add3A_485 : i32 to index
        %get3A_487 = arith.constant 16 : index
        %get3A_488 = tpu.vector_load %arg6[%get3A_486, %get3A_487] {strides = array<i32>} : memref<640x64xf32, #tpu.memory_space<vmem>>, vector<1x16xf32>,
        %get3A_489 = vector.shape_cast %get3A_488 : vector<1x16xf32> to vector<16xf32>
        %max3A_490 = arith.maximumf %max3A_481, %get3A_489 : vector<16xf32>
        %swap3A_491 = arith.index_cast %add3A_134 : i32 to index
        %swap3A_492 = arith.constant 16 : index
        %swap3A_493 = tpu.vector_load %arg7[%swap3A_491, %swap3A_492] {strides = array<i32>} : memref<32x64xf32, #tpu.memory_space<vmem>>, vector<1x16xf32>,
        %swap3A_494 = vector.shape_cast %swap3A_493 : vector<1x16xf32> to vector<16xf32>
        %swap3A_495 = vector.shape_cast %max3A_490 : vector<16xf32> to vector<1x16xf32>
        tpu.vector_store %arg7[%swap3A_491, %swap3A_492], %swap3A_495 {strides = array<i32>} : memref<32x64xf32, #tpu.memory_space<vmem>>, vector<1x16xf32>,
        %mul3A_496 = arith.constant 20 : i32
        %mul3A_497 = arith.muli %add3A_134, %mul3A_496 : i32
        %get3A_498 = arith.index_cast %mul3A_497 : i32 to index
        %get3A_499 = arith.constant 32 : index
        %get3A_500 = tpu.vector_load %arg6[%get3A_498, %get3A_499] {strides = array<i32>} : memref<640x64xf32, #tpu.memory_space<vmem>>, vector<1x16xf32>,
        %get3A_501 = vector.shape_cast %get3A_500 : vector<1x16xf32> to vector<16xf32>
        %mul3A_502 = arith.constant 20 : i32
        %mul3A_503 = arith.muli %add3A_134, %mul3A_502 : i32
        %add3A_504 = arith.constant 1 : i32
        %add3A_505 = arith.addi %mul3A_503, %add3A_504 : i32
        %get3A_506 = arith.index_cast %add3A_505 : i32 to index
        %get3A_507 = arith.constant 32 : index
        %get3A_508 = tpu.vector_load %arg6[%get3A_506, %get3A_507] {strides = array<i32>} : memref<640x64xf32, #tpu.memory_space<vmem>>, vector<1x16xf32>,
        %get3A_509 = vector.shape_cast %get3A_508 : vector<1x16xf32> to vector<16xf32>
        %max3A_510 = arith.maximumf %get3A_501, %get3A_509 : vector<16xf32>
        %mul3A_511 = arith.constant 20 : i32
        %mul3A_512 = arith.muli %add3A_134, %mul3A_511 : i32
        %add3A_513 = arith.constant 2 : i32
        %add3A_514 = arith.addi %mul3A_512, %add3A_513 : i32
        %get3A_515 = arith.index_cast %add3A_514 : i32 to index
        %get3A_516 = arith.constant 32 : index
        %get3A_517 = tpu.vector_load %arg6[%get3A_515, %get3A_516] {strides = array<i32>} : memref<640x64xf32, #tpu.memory_space<vmem>>, vector<1x16xf32>,
        %get3A_518 = vector.shape_cast %get3A_517 : vector<1x16xf32> to vector<16xf32>
        %max3A_519 = arith.maximumf %max3A_510, %get3A_518 : vector<16xf32>
        %mul3A_520 = arith.constant 20 : i32
        %mul3A_521 = arith.muli %add3A_134, %mul3A_520 : i32
        %add3A_522 = arith.constant 3 : i32
        %add3A_523 = arith.addi %mul3A_521, %add3A_522 : i32
        %get3A_524 = arith.index_cast %add3A_523 : i32 to index
        %get3A_525 = arith.constant 32 : index
        %get3A_526 = tpu.vector_load %arg6[%get3A_524, %get3A_525] {strides = array<i32>} : memref<640x64xf32, #tpu.memory_space<vmem>>, vector<1x16xf32>,
        %get3A_527 = vector.shape_cast %get3A_526 : vector<1x16xf32> to vector<16xf32>
        %max3A_528 = arith.maximumf %max3A_519, %get3A_527 : vector<16xf32>
        %mul3A_529 = arith.constant 20 : i32
        %mul3A_530 = arith.muli %add3A_134, %mul3A_529 : i32
        %add3A_531 = arith.constant 4 : i32
        %add3A_532 = arith.addi %mul3A_530, %add3A_531 : i32
        %get3A_533 = arith.index_cast %add3A_532 : i32 to index
        %get3A_534 = arith.constant 32 : index
        %get3A_535 = tpu.vector_load %arg6[%get3A_533, %get3A_534] {strides = array<i32>} : memref<640x64xf32, #tpu.memory_space<vmem>>, vector<1x16xf32>,
        %get3A_536 = vector.shape_cast %get3A_535 : vector<1x16xf32> to vector<16xf32>
        %max3A_537 = arith.maximumf %max3A_528, %get3A_536 : vector<16xf32>
        %mul3A_538 = arith.constant 20 : i32
        %mul3A_539 = arith.muli %add3A_134, %mul3A_538 : i32
        %add3A_540 = arith.constant 5 : i32
        %add3A_541 = arith.addi %mul3A_539, %add3A_540 : i32
        %get3A_542 = arith.index_cast %add3A_541 : i32 to index
        %get3A_543 = arith.constant 32 : index
        %get3A_544 = tpu.vector_load %arg6[%get3A_542, %get3A_543] {strides = array<i32>} : memref<640x64xf32, #tpu.memory_space<vmem>>, vector<1x16xf32>,
        %get3A_545 = vector.shape_cast %get3A_544 : vector<1x16xf32> to vector<16xf32>
        %max3A_546 = arith.maximumf %max3A_537, %get3A_545 : vector<16xf32>
        %mul3A_547 = arith.constant 20 : i32
        %mul3A_548 = arith.muli %add3A_134, %mul3A_547 : i32
        %add3A_549 = arith.constant 6 : i32
        %add3A_550 = arith.addi %mul3A_548, %add3A_549 : i32
        %get3A_551 = arith.index_cast %add3A_550 : i32 to index
        %get3A_552 = arith.constant 32 : index
        %get3A_553 = tpu.vector_load %arg6[%get3A_551, %get3A_552] {strides = array<i32>} : memref<640x64xf32, #tpu.memory_space<vmem>>, vector<1x16xf32>,
        %get3A_554 = vector.shape_cast %get3A_553 : vector<1x16xf32> to vector<16xf32>
        %max3A_555 = arith.maximumf %max3A_546, %get3A_554 : vector<16xf32>
        %mul3A_556 = arith.constant 20 : i32
        %mul3A_557 = arith.muli %add3A_134, %mul3A_556 : i32
        %add3A_558 = arith.constant 7 : i32
        %add3A_559 = arith.addi %mul3A_557, %add3A_558 : i32
        %get3A_560 = arith.index_cast %add3A_559 : i32 to index
        %get3A_561 = arith.constant 32 : index
        %get3A_562 = tpu.vector_load %arg6[%get3A_560, %get3A_561] {strides = array<i32>} : memref<640x64xf32, #tpu.memory_space<vmem>>, vector<1x16xf32>,
        %get3A_563 = vector.shape_cast %get3A_562 : vector<1x16xf32> to vector<16xf32>
        %max3A_564 = arith.maximumf %max3A_555, %get3A_563 : vector<16xf32>
        %mul3A_565 = arith.constant 20 : i32
        %mul3A_566 = arith.muli %add3A_134, %mul3A_565 : i32
        %add3A_567 = arith.constant 8 : i32
        %add3A_568 = arith.addi %mul3A_566, %add3A_567 : i32
        %get3A_569 = arith.index_cast %add3A_568 : i32 to index
        %get3A_570 = arith.constant 32 : index
        %get3A_571 = tpu.vector_load %arg6[%get3A_569, %get3A_570] {strides = array<i32>} : memref<640x64xf32, #tpu.memory_space<vmem>>, vector<1x16xf32>,
        %get3A_572 = vector.shape_cast %get3A_571 : vector<1x16xf32> to vector<16xf32>
        %max3A_573 = arith.maximumf %max3A_564, %get3A_572 : vector<16xf32>
        %mul3A_574 = arith.constant 20 : i32
        %mul3A_575 = arith.muli %add3A_134, %mul3A_574 : i32
        %add3A_576 = arith.constant 9 : i32
        %add3A_577 = arith.addi %mul3A_575, %add3A_576 : i32
        %get3A_578 = arith.index_cast %add3A_577 : i32 to index
        %get3A_579 = arith.constant 32 : index
        %get3A_580 = tpu.vector_load %arg6[%get3A_578, %get3A_579] {strides = array<i32>} : memref<640x64xf32, #tpu.memory_space<vmem>>, vector<1x16xf32>,
        %get3A_581 = vector.shape_cast %get3A_580 : vector<1x16xf32> to vector<16xf32>
        %max3A_582 = arith.maximumf %max3A_573, %get3A_581 : vector<16xf32>
        %mul3A_583 = arith.constant 20 : i32
        %mul3A_584 = arith.muli %add3A_134, %mul3A_583 : i32
        %add3A_585 = arith.constant 10 : i32
        %add3A_586 = arith.addi %mul3A_584, %add3A_585 : i32
        %get3A_587 = arith.index_cast %add3A_586 : i32 to index
        %get3A_588 = arith.constant 32 : index
        %get3A_589 = tpu.vector_load %arg6[%get3A_587, %get3A_588] {strides = array<i32>} : memref<640x64xf32, #tpu.memory_space<vmem>>, vector<1x16xf32>,
        %get3A_590 = vector.shape_cast %get3A_589 : vector<1x16xf32> to vector<16xf32>
        %max3A_591 = arith.maximumf %max3A_582, %get3A_590 : vector<16xf32>
        %mul3A_592 = arith.constant 20 : i32
        %mul3A_593 = arith.muli %add3A_134, %mul3A_592 : i32
        %add3A_594 = arith.constant 11 : i32
        %add3A_595 = arith.addi %mul3A_593, %add3A_594 : i32
        %get3A_596 = arith.index_cast %add3A_595 : i32 to index
        %get3A_597 = arith.constant 32 : index
        %get3A_598 = tpu.vector_load %arg6[%get3A_596, %get3A_597] {strides = array<i32>} : memref<640x64xf32, #tpu.memory_space<vmem>>, vector<1x16xf32>,
        %get3A_599 = vector.shape_cast %get3A_598 : vector<1x16xf32> to vector<16xf32>
        %max3A_600 = arith.maximumf %max3A_591, %get3A_599 : vector<16xf32>
        %mul3A_601 = arith.constant 20 : i32
        %mul3A_602 = arith.muli %add3A_134, %mul3A_601 : i32
        %add3A_603 = arith.constant 12 : i32
        %add3A_604 = arith.addi %mul3A_602, %add3A_603 : i32
        %get3A_605 = arith.index_cast %add3A_604 : i32 to index
        %get3A_606 = arith.constant 32 : index
        %get3A_607 = tpu.vector_load %arg6[%get3A_605, %get3A_606] {strides = array<i32>} : memref<640x64xf32, #tpu.memory_space<vmem>>, vector<1x16xf32>,
        %get3A_608 = vector.shape_cast %get3A_607 : vector<1x16xf32> to vector<16xf32>
        %max3A_609 = arith.maximumf %max3A_600, %get3A_608 : vector<16xf32>
        %mul3A_610 = arith.constant 20 : i32
        %mul3A_611 = arith.muli %add3A_134, %mul3A_610 : i32
        %add3A_612 = arith.constant 13 : i32
        %add3A_613 = arith.addi %mul3A_611, %add3A_612 : i32
        %get3A_614 = arith.index_cast %add3A_613 : i32 to index
        %get3A_615 = arith.constant 32 : index
        %get3A_616 = tpu.vector_load %arg6[%get3A_614, %get3A_615] {strides = array<i32>} : memref<640x64xf32, #tpu.memory_space<vmem>>, vector<1x16xf32>,
        %get3A_617 = vector.shape_cast %get3A_616 : vector<1x16xf32> to vector<16xf32>
        %max3A_618 = arith.maximumf %max3A_609, %get3A_617 : vector<16xf32>
        %mul3A_619 = arith.constant 20 : i32
        %mul3A_620 = arith.muli %add3A_134, %mul3A_619 : i32
        %add3A_621 = arith.constant 14 : i32
        %add3A_622 = arith.addi %mul3A_620, %add3A_621 : i32
        %get3A_623 = arith.index_cast %add3A_622 : i32 to index
        %get3A_624 = arith.constant 32 : index
        %get3A_625 = tpu.vector_load %arg6[%get3A_623, %get3A_624] {strides = array<i32>} : memref<640x64xf32, #tpu.memory_space<vmem>>, vector<1x16xf32>,
        %get3A_626 = vector.shape_cast %get3A_625 : vector<1x16xf32> to vector<16xf32>
        %max3A_627 = arith.maximumf %max3A_618, %get3A_626 : vector<16xf32>
        %mul3A_628 = arith.constant 20 : i32
        %mul3A_629 = arith.muli %add3A_134, %mul3A_628 : i32
        %add3A_630 = arith.constant 15 : i32
        %add3A_631 = arith.addi %mul3A_629, %add3A_630 : i32
        %get3A_632 = arith.index_cast %add3A_631 : i32 to index
        %get3A_633 = arith.constant 32 : index
        %get3A_634 = tpu.vector_load %arg6[%get3A_632, %get3A_633] {strides = array<i32>} : memref<640x64xf32, #tpu.memory_space<vmem>>, vector<1x16xf32>,
        %get3A_635 = vector.shape_cast %get3A_634 : vector<1x16xf32> to vector<16xf32>
        %max3A_636 = arith.maximumf %max3A_627, %get3A_635 : vector<16xf32>
        %mul3A_637 = arith.constant 20 : i32
        %mul3A_638 = arith.muli %add3A_134, %mul3A_637 : i32
        %add3A_639 = arith.constant 16 : i32
        %add3A_640 = arith.addi %mul3A_638, %add3A_639 : i32
        %get3A_641 = arith.index_cast %add3A_640 : i32 to index
        %get3A_642 = arith.constant 32 : index
        %get3A_643 = tpu.vector_load %arg6[%get3A_641, %get3A_642] {strides = array<i32>} : memref<640x64xf32, #tpu.memory_space<vmem>>, vector<1x16xf32>,
        %get3A_644 = vector.shape_cast %get3A_643 : vector<1x16xf32> to vector<16xf32>
        %max3A_645 = arith.maximumf %max3A_636, %get3A_644 : vector<16xf32>
        %mul3A_646 = arith.constant 20 : i32
        %mul3A_647 = arith.muli %add3A_134, %mul3A_646 : i32
        %add3A_648 = arith.constant 17 : i32
        %add3A_649 = arith.addi %mul3A_647, %add3A_648 : i32
        %get3A_650 = arith.index_cast %add3A_649 : i32 to index
        %get3A_651 = arith.constant 32 : index
        %get3A_652 = tpu.vector_load %arg6[%get3A_650, %get3A_651] {strides = array<i32>} : memref<640x64xf32, #tpu.memory_space<vmem>>, vector<1x16xf32>,
        %get3A_653 = vector.shape_cast %get3A_652 : vector<1x16xf32> to vector<16xf32>
        %max3A_654 = arith.maximumf %max3A_645, %get3A_653 : vector<16xf32>
        %mul3A_655 = arith.constant 20 : i32
        %mul3A_656 = arith.muli %add3A_134, %mul3A_655 : i32
        %add3A_657 = arith.constant 18 : i32
        %add3A_658 = arith.addi %mul3A_656, %add3A_657 : i32
        %get3A_659 = arith.index_cast %add3A_658 : i32 to index
        %get3A_660 = arith.constant 32 : index
        %get3A_661 = tpu.vector_load %arg6[%get3A_659, %get3A_660] {strides = array<i32>} : memref<640x64xf32, #tpu.memory_space<vmem>>, vector<1x16xf32>,
        %get3A_662 = vector.shape_cast %get3A_661 : vector<1x16xf32> to vector<16xf32>
        %max3A_663 = arith.maximumf %max3A_654, %get3A_662 : vector<16xf32>
        %mul3A_664 = arith.constant 20 : i32
        %mul3A_665 = arith.muli %add3A_134, %mul3A_664 : i32
        %add3A_666 = arith.constant 19 : i32
        %add3A_667 = arith.addi %mul3A_665, %add3A_666 : i32
        %get3A_668 = arith.index_cast %add3A_667 : i32 to index
        %get3A_669 = arith.constant 32 : index
        %get3A_670 = tpu.vector_load %arg6[%get3A_668, %get3A_669] {strides = array<i32>} : memref<640x64xf32, #tpu.memory_space<vmem>>, vector<1x16xf32>,
        %get3A_671 = vector.shape_cast %get3A_670 : vector<1x16xf32> to vector<16xf32>
        %max3A_672 = arith.maximumf %max3A_663, %get3A_671 : vector<16xf32>
        %swap3A_673 = arith.index_cast %add3A_134 : i32 to index
        %swap3A_674 = arith.constant 32 : index
        %swap3A_675 = tpu.vector_load %arg7[%swap3A_673, %swap3A_674] {strides = array<i32>} : memref<32x64xf32, #tpu.memory_space<vmem>>, vector<1x16xf32>,
        %swap3A_676 = vector.shape_cast %swap3A_675 : vector<1x16xf32> to vector<16xf32>
        %swap3A_677 = vector.shape_cast %max3A_672 : vector<16xf32> to vector<1x16xf32>
        tpu.vector_store %arg7[%swap3A_673, %swap3A_674], %swap3A_677 {strides = array<i32>} : memref<32x64xf32, #tpu.memory_space<vmem>>, vector<1x16xf32>,
        %mul3A_678 = arith.constant 20 : i32
        %mul3A_679 = arith.muli %add3A_134, %mul3A_678 : i32
        %get3A_680 = arith.index_cast %mul3A_679 : i32 to index
        %get3A_681 = arith.constant 48 : index
        %get3A_682 = tpu.vector_load %arg6[%get3A_680, %get3A_681] {strides = array<i32>} : memref<640x64xf32, #tpu.memory_space<vmem>>, vector<1x16xf32>,
        %get3A_683 = vector.shape_cast %get3A_682 : vector<1x16xf32> to vector<16xf32>
        %mul3A_684 = arith.constant 20 : i32
        %mul3A_685 = arith.muli %add3A_134, %mul3A_684 : i32
        %add3A_686 = arith.constant 1 : i32
        %add3A_687 = arith.addi %mul3A_685, %add3A_686 : i32
        %get3A_688 = arith.index_cast %add3A_687 : i32 to index
        %get3A_689 = arith.constant 48 : index
        %get3A_690 = tpu.vector_load %arg6[%get3A_688, %get3A_689] {strides = array<i32>} : memref<640x64xf32, #tpu.memory_space<vmem>>, vector<1x16xf32>,
        %get3A_691 = vector.shape_cast %get3A_690 : vector<1x16xf32> to vector<16xf32>
        %max3A_692 = arith.maximumf %get3A_683, %get3A_691 : vector<16xf32>
        %mul3A_693 = arith.constant 20 : i32
        %mul3A_694 = arith.muli %add3A_134, %mul3A_693 : i32
        %add3A_695 = arith.constant 2 : i32
        %add3A_696 = arith.addi %mul3A_694, %add3A_695 : i32
        %get3A_697 = arith.index_cast %add3A_696 : i32 to index
        %get3A_698 = arith.constant 48 : index
        %get3A_699 = tpu.vector_load %arg6[%get3A_697, %get3A_698] {strides = array<i32>} : memref<640x64xf32, #tpu.memory_space<vmem>>, vector<1x16xf32>,
        %get3A_700 = vector.shape_cast %get3A_699 : vector<1x16xf32> to vector<16xf32>
        %max3A_701 = arith.maximumf %max3A_692, %get3A_700 : vector<16xf32>
        %mul3A_702 = arith.constant 20 : i32
        %mul3A_703 = arith.muli %add3A_134, %mul3A_702 : i32
        %add3A_704 = arith.constant 3 : i32
        %add3A_705 = arith.addi %mul3A_703, %add3A_704 : i32
        %get3A_706 = arith.index_cast %add3A_705 : i32 to index
        %get3A_707 = arith.constant 48 : index
        %get3A_708 = tpu.vector_load %arg6[%get3A_706, %get3A_707] {strides = array<i32>} : memref<640x64xf32, #tpu.memory_space<vmem>>, vector<1x16xf32>,
        %get3A_709 = vector.shape_cast %get3A_708 : vector<1x16xf32> to vector<16xf32>
        %max3A_710 = arith.maximumf %max3A_701, %get3A_709 : vector<16xf32>
        %mul3A_711 = arith.constant 20 : i32
        %mul3A_712 = arith.muli %add3A_134, %mul3A_711 : i32
        %add3A_713 = arith.constant 4 : i32
        %add3A_714 = arith.addi %mul3A_712, %add3A_713 : i32
        %get3A_715 = arith.index_cast %add3A_714 : i32 to index
        %get3A_716 = arith.constant 48 : index
        %get3A_717 = tpu.vector_load %arg6[%get3A_715, %get3A_716] {strides = array<i32>} : memref<640x64xf32, #tpu.memory_space<vmem>>, vector<1x16xf32>,
        %get3A_718 = vector.shape_cast %get3A_717 : vector<1x16xf32> to vector<16xf32>
        %max3A_719 = arith.maximumf %max3A_710, %get3A_718 : vector<16xf32>
        %mul3A_720 = arith.constant 20 : i32
        %mul3A_721 = arith.muli %add3A_134, %mul3A_720 : i32
        %add3A_722 = arith.constant 5 : i32
        %add3A_723 = arith.addi %mul3A_721, %add3A_722 : i32
        %get3A_724 = arith.index_cast %add3A_723 : i32 to index
        %get3A_725 = arith.constant 48 : index
        %get3A_726 = tpu.vector_load %arg6[%get3A_724, %get3A_725] {strides = array<i32>} : memref<640x64xf32, #tpu.memory_space<vmem>>, vector<1x16xf32>,
        %get3A_727 = vector.shape_cast %get3A_726 : vector<1x16xf32> to vector<16xf32>
        %max3A_728 = arith.maximumf %max3A_719, %get3A_727 : vector<16xf32>
        %mul3A_729 = arith.constant 20 : i32
        %mul3A_730 = arith.muli %add3A_134, %mul3A_729 : i32
        %add3A_731 = arith.constant 6 : i32
        %add3A_732 = arith.addi %mul3A_730, %add3A_731 : i32
        %get3A_733 = arith.index_cast %add3A_732 : i32 to index
        %get3A_734 = arith.constant 48 : index
        %get3A_735 = tpu.vector_load %arg6[%get3A_733, %get3A_734] {strides = array<i32>} : memref<640x64xf32, #tpu.memory_space<vmem>>, vector<1x16xf32>,
        %get3A_736 = vector.shape_cast %get3A_735 : vector<1x16xf32> to vector<16xf32>
        %max3A_737 = arith.maximumf %max3A_728, %get3A_736 : vector<16xf32>
        %mul3A_738 = arith.constant 20 : i32
        %mul3A_739 = arith.muli %add3A_134, %mul3A_738 : i32
        %add3A_740 = arith.constant 7 : i32
        %add3A_741 = arith.addi %mul3A_739, %add3A_740 : i32
        %get3A_742 = arith.index_cast %add3A_741 : i32 to index
        %get3A_743 = arith.constant 48 : index
        %get3A_744 = tpu.vector_load %arg6[%get3A_742, %get3A_743] {strides = array<i32>} : memref<640x64xf32, #tpu.memory_space<vmem>>, vector<1x16xf32>,
        %get3A_745 = vector.shape_cast %get3A_744 : vector<1x16xf32> to vector<16xf32>
        %max3A_746 = arith.maximumf %max3A_737, %get3A_745 : vector<16xf32>
        %mul3A_747 = arith.constant 20 : i32
        %mul3A_748 = arith.muli %add3A_134, %mul3A_747 : i32
        %add3A_749 = arith.constant 8 : i32
        %add3A_750 = arith.addi %mul3A_748, %add3A_749 : i32
        %get3A_751 = arith.index_cast %add3A_750 : i32 to index
        %get3A_752 = arith.constant 48 : index
        %get3A_753 = tpu.vector_load %arg6[%get3A_751, %get3A_752] {strides = array<i32>} : memref<640x64xf32, #tpu.memory_space<vmem>>, vector<1x16xf32>,
        %get3A_754 = vector.shape_cast %get3A_753 : vector<1x16xf32> to vector<16xf32>
        %max3A_755 = arith.maximumf %max3A_746, %get3A_754 : vector<16xf32>
        %mul3A_756 = arith.constant 20 : i32
        %mul3A_757 = arith.muli %add3A_134, %mul3A_756 : i32
        %add3A_758 = arith.constant 9 : i32
        %add3A_759 = arith.addi %mul3A_757, %add3A_758 : i32
        %get3A_760 = arith.index_cast %add3A_759 : i32 to index
        %get3A_761 = arith.constant 48 : index
        %get3A_762 = tpu.vector_load %arg6[%get3A_760, %get3A_761] {strides = array<i32>} : memref<640x64xf32, #tpu.memory_space<vmem>>, vector<1x16xf32>,
        %get3A_763 = vector.shape_cast %get3A_762 : vector<1x16xf32> to vector<16xf32>
        %max3A_764 = arith.maximumf %max3A_755, %get3A_763 : vector<16xf32>
        %mul3A_765 = arith.constant 20 : i32
        %mul3A_766 = arith.muli %add3A_134, %mul3A_765 : i32
        %add3A_767 = arith.constant 10 : i32
        %add3A_768 = arith.addi %mul3A_766, %add3A_767 : i32
        %get3A_769 = arith.index_cast %add3A_768 : i32 to index
        %get3A_770 = arith.constant 48 : index
        %get3A_771 = tpu.vector_load %arg6[%get3A_769, %get3A_770] {strides = array<i32>} : memref<640x64xf32, #tpu.memory_space<vmem>>, vector<1x16xf32>,
        %get3A_772 = vector.shape_cast %get3A_771 : vector<1x16xf32> to vector<16xf32>
        %max3A_773 = arith.maximumf %max3A_764, %get3A_772 : vector<16xf32>
        %mul3A_774 = arith.constant 20 : i32
        %mul3A_775 = arith.muli %add3A_134, %mul3A_774 : i32
        %add3A_776 = arith.constant 11 : i32
        %add3A_777 = arith.addi %mul3A_775, %add3A_776 : i32
        %get3A_778 = arith.index_cast %add3A_777 : i32 to index
        %get3A_779 = arith.constant 48 : index
        %get3A_780 = tpu.vector_load %arg6[%get3A_778, %get3A_779] {strides = array<i32>} : memref<640x64xf32, #tpu.memory_space<vmem>>, vector<1x16xf32>,
        %get3A_781 = vector.shape_cast %get3A_780 : vector<1x16xf32> to vector<16xf32>
        %max3A_782 = arith.maximumf %max3A_773, %get3A_781 : vector<16xf32>
        %mul3A_783 = arith.constant 20 : i32
        %mul3A_784 = arith.muli %add3A_134, %mul3A_783 : i32
        %add3A_785 = arith.constant 12 : i32
        %add3A_786 = arith.addi %mul3A_784, %add3A_785 : i32
        %get3A_787 = arith.index_cast %add3A_786 : i32 to index
        %get3A_788 = arith.constant 48 : index
        %get3A_789 = tpu.vector_load %arg6[%get3A_787, %get3A_788] {strides = array<i32>} : memref<640x64xf32, #tpu.memory_space<vmem>>, vector<1x16xf32>,
        %get3A_790 = vector.shape_cast %get3A_789 : vector<1x16xf32> to vector<16xf32>
        %max3A_791 = arith.maximumf %max3A_782, %get3A_790 : vector<16xf32>
        %mul3A_792 = arith.constant 20 : i32
        %mul3A_793 = arith.muli %add3A_134, %mul3A_792 : i32
        %add3A_794 = arith.constant 13 : i32
        %add3A_795 = arith.addi %mul3A_793, %add3A_794 : i32
        %get3A_796 = arith.index_cast %add3A_795 : i32 to index
        %get3A_797 = arith.constant 48 : index
        %get3A_798 = tpu.vector_load %arg6[%get3A_796, %get3A_797] {strides = array<i32>} : memref<640x64xf32, #tpu.memory_space<vmem>>, vector<1x16xf32>,
        %get3A_799 = vector.shape_cast %get3A_798 : vector<1x16xf32> to vector<16xf32>
        %max3A_800 = arith.maximumf %max3A_791, %get3A_799 : vector<16xf32>
        %mul3A_801 = arith.constant 20 : i32
        %mul3A_802 = arith.muli %add3A_134, %mul3A_801 : i32
        %add3A_803 = arith.constant 14 : i32
        %add3A_804 = arith.addi %mul3A_802, %add3A_803 : i32
        %get3A_805 = arith.index_cast %add3A_804 : i32 to index
        %get3A_806 = arith.constant 48 : index
        %get3A_807 = tpu.vector_load %arg6[%get3A_805, %get3A_806] {strides = array<i32>} : memref<640x64xf32, #tpu.memory_space<vmem>>, vector<1x16xf32>,
        %get3A_808 = vector.shape_cast %get3A_807 : vector<1x16xf32> to vector<16xf32>
        %max3A_809 = arith.maximumf %max3A_800, %get3A_808 : vector<16xf32>
        %mul3A_810 = arith.constant 20 : i32
        %mul3A_811 = arith.muli %add3A_134, %mul3A_810 : i32
        %add3A_812 = arith.constant 15 : i32
        %add3A_813 = arith.addi %mul3A_811, %add3A_812 : i32
        %get3A_814 = arith.index_cast %add3A_813 : i32 to index
        %get3A_815 = arith.constant 48 : index
        %get3A_816 = tpu.vector_load %arg6[%get3A_814, %get3A_815] {strides = array<i32>} : memref<640x64xf32, #tpu.memory_space<vmem>>, vector<1x16xf32>,
        %get3A_817 = vector.shape_cast %get3A_816 : vector<1x16xf32> to vector<16xf32>
        %max3A_818 = arith.maximumf %max3A_809, %get3A_817 : vector<16xf32>
        %mul3A_819 = arith.constant 20 : i32
        %mul3A_820 = arith.muli %add3A_134, %mul3A_819 : i32
        %add3A_821 = arith.constant 16 : i32
        %add3A_822 = arith.addi %mul3A_820, %add3A_821 : i32
        %get3A_823 = arith.index_cast %add3A_822 : i32 to index
        %get3A_824 = arith.constant 48 : index
        %get3A_825 = tpu.vector_load %arg6[%get3A_823, %get3A_824] {strides = array<i32>} : memref<640x64xf32, #tpu.memory_space<vmem>>, vector<1x16xf32>,
        %get3A_826 = vector.shape_cast %get3A_825 : vector<1x16xf32> to vector<16xf32>
        %max3A_827 = arith.maximumf %max3A_818, %get3A_826 : vector<16xf32>
        %mul3A_828 = arith.constant 20 : i32
        %mul3A_829 = arith.muli %add3A_134, %mul3A_828 : i32
        %add3A_830 = arith.constant 17 : i32
        %add3A_831 = arith.addi %mul3A_829, %add3A_830 : i32
        %get3A_832 = arith.index_cast %add3A_831 : i32 to index
        %get3A_833 = arith.constant 48 : index
        %get3A_834 = tpu.vector_load %arg6[%get3A_832, %get3A_833] {strides = array<i32>} : memref<640x64xf32, #tpu.memory_space<vmem>>, vector<1x16xf32>,
        %get3A_835 = vector.shape_cast %get3A_834 : vector<1x16xf32> to vector<16xf32>
        %max3A_836 = arith.maximumf %max3A_827, %get3A_835 : vector<16xf32>
        %mul3A_837 = arith.constant 20 : i32
        %mul3A_838 = arith.muli %add3A_134, %mul3A_837 : i32
        %add3A_839 = arith.constant 18 : i32
        %add3A_840 = arith.addi %mul3A_838, %add3A_839 : i32
        %get3A_841 = arith.index_cast %add3A_840 : i32 to index
        %get3A_842 = arith.constant 48 : index
        %get3A_843 = tpu.vector_load %arg6[%get3A_841, %get3A_842] {strides = array<i32>} : memref<640x64xf32, #tpu.memory_space<vmem>>, vector<1x16xf32>,
        %get3A_844 = vector.shape_cast %get3A_843 : vector<1x16xf32> to vector<16xf32>
        %max3A_845 = arith.maximumf %max3A_836, %get3A_844 : vector<16xf32>
        %mul3A_846 = arith.constant 20 : i32
        %mul3A_847 = arith.muli %add3A_134, %mul3A_846 : i32
        %add3A_848 = arith.constant 19 : i32
        %add3A_849 = arith.addi %mul3A_847, %add3A_848 : i32
        %get3A_850 = arith.index_cast %add3A_849 : i32 to index
        %get3A_851 = arith.constant 48 : index
        %get3A_852 = tpu.vector_load %arg6[%get3A_850, %get3A_851] {strides = array<i32>} : memref<640x64xf32, #tpu.memory_space<vmem>>, vector<1x16xf32>,
        %get3A_853 = vector.shape_cast %get3A_852 : vector<1x16xf32> to vector<16xf32>
        %max3A_854 = arith.maximumf %max3A_845, %get3A_853 : vector<16xf32>
        %swap3A_855 = arith.index_cast %add3A_134 : i32 to index
        %swap3A_856 = arith.constant 48 : index
        %swap3A_857 = tpu.vector_load %arg7[%swap3A_855, %swap3A_856] {strides = array<i32>} : memref<32x64xf32, #tpu.memory_space<vmem>>, vector<1x16xf32>,
        %swap3A_858 = vector.shape_cast %swap3A_857 : vector<1x16xf32> to vector<16xf32>
        %swap3A_859 = vector.shape_cast %max3A_854 : vector<16xf32> to vector<1x16xf32>
        tpu.vector_store %arg7[%swap3A_855, %swap3A_856], %swap3A_859 {strides = array<i32>} : memref<32x64xf32, #tpu.memory_space<vmem>>, vector<1x16xf32>,
      }
      %scan3A_129 = arith.constant 32 : i32
      "tpu.region"() ({
        %run_scoped3A = tpu.sem_alloc : memref<!tpu.dma_semaphore, #tpu.memory_space<semaphore_mem>>
        %dma_start3A_130 = arith.constant 0 : i32
        %dma_start3A_131 = tpu.memref_slice %arg4[%add3A_16, %dma_start3A_130] : memref<16384x64xf32, #tpu.memory_space<hbm>> -> memref<32x64xf32, #tpu.memory_space<hbm>>
        %dma_start3A_132 = arith.constant 0 : i32
        %dma_start3A_133 = tpu.memref_slice %arg4[%add3A_16, %dma_start3A_132] : memref<16384x64xf32, #tpu.memory_space<hbm>> -> memref<32x64xf32, #tpu.memory_space<hbm>>
        tpu.enqueue_dma source(%arg7 : memref<32x64xf32, #tpu.memory_space<vmem>>) target(%dma_start3A_133 : memref<32x64xf32, #tpu.memory_space<hbm>>) target_semaphore(%run_scoped3A : memref<!tpu.dma_semaphore, #tpu.memory_space<semaphore_mem>>)
        %dma_wait3A_134 = arith.constant 0 : i32
        %dma_wait3A_135 = tpu.memref_slice %arg4[%add3A_16, %dma_wait3A_134] : memref<16384x64xf32, #tpu.memory_space<hbm>> -> memref<32x64xf32, #tpu.memory_space<hbm>>
        %dma_wait3A_136 = arith.constant 0 : i32
        %dma_wait3A_137 = tpu.memref_slice %arg4[%add3A_16, %dma_wait3A_136] : memref<16384x64xf32, #tpu.memory_space<hbm>> -> memref<32x64xf32, #tpu.memory_space<hbm>>
        tpu.wait_dma2 semaphore(%run_scoped3A : memref<!tpu.dma_semaphore, #tpu.memory_space<semaphore_mem>>) src(%arg7 : memref<32x64xf32, #tpu.memory_space<vmem>>) dst(%dma_wait3A_137 : memref<32x64xf32, #tpu.memory_space<hbm>>)
        tpu.yield
      }) : () -> ()
    }
    %scan3A_8 = arith.constant 16 : i32
    return
  }
}

module attributes {stable_mosaic.version = 14 : i64} {
  func.func @_layer_kernel(%arg0: i32, %arg1: i32, %arg2: memref<1x1024x128xf32, #tpu.memory_space<vmem>>, %arg3: memref<1x128x128xf32, #tpu.memory_space<vmem>>, %arg4: memref<1x128x1xf32, #tpu.memory_space<vmem>>, %arg5: memref<1x1x1024xf32, #tpu.memory_space<vmem>>, %arg6: memref<128x64xf32, #tpu.memory_space<vmem>>, %arg7: memref<1x128x20xi32, #tpu.memory_space<vmem>>, %arg8: memref<1x128x64xf32, #tpu.memory_space<vmem>>) attributes {dimension_semantics = [#tpu.dimension_semantics<arbitrary>, #tpu.dimension_semantics<arbitrary>], iteration_bounds = array<i64: 16, 8>, scalar_prefetch = 0 : i64, scratch_operands = 0 : i64, tpu.core_type = #tpu.core_type<tc>, window_params = [{transform_indices = @transform_0, window_bounds = array<i64: 1, 1024, 128>}, {transform_indices = @transform_1, window_bounds = array<i64: 1, 128, 128>}, {transform_indices = @transform_2, window_bounds = array<i64: 1, 128, 1>}, {transform_indices = @transform_3, window_bounds = array<i64: 1, 1, 1024>}, {pipeline_mode = #tpu.pipeline_mode<synchronous>, transform_indices = @transform_4, window_bounds = array<i64: 128, 64>}, {transform_indices = @transform_5, window_bounds = array<i64: 1, 128, 20>}, {transform_indices = @transform_6, window_bounds = array<i64: 1, 128, 64>}]} {
    %get3A = arith.constant 0 : index
    %get3A_0 = arith.constant 0 : index
    %get3A_1 = arith.constant 0 : index
    %get3A_2 = vector.load %arg2[%get3A, %get3A_0, %get3A_1] : memref<1x1024x128xf32, #tpu.memory_space<vmem>>, vector<1x1024x128xf32>
    %get3A_3 = vector.shape_cast %get3A_2 : vector<1x1024x128xf32> to vector<1024x128xf32>
    %get3A_4 = arith.constant 0 : index
    %get3A_5 = arith.constant 0 : index
    %get3A_6 = arith.constant 0 : index
    %get3A_7 = vector.load %arg3[%get3A_4, %get3A_5, %get3A_6] : memref<1x128x128xf32, #tpu.memory_space<vmem>>, vector<1x128x128xf32>
    %get3A_8 = vector.shape_cast %get3A_7 : vector<1x128x128xf32> to vector<128x128xf32>
    %convert_element_type3A = arith.truncf %get3A_8 : vector<128x128xf32> to vector<128x128xbf16>
    %convert_element_type3A_9 = arith.truncf %get3A_3 : vector<1024x128xf32> to vector<1024x128xbf16>
    %dot_general3A = arith.constant dense<0.000000e+00> : vector<128x1024xf32>
    %dot_general3A_10 = tpu.matmul %convert_element_type3A, %convert_element_type3A_9, %dot_general3A {dimension_numbers = #tpu.dot_dimension_numbers<[1], [1], [0], [0], [0, 0, 1, 0], [], []>, transpose_lhs_hint = false} : vector<128x128xbf16>, vector<1024x128xbf16>, vector<128x1024xf32> -> vector<128x1024xf32>
    %mul3A = arith.constant -2.000000e+00 : f32
    %mul3A_11 = vector.broadcast %mul3A : f32 to vector<128x1024xf32>
    %mul3A_12 = arith.mulf %mul3A_11, %dot_general3A_10 : vector<128x1024xf32>
    %get3A_13 = arith.constant 0 : index
    %get3A_14 = arith.constant 0 : index
    %get3A_15 = arith.constant 0 : index
    %get3A_16 = vector.load %arg4[%get3A_13, %get3A_14, %get3A_15] : memref<1x128x1xf32, #tpu.memory_space<vmem>>, vector<1x128x1xf32>
    %get3A_17 = vector.shape_cast %get3A_16 : vector<1x128x1xf32> to vector<128x1xf32>
    %neg3A = arith.constant 0.000000e+00 : f32
    %neg3A_18 = vector.broadcast %neg3A : f32 to vector<128x1xf32>
    %neg3A_19 = arith.subf %neg3A_18, %get3A_17 : vector<128x1xf32>
    %sub3A = vector.broadcast %neg3A_19 : vector<128x1xf32> to vector<128x1024xf32>
    %sub3A_20 = arith.subf %sub3A, %mul3A_12 : vector<128x1024xf32>
    %get3A_21 = arith.constant 0 : index
    %get3A_22 = arith.constant 0 : index
    %get3A_23 = arith.constant 0 : index
    %get3A_24 = vector.load %arg5[%get3A_21, %get3A_22, %get3A_23] : memref<1x1x1024xf32, #tpu.memory_space<vmem>>, vector<1x1x1024xf32>
    %get3A_25 = vector.shape_cast %get3A_24 : vector<1x1x1024xf32> to vector<1x1024xf32>
    %sub3A_26 = vector.broadcast %get3A_25 : vector<1x1024xf32> to vector<128x1024xf32>
    %sub3A_27 = arith.subf %sub3A_20, %sub3A_26 : vector<128x1024xf32>
    %iota3A = tpu.iota {dimensions = array<i32: 1>} : vector<128x1024xi32>
    %iota3A_28 = tpu.iota {dimensions = array<i32: 1>} : vector<128x20xi32>
    %broadcast_in_dim3A = arith.constant 0 : i32
    %broadcast_in_dim3A_29 = vector.broadcast %broadcast_in_dim3A : i32 to vector<128x20xi32>
    %scan3A = arith.constant 0 : i32
    %scan3A_30 = arith.constant 20 : i32
    %scan3A_31 = arith.addi %scan3A, %scan3A_30 : i32
    %scan3A_32 = arith.constant 1 : i32
    %scan3A_33:2 = scf.for %scan3A_56 = %scan3A to %scan3A_31 step %scan3A_32 iter_args(%scan3A_57 = %sub3A_27, %scan3A_58 = %broadcast_in_dim3A_29) -> (vector<128x1024xf32>, vector<128x20xi32>)  : i32 {
      %reduce_max3A = arith.constant dense<0xFF800000> : vector<128xf32>
      %reduce_max3A_59 = vector.multi_reduction <maximumf>, %scan3A_57, %reduce_max3A [1] : vector<128x1024xf32> to vector<128xf32>
      %broadcast_in_dim3A_60 = vector.shape_cast %reduce_max3A_59 : vector<128xf32> to vector<128x1xf32>
      %eq3A = vector.broadcast %broadcast_in_dim3A_60 : vector<128x1xf32> to vector<128x1024xf32>
      %eq3A_61 = arith.cmpf oeq, %scan3A_57, %eq3A : vector<128x1024xf32>
      %jit3A = arith.constant 1024 : i32
      %broadcast_in_dim3A_62 = vector.broadcast %jit3A : i32 to vector<128x1024xi32>
      %select_n3A = arith.select %eq3A_61, %iota3A, %broadcast_in_dim3A_62 : vector<128x1024xi1>, vector<128x1024xi32>
      %reduce_min3A = arith.constant dense<2147483647> : vector<128xi32>
      %reduce_min3A_63 = vector.multi_reduction <minsi>, %select_n3A, %reduce_min3A [1] : vector<128x1024xi32> to vector<128xi32>
      %broadcast_in_dim3A_64 = vector.shape_cast %reduce_min3A_63 : vector<128xi32> to vector<128x1xi32>
      %eq3A_65 = vector.broadcast %scan3A_56 : i32 to vector<128x20xi32>
      %eq3A_66 = arith.cmpi eq, %iota3A_28, %eq3A_65 : vector<128x20xi32>
      %broadcast_in_dim3A_67 = vector.shape_cast %broadcast_in_dim3A_64 : vector<128x1xi32> to vector<128x1xi32>
      %broadcast_in_dim3A_68 = vector.broadcast %broadcast_in_dim3A_67 : vector<128x1xi32> to vector<128x20xi32>
      %select_n3A_69 = arith.select %eq3A_66, %broadcast_in_dim3A_68, %scan3A_58 : vector<128x20xi1>, vector<128x20xi32>
      %eq3A_70 = vector.broadcast %broadcast_in_dim3A_64 : vector<128x1xi32> to vector<128x1024xi32>
      %eq3A_71 = arith.cmpi eq, %iota3A, %eq3A_70 : vector<128x1024xi32>
      %jit3A_72 = arith.constant -3.000000e+38 : f32
      %broadcast_in_dim3A_73 = vector.broadcast %jit3A_72 : f32 to vector<128x1024xf32>
      %select_n3A_74 = arith.select %eq3A_71, %broadcast_in_dim3A_73, %scan3A_57 : vector<128x1024xi1>, vector<128x1024xf32>
      scf.yield %select_n3A_74, %select_n3A_69 : vector<128x1024xf32>, vector<128x20xi32>
    }
    %scan3A_34 = arith.constant 20 : i32
    %mul3A_35 = arith.constant 1024 : i32
    %mul3A_36 = arith.muli %arg0, %mul3A_35 : i32
    %add3A = vector.broadcast %mul3A_36 : i32 to vector<128x20xi32>
    %add3A_37 = arith.addi %scan3A_33#1, %add3A : vector<128x20xi32>
    %swap3A = arith.constant 0 : index
    %swap3A_38 = arith.constant 0 : index
    %swap3A_39 = arith.constant 0 : index
    %swap3A_40 = vector.load %arg7[%swap3A, %swap3A_38, %swap3A_39] : memref<1x128x20xi32, #tpu.memory_space<vmem>>, vector<1x128x20xi32>
    %swap3A_41 = vector.shape_cast %swap3A_40 : vector<1x128x20xi32> to vector<128x20xi32>
    %swap3A_42 = vector.shape_cast %add3A_37 : vector<128x20xi32> to vector<1x128x20xi32>
    tpu.vector_store %arg7[%swap3A, %swap3A_38, %swap3A_39], %swap3A_42 {strides = array<i32>} : memref<1x128x20xi32, #tpu.memory_space<vmem>>, vector<1x128x20xi32>,
    %convert_element_type3A_43 = arith.truncf %get3A_8 : vector<128x128xf32> to vector<128x128xbf16>
    %get3A_44 = arith.constant 0 : index
    %get3A_45 = arith.constant 0 : index
    %get3A_46 = vector.load %arg6[%get3A_44, %get3A_45] : memref<128x64xf32, #tpu.memory_space<vmem>>, vector<128x64xf32>
    %convert_element_type3A_47 = arith.truncf %get3A_46 : vector<128x64xf32> to vector<128x64xbf16>
    %dot_general3A_48 = arith.constant dense<0.000000e+00> : vector<128x64xf32>
    %dot_general3A_49 = tpu.matmul %convert_element_type3A_43, %convert_element_type3A_47, %dot_general3A_48 {dimension_numbers = #tpu.dot_dimension_numbers<[1], [0], [0], [1], [0, 0, 1, 1], [], []>, transpose_lhs_hint = false} : vector<128x128xbf16>, vector<128x64xbf16>, vector<128x64xf32> -> vector<128x64xf32>
    %swap3A_50 = arith.constant 0 : index
    %swap3A_51 = arith.constant 0 : index
    %swap3A_52 = arith.constant 0 : index
    %swap3A_53 = vector.load %arg8[%swap3A_50, %swap3A_51, %swap3A_52] : memref<1x128x64xf32, #tpu.memory_space<vmem>>, vector<1x128x64xf32>
    %swap3A_54 = vector.shape_cast %swap3A_53 : vector<1x128x64xf32> to vector<128x64xf32>
    %swap3A_55 = vector.shape_cast %dot_general3A_49 : vector<128x64xf32> to vector<1x128x64xf32>
    tpu.vector_store %arg8[%swap3A_50, %swap3A_51, %swap3A_52], %swap3A_55 {strides = array<i32>} : memref<1x128x64xf32, #tpu.memory_space<vmem>>, vector<1x128x64xf32>,
    return
  }
  func.func @transform_0(%arg0: i32, %arg1: i32) -> (i32, i32, i32) {
    %c0_i32 = arith.constant 0 : i32
    %c0_i32_0 = arith.constant 0 : i32
    %c0_i32_1 = arith.constant 0 : i32
    return %arg0, %c0_i32, %c0_i32_0 : i32, i32, i32
  }
  func.func @transform_1(%arg0: i32, %arg1: i32) -> (i32, i32, i32) {
    %c0_i32 = arith.constant 0 : i32
    %c0_i32_0 = arith.constant 0 : i32
    return %arg0, %arg1, %c0_i32 : i32, i32, i32
  }
  func.func @transform_2(%arg0: i32, %arg1: i32) -> (i32, i32, i32) {
    %c0_i32 = arith.constant 0 : i32
    %c0_i32_0 = arith.constant 0 : i32
    return %arg0, %arg1, %c0_i32 : i32, i32, i32
  }
  func.func @transform_3(%arg0: i32, %arg1: i32) -> (i32, i32, i32) {
    %c0_i32 = arith.constant 0 : i32
    %c0_i32_0 = arith.constant 0 : i32
    %c0_i32_1 = arith.constant 0 : i32
    return %arg0, %c0_i32, %c0_i32_0 : i32, i32, i32
  }
  func.func @transform_4(%arg0: i32, %arg1: i32) -> (i32, i32) {
    %c0_i32 = arith.constant 0 : i32
    %c0_i32_0 = arith.constant 0 : i32
    %c0_i32_1 = arith.constant 0 : i32
    return %c0_i32, %c0_i32_0 : i32, i32
  }
  func.func @transform_5(%arg0: i32, %arg1: i32) -> (i32, i32, i32) {
    %c0_i32 = arith.constant 0 : i32
    %c0_i32_0 = arith.constant 0 : i32
    return %arg0, %arg1, %c0_i32 : i32, i32, i32
  }
  func.func @transform_6(%arg0: i32, %arg1: i32) -> (i32, i32, i32) {
    %c0_i32 = arith.constant 0 : i32
    %c0_i32_0 = arith.constant 0 : i32
    return %arg0, %arg1, %c0_i32 : i32, i32, i32
  }
}

module attributes {stable_mosaic.version = 14 : i64} {
  func.func @_layer_kernel(%arg0: i32, %arg1: i32, %arg2: memref<1x1024x128xf32, #tpu.memory_space<vmem>>, %arg3: memref<1x128x128xf32, #tpu.memory_space<vmem>>, %arg4: memref<1x128x1xf32, #tpu.memory_space<vmem>>, %arg5: memref<1x1x1024xf32, #tpu.memory_space<vmem>>, %arg6: memref<128x128xf32, #tpu.memory_space<vmem>>, %arg7: memref<1x128x20xi32, #tpu.memory_space<vmem>>, %arg8: memref<1x128x128xf32, #tpu.memory_space<vmem>>) attributes {dimension_semantics = [#tpu.dimension_semantics<arbitrary>, #tpu.dimension_semantics<arbitrary>], iteration_bounds = array<i64: 16, 8>, scalar_prefetch = 0 : i64, scratch_operands = 0 : i64, tpu.core_type = #tpu.core_type<tc>, window_params = [{transform_indices = @transform_0, window_bounds = array<i64: 1, 1024, 128>}, {transform_indices = @transform_1, window_bounds = array<i64: 1, 128, 128>}, {transform_indices = @transform_2, window_bounds = array<i64: 1, 128, 1>}, {transform_indices = @transform_3, window_bounds = array<i64: 1, 1, 1024>}, {pipeline_mode = #tpu.pipeline_mode<synchronous>, transform_indices = @transform_4, window_bounds = array<i64: 128, 128>}, {transform_indices = @transform_5, window_bounds = array<i64: 1, 128, 20>}, {transform_indices = @transform_6, window_bounds = array<i64: 1, 128, 128>}]} {
    %get3A = arith.constant 0 : index
    %get3A_0 = arith.constant 0 : index
    %get3A_1 = arith.constant 0 : index
    %get3A_2 = vector.load %arg2[%get3A, %get3A_0, %get3A_1] : memref<1x1024x128xf32, #tpu.memory_space<vmem>>, vector<1x1024x128xf32>
    %get3A_3 = vector.shape_cast %get3A_2 : vector<1x1024x128xf32> to vector<1024x128xf32>
    %get3A_4 = arith.constant 0 : index
    %get3A_5 = arith.constant 0 : index
    %get3A_6 = arith.constant 0 : index
    %get3A_7 = vector.load %arg3[%get3A_4, %get3A_5, %get3A_6] : memref<1x128x128xf32, #tpu.memory_space<vmem>>, vector<1x128x128xf32>
    %get3A_8 = vector.shape_cast %get3A_7 : vector<1x128x128xf32> to vector<128x128xf32>
    %convert_element_type3A = arith.truncf %get3A_8 : vector<128x128xf32> to vector<128x128xbf16>
    %convert_element_type3A_9 = arith.truncf %get3A_3 : vector<1024x128xf32> to vector<1024x128xbf16>
    %dot_general3A = arith.constant dense<0.000000e+00> : vector<128x1024xf32>
    %dot_general3A_10 = tpu.matmul %convert_element_type3A, %convert_element_type3A_9, %dot_general3A {dimension_numbers = #tpu.dot_dimension_numbers<[1], [1], [0], [0], [0, 0, 1, 0], [], []>, transpose_lhs_hint = false} : vector<128x128xbf16>, vector<1024x128xbf16>, vector<128x1024xf32> -> vector<128x1024xf32>
    %mul3A = arith.constant -2.000000e+00 : f32
    %mul3A_11 = vector.broadcast %mul3A : f32 to vector<128x1024xf32>
    %mul3A_12 = arith.mulf %mul3A_11, %dot_general3A_10 : vector<128x1024xf32>
    %get3A_13 = arith.constant 0 : index
    %get3A_14 = arith.constant 0 : index
    %get3A_15 = arith.constant 0 : index
    %get3A_16 = vector.load %arg4[%get3A_13, %get3A_14, %get3A_15] : memref<1x128x1xf32, #tpu.memory_space<vmem>>, vector<1x128x1xf32>
    %get3A_17 = vector.shape_cast %get3A_16 : vector<1x128x1xf32> to vector<128x1xf32>
    %neg3A = arith.constant 0.000000e+00 : f32
    %neg3A_18 = vector.broadcast %neg3A : f32 to vector<128x1xf32>
    %neg3A_19 = arith.subf %neg3A_18, %get3A_17 : vector<128x1xf32>
    %sub3A = vector.broadcast %neg3A_19 : vector<128x1xf32> to vector<128x1024xf32>
    %sub3A_20 = arith.subf %sub3A, %mul3A_12 : vector<128x1024xf32>
    %get3A_21 = arith.constant 0 : index
    %get3A_22 = arith.constant 0 : index
    %get3A_23 = arith.constant 0 : index
    %get3A_24 = vector.load %arg5[%get3A_21, %get3A_22, %get3A_23] : memref<1x1x1024xf32, #tpu.memory_space<vmem>>, vector<1x1x1024xf32>
    %get3A_25 = vector.shape_cast %get3A_24 : vector<1x1x1024xf32> to vector<1x1024xf32>
    %sub3A_26 = vector.broadcast %get3A_25 : vector<1x1024xf32> to vector<128x1024xf32>
    %sub3A_27 = arith.subf %sub3A_20, %sub3A_26 : vector<128x1024xf32>
    %iota3A = tpu.iota {dimensions = array<i32: 1>} : vector<128x1024xi32>
    %iota3A_28 = tpu.iota {dimensions = array<i32: 1>} : vector<128x20xi32>
    %broadcast_in_dim3A = arith.constant 0 : i32
    %broadcast_in_dim3A_29 = vector.broadcast %broadcast_in_dim3A : i32 to vector<128x20xi32>
    %scan3A = arith.constant 0 : i32
    %scan3A_30 = arith.constant 20 : i32
    %scan3A_31 = arith.addi %scan3A, %scan3A_30 : i32
    %scan3A_32 = arith.constant 1 : i32
    %scan3A_33:2 = scf.for %scan3A_56 = %scan3A to %scan3A_31 step %scan3A_32 iter_args(%scan3A_57 = %sub3A_27, %scan3A_58 = %broadcast_in_dim3A_29) -> (vector<128x1024xf32>, vector<128x20xi32>)  : i32 {
      %reduce_max3A = arith.constant dense<0xFF800000> : vector<128xf32>
      %reduce_max3A_59 = vector.multi_reduction <maximumf>, %scan3A_57, %reduce_max3A [1] : vector<128x1024xf32> to vector<128xf32>
      %broadcast_in_dim3A_60 = vector.shape_cast %reduce_max3A_59 : vector<128xf32> to vector<128x1xf32>
      %eq3A = vector.broadcast %broadcast_in_dim3A_60 : vector<128x1xf32> to vector<128x1024xf32>
      %eq3A_61 = arith.cmpf oeq, %scan3A_57, %eq3A : vector<128x1024xf32>
      %jit3A = arith.constant 1024 : i32
      %broadcast_in_dim3A_62 = vector.broadcast %jit3A : i32 to vector<128x1024xi32>
      %select_n3A = arith.select %eq3A_61, %iota3A, %broadcast_in_dim3A_62 : vector<128x1024xi1>, vector<128x1024xi32>
      %reduce_min3A = arith.constant dense<2147483647> : vector<128xi32>
      %reduce_min3A_63 = vector.multi_reduction <minsi>, %select_n3A, %reduce_min3A [1] : vector<128x1024xi32> to vector<128xi32>
      %broadcast_in_dim3A_64 = vector.shape_cast %reduce_min3A_63 : vector<128xi32> to vector<128x1xi32>
      %eq3A_65 = vector.broadcast %scan3A_56 : i32 to vector<128x20xi32>
      %eq3A_66 = arith.cmpi eq, %iota3A_28, %eq3A_65 : vector<128x20xi32>
      %broadcast_in_dim3A_67 = vector.shape_cast %broadcast_in_dim3A_64 : vector<128x1xi32> to vector<128x1xi32>
      %broadcast_in_dim3A_68 = vector.broadcast %broadcast_in_dim3A_67 : vector<128x1xi32> to vector<128x20xi32>
      %select_n3A_69 = arith.select %eq3A_66, %broadcast_in_dim3A_68, %scan3A_58 : vector<128x20xi1>, vector<128x20xi32>
      %eq3A_70 = vector.broadcast %broadcast_in_dim3A_64 : vector<128x1xi32> to vector<128x1024xi32>
      %eq3A_71 = arith.cmpi eq, %iota3A, %eq3A_70 : vector<128x1024xi32>
      %jit3A_72 = arith.constant -3.000000e+38 : f32
      %broadcast_in_dim3A_73 = vector.broadcast %jit3A_72 : f32 to vector<128x1024xf32>
      %select_n3A_74 = arith.select %eq3A_71, %broadcast_in_dim3A_73, %scan3A_57 : vector<128x1024xi1>, vector<128x1024xf32>
      scf.yield %select_n3A_74, %select_n3A_69 : vector<128x1024xf32>, vector<128x20xi32>
    }
    %scan3A_34 = arith.constant 20 : i32
    %mul3A_35 = arith.constant 1024 : i32
    %mul3A_36 = arith.muli %arg0, %mul3A_35 : i32
    %add3A = vector.broadcast %mul3A_36 : i32 to vector<128x20xi32>
    %add3A_37 = arith.addi %scan3A_33#1, %add3A : vector<128x20xi32>
    %swap3A = arith.constant 0 : index
    %swap3A_38 = arith.constant 0 : index
    %swap3A_39 = arith.constant 0 : index
    %swap3A_40 = vector.load %arg7[%swap3A, %swap3A_38, %swap3A_39] : memref<1x128x20xi32, #tpu.memory_space<vmem>>, vector<1x128x20xi32>
    %swap3A_41 = vector.shape_cast %swap3A_40 : vector<1x128x20xi32> to vector<128x20xi32>
    %swap3A_42 = vector.shape_cast %add3A_37 : vector<128x20xi32> to vector<1x128x20xi32>
    tpu.vector_store %arg7[%swap3A, %swap3A_38, %swap3A_39], %swap3A_42 {strides = array<i32>} : memref<1x128x20xi32, #tpu.memory_space<vmem>>, vector<1x128x20xi32>,
    %convert_element_type3A_43 = arith.truncf %get3A_8 : vector<128x128xf32> to vector<128x128xbf16>
    %get3A_44 = arith.constant 0 : index
    %get3A_45 = arith.constant 0 : index
    %get3A_46 = vector.load %arg6[%get3A_44, %get3A_45] : memref<128x128xf32, #tpu.memory_space<vmem>>, vector<128x128xf32>
    %convert_element_type3A_47 = arith.truncf %get3A_46 : vector<128x128xf32> to vector<128x128xbf16>
    %dot_general3A_48 = arith.constant dense<0.000000e+00> : vector<128x128xf32>
    %dot_general3A_49 = tpu.matmul %convert_element_type3A_43, %convert_element_type3A_47, %dot_general3A_48 {dimension_numbers = #tpu.dot_dimension_numbers<[1], [0], [0], [1], [0, 0, 1, 1], [], []>, transpose_lhs_hint = false} : vector<128x128xbf16>, vector<128x128xbf16>, vector<128x128xf32> -> vector<128x128xf32>
    %swap3A_50 = arith.constant 0 : index
    %swap3A_51 = arith.constant 0 : index
    %swap3A_52 = arith.constant 0 : index
    %swap3A_53 = vector.load %arg8[%swap3A_50, %swap3A_51, %swap3A_52] : memref<1x128x128xf32, #tpu.memory_space<vmem>>, vector<1x128x128xf32>
    %swap3A_54 = vector.shape_cast %swap3A_53 : vector<1x128x128xf32> to vector<128x128xf32>
    %swap3A_55 = vector.shape_cast %dot_general3A_49 : vector<128x128xf32> to vector<1x128x128xf32>
    tpu.vector_store %arg8[%swap3A_50, %swap3A_51, %swap3A_52], %swap3A_55 {strides = array<i32>} : memref<1x128x128xf32, #tpu.memory_space<vmem>>, vector<1x128x128xf32>,
    return
  }
  func.func @transform_0(%arg0: i32, %arg1: i32) -> (i32, i32, i32) {
    %c0_i32 = arith.constant 0 : i32
    %c0_i32_0 = arith.constant 0 : i32
    %c0_i32_1 = arith.constant 0 : i32
    return %arg0, %c0_i32, %c0_i32_0 : i32, i32, i32
  }
  func.func @transform_1(%arg0: i32, %arg1: i32) -> (i32, i32, i32) {
    %c0_i32 = arith.constant 0 : i32
    %c0_i32_0 = arith.constant 0 : i32
    return %arg0, %arg1, %c0_i32 : i32, i32, i32
  }
  func.func @transform_2(%arg0: i32, %arg1: i32) -> (i32, i32, i32) {
    %c0_i32 = arith.constant 0 : i32
    %c0_i32_0 = arith.constant 0 : i32
    return %arg0, %arg1, %c0_i32 : i32, i32, i32
  }
  func.func @transform_3(%arg0: i32, %arg1: i32) -> (i32, i32, i32) {
    %c0_i32 = arith.constant 0 : i32
    %c0_i32_0 = arith.constant 0 : i32
    %c0_i32_1 = arith.constant 0 : i32
    return %arg0, %c0_i32, %c0_i32_0 : i32, i32, i32
  }
  func.func @transform_4(%arg0: i32, %arg1: i32) -> (i32, i32) {
    %c0_i32 = arith.constant 0 : i32
    %c0_i32_0 = arith.constant 0 : i32
    %c0_i32_1 = arith.constant 0 : i32
    return %c0_i32, %c0_i32_0 : i32, i32
  }
  func.func @transform_5(%arg0: i32, %arg1: i32) -> (i32, i32, i32) {
    %c0_i32 = arith.constant 0 : i32
    %c0_i32_0 = arith.constant 0 : i32
    return %arg0, %arg1, %c0_i32 : i32, i32, i32
  }
  func.func @transform_6(%arg0: i32, %arg1: i32) -> (i32, i32, i32) {
    %c0_i32 = arith.constant 0 : i32
    %c0_i32_0 = arith.constant 0 : i32
    return %arg0, %arg1, %c0_i32 : i32, i32, i32
  }
}

module attributes {stable_mosaic.version = 14 : i64} {
  func.func @_head1_kernel(%arg0: i32, %arg1: memref<1x1024x640xf32, #tpu.memory_space<vmem>>, %arg2: memref<640x1024xf32, #tpu.memory_space<vmem>>, %arg3: memref<1x1024x1024xf32, #tpu.memory_space<vmem>>) attributes {dimension_semantics = [#tpu.dimension_semantics<arbitrary>], iteration_bounds = array<i64: 16>, scalar_prefetch = 0 : i64, scratch_operands = 0 : i64, tpu.core_type = #tpu.core_type<tc>, window_params = [{transform_indices = @transform_0, window_bounds = array<i64: 1, 1024, 640>}, {pipeline_mode = #tpu.pipeline_mode<synchronous>, transform_indices = @transform_1, window_bounds = array<i64: 640, 1024>}, {transform_indices = @transform_2, window_bounds = array<i64: 1, 1024, 1024>}]} {
    %get3A = arith.constant 0 : index
    %get3A_0 = arith.constant 0 : index
    %get3A_1 = arith.constant 0 : index
    %get3A_2 = vector.load %arg1[%get3A, %get3A_0, %get3A_1] : memref<1x1024x640xf32, #tpu.memory_space<vmem>>, vector<1x1024x640xf32>
    %get3A_3 = vector.shape_cast %get3A_2 : vector<1x1024x640xf32> to vector<1024x640xf32>
    %convert_element_type3A = arith.truncf %get3A_3 : vector<1024x640xf32> to vector<1024x640xbf16>
    %get3A_4 = arith.constant 0 : index
    %get3A_5 = arith.constant 0 : index
    %get3A_6 = vector.load %arg2[%get3A_4, %get3A_5] : memref<640x1024xf32, #tpu.memory_space<vmem>>, vector<640x1024xf32>
    %convert_element_type3A_7 = arith.truncf %get3A_6 : vector<640x1024xf32> to vector<640x1024xbf16>
    %dot_general3A = arith.constant dense<0.000000e+00> : vector<1024x1024xf32>
    %dot_general3A_8 = tpu.matmul %convert_element_type3A, %convert_element_type3A_7, %dot_general3A {dimension_numbers = #tpu.dot_dimension_numbers<[1], [0], [0], [1], [0, 0, 1, 1], [], []>, transpose_lhs_hint = false} : vector<1024x640xbf16>, vector<640x1024xbf16>, vector<1024x1024xf32> -> vector<1024x1024xf32>
    %swap3A = arith.constant 0 : index
    %swap3A_9 = arith.constant 0 : index
    %swap3A_10 = arith.constant 0 : index
    %swap3A_11 = vector.load %arg3[%swap3A, %swap3A_9, %swap3A_10] : memref<1x1024x1024xf32, #tpu.memory_space<vmem>>, vector<1x1024x1024xf32>
    %swap3A_12 = vector.shape_cast %swap3A_11 : vector<1x1024x1024xf32> to vector<1024x1024xf32>
    %swap3A_13 = vector.shape_cast %dot_general3A_8 : vector<1024x1024xf32> to vector<1x1024x1024xf32>
    tpu.vector_store %arg3[%swap3A, %swap3A_9, %swap3A_10], %swap3A_13 {strides = array<i32>} : memref<1x1024x1024xf32, #tpu.memory_space<vmem>>, vector<1x1024x1024xf32>,
    return
  }
  func.func @transform_0(%arg0: i32) -> (i32, i32, i32) {
    %c0_i32 = arith.constant 0 : i32
    %c0_i32_0 = arith.constant 0 : i32
    %c0_i32_1 = arith.constant 0 : i32
    return %arg0, %c0_i32, %c0_i32_0 : i32, i32, i32
  }
  func.func @transform_1(%arg0: i32) -> (i32, i32) {
    %c0_i32 = arith.constant 0 : i32
    %c0_i32_0 = arith.constant 0 : i32
    %c0_i32_1 = arith.constant 0 : i32
    return %c0_i32, %c0_i32_0 : i32, i32
  }
  func.func @transform_2(%arg0: i32) -> (i32, i32, i32) {
    %c0_i32 = arith.constant 0 : i32
    %c0_i32_0 = arith.constant 0 : i32
    %c0_i32_1 = arith.constant 0 : i32
    return %arg0, %c0_i32, %c0_i32_0 : i32, i32, i32
  }
}

module attributes {stable_mosaic.version = 14 : i64} {
  func.func @_head2_kernel(%arg0: i32, %arg1: memref<1x1024x1024xf32, #tpu.memory_space<vmem>>, %arg2: memref<1x1024x1xf32, #tpu.memory_space<vmem>>) attributes {dimension_semantics = [#tpu.dimension_semantics<arbitrary>], iteration_bounds = array<i64: 16>, scalar_prefetch = 0 : i64, scratch_operands = 0 : i64, tpu.core_type = #tpu.core_type<tc>, window_params = [{transform_indices = @transform_0, window_bounds = array<i64: 1, 1024, 1024>}, {transform_indices = @transform_1, window_bounds = array<i64: 1, 1024, 1>}]} {
    %get3A = arith.constant 0 : index
    %get3A_0 = arith.constant 0 : index
    %get3A_1 = arith.constant 0 : index
    %get3A_2 = vector.load %arg1[%get3A, %get3A_0, %get3A_1] : memref<1x1024x1024xf32, #tpu.memory_space<vmem>>, vector<1x1024x1024xf32>
    %get3A_3 = vector.shape_cast %get3A_2 : vector<1x1024x1024xf32> to vector<1024x1024xf32>
    %reduce_max3A = arith.constant dense<0xFF800000> : vector<1024xf32>
    %reduce_max3A_4 = vector.multi_reduction <maximumf>, %get3A_3, %reduce_max3A [1] : vector<1024x1024xf32> to vector<1024xf32>
    %broadcast_in_dim3A = vector.shape_cast %reduce_max3A_4 : vector<1024xf32> to vector<1024x1xf32>
    %swap3A = arith.constant 0 : index
    %swap3A_5 = arith.constant 0 : index
    %swap3A_6 = arith.constant 0 : index
    %swap3A_7 = vector.load %arg2[%swap3A, %swap3A_5, %swap3A_6] : memref<1x1024x1xf32, #tpu.memory_space<vmem>>, vector<1x1024x1xf32>
    %swap3A_8 = vector.shape_cast %swap3A_7 : vector<1x1024x1xf32> to vector<1024x1xf32>
    %swap3A_9 = vector.shape_cast %broadcast_in_dim3A : vector<1024x1xf32> to vector<1x1024x1xf32>
    tpu.vector_store %arg2[%swap3A, %swap3A_5, %swap3A_6], %swap3A_9 {strides = array<i32>} : memref<1x1024x1xf32, #tpu.memory_space<vmem>>, vector<1x1024x1xf32>,
    return
  }
  func.func @transform_0(%arg0: i32) -> (i32, i32, i32) {
    %c0_i32 = arith.constant 0 : i32
    %c0_i32_0 = arith.constant 0 : i32
    %c0_i32_1 = arith.constant 0 : i32
    return %arg0, %c0_i32, %c0_i32_0 : i32, i32, i32
  }
  func.func @transform_1(%arg0: i32) -> (i32, i32, i32) {
    %c0_i32 = arith.constant 0 : i32
    %c0_i32_0 = arith.constant 0 : i32
    %c0_i32_1 = arith.constant 0 : i32
    return %arg0, %c0_i32, %c0_i32_0 : i32, i32, i32
  }
}

module attributes {stable_mosaic.version = 14 : i64} {
  func.func @_head3_kernel(%arg0: memref<16x1024xf32, #tpu.memory_space<vmem>>, %arg1: memref<1024x512xf32, #tpu.memory_space<vmem>>, %arg2: memref<8x512xf32, #tpu.memory_space<vmem>>, %arg3: memref<512x256xf32, #tpu.memory_space<vmem>>, %arg4: memref<8x256xf32, #tpu.memory_space<vmem>>, %arg5: memref<8x256xf32, #tpu.memory_space<vmem>>, %arg6: memref<256x40xf32, #tpu.memory_space<vmem>>, %arg7: memref<8x40xf32, #tpu.memory_space<vmem>>, %arg8: memref<16x40xf32, #tpu.memory_space<vmem>>) attributes {dimension_semantics = [], scalar_prefetch = 0 : i64, scratch_operands = 0 : i64, tpu.core_type = #tpu.core_type<tc>} {
    %get3A = arith.constant 0 : index
    %get3A_0 = arith.constant 0 : index
    %get3A_1 = vector.load %arg0[%get3A, %get3A_0] : memref<16x1024xf32, #tpu.memory_space<vmem>>, vector<16x1024xf32>
    %get3A_2 = arith.constant 0 : index
    %get3A_3 = arith.constant 0 : index
    %get3A_4 = vector.load %arg1[%get3A_2, %get3A_3] : memref<1024x512xf32, #tpu.memory_space<vmem>>, vector<1024x512xf32>
    %convert_element_type3A = arith.truncf %get3A_1 : vector<16x1024xf32> to vector<16x1024xbf16>
    %convert_element_type3A_5 = arith.truncf %get3A_4 : vector<1024x512xf32> to vector<1024x512xbf16>
    %dot_general3A = arith.constant dense<0.000000e+00> : vector<16x512xf32>
    %dot_general3A_6 = tpu.matmul %convert_element_type3A, %convert_element_type3A_5, %dot_general3A {dimension_numbers = #tpu.dot_dimension_numbers<[1], [0], [0], [1], [0, 0, 1, 1], [], []>, transpose_lhs_hint = false} : vector<16x1024xbf16>, vector<1024x512xbf16>, vector<16x512xf32> -> vector<16x512xf32>
    %get3A_7 = arith.constant 0 : index
    %get3A_8 = arith.constant 0 : index
    %get3A_9 = vector.load %arg2[%get3A_7, %get3A_8] : memref<8x512xf32, #tpu.memory_space<vmem>>, vector<1x512xf32>
    %get3A_10 = arith.constant 1 : index
    %get3A_11 = arith.constant 0 : index
    %get3A_12 = vector.load %arg2[%get3A_10, %get3A_11] : memref<8x512xf32, #tpu.memory_space<vmem>>, vector<1x512xf32>
    %reduce_sum3A = arith.constant dense<0.000000e+00> : vector<512xf32>
    %reduce_sum3A_13 = vector.multi_reduction <add>, %dot_general3A_6, %reduce_sum3A [0] : vector<16x512xf32> to vector<512xf32>
    %broadcast_in_dim3A = vector.shape_cast %reduce_sum3A_13 : vector<512xf32> to vector<1x512xf32>
    %div3A = arith.constant 1.600000e+01 : f32
    %div3A_14 = vector.broadcast %div3A : f32 to vector<1x512xf32>
    %div3A_15 = arith.divf %broadcast_in_dim3A, %div3A_14 : vector<1x512xf32>
    %jit3A = arith.constant 0 : i32
    %reduce_sum3A_16 = arith.constant dense<0.000000e+00> : vector<512xf32>
    %reduce_sum3A_17 = vector.multi_reduction <add>, %dot_general3A_6, %reduce_sum3A_16 [0] : vector<16x512xf32> to vector<512xf32>
    %broadcast_in_dim3A_18 = vector.shape_cast %reduce_sum3A_17 : vector<512xf32> to vector<1x512xf32>
    %div3A_19 = arith.constant 1.600000e+01 : f32
    %div3A_20 = vector.broadcast %div3A_19 : f32 to vector<1x512xf32>
    %div3A_21 = arith.divf %broadcast_in_dim3A_18, %div3A_20 : vector<1x512xf32>
    %sub3A = vector.broadcast %div3A_21 : vector<1x512xf32> to vector<16x512xf32>
    %sub3A_22 = arith.subf %dot_general3A_6, %sub3A : vector<16x512xf32>
    %square3A = arith.mulf %sub3A_22, %sub3A_22 : vector<16x512xf32>
    %convert_element_type3A_23 = arith.sitofp %jit3A : i32 to f32
    %sub3A_24 = arith.constant 1.600000e+01 : f32
    %sub3A_25 = arith.subf %sub3A_24, %convert_element_type3A_23 : f32
    %reduce_sum3A_26 = arith.constant dense<0.000000e+00> : vector<512xf32>
    %reduce_sum3A_27 = vector.multi_reduction <add>, %square3A, %reduce_sum3A_26 [0] : vector<16x512xf32> to vector<512xf32>
    %broadcast_in_dim3A_28 = vector.shape_cast %reduce_sum3A_27 : vector<512xf32> to vector<1x512xf32>
    %div3A_29 = vector.broadcast %sub3A_25 : f32 to vector<1x512xf32>
    %div3A_30 = arith.divf %broadcast_in_dim3A_28, %div3A_29 : vector<1x512xf32>
    %gt3A = arith.constant 0.000000e+00 : f32
    %gt3A_31 = arith.cmpf ogt, %sub3A_25, %gt3A : f32
    %jit3A_32 = arith.constant 0x7FC00000 : f32
    %broadcast_in_dim3A_33 = vector.broadcast %jit3A_32 : f32 to vector<1x512xf32>
    %select_n3A = arith.select %gt3A_31, %div3A_30, %broadcast_in_dim3A_33 : vector<1x512xf32>
    %sub3A_34 = vector.broadcast %div3A_15 : vector<1x512xf32> to vector<16x512xf32>
    %sub3A_35 = arith.subf %dot_general3A_6, %sub3A_34 : vector<16x512xf32>
    %mul3A = vector.broadcast %get3A_9 : vector<1x512xf32> to vector<16x512xf32>
    %mul3A_36 = arith.mulf %mul3A, %sub3A_35 : vector<16x512xf32>
    %add3A = arith.constant 9.99999974E-6 : f32
    %add3A_37 = vector.broadcast %add3A : f32 to vector<1x512xf32>
    %add3A_38 = arith.addf %select_n3A, %add3A_37 : vector<1x512xf32>
    %sqrt3A = math.sqrt %add3A_38 : vector<1x512xf32>
    %div3A_39 = vector.broadcast %sqrt3A : vector<1x512xf32> to vector<16x512xf32>
    %div3A_40 = arith.divf %mul3A_36, %div3A_39 : vector<16x512xf32>
    %add3A_41 = vector.broadcast %get3A_12 : vector<1x512xf32> to vector<16x512xf32>
    %add3A_42 = arith.addf %div3A_40, %add3A_41 : vector<16x512xf32>
    %ge3A = arith.constant 0.000000e+00 : f32
    %ge3A_43 = vector.broadcast %ge3A : f32 to vector<16x512xf32>
    %ge3A_44 = arith.cmpf oge, %add3A_42, %ge3A_43 : vector<16x512xf32>
    %mul3A_45 = arith.constant 2.000000e-01 : f32
    %mul3A_46 = vector.broadcast %mul3A_45 : f32 to vector<16x512xf32>
    %mul3A_47 = arith.mulf %mul3A_46, %add3A_42 : vector<16x512xf32>
    %select_n3A_48 = arith.select %ge3A_44, %add3A_42, %mul3A_47 : vector<16x512xi1>, vector<16x512xf32>
    %get3A_49 = arith.constant 0 : index
    %get3A_50 = arith.constant 0 : index
    %get3A_51 = vector.load %arg3[%get3A_49, %get3A_50] : memref<512x256xf32, #tpu.memory_space<vmem>>, vector<512x256xf32>
    %convert_element_type3A_52 = arith.truncf %select_n3A_48 : vector<16x512xf32> to vector<16x512xbf16>
    %convert_element_type3A_53 = arith.truncf %get3A_51 : vector<512x256xf32> to vector<512x256xbf16>
    %dot_general3A_54 = arith.constant dense<0.000000e+00> : vector<16x256xf32>
    %dot_general3A_55 = tpu.matmul %convert_element_type3A_52, %convert_element_type3A_53, %dot_general3A_54 {dimension_numbers = #tpu.dot_dimension_numbers<[1], [0], [0], [1], [0, 0, 1, 1], [], []>, transpose_lhs_hint = false} : vector<16x512xbf16>, vector<512x256xbf16>, vector<16x256xf32> -> vector<16x256xf32>
    %get3A_56 = arith.constant 0 : index
    %get3A_57 = arith.constant 0 : index
    %get3A_58 = vector.load %arg4[%get3A_56, %get3A_57] : memref<8x256xf32, #tpu.memory_space<vmem>>, vector<1x256xf32>
    %add3A_59 = vector.broadcast %get3A_58 : vector<1x256xf32> to vector<16x256xf32>
    %add3A_60 = arith.addf %dot_general3A_55, %add3A_59 : vector<16x256xf32>
    %get3A_61 = arith.constant 0 : index
    %get3A_62 = arith.constant 0 : index
    %get3A_63 = vector.load %arg5[%get3A_61, %get3A_62] : memref<8x256xf32, #tpu.memory_space<vmem>>, vector<1x256xf32>
    %get3A_64 = arith.constant 1 : index
    %get3A_65 = arith.constant 0 : index
    %get3A_66 = vector.load %arg5[%get3A_64, %get3A_65] : memref<8x256xf32, #tpu.memory_space<vmem>>, vector<1x256xf32>
    %reduce_sum3A_67 = arith.constant dense<0.000000e+00> : vector<256xf32>
    %reduce_sum3A_68 = vector.multi_reduction <add>, %add3A_60, %reduce_sum3A_67 [0] : vector<16x256xf32> to vector<256xf32>
    %broadcast_in_dim3A_69 = vector.shape_cast %reduce_sum3A_68 : vector<256xf32> to vector<1x256xf32>
    %div3A_70 = arith.constant 1.600000e+01 : f32
    %div3A_71 = vector.broadcast %div3A_70 : f32 to vector<1x256xf32>
    %div3A_72 = arith.divf %broadcast_in_dim3A_69, %div3A_71 : vector<1x256xf32>
    %jit3A_73 = arith.constant 0 : i32
    %reduce_sum3A_74 = arith.constant dense<0.000000e+00> : vector<256xf32>
    %reduce_sum3A_75 = vector.multi_reduction <add>, %add3A_60, %reduce_sum3A_74 [0] : vector<16x256xf32> to vector<256xf32>
    %broadcast_in_dim3A_76 = vector.shape_cast %reduce_sum3A_75 : vector<256xf32> to vector<1x256xf32>
    %div3A_77 = arith.constant 1.600000e+01 : f32
    %div3A_78 = vector.broadcast %div3A_77 : f32 to vector<1x256xf32>
    %div3A_79 = arith.divf %broadcast_in_dim3A_76, %div3A_78 : vector<1x256xf32>
    %sub3A_80 = vector.broadcast %div3A_79 : vector<1x256xf32> to vector<16x256xf32>
    %sub3A_81 = arith.subf %add3A_60, %sub3A_80 : vector<16x256xf32>
    %square3A_82 = arith.mulf %sub3A_81, %sub3A_81 : vector<16x256xf32>
    %convert_element_type3A_83 = arith.sitofp %jit3A_73 : i32 to f32
    %sub3A_84 = arith.constant 1.600000e+01 : f32
    %sub3A_85 = arith.subf %sub3A_84, %convert_element_type3A_83 : f32
    %reduce_sum3A_86 = arith.constant dense<0.000000e+00> : vector<256xf32>
    %reduce_sum3A_87 = vector.multi_reduction <add>, %square3A_82, %reduce_sum3A_86 [0] : vector<16x256xf32> to vector<256xf32>
    %broadcast_in_dim3A_88 = vector.shape_cast %reduce_sum3A_87 : vector<256xf32> to vector<1x256xf32>
    %div3A_89 = vector.broadcast %sub3A_85 : f32 to vector<1x256xf32>
    %div3A_90 = arith.divf %broadcast_in_dim3A_88, %div3A_89 : vector<1x256xf32>
    %gt3A_91 = arith.constant 0.000000e+00 : f32
    %gt3A_92 = arith.cmpf ogt, %sub3A_85, %gt3A_91 : f32
    %jit3A_93 = arith.constant 0x7FC00000 : f32
    %broadcast_in_dim3A_94 = vector.broadcast %jit3A_93 : f32 to vector<1x256xf32>
    %select_n3A_95 = arith.select %gt3A_92, %div3A_90, %broadcast_in_dim3A_94 : vector<1x256xf32>
    %sub3A_96 = vector.broadcast %div3A_72 : vector<1x256xf32> to vector<16x256xf32>
    %sub3A_97 = arith.subf %add3A_60, %sub3A_96 : vector<16x256xf32>
    %mul3A_98 = vector.broadcast %get3A_63 : vector<1x256xf32> to vector<16x256xf32>
    %mul3A_99 = arith.mulf %mul3A_98, %sub3A_97 : vector<16x256xf32>
    %add3A_100 = arith.constant 9.99999974E-6 : f32
    %add3A_101 = vector.broadcast %add3A_100 : f32 to vector<1x256xf32>
    %add3A_102 = arith.addf %select_n3A_95, %add3A_101 : vector<1x256xf32>
    %sqrt3A_103 = math.sqrt %add3A_102 : vector<1x256xf32>
    %div3A_104 = vector.broadcast %sqrt3A_103 : vector<1x256xf32> to vector<16x256xf32>
    %div3A_105 = arith.divf %mul3A_99, %div3A_104 : vector<16x256xf32>
    %add3A_106 = vector.broadcast %get3A_66 : vector<1x256xf32> to vector<16x256xf32>
    %add3A_107 = arith.addf %div3A_105, %add3A_106 : vector<16x256xf32>
    %ge3A_108 = arith.constant 0.000000e+00 : f32
    %ge3A_109 = vector.broadcast %ge3A_108 : f32 to vector<16x256xf32>
    %ge3A_110 = arith.cmpf oge, %add3A_107, %ge3A_109 : vector<16x256xf32>
    %mul3A_111 = arith.constant 2.000000e-01 : f32
    %mul3A_112 = vector.broadcast %mul3A_111 : f32 to vector<16x256xf32>
    %mul3A_113 = arith.mulf %mul3A_112, %add3A_107 : vector<16x256xf32>
    %select_n3A_114 = arith.select %ge3A_110, %add3A_107, %mul3A_113 : vector<16x256xi1>, vector<16x256xf32>
    %get3A_115 = arith.constant 0 : index
    %get3A_116 = arith.constant 0 : index
    %get3A_117 = vector.load %arg6[%get3A_115, %get3A_116] : memref<256x40xf32, #tpu.memory_space<vmem>>, vector<256x40xf32>
    %convert_element_type3A_118 = arith.truncf %select_n3A_114 : vector<16x256xf32> to vector<16x256xbf16>
    %convert_element_type3A_119 = arith.truncf %get3A_117 : vector<256x40xf32> to vector<256x40xbf16>
    %dot_general3A_120 = arith.constant dense<0.000000e+00> : vector<16x40xf32>
    %dot_general3A_121 = tpu.matmul %convert_element_type3A_118, %convert_element_type3A_119, %dot_general3A_120 {dimension_numbers = #tpu.dot_dimension_numbers<[1], [0], [0], [1], [0, 0, 1, 1], [], []>, transpose_lhs_hint = false} : vector<16x256xbf16>, vector<256x40xbf16>, vector<16x40xf32> -> vector<16x40xf32>
    %get3A_122 = arith.constant 0 : index
    %get3A_123 = arith.constant 0 : index
    %get3A_124 = vector.load %arg7[%get3A_122, %get3A_123] : memref<8x40xf32, #tpu.memory_space<vmem>>, vector<1x40xf32>
    %add3A_125 = vector.broadcast %get3A_124 : vector<1x40xf32> to vector<16x40xf32>
    %add3A_126 = arith.addf %dot_general3A_121, %add3A_125 : vector<16x40xf32>
    %swap3A = arith.constant 0 : index
    %swap3A_127 = arith.constant 0 : index
    %swap3A_128 = vector.load %arg8[%swap3A, %swap3A_127] : memref<16x40xf32, #tpu.memory_space<vmem>>, vector<16x40xf32>
    tpu.vector_store %arg8[%swap3A, %swap3A_127], %add3A_126 {strides = array<i32>} : memref<16x40xf32, #tpu.memory_space<vmem>>, vector<16x40xf32>,
    return
  }
}

</mosaic_0001>

<sc_bundles>
// kernel: kernel.13.cloned.1.call-start
scs
__scs_entry_jumppad:
0x0: {  	(pc) =	sbr.rel $0x88, $3  }
0x1: {  	(tag) =	ssettag $0x0;
	lr =	simm.s32 $0x1  }
0x2: {  	[smem:$0x3F88] =	sst lr;
	_ =	strace $0xD0000000  }
0x3: {  	_ = 	snop  }
0x4: {  	_ = 	snop  }
0x5: {  	_ = 	snop  }
0x6: {  	_ = 	snop  }
0x7: {  	_ = 	snop  }
__scs_overlays_trampoline_lowered:
0x8: {  	[smem:$0x3F97] =	sst s0  }
0x9: {  	[smem:$0x3F98] =	sst s1  }
0xa: {  	[smem:$0x3F99] =	sst s2  }
0xb: {  	[smem:$0x3F9A] =	sst s3  }
0xc: {  	[smem:$0x3F9B] =	sst s4  }
0xd: {  	[smem:$0x3F9C] =	sst s5  }
0xe: {  	[smem:$0x3F9D] =	sst s6  }
0xf: {  	[smem:$0x3F9E] =	sst s7  }
0x10: {  	[smem:$0x3F9F] =	sst s8  }
0x11: {  	[smem:$0x3FA0] =	sst s9;
	s0 =	simm.s32 @!p0 $0x0  }
0x12: {  	s1 =	sld [smem:$0x3F86];
	s0 =	simm.s32 @p0 $0x1  }
0x13: {  	[smem:$0x3FA1] =	sst s0;
	s0 =	simm.s32 @!p1 $0x0  }
0x14: {  	s2 =	sld [smem:$0x3F85];
	s0 =	simm.s32 @p1 $0x1  }
0x15: {  	[smem:$0x3FA2] =	sst s0;
	s0 =	simm.s32 @!p2 $0x0  }
0x16: {  	s3 =	sld [smem:$0x3FDB];
	s0 =	simm.s32 @p2 $0x1  }
0x17: {  	s4 =	simm.s32 $0x1BF5;
	[smem:$0x3FA4] =	sst s0  }
0x18: {  	s0 =	sld [smem:$0x3F87];
	_ =	swait.ge [sflag:s4], $0x0  }
0x19: {  	s7 =	sld [smem:$0x3F88]  }
0x1a: {  	s8 =	sadd.s32 $0xFFFFE003, lr  }
0x1b: {  	s9 =	sadd.s32 $0xFFFFFEF7, lr;
	s5 =	simm.s32 $0xFFFFFFFF;
	p2 =	slt.u32 s8, $0xFFFFF086  }
0x1c: {  	p1 =	slt.u32 s9, $0xF7A;
	s5 =	simm.s32 @!p2 $0x0  }
0x1d: {  	s5 =	simm.s32 @p1 $0x1;
	p0 =	seq.s32 s7, s2  }
0x1e: {  	s7 =	smul.u32 @!p0 $0xF7A, s2;
	p2 =	seq.s32 @!p0 s5, $0x0  }
0x1f: {  	s9 =	smul.u32 $0xF7A, s1;
	s8 =	simm.s32 @!p0 $0x1BF5;
	p2 =	por !p2, p0  }
0x20: {  	[sflag:s8] =	ssyncset.s32 @!p0 $0xFFFFF086;
	s6 =	sadd.s32 @!p0 s3, s7;
	s7 =	simm.s32 @!p0 $0x108  }
0x21: {  	s3 =	sadd.s32 s3, s9;
	s6 =	sadd.s32 @!p0 $0x88, s6;
	s7 =	simm.s32 @p2 $0x1082  }
0x22: {  	[simem:s7], [sflag:s8] =	dma.local @!p0 [hbm:s6], $0xF7A  }
0x23: {  	s9 =	sor.u32 $0xD0000000, s2;
	s6 =	simm.s32 $0x108;
	_ =	swait.ge @!p0 [sflag:s8], $0x0  }
0x24: {  	s3 =	sadd.s32 $0x88, s3;
	s6 =	simm.s32 @!p1 $0x1082;
	[sflag:s4] =	ssyncset.s32 $0xFFFFF086  }
0x25: {  	[simem:s6], [sflag:s4] =	dma.local [hbm:s3], $0xF7A  }
0x26: {  	[smem:$0x3F88] =	sst s1;
	(tag) =	ssettag s2;
	_ =	strace s9  }
0x27: {  	s1 =	sld [smem:$0x3F98]  }
0x28: {  	s2 =	sld [smem:$0x3F99]  }
0x29: {  	s4 =	sld [smem:$0x3F9B]  }
0x2a: {  	p0 =	seq.s32 s5, $0x0;
	s5 =	sld [smem:$0x3F9C]  }
0x2b: {  	s6 =	sld [smem:$0x3F9D]  }
0x2c: {  	s7 =	sld [smem:$0x3F9E]  }
0x2d: {  	s3 =	simm.s32 $0x108;
	s8 =	sld [smem:$0x3F9F]  }
0x2e: {  	s3 =	simm.s32 @!p0 $0x1082;
	s9 =	sld [smem:$0x3FA0]  }
0x2f: {  	lr =	sadd.s32 s0, s3;
	s0 =	sld [smem:$0x3F97]  }
0x30: {  	s3 =	sld [smem:$0x3F9A]  }
0x31: {  	[smem:$0x3FA3] =	sst s10  }
0x32: {  	s10 =	sld [smem:$0x3FA1];
	_ =	sdelay $0x3  }
0x33: {  	p0 =	seq.s32 s10, $0x1;
	s10 =	sld [smem:$0x3FA3];
	_ =	sdelay $0x3  }
0x34: {  	[smem:$0x3FA3] =	sst s10  }
0x35: {  	s10 =	sld [smem:$0x3FA2];
	_ =	sdelay $0x3  }
0x36: {  	p1 =	seq.s32 s10, $0x1;
	s10 =	sld [smem:$0x3FA3];
	_ =	sdelay $0x3  }
0x37: {  	[smem:$0x3FA3] =	sst s10  }
0x38: {  	s10 =	sld [smem:$0x3FA4]  }
0x39: {  	_ = 	snop;
	(pc) =	sbr.ind lr, $3  }
0x3a: {  	_ = 	snop  }
0x3b: {  	_ = 	snop  }
0x3c: {  	p2 =	seq.s32 s10, $0x1;
	s10 =	sld [smem:$0x3FA3]  }
0x3d: {  	_ =	shalt  }
0x3e: {  	_ =	shalt  }
0x3f: {  	_ =	shalt  }
0x40: {  	_ =	shalt  }
0x41: {  	_ =	shalt  }
0x42: {  	_ =	shalt  }
0x43: {  	_ =	shalt  }
0x44: {  	_ =	shalt  }
0x45: {  	_ =	shalt  }
0x46: {  	_ =	shalt  }
0x47: {  	_ =	shalt  }
0x48: {  	_ =	shalt  }
0x49: {  	_ =	shalt  }
0x4a: {  	_ =	shalt  }
0x4b: {  	_ =	shalt  }
0x4c: {  	_ =	shalt  }
0x4d: {  	_ =	shalt  }
0x4e: {  	_ =	shalt  }
0x4f: {  	_ =	shalt  }
0x50: {  	_ =	shalt  }
0x51: {  	_ =	shalt  }
0x52: {  	_ =	shalt  }
0x53: {  	_ =	shalt  }
0x54: {  	_ =	shalt  }
0x55: {  	_ =	shalt  }
0x56: {  	_ =	shalt  }
0x57: {  	_ =	shalt  }
0x58: {  	_ =	shalt  }
0x59: {  	_ =	shalt  }
0x5a: {  	_ =	shalt  }
0x5b: {  	_ =	shalt  }
0x5c: {  	_ =	shalt  }
0x5d: {  	_ =	shalt  }
0x5e: {  	_ =	shalt  }
0x5f: {  	_ =	shalt  }
0x60: {  	_ =	shalt  }
0x61: {  	_ =	shalt  }
0x62: {  	_ =	shalt  }
0x63: {  	_ =	shalt  }
0x64: {  	_ =	shalt  }
0x65: {  	_ =	shalt  }
0x66: {  	_ =	shalt  }
0x67: {  	_ =	shalt  }
0x68: {  	_ =	shalt  }
0x69: {  	_ =	shalt  }
0x6a: {  	_ =	shalt  }
0x6b: {  	_ =	shalt  }
0x6c: {  	_ =	shalt  }
0x6d: {  	_ =	shalt  }
0x6e: {  	_ =	shalt  }
0x6f: {  	_ =	shalt  }
0x70: {  	_ =	shalt  }
0x71: {  	_ =	shalt  }
0x72: {  	_ =	shalt  }
0x73: {  	_ =	shalt  }
0x74: {  	_ =	shalt  }
0x75: {  	_ =	shalt  }
0x76: {  	_ =	shalt  }
0x77: {  	_ =	shalt  }
0x78: {  	_ =	shalt  }
0x79: {  	_ =	shalt  }
0x7a: {  	_ =	shalt  }
0x7b: {  	_ =	shalt  }
0x7c: {  	_ =	shalt  }
0x7d: {  	_ =	shalt  }
0x7e: {  	_ =	shalt  }
0x7f: {  	_ =	shalt  }
0x80: {  	_ =	shalt  }
0x81: {  	_ =	shalt  }
0x82: {  	_ =	shalt  }
0x83: {  	_ =	shalt  }
0x84: {  	_ =	shalt  }
0x85: {  	_ =	shalt  }
0x86: {  	_ =	shalt  }
0x87: {  	_ =	shalt  }
.Lfunc_end0:
.L_simem_size_0:
called_computation_lowered:
.L_overlay_start_0:
0x88: {  	s2 =	sld [smem:$0x3FD9]  }
0x89: {  	s3 =	sld [smem:$0x3FFE];
	_ =	sdelay $0x1  }
0x8a: {  	s1 =	srdreg.scid  }
0x8b: {  	s0 =	sand.u32 $0x1, s1  }
0x8c: {  	s16 =	sshll.u32 s0, $0xA;
	s2 =	sadd.s32 s3, s2  }
0x8d: {  	s2 =	sadd.s32 s2, s16  }
0x8e: {  	[smem:$0x3FAF] =	sst s2  }
0x8f: {  	_ = 	snop  }
0x90: {  	(tm) =	ssettm $0x1  }
0x91: {  	s17 =	sld [smem:$0x3FFB];
	_ =	sdelay $0x3  }
0x92: {  	_ =	strace s17  }
0x93: {  	s2 =	sld [smem:$0x3FFC];
	_ =	sdelay $0x3  }
0x94: {  	_ =	strace s2  }
0x95: {  	s2 =	sld [smem:$0x3FFD];
	_ =	sdelay $0x3  }
0x96: {  	_ =	strace s2  }
0x97: {  	_ =	strace $0x8FFFFFFF  }
0x98: {  	s18 =	sld [smem:$0x3FDB];
	_ =	sdelay $0x1  }
0x99: {  	s19 =	simm.s32 $_scs_section_size  }
0x9a: {  	s4 =	simm.s32 $_size__tile_overlayer_lowered;
	s5 =	simm.s32 $_tile_overlayer_lowered  }
0x9b: {  	s22 =	simm.s32 $0x1BFF;
	s21 =	sshll.u32 s5, $0x1;
	s2 =	sadd.s32 s19, s18  }
0x9c: {  	s6 =	simm.s32 $0x0;
	s20 =	sshll.u32 s4, $0x1;
	s4 =	sadd.s32 s21, s2  }
0x9d: {  	[timem:s6], [sflag:s22] =	dma.local [hbm:s4], s20  }
0x9e: {  	_ =	swait.ge [sflag:s22], s20  }
0x9f: {  	s3 =	ssub.s32 $0x0, s20;
	[sflag:s22] =	ssyncset.done $0x0  }
0xa0: {  	[sflag:s22] =	ssyncadd.s32 s3;
	_ =	sdelay $0x1  }
0xa1: {  	s23 =	simm.s32 $0x1B8B  }
0xa2: {  	_ =	swait.ge [sflag:s23], $0x1  }
0xa3: {  	[sflag:s23] =	ssyncset.done $0x0  }
0xa4: {  	s25 =	simm.s32 $0x1B8E;
	s24 =	sld [smem:$0x3FFE];
	[sflag:s23] =	ssyncadd.s32 $0xFFFFFFFF  }
0xa5: {  	s26 =	simm.s32 $execute0_lowered;
	[smem:$0x3FD2] =	sst s25  }
0xa6: {  	s4 =	sshll.u32 s26, $0x1;
	_ =	strace $0x80000046;
	[dreg:$0x1] =	wrdreg $0xFFFFFFFF  }
0xa7: {  	s28 =	simm.s32 $_size_execute0_lowered;
	s2 =	sadd.s32 s2, s4;
	[dreg:$0x0] =	wrdreg $0x0  }
0xa8: {  	s4 =	sshll.u32 s28, $0x1;
	[dreg:$0x2] =	wrdreg s2  }
0xa9: {  	[dreg:$0x3] =	wrdreg s4  }
0xaa: {  	[dreg:$0x4] =	wrdreg $0xC0  }
0xab: {  	_ =	task [dreg:s6], $0x5FFFF  }
0xac: {  	[dreg:$0x1] =	wrdreg $0xFFFFFFFF  }
0xad: {  	[dreg:$0x0] =	wrdreg $0x60  }
0xae: {  	[dreg:$0x2] =	wrdreg s24  }
0xaf: {  	[dreg:$0x3] =	wrdreg $0x9  }
0xb0: {  	_ =	task.clear_ibuf [dreg:s6], $0x4FFFF;
	_ =	strace $0x90000046  }
0xb1: {  	s29 =	simm.s32 $0x9;
	_ =	strace $0x80000048  }
0xb2: {  	_ =	swait.ge [sflag:s29], $0x1  }
0xb3: {  	[sflag:s29] =	ssyncadd.s32 $0xFFFFFFFF  }
0xb4: {  	_ =	strace $0x90000048  }
0xb5: {  	_ =	sfence  }
0xb6: {  	s30 =	sld [smem:$0x0];
	_ =	sdelay $0x2  }
0xb7: {  	s31 =	sshll.u32 s1, $0xD;
	s1 =	sshrl.u32 s1, $0x2  }
0xb8: {  	s3 =	sand.u32 $0x4000, s31;
	s1 =	sadd.s32 s1, s30  }
0xb9: {  	s0 =	sor.u32 s3, s0;
	s1 =	sshll.u32 s1, $0x11  }
0xba: {  	s0 =	sor.u32 s1, s0  }
0xbb: {  	s0 =	sadd.s32 $0x8F2B, s0  }
0xbc: {  	[sflag:s0] =	ssyncadd.remote.s32 $0x1  }
0xbd: {  	_ =	sfence.sel $0xFFFF  }
0xbe: {  	[dreg:$0x0] =	wrdreg $0xFFFFFFFF;
	(pc) =	sbr.abs _section_cstart, $3  }
0xbf: {  	[dreg:$0x1] =	wrdreg $0xFFFFFFFF  }
0xc0: {  	_ =	task.clear_ibuf [dreg:s6], $0x2FFFF;
	_ =	strace $0x9FFFFFFF  }
0xc1: {  	(tm) =	ssettm $0x7FFFFFFF  }
tec
execute0_lowered:
.L_overlay_start_1:
0x0: {  	(tag) =	ssettag $0x1  }
0x1: {  	s1 =	srdreg.scid  }
0x2: {  	s0 =	stileid.u32;
	s4 =	rddreg [dreg:$0x0];
	s2 =	simm.s32 $0x0  }
0x3: {  	s9 =	simm.s32 $0x2800;
	s10 =	simm.s32 $0x4800;
	s11 =	simm.s32 $0x6800  }
0x4: {  	s12 =	simm.s32 $0x8800;
	s13 =	simm.s32 $0xA800;
	s14 =	simm.s32 $0x1  }
0x5: {  	s15 =	simm.s32 $0xC800;
	s5 =	sand.u32 $0x1, s1;
	s1 =	rddreg [dreg:$0x1]  }
0x6: {  	s16 =	simm.s32 $0x0;
	s3 =	sshll.u32 s0, $0x1;
	[smem:$0x7FF] =	sst s2  }
0x7: {  	s6 =	sor.u32 s5, s3;
	_ =	strace $0x80000047;
	s5 =	ssub.s32 $0x2, s5  }
0x8: {  	s7 =	smul.u32 $0x500, s6;
	s6 =	sshll.u32 s6, $0xC;
	s8 =	sshrl.u32 s5, $0x1  }
0x9: {  	s3 =	sadd.s32 $0x2C00, s4;
	s6 =	sadd.s32 s6, s4;
	s8 =	ssub.s32 s5, s8  }
0xa: {  	s7 =	sadd.s32 s7, s4;
	s5 =	sadd.s32 $0x2CC00, s6;
	s6 =	smax.u32 s8, $0x1  }
0xb: {  	s8 =	simm.s32 $0x80;
	s4 =	sadd.s32 $0x22C00, s7;
	s7 =	simm.s32 $0x2  }
.LBB2_1:
0xc: {  	[tilespmem:s2], [sflag:$0x2] =	stream.linear.gather [hbm4b:s4+s2], $0x2800, $0x38;
	[tilespmem:$0xD000] =	vst v63  }
0xd: {  	_ =	swait.ge [sflag:s7], $0x2800  }
0xe: {  	[sflag:s7] =	ssyncset.done $0x0  }
0xf: {  	s17 =	simm.s32 $0x0;
	[sflag:s7] =	ssyncadd.s32 $0xFFFFD800  }
.LBB2_2:
0x10: {  	s18 =	smul.u32 $0xA00, s17;
	_ =	sdelay $0x1  }
0x11: {  	s18 =	sshra.s32 s18, $0x2  }
0x12: {  	[tilespmem:s9], [sflag:$0x1] =	stream.indirect.gather [hbm4b:s3+s8], $0x40, s18, s8, $0xb8;
	[tilespmem:$0xD000] =	vst v63  }
0x13: {  	s19 =	sadd.s32 $0x80, s18  }
0x14: {  	[tilespmem:s10], [sflag:$0x1] =	stream.indirect.gather [hbm4b:s3+s8], $0x40, s19, s8, $0xb8;
	[tilespmem:$0xD000] =	vst v63  }
0x15: {  	s30 =	sadd.s32 $0x100, s18  }
0x16: {  	[tilespmem:s11], [sflag:$0x1] =	stream.indirect.gather [hbm4b:s3+s8], $0x40, s30, s8, $0xb8;
	[tilespmem:$0xD000] =	vst v63  }
0x17: {  	s31 =	sadd.s32 $0x180, s18  }
0x18: {  	[tilespmem:s12], [sflag:$0x1] =	stream.indirect.gather [hbm4b:s3+s8], $0x40, s31, s8, $0xb8;
	[tilespmem:$0xD000] =	vst v63  }
0x19: {  	s18 =	sadd.s32 $0x200, s18  }
0x1a: {  	[tilespmem:s13], [sflag:$0x1] =	stream.indirect.gather [hbm4b:s3+s8], $0x40, s18, s8, $0xb8;
	[tilespmem:$0xD000] =	vst v63  }
0x1b: {  	_ =	swait.ge [sflag:s14], $0x2000  }
0x1c: {  	[sflag:s14] =	ssyncset.done $0x0  }
0x1d: {  	[sflag:s14] =	ssyncadd.s32 $0xFFFFE000  }
0x1e: {  	_ =	swait.ge [sflag:s14], $0x2000  }
0x1f: {  	[sflag:s14] =	ssyncset.done $0x0  }
0x20: {  	[sflag:s14] =	ssyncadd.s32 $0xFFFFE000  }
0x21: {  	_ =	swait.ge [sflag:s14], $0x2000  }
0x22: {  	[sflag:s14] =	ssyncset.done $0x0  }
0x23: {  	[sflag:s14] =	ssyncadd.s32 $0xFFFFE000  }
0x24: {  	_ =	swait.ge [sflag:s14], $0x2000  }
0x25: {  	[sflag:s14] =	ssyncset.done $0x0  }
0x26: {  	[sflag:s14] =	ssyncadd.s32 $0xFFFFE000  }
0x27: {  	_ =	swait.ge [sflag:s14], $0x2000  }
0x28: {  	[sflag:s14] =	ssyncset.done $0x0  }
0x29: {  	s18 =	simm.s32 $0x2A80;
	[sflag:s14] =	ssyncadd.s32 $0xFFFFE000  }
0x2a: {  	v0 =	vld [tilespmem:s18+$0xFFFFFDC0]  }
0x2b: {  	v1 =	vld [tilespmem:s18+$0xFFFFFD80]  }
0x2c: {  	v2 =	vld [tilespmem:s18+$0xFFFFFE00]  }
0x2d: {  	v3 =	vld [tilespmem:s18+$0xFFFFFE40]  }
0x2e: {  	v4 =	vld [tilespmem:s18+$0xFFFFFE80]  }
0x2f: {  	v5 =	vld [tilespmem:s18+$0xFFFFFEC0]  }
0x30: {  	v0 =	vmax.f32 v1, v0;
	v1 =	vld [tilespmem:s18+$0xFFFFFF00]  }
0x31: {  	v0 =	vmax.f32 v0, v2;
	v2 =	vld [tilespmem:s18+$0xFFFFFF40]  }
0x32: {  	v0 =	vmax.f32 v0, v3;
	v3 =	vld [tilespmem:s18+$0xFFFFFF80]  }
0x33: {  	v0 =	vmax.f32 v0, v4;
	v4 =	vld [tilespmem:s18+$0xFFFFFFC0]  }
0x34: {  	v0 =	vmax.f32 v0, v5;
	v5 =	vld [tilespmem:s18+$0x0]  }
0x35: {  	v0 =	vmax.f32 v0, v1;
	v1 =	vld [tilespmem:s18+$0x40]  }
0x36: {  	v0 =	vmax.f32 v0, v2;
	v2 =	vld [tilespmem:s18+$0x80]  }
0x37: {  	v0 =	vmax.f32 v0, v3;
	v3 =	vld [tilespmem:s18+$0xC0]  }
0x38: {  	v0 =	vmax.f32 v0, v4;
	v4 =	vld [tilespmem:s18+$0x100]  }
0x39: {  	v0 =	vmax.f32 v0, v5;
	v5 =	vld [tilespmem:s18+$0x140]  }
0x3a: {  	v0 =	vmax.f32 v0, v1;
	v1 =	vld [tilespmem:s18+$0x180]  }
0x3b: {  	v0 =	vmax.f32 v0, v2;
	v2 =	vld [tilespmem:s18+$0x1C0]  }
0x3c: {  	v0 =	vmax.f32 v0, v3;
	v3 =	vld [tilespmem:s18+$0x200]  }
0x3d: {  	v0 =	vmax.f32 v0, v4;
	v4 =	vld [tilespmem:s18+$0x240]  }
0x3e: {  	v0 =	vmax.f32 v0, v5  }
0x3f: {  	v0 =	vmax.f32 v0, v1  }
0x40: {  	v0 =	vmax.f32 v0, v2  }
0x41: {  	v0 =	vmax.f32 v0, v3  }
0x42: {  	s19 =	simm.s32 $0x0;
	v0 =	vmax.f32 v0, v4  }
0x43: {  	[tilespmem:s19+$0xC800] =	vst v0  }
0x44: {  	v0 =	vld [tilespmem:s18+$0xFFFFFD90]  }
0x45: {  	v1 =	vld [tilespmem:s18+$0xFFFFFDD0]  }
0x46: {  	v2 =	vld [tilespmem:s18+$0xFFFFFE10]  }
0x47: {  	v3 =	vld [tilespmem:s18+$0xFFFFFE50]  }
0x48: {  	v4 =	vld [tilespmem:s18+$0xFFFFFE90]  }
0x49: {  	v5 =	vld [tilespmem:s18+$0xFFFFFED0]  }
0x4a: {  	v0 =	vmax.f32 v0, v1;
	v1 =	vld [tilespmem:s18+$0xFFFFFF10]  }
0x4b: {  	v0 =	vmax.f32 v0, v2;
	v2 =	vld [tilespmem:s18+$0xFFFFFF50]  }
0x4c: {  	v0 =	vmax.f32 v0, v3;
	v3 =	vld [tilespmem:s18+$0xFFFFFF90]  }
0x4d: {  	v0 =	vmax.f32 v0, v4;
	v4 =	vld [tilespmem:s18+$0xFFFFFFD0]  }
0x4e: {  	v0 =	vmax.f32 v0, v5;
	v5 =	vld [tilespmem:s18+$0x10]  }
0x4f: {  	v0 =	vmax.f32 v0, v1;
	v1 =	vld [tilespmem:s18+$0x50]  }
0x50: {  	v0 =	vmax.f32 v0, v2;
	v2 =	vld [tilespmem:s18+$0x90]  }
0x51: {  	v0 =	vmax.f32 v0, v3;
	v3 =	vld [tilespmem:s18+$0xD0]  }
0x52: {  	v0 =	vmax.f32 v0, v4;
	v4 =	vld [tilespmem:s18+$0x110]  }
0x53: {  	v0 =	vmax.f32 v0, v5;
	v5 =	vld [tilespmem:s18+$0x150]  }
0x54: {  	v0 =	vmax.f32 v0, v1;
	v1 =	vld [tilespmem:s18+$0x190]  }
0x55: {  	v0 =	vmax.f32 v0, v2;
	v2 =	vld [tilespmem:s18+$0x1D0]  }
0x56: {  	v0 =	vmax.f32 v0, v3;
	v3 =	vld [tilespmem:s18+$0x210]  }
0x57: {  	v0 =	vmax.f32 v0, v4;
	v4 =	vld [tilespmem:s18+$0x250]  }
0x58: {  	v0 =	vmax.f32 v0, v5  }
0x59: {  	v0 =	vmax.f32 v0, v1  }
0x5a: {  	v0 =	vmax.f32 v0, v2  }
0x5b: {  	v0 =	vmax.f32 v0, v3  }
0x5c: {  	v0 =	vmax.f32 v0, v4  }
0x5d: {  	[tilespmem:s19+$0xC810] =	vst v0  }
0x5e: {  	v0 =	vld [tilespmem:s18+$0xFFFFFDA0]  }
0x5f: {  	v1 =	vld [tilespmem:s18+$0xFFFFFDE0]  }
0x60: {  	v2 =	vld [tilespmem:s18+$0xFFFFFE20]  }
0x61: {  	v3 =	vld [tilespmem:s18+$0xFFFFFE60]  }
0x62: {  	v4 =	vld [tilespmem:s18+$0xFFFFFEA0]  }
0x63: {  	v5 =	vld [tilespmem:s18+$0xFFFFFEE0]  }
0x64: {  	v0 =	vmax.f32 v0, v1;
	v1 =	vld [tilespmem:s18+$0xFFFFFF20]  }
0x65: {  	v0 =	vmax.f32 v0, v2;
	v2 =	vld [tilespmem:s18+$0xFFFFFF60]  }
0x66: {  	v0 =	vmax.f32 v0, v3;
	v3 =	vld [tilespmem:s18+$0xFFFFFFA0]  }
0x67: {  	v0 =	vmax.f32 v0, v4;
	v4 =	vld [tilespmem:s18+$0xFFFFFFE0]  }
0x68: {  	v0 =	vmax.f32 v0, v5;
	v5 =	vld [tilespmem:s18+$0x20]  }
0x69: {  	v0 =	vmax.f32 v0, v1;
	v1 =	vld [tilespmem:s18+$0x60]  }
0x6a: {  	v0 =	vmax.f32 v0, v2;
	v2 =	vld [tilespmem:s18+$0xA0]  }
0x6b: {  	v0 =	vmax.f32 v0, v3;
	v3 =	vld [tilespmem:s18+$0xE0]  }
0x6c: {  	v0 =	vmax.f32 v0, v4;
	v4 =	vld [tilespmem:s18+$0x120]  }
0x6d: {  	v0 =	vmax.f32 v0, v5;
	v5 =	vld [tilespmem:s18+$0x160]  }
0x6e: {  	v0 =	vmax.f32 v0, v1;
	v1 =	vld [tilespmem:s18+$0x1A0]  }
0x6f: {  	v0 =	vmax.f32 v0, v2;
	v2 =	vld [tilespmem:s18+$0x1E0]  }
0x70: {  	v0 =	vmax.f32 v0, v3;
	v3 =	vld [tilespmem:s18+$0x220]  }
0x71: {  	v0 =	vmax.f32 v0, v4;
	v4 =	vld [tilespmem:s18+$0x260]  }
0x72: {  	v0 =	vmax.f32 v0, v5  }
0x73: {  	v0 =	vmax.f32 v0, v1  }
0x74: {  	v0 =	vmax.f32 v0, v2  }
0x75: {  	v0 =	vmax.f32 v0, v3  }
0x76: {  	v0 =	vmax.f32 v0, v4  }
0x77: {  	[tilespmem:s19+$0xC820] =	vst v0  }
0x78: {  	v0 =	vld [tilespmem:s18+$0xFFFFFDB0]  }
0x79: {  	v1 =	vld [tilespmem:s18+$0xFFFFFDF0]  }
0x7a: {  	v2 =	vld [tilespmem:s18+$0xFFFFFE30]  }
0x7b: {  	v3 =	vld [tilespmem:s18+$0xFFFFFE70]  }
0x7c: {  	v4 =	vld [tilespmem:s18+$0xFFFFFEB0]  }
0x7d: {  	v5 =	vld [tilespmem:s18+$0xFFFFFEF0]  }
0x7e: {  	v0 =	vmax.f32 v0, v1;
	v1 =	vld [tilespmem:s18+$0xFFFFFF30]  }
0x7f: {  	v0 =	vmax.f32 v0, v2;
	v2 =	vld [tilespmem:s18+$0xFFFFFF70]  }
0x80: {  	v0 =	vmax.f32 v0, v3;
	v3 =	vld [tilespmem:s18+$0xFFFFFFB0]  }
0x81: {  	v0 =	vmax.f32 v0, v4;
	v4 =	vld [tilespmem:s18+$0xFFFFFFF0]  }
0x82: {  	v0 =	vmax.f32 v0, v5;
	v5 =	vld [tilespmem:s18+$0x30]  }
0x83: {  	v0 =	vmax.f32 v0, v1;
	v1 =	vld [tilespmem:s18+$0x70]  }
0x84: {  	v0 =	vmax.f32 v0, v2;
	v2 =	vld [tilespmem:s18+$0xB0]  }
0x85: {  	v0 =	vmax.f32 v0, v3;
	v3 =	vld [tilespmem:s18+$0xF0]  }
0x86: {  	v0 =	vmax.f32 v0, v4;
	v4 =	vld [tilespmem:s18+$0x130]  }
0x87: {  	v0 =	vmax.f32 v0, v5;
	v5 =	vld [tilespmem:s18+$0x170]  }
0x88: {  	v1 =	vmax.f32 v0, v1  }
0x89: {  	v0 =	vld [tilespmem:s18+$0x1B0];
	v2 =	vmax.f32 v1, v2  }
0x8a: {  	v1 =	vld [tilespmem:s18+$0x1F0];
	v3 =	vmax.f32 v2, v3  }
0x8b: {  	v2 =	vld [tilespmem:s18+$0x230];
	v4 =	vmax.f32 v3, v4  }
0x8c: {  	s20 =	simm.s32 $0x100;
	v3 =	vld [tilespmem:s18+$0x270];
	v4 =	vmax.f32 v4, v5  }
.LBB2_3:
0x8d: {  	p0 =	sne.s32 s20, $0x1F00  }
0x8e: {  	s18 =	sadd.s32 $0x500, s18;
	s21 =	smov.u32 s20;
	s20 =	sadd.s32 $0x100, s20  }
0x8f: {  	v0 =	vmax.f32 v4, v0  }
0x90: {  	v0 =	vmax.f32 v0, v1  }
0x91: {  	v0 =	vmax.f32 v0, v2  }
0x92: {  	v0 =	vmax.f32 v0, v3  }
0x93: {  	[tilespmem:s19+$0xC830] =	vst v0  }
0x94: {  	v0 =	vld [tilespmem:s18+$0xFFFFFDC0]  }
0x95: {  	v1 =	vld [tilespmem:s18+$0xFFFFFD80]  }
0x96: {  	v2 =	vld [tilespmem:s18+$0xFFFFFE00]  }
0x97: {  	v3 =	vld [tilespmem:s18+$0xFFFFFE40]  }
0x98: {  	v4 =	vld [tilespmem:s18+$0xFFFFFE80]  }
0x99: {  	v5 =	vld [tilespmem:s18+$0xFFFFFEC0]  }
0x9a: {  	v0 =	vmax.f32 v1, v0;
	v1 =	vld [tilespmem:s18+$0xFFFFFF00]  }
0x9b: {  	v0 =	vmax.f32 v0, v2;
	v2 =	vld [tilespmem:s18+$0xFFFFFF40]  }
0x9c: {  	v0 =	vmax.f32 v0, v3;
	v3 =	vld [tilespmem:s18+$0xFFFFFF80]  }
0x9d: {  	v0 =	vmax.f32 v0, v4;
	v4 =	vld [tilespmem:s18+$0xFFFFFFC0]  }
0x9e: {  	v0 =	vmax.f32 v0, v5;
	v5 =	vld [tilespmem:s18+$0x0]  }
0x9f: {  	v0 =	vmax.f32 v0, v1;
	v1 =	vld [tilespmem:s18+$0x40]  }
0xa0: {  	v0 =	vmax.f32 v0, v2;
	v2 =	vld [tilespmem:s18+$0x80]  }
0xa1: {  	v0 =	vmax.f32 v0, v3;
	v3 =	vld [tilespmem:s18+$0xC0]  }
0xa2: {  	v0 =	vmax.f32 v0, v4;
	v4 =	vld [tilespmem:s18+$0x100]  }
0xa3: {  	v0 =	vmax.f32 v0, v5;
	v5 =	vld [tilespmem:s18+$0x140]  }
0xa4: {  	v0 =	vmax.f32 v0, v1;
	v1 =	vld [tilespmem:s18+$0x180]  }
0xa5: {  	v0 =	vmax.f32 v0, v2;
	v2 =	vld [tilespmem:s18+$0x1C0]  }
0xa6: {  	v0 =	vmax.f32 v0, v3;
	v3 =	vld [tilespmem:s18+$0x200]  }
0xa7: {  	v0 =	vmax.f32 v0, v4;
	v4 =	vld [tilespmem:s18+$0x240]  }
0xa8: {  	v0 =	vmax.f32 v0, v5  }
0xa9: {  	v0 =	vmax.f32 v0, v1  }
0xaa: {  	v0 =	vmax.f32 v0, v2  }
0xab: {  	v0 =	vmax.f32 v0, v3  }
0xac: {  	s19 =	sshra.s32 s21, $0x2;
	v0 =	vmax.f32 v0, v4  }
0xad: {  	[tilespmem:s19+$0xC800] =	vst v0  }
0xae: {  	v0 =	vld [tilespmem:s18+$0xFFFFFD90]  }
0xaf: {  	v1 =	vld [tilespmem:s18+$0xFFFFFDD0]  }
0xb0: {  	v2 =	vld [tilespmem:s18+$0xFFFFFE10]  }
0xb1: {  	v3 =	vld [tilespmem:s18+$0xFFFFFE50]  }
0xb2: {  	v4 =	vld [tilespmem:s18+$0xFFFFFE90]  }
0xb3: {  	v5 =	vld [tilespmem:s18+$0xFFFFFED0]  }
0xb4: {  	v0 =	vmax.f32 v0, v1;
	v1 =	vld [tilespmem:s18+$0xFFFFFF10]  }
0xb5: {  	v0 =	vmax.f32 v0, v2;
	v2 =	vld [tilespmem:s18+$0xFFFFFF50]  }
0xb6: {  	v0 =	vmax.f32 v0, v3;
	v3 =	vld [tilespmem:s18+$0xFFFFFF90]  }
0xb7: {  	v0 =	vmax.f32 v0, v4;
	v4 =	vld [tilespmem:s18+$0xFFFFFFD0]  }
0xb8: {  	v0 =	vmax.f32 v0, v5;
	v5 =	vld [tilespmem:s18+$0x10]  }
0xb9: {  	v0 =	vmax.f32 v0, v1;
	v1 =	vld [tilespmem:s18+$0x50]  }
0xba: {  	v0 =	vmax.f32 v0, v2;
	v2 =	vld [tilespmem:s18+$0x90]  }
0xbb: {  	v0 =	vmax.f32 v0, v3;
	v3 =	vld [tilespmem:s18+$0xD0]  }
0xbc: {  	v0 =	vmax.f32 v0, v4;
	v4 =	vld [tilespmem:s18+$0x110]  }
0xbd: {  	v0 =	vmax.f32 v0, v5;
	v5 =	vld [tilespmem:s18+$0x150]  }
0xbe: {  	v0 =	vmax.f32 v0, v1;
	v1 =	vld [tilespmem:s18+$0x190]  }
0xbf: {  	v0 =	vmax.f32 v0, v2;
	v2 =	vld [tilespmem:s18+$0x1D0]  }
0xc0: {  	v0 =	vmax.f32 v0, v3;
	v3 =	vld [tilespmem:s18+$0x210]  }
0xc1: {  	v0 =	vmax.f32 v0, v4;
	v4 =	vld [tilespmem:s18+$0x250]  }
0xc2: {  	v0 =	vmax.f32 v0, v5  }
0xc3: {  	v0 =	vmax.f32 v0, v1  }
0xc4: {  	v0 =	vmax.f32 v0, v2  }
0xc5: {  	v0 =	vmax.f32 v0, v3  }
0xc6: {  	v0 =	vmax.f32 v0, v4  }
0xc7: {  	[tilespmem:s19+$0xC810] =	vst v0  }
0xc8: {  	v0 =	vld [tilespmem:s18+$0xFFFFFDA0]  }
0xc9: {  	v1 =	vld [tilespmem:s18+$0xFFFFFDE0]  }
0xca: {  	v2 =	vld [tilespmem:s18+$0xFFFFFE20]  }
0xcb: {  	v3 =	vld [tilespmem:s18+$0xFFFFFE60]  }
0xcc: {  	v4 =	vld [tilespmem:s18+$0xFFFFFEA0]  }
0xcd: {  	v5 =	vld [tilespmem:s18+$0xFFFFFEE0]  }
0xce: {  	v0 =	vmax.f32 v0, v1;
	v1 =	vld [tilespmem:s18+$0xFFFFFF20]  }
0xcf: {  	v0 =	vmax.f32 v0, v2;
	v2 =	vld [tilespmem:s18+$0xFFFFFF60]  }
0xd0: {  	v0 =	vmax.f32 v0, v3;
	v3 =	vld [tilespmem:s18+$0xFFFFFFA0]  }
0xd1: {  	v0 =	vmax.f32 v0, v4;
	v4 =	vld [tilespmem:s18+$0xFFFFFFE0]  }
0xd2: {  	v0 =	vmax.f32 v0, v5;
	v5 =	vld [tilespmem:s18+$0x20]  }
0xd3: {  	v0 =	vmax.f32 v0, v1;
	v1 =	vld [tilespmem:s18+$0x60]  }
0xd4: {  	v0 =	vmax.f32 v0, v2;
	v2 =	vld [tilespmem:s18+$0xA0]  }
0xd5: {  	v0 =	vmax.f32 v0, v3;
	v3 =	vld [tilespmem:s18+$0xE0]  }
0xd6: {  	v0 =	vmax.f32 v0, v4;
	v4 =	vld [tilespmem:s18+$0x120]  }
0xd7: {  	v0 =	vmax.f32 v0, v5;
	v5 =	vld [tilespmem:s18+$0x160]  }
0xd8: {  	v0 =	vmax.f32 v0, v1;
	v1 =	vld [tilespmem:s18+$0x1A0]  }
0xd9: {  	v0 =	vmax.f32 v0, v2;
	v2 =	vld [tilespmem:s18+$0x1E0]  }
0xda: {  	v0 =	vmax.f32 v0, v3;
	v3 =	vld [tilespmem:s18+$0x220]  }
0xdb: {  	v0 =	vmax.f32 v0, v4;
	v4 =	vld [tilespmem:s18+$0x260]  }
0xdc: {  	v0 =	vmax.f32 v0, v5  }
0xdd: {  	v0 =	vmax.f32 v0, v1  }
0xde: {  	v0 =	vmax.f32 v0, v2  }
0xdf: {  	v0 =	vmax.f32 v0, v3  }
0xe0: {  	v0 =	vmax.f32 v0, v4  }
0xe1: {  	[tilespmem:s19+$0xC820] =	vst v0  }
0xe2: {  	v0 =	vld [tilespmem:s18+$0xFFFFFDB0]  }
0xe3: {  	v1 =	vld [tilespmem:s18+$0xFFFFFDF0]  }
0xe4: {  	v2 =	vld [tilespmem:s18+$0xFFFFFE30]  }
0xe5: {  	v3 =	vld [tilespmem:s18+$0xFFFFFE70]  }
0xe6: {  	v4 =	vld [tilespmem:s18+$0xFFFFFEB0]  }
0xe7: {  	v5 =	vld [tilespmem:s18+$0xFFFFFEF0]  }
0xe8: {  	v0 =	vmax.f32 v0, v1;
	v1 =	vld [tilespmem:s18+$0xFFFFFF30]  }
0xe9: {  	v0 =	vmax.f32 v0, v2;
	v2 =	vld [tilespmem:s18+$0xFFFFFF70]  }
0xea: {  	v0 =	vmax.f32 v0, v3;
	v3 =	vld [tilespmem:s18+$0xFFFFFFB0]  }
0xeb: {  	v0 =	vmax.f32 v0, v4;
	v4 =	vld [tilespmem:s18+$0xFFFFFFF0]  }
0xec: {  	v0 =	vmax.f32 v0, v5;
	v5 =	vld [tilespmem:s18+$0x30]  }
0xed: {  	v0 =	vmax.f32 v0, v1;
	v1 =	vld [tilespmem:s18+$0x70]  }
0xee: {  	v0 =	vmax.f32 v0, v2;
	v2 =	vld [tilespmem:s18+$0xB0]  }
0xef: {  	v0 =	vmax.f32 v0, v3;
	v3 =	vld [tilespmem:s18+$0xF0]  }
0xf0: {  	v0 =	vmax.f32 v0, v4;
	v4 =	vld [tilespmem:s18+$0x130]  }
0xf1: {  	v0 =	vmax.f32 v0, v5;
	v5 =	vld [tilespmem:s18+$0x170]  }
.Ltmp0:
0xf2: {  	v1 =	vmax.f32 v0, v1;
	v0 =	vld [tilespmem:s18+$0x1B0];
	(pc) =	sbr.rel @p0 .LBB2_3-.Ltmp0, $4  }
0xf3: {  	v2 =	vmax.f32 v1, v2;
	v1 =	vld [tilespmem:s18+$0x1F0]  }
0xf4: {  	v3 =	vmax.f32 v2, v3;
	v2 =	vld [tilespmem:s18+$0x230]  }
0xf5: {  	v4 =	vmax.f32 v3, v4;
	v3 =	vld [tilespmem:s18+$0x270]  }
0xf6: {  	v4 =	vmax.f32 v4, v5  }
0xf7: {  	v0 =	vmax.f32 v4, v0  }
0xf8: {  	v0 =	vmax.f32 v0, v1  }
0xf9: {  	s18 =	sshll.u32 s17, $0x8;
	s17 =	sadd.s32 $0x1, s17;
	v0 =	vmax.f32 v0, v2  }
0xfa: {  	p0 =	sne.s32 s17, $0x10;
	v0 =	vmax.f32 v0, v3  }
.Ltmp1:
0xfb: {  	s18 =	sadd.s32 s18, s5;
	[tilespmem:s19+$0xC830] =	vst v0;
	(pc) =	sbr.rel @p0 .LBB2_2-.Ltmp1, $4  }
0xfc: {  	[hbm4b:s18+s2] =	stream.linear.scatter [tilespmem:s15], [sflag:$0x2], $0x800, $0x38;
	[tilespmem:$0xD000] =	vst v63  }
0xfd: {  	_ =	swait.ge [sflag:s7], $0x800  }
0xfe: {  	[sflag:s7] =	ssyncset.done $0x0  }
0xff: {  	[sflag:s7] =	ssyncadd.s32 $0xFFFFF800  }
0x100: {  	s16 =	sadd.s32 $0x1, s16  }
0x101: {  	p0 =	sne.s32 s16, s6  }
.Ltmp2:
0x102: {  	_ = 	snop;
	(pc) =	sbr.rel @p0 .LBB2_1-.Ltmp2, $1  }
0x103: {  	_ =	sdelay $0x3  }
0x104: {  	_ =	sfence.sel $0x180000  }
0x105: {  	[bflag:$0x0] =	sbarrier.arrive $0xFFFF  }
0x106: {  	p0 =	sne.s32 s0, $0x0;
	_ =	strace $0x90000047  }
0x107: {  	s0 =	sadd.s32 @!p0 $0x100000, s1;
	[bflag:$0x2] =	sbarrier.arrive $0xFFFF  }
0x108: {  	[sflag:s0] =	ssyncadd.tile.s32 @!p0 $0x1;
	_ =	shalt  }
.Lfunc_end2:
_tile_overlayer_lowered:
.L_overlay_start_2:
0x109: {  	(tag) =	ssettag $0x2  }
0x10a: {  	s0 =	rddreg [dreg:$0x0];
	s2 =	stileid.u32  }
0x10b: {  	s1 =	rddreg [dreg:$0x1];
	p0 =	sne.s32 s2, $0x0  }
0x10c: {  	s3 =	rddreg [dreg:$0x2];
	[bflag:$0x3] =	sbarrier.arrive $0xFFFF;
	s2 =	simm.s32 @!p0 $0x1C02  }
0x10d: {  	[timem:s3], [sflag:s2] =	dma.local @!p0 [hbm:s0], s1  }
0x10e: {  	s0 =	simm.s32 @!p0 $0x2  }
0x10f: {  	_ =	swait.ge @!p0 [sflag:s0], s1  }
0x110: {  	s1 =	ssub.s32 @!p0 $0x0, s1;
	[sflag:s0] =	ssyncset.done @!p0 $0x0  }
0x111: {  	[sflag:s0] =	ssyncadd.s32 @!p0 s1  }
0x112: {  	[bflag:$0x3] =	sbarrier.arrive $0xFFFF  }
0x113: {  	_ =	shalt  }

// kernel: kernel.16.cloned.1.call-start
scs
__scs_entry_jumppad:
0x0: {  	(pc) =	sbr.rel $0x88, $3  }
0x1: {  	(tag) =	ssettag $0x0;
	lr =	simm.s32 $0x1  }
0x2: {  	[smem:$0x3F88] =	sst lr;
	_ =	strace $0xD0000000  }
0x3: {  	_ = 	snop  }
0x4: {  	_ = 	snop  }
0x5: {  	_ = 	snop  }
0x6: {  	_ = 	snop  }
0x7: {  	_ = 	snop  }
__scs_overlays_trampoline_lowered:
0x8: {  	[smem:$0x3F97] =	sst s0  }
0x9: {  	[smem:$0x3F98] =	sst s1  }
0xa: {  	[smem:$0x3F99] =	sst s2  }
0xb: {  	[smem:$0x3F9A] =	sst s3  }
0xc: {  	[smem:$0x3F9B] =	sst s4  }
0xd: {  	[smem:$0x3F9C] =	sst s5  }
0xe: {  	[smem:$0x3F9D] =	sst s6  }
0xf: {  	[smem:$0x3F9E] =	sst s7  }
0x10: {  	[smem:$0x3F9F] =	sst s8  }
0x11: {  	[smem:$0x3FA0] =	sst s9;
	s0 =	simm.s32 @!p0 $0x0  }
0x12: {  	s1 =	sld [smem:$0x3F86];
	s0 =	simm.s32 @p0 $0x1  }
0x13: {  	[smem:$0x3FA1] =	sst s0;
	s0 =	simm.s32 @!p1 $0x0  }
0x14: {  	s2 =	sld [smem:$0x3F85];
	s0 =	simm.s32 @p1 $0x1  }
0x15: {  	[smem:$0x3FA2] =	sst s0;
	s0 =	simm.s32 @!p2 $0x0  }
0x16: {  	s3 =	sld [smem:$0x3FDB];
	s0 =	simm.s32 @p2 $0x1  }
0x17: {  	s4 =	simm.s32 $0x1BF5;
	[smem:$0x3FA4] =	sst s0  }
0x18: {  	s0 =	sld [smem:$0x3F87];
	_ =	swait.ge [sflag:s4], $0x0  }
0x19: {  	s7 =	sld [smem:$0x3F88]  }
0x1a: {  	s8 =	sadd.s32 $0xFFFFE003, lr  }
0x1b: {  	s9 =	sadd.s32 $0xFFFFFEF7, lr;
	s5 =	simm.s32 $0xFFFFFFFF;
	p2 =	slt.u32 s8, $0xFFFFF086  }
0x1c: {  	p1 =	slt.u32 s9, $0xF7A;
	s5 =	simm.s32 @!p2 $0x0  }
0x1d: {  	s5 =	simm.s32 @p1 $0x1;
	p0 =	seq.s32 s7, s2  }
0x1e: {  	s7 =	smul.u32 @!p0 $0xF7A, s2;
	p2 =	seq.s32 @!p0 s5, $0x0  }
0x1f: {  	s9 =	smul.u32 $0xF7A, s1;
	s8 =	simm.s32 @!p0 $0x1BF5;
	p2 =	por !p2, p0  }
0x20: {  	[sflag:s8] =	ssyncset.s32 @!p0 $0xFFFFF086;
	s6 =	sadd.s32 @!p0 s3, s7;
	s7 =	simm.s32 @!p0 $0x108  }
0x21: {  	s3 =	sadd.s32 s3, s9;
	s6 =	sadd.s32 @!p0 $0x88, s6;
	s7 =	simm.s32 @p2 $0x1082  }
0x22: {  	[simem:s7], [sflag:s8] =	dma.local @!p0 [hbm:s6], $0xF7A  }
0x23: {  	s9 =	sor.u32 $0xD0000000, s2;
	s6 =	simm.s32 $0x108;
	_ =	swait.ge @!p0 [sflag:s8], $0x0  }
0x24: {  	s3 =	sadd.s32 $0x88, s3;
	s6 =	simm.s32 @!p1 $0x1082;
	[sflag:s4] =	ssyncset.s32 $0xFFFFF086  }
0x25: {  	[simem:s6], [sflag:s4] =	dma.local [hbm:s3], $0xF7A  }
0x26: {  	[smem:$0x3F88] =	sst s1;
	(tag) =	ssettag s2;
	_ =	strace s9  }
0x27: {  	s1 =	sld [smem:$0x3F98]  }
0x28: {  	s2 =	sld [smem:$0x3F99]  }
0x29: {  	s4 =	sld [smem:$0x3F9B]  }
0x2a: {  	p0 =	seq.s32 s5, $0x0;
	s5 =	sld [smem:$0x3F9C]  }
0x2b: {  	s6 =	sld [smem:$0x3F9D]  }
0x2c: {  	s7 =	sld [smem:$0x3F9E]  }
0x2d: {  	s3 =	simm.s32 $0x108;
	s8 =	sld [smem:$0x3F9F]  }
0x2e: {  	s3 =	simm.s32 @!p0 $0x1082;
	s9 =	sld [smem:$0x3FA0]  }
0x2f: {  	lr =	sadd.s32 s0, s3;
	s0 =	sld [smem:$0x3F97]  }
0x30: {  	s3 =	sld [smem:$0x3F9A]  }
0x31: {  	[smem:$0x3FA3] =	sst s10  }
0x32: {  	s10 =	sld [smem:$0x3FA1];
	_ =	sdelay $0x3  }
0x33: {  	p0 =	seq.s32 s10, $0x1;
	s10 =	sld [smem:$0x3FA3];
	_ =	sdelay $0x3  }
0x34: {  	[smem:$0x3FA3] =	sst s10  }
0x35: {  	s10 =	sld [smem:$0x3FA2];
	_ =	sdelay $0x3  }
0x36: {  	p1 =	seq.s32 s10, $0x1;
	s10 =	sld [smem:$0x3FA3];
	_ =	sdelay $0x3  }
0x37: {  	[smem:$0x3FA3] =	sst s10  }
0x38: {  	s10 =	sld [smem:$0x3FA4]  }
0x39: {  	_ = 	snop;
	(pc) =	sbr.ind lr, $3  }
0x3a: {  	_ = 	snop  }
0x3b: {  	_ = 	snop  }
0x3c: {  	p2 =	seq.s32 s10, $0x1;
	s10 =	sld [smem:$0x3FA3]  }
0x3d: {  	_ =	shalt  }
0x3e: {  	_ =	shalt  }
0x3f: {  	_ =	shalt  }
0x40: {  	_ =	shalt  }
0x41: {  	_ =	shalt  }
0x42: {  	_ =	shalt  }
0x43: {  	_ =	shalt  }
0x44: {  	_ =	shalt  }
0x45: {  	_ =	shalt  }
0x46: {  	_ =	shalt  }
0x47: {  	_ =	shalt  }
0x48: {  	_ =	shalt  }
0x49: {  	_ =	shalt  }
0x4a: {  	_ =	shalt  }
0x4b: {  	_ =	shalt  }
0x4c: {  	_ =	shalt  }
0x4d: {  	_ =	shalt  }
0x4e: {  	_ =	shalt  }
0x4f: {  	_ =	shalt  }
0x50: {  	_ =	shalt  }
0x51: {  	_ =	shalt  }
0x52: {  	_ =	shalt  }
0x53: {  	_ =	shalt  }
0x54: {  	_ =	shalt  }
0x55: {  	_ =	shalt  }
0x56: {  	_ =	shalt  }
0x57: {  	_ =	shalt  }
0x58: {  	_ =	shalt  }
0x59: {  	_ =	shalt  }
0x5a: {  	_ =	shalt  }
0x5b: {  	_ =	shalt  }
0x5c: {  	_ =	shalt  }
0x5d: {  	_ =	shalt  }
0x5e: {  	_ =	shalt  }
0x5f: {  	_ =	shalt  }
0x60: {  	_ =	shalt  }
0x61: {  	_ =	shalt  }
0x62: {  	_ =	shalt  }
0x63: {  	_ =	shalt  }
0x64: {  	_ =	shalt  }
0x65: {  	_ =	shalt  }
0x66: {  	_ =	shalt  }
0x67: {  	_ =	shalt  }
0x68: {  	_ =	shalt  }
0x69: {  	_ =	shalt  }
0x6a: {  	_ =	shalt  }
0x6b: {  	_ =	shalt  }
0x6c: {  	_ =	shalt  }
0x6d: {  	_ =	shalt  }
0x6e: {  	_ =	shalt  }
0x6f: {  	_ =	shalt  }
0x70: {  	_ =	shalt  }
0x71: {  	_ =	shalt  }
0x72: {  	_ =	shalt  }
0x73: {  	_ =	shalt  }
0x74: {  	_ =	shalt  }
0x75: {  	_ =	shalt  }
0x76: {  	_ =	shalt  }
0x77: {  	_ =	shalt  }
0x78: {  	_ =	shalt  }
0x79: {  	_ =	shalt  }
0x7a: {  	_ =	shalt  }
0x7b: {  	_ =	shalt  }
0x7c: {  	_ =	shalt  }
0x7d: {  	_ =	shalt  }
0x7e: {  	_ =	shalt  }
0x7f: {  	_ =	shalt  }
0x80: {  	_ =	shalt  }
0x81: {  	_ =	shalt  }
0x82: {  	_ =	shalt  }
0x83: {  	_ =	shalt  }
0x84: {  	_ =	shalt  }
0x85: {  	_ =	shalt  }
0x86: {  	_ =	shalt  }
0x87: {  	_ =	shalt  }
.Lfunc_end0:
.L_simem_size_0:
called_computation.1_lowered:
.L_overlay_start_0:
0x88: {  	s2 =	sld [smem:$0x3FD9]  }
0x89: {  	s3 =	sld [smem:$0x3FFE];
	_ =	sdelay $0x1  }
0x8a: {  	s1 =	srdreg.scid  }
0x8b: {  	s0 =	sand.u32 $0x1, s1  }
0x8c: {  	s16 =	sshll.u32 s0, $0xA;
	s2 =	sadd.s32 s3, s2  }
0x8d: {  	s2 =	sadd.s32 s2, s16  }
0x8e: {  	[smem:$0x3FAF] =	sst s2  }
0x8f: {  	_ = 	snop  }
0x90: {  	(tm) =	ssettm $0x1  }
0x91: {  	s17 =	sld [smem:$0x3FFB];
	_ =	sdelay $0x3  }
0x92: {  	_ =	strace s17  }
0x93: {  	s2 =	sld [smem:$0x3FFC];
	_ =	sdelay $0x3  }
0x94: {  	_ =	strace s2  }
0x95: {  	s2 =	sld [smem:$0x3FFD];
	_ =	sdelay $0x3  }
0x96: {  	_ =	strace s2  }
0x97: {  	_ =	strace $0x8FFFFFFF  }
0x98: {  	s18 =	sld [smem:$0x3FDB];
	_ =	sdelay $0x1  }
0x99: {  	s19 =	simm.s32 $_scs_section_size  }
0x9a: {  	s4 =	simm.s32 $_size__tile_overlayer_lowered;
	s5 =	simm.s32 $_tile_overlayer_lowered  }
0x9b: {  	s22 =	simm.s32 $0x1BFF;
	s21 =	sshll.u32 s5, $0x1;
	s2 =	sadd.s32 s19, s18  }
0x9c: {  	s6 =	simm.s32 $0x0;
	s20 =	sshll.u32 s4, $0x1;
	s4 =	sadd.s32 s21, s2  }
0x9d: {  	[timem:s6], [sflag:s22] =	dma.local [hbm:s4], s20  }
0x9e: {  	_ =	swait.ge [sflag:s22], s20  }
0x9f: {  	s3 =	ssub.s32 $0x0, s20;
	[sflag:s22] =	ssyncset.done $0x0  }
0xa0: {  	[sflag:s22] =	ssyncadd.s32 s3;
	_ =	sdelay $0x1  }
0xa1: {  	s23 =	simm.s32 $0x1B8B  }
0xa2: {  	_ =	swait.ge [sflag:s23], $0x1  }
0xa3: {  	[sflag:s23] =	ssyncset.done $0x0  }
0xa4: {  	s25 =	simm.s32 $0x1B8E;
	s24 =	sld [smem:$0x3FFE];
	[sflag:s23] =	ssyncadd.s32 $0xFFFFFFFF  }
0xa5: {  	s26 =	simm.s32 $execute0_lowered;
	[smem:$0x3FD2] =	sst s25  }
0xa6: {  	s4 =	sshll.u32 s26, $0x1;
	_ =	strace $0x80000049;
	[dreg:$0x1] =	wrdreg $0xFFFFFFFF  }
0xa7: {  	s28 =	simm.s32 $_size_execute0_lowered;
	s2 =	sadd.s32 s2, s4;
	[dreg:$0x0] =	wrdreg $0x0  }
0xa8: {  	s4 =	sshll.u32 s28, $0x1;
	[dreg:$0x2] =	wrdreg s2  }
0xa9: {  	[dreg:$0x3] =	wrdreg s4  }
0xaa: {  	[dreg:$0x4] =	wrdreg $0xC0  }
0xab: {  	_ =	task [dreg:s6], $0x5FFFF  }
0xac: {  	[dreg:$0x1] =	wrdreg $0xFFFFFFFF  }
0xad: {  	[dreg:$0x0] =	wrdreg $0x60  }
0xae: {  	[dreg:$0x2] =	wrdreg s24  }
0xaf: {  	[dreg:$0x3] =	wrdreg $0x9  }
0xb0: {  	_ =	task.clear_ibuf [dreg:s6], $0x4FFFF;
	_ =	strace $0x90000049  }
0xb1: {  	s29 =	simm.s32 $0x9;
	_ =	strace $0x8000004B  }
0xb2: {  	_ =	swait.ge [sflag:s29], $0x1  }
0xb3: {  	[sflag:s29] =	ssyncadd.s32 $0xFFFFFFFF  }
0xb4: {  	_ =	strace $0x9000004B  }
0xb5: {  	_ =	sfence  }
0xb6: {  	s30 =	sld [smem:$0x0];
	_ =	sdelay $0x2  }
0xb7: {  	s31 =	sshll.u32 s1, $0xD;
	s1 =	sshrl.u32 s1, $0x2  }
0xb8: {  	s3 =	sand.u32 $0x4000, s31;
	s1 =	sadd.s32 s1, s30  }
0xb9: {  	s0 =	sor.u32 s3, s0;
	s1 =	sshll.u32 s1, $0x11  }
0xba: {  	s0 =	sor.u32 s1, s0  }
0xbb: {  	s0 =	sadd.s32 $0x8F2B, s0  }
0xbc: {  	[sflag:s0] =	ssyncadd.remote.s32 $0x1  }
0xbd: {  	_ =	sfence.sel $0xFFFF  }
0xbe: {  	[dreg:$0x0] =	wrdreg $0xFFFFFFFF;
	(pc) =	sbr.abs _section_cstart, $3  }
0xbf: {  	[dreg:$0x1] =	wrdreg $0xFFFFFFFF  }
0xc0: {  	_ =	task.clear_ibuf [dreg:s6], $0x2FFFF;
	_ =	strace $0x9FFFFFFF  }
0xc1: {  	(tm) =	ssettm $0x7FFFFFFF  }
tec
execute0_lowered:
.L_overlay_start_1:
0x0: {  	(tag) =	ssettag $0x1  }
0x1: {  	s1 =	srdreg.scid  }
0x2: {  	s0 =	stileid.u32;
	s4 =	rddreg [dreg:$0x0];
	s2 =	simm.s32 $0x0  }
0x3: {  	s9 =	simm.s32 $0x2800;
	s10 =	simm.s32 $0x4800;
	s11 =	simm.s32 $0x6800  }
0x4: {  	s12 =	simm.s32 $0x8800;
	s13 =	simm.s32 $0xA800;
	s14 =	simm.s32 $0x1  }
0x5: {  	s15 =	simm.s32 $0xC800;
	s5 =	sand.u32 $0x1, s1;
	s1 =	rddreg [dreg:$0x1]  }
0x6: {  	s16 =	simm.s32 $0x0;
	s3 =	sshll.u32 s0, $0x1;
	[smem:$0x7FF] =	sst s2  }
0x7: {  	s6 =	sor.u32 s5, s3;
	_ =	strace $0x8000004A;
	s5 =	ssub.s32 $0x2, s5  }
0x8: {  	s7 =	smul.u32 $0x500, s6;
	s6 =	sshll.u32 s6, $0xC;
	s8 =	sshrl.u32 s5, $0x1  }
0x9: {  	s3 =	sadd.s32 $0x42C00, s4;
	s6 =	sadd.s32 s6, s4;
	s8 =	ssub.s32 s5, s8  }
0xa: {  	s7 =	sadd.s32 s7, s4;
	s5 =	sadd.s32 $0x6CC00, s6;
	s6 =	smax.u32 s8, $0x1  }
0xb: {  	s8 =	simm.s32 $0x80;
	s4 =	sadd.s32 $0x62C00, s7;
	s7 =	simm.s32 $0x2  }
.LBB2_1:
0xc: {  	[tilespmem:s2], [sflag:$0x2] =	stream.linear.gather [hbm4b:s4+s2], $0x2800, $0x38;
	[tilespmem:$0xD000] =	vst v63  }
0xd: {  	_ =	swait.ge [sflag:s7], $0x2800  }
0xe: {  	[sflag:s7] =	ssyncset.done $0x0  }
0xf: {  	s17 =	simm.s32 $0x0;
	[sflag:s7] =	ssyncadd.s32 $0xFFFFD800  }
.LBB2_2:
0x10: {  	s18 =	smul.u32 $0xA00, s17;
	_ =	sdelay $0x1  }
0x11: {  	s18 =	sshra.s32 s18, $0x2  }
0x12: {  	[tilespmem:s9], [sflag:$0x1] =	stream.indirect.gather [hbm4b:s3+s8], $0x40, s18, s8, $0xb8;
	[tilespmem:$0xD000] =	vst v63  }
0x13: {  	s19 =	sadd.s32 $0x80, s18  }
0x14: {  	[tilespmem:s10], [sflag:$0x1] =	stream.indirect.gather [hbm4b:s3+s8], $0x40, s19, s8, $0xb8;
	[tilespmem:$0xD000] =	vst v63  }
0x15: {  	s30 =	sadd.s32 $0x100, s18  }
0x16: {  	[tilespmem:s11], [sflag:$0x1] =	stream.indirect.gather [hbm4b:s3+s8], $0x40, s30, s8, $0xb8;
	[tilespmem:$0xD000] =	vst v63  }
0x17: {  	s31 =	sadd.s32 $0x180, s18  }
0x18: {  	[tilespmem:s12], [sflag:$0x1] =	stream.indirect.gather [hbm4b:s3+s8], $0x40, s31, s8, $0xb8;
	[tilespmem:$0xD000] =	vst v63  }
0x19: {  	s18 =	sadd.s32 $0x200, s18  }
0x1a: {  	[tilespmem:s13], [sflag:$0x1] =	stream.indirect.gather [hbm4b:s3+s8], $0x40, s18, s8, $0xb8;
	[tilespmem:$0xD000] =	vst v63  }
0x1b: {  	_ =	swait.ge [sflag:s14], $0x2000  }
0x1c: {  	[sflag:s14] =	ssyncset.done $0x0  }
0x1d: {  	[sflag:s14] =	ssyncadd.s32 $0xFFFFE000  }
0x1e: {  	_ =	swait.ge [sflag:s14], $0x2000  }
0x1f: {  	[sflag:s14] =	ssyncset.done $0x0  }
0x20: {  	[sflag:s14] =	ssyncadd.s32 $0xFFFFE000  }
0x21: {  	_ =	swait.ge [sflag:s14], $0x2000  }
0x22: {  	[sflag:s14] =	ssyncset.done $0x0  }
0x23: {  	[sflag:s14] =	ssyncadd.s32 $0xFFFFE000  }
0x24: {  	_ =	swait.ge [sflag:s14], $0x2000  }
0x25: {  	[sflag:s14] =	ssyncset.done $0x0  }
0x26: {  	[sflag:s14] =	ssyncadd.s32 $0xFFFFE000  }
0x27: {  	_ =	swait.ge [sflag:s14], $0x2000  }
0x28: {  	[sflag:s14] =	ssyncset.done $0x0  }
0x29: {  	s18 =	simm.s32 $0x2A80;
	[sflag:s14] =	ssyncadd.s32 $0xFFFFE000  }
0x2a: {  	v0 =	vld [tilespmem:s18+$0xFFFFFDC0]  }
0x2b: {  	v1 =	vld [tilespmem:s18+$0xFFFFFD80]  }
0x2c: {  	v2 =	vld [tilespmem:s18+$0xFFFFFE00]  }
0x2d: {  	v3 =	vld [tilespmem:s18+$0xFFFFFE40]  }
0x2e: {  	v4 =	vld [tilespmem:s18+$0xFFFFFE80]  }
0x2f: {  	v5 =	vld [tilespmem:s18+$0xFFFFFEC0]  }
0x30: {  	v0 =	vmax.f32 v1, v0;
	v1 =	vld [tilespmem:s18+$0xFFFFFF00]  }
0x31: {  	v0 =	vmax.f32 v0, v2;
	v2 =	vld [tilespmem:s18+$0xFFFFFF40]  }
0x32: {  	v0 =	vmax.f32 v0, v3;
	v3 =	vld [tilespmem:s18+$0xFFFFFF80]  }
0x33: {  	v0 =	vmax.f32 v0, v4;
	v4 =	vld [tilespmem:s18+$0xFFFFFFC0]  }
0x34: {  	v0 =	vmax.f32 v0, v5;
	v5 =	vld [tilespmem:s18+$0x0]  }
0x35: {  	v0 =	vmax.f32 v0, v1;
	v1 =	vld [tilespmem:s18+$0x40]  }
0x36: {  	v0 =	vmax.f32 v0, v2;
	v2 =	vld [tilespmem:s18+$0x80]  }
0x37: {  	v0 =	vmax.f32 v0, v3;
	v3 =	vld [tilespmem:s18+$0xC0]  }
0x38: {  	v0 =	vmax.f32 v0, v4;
	v4 =	vld [tilespmem:s18+$0x100]  }
0x39: {  	v0 =	vmax.f32 v0, v5;
	v5 =	vld [tilespmem:s18+$0x140]  }
0x3a: {  	v0 =	vmax.f32 v0, v1;
	v1 =	vld [tilespmem:s18+$0x180]  }
0x3b: {  	v0 =	vmax.f32 v0, v2;
	v2 =	vld [tilespmem:s18+$0x1C0]  }
0x3c: {  	v0 =	vmax.f32 v0, v3;
	v3 =	vld [tilespmem:s18+$0x200]  }
0x3d: {  	v0 =	vmax.f32 v0, v4;
	v4 =	vld [tilespmem:s18+$0x240]  }
0x3e: {  	v0 =	vmax.f32 v0, v5  }
0x3f: {  	v0 =	vmax.f32 v0, v1  }
0x40: {  	v0 =	vmax.f32 v0, v2  }
0x41: {  	v0 =	vmax.f32 v0, v3  }
0x42: {  	s19 =	simm.s32 $0x0;
	v0 =	vmax.f32 v0, v4  }
0x43: {  	[tilespmem:s19+$0xC800] =	vst v0  }
0x44: {  	v0 =	vld [tilespmem:s18+$0xFFFFFD90]  }
0x45: {  	v1 =	vld [tilespmem:s18+$0xFFFFFDD0]  }
0x46: {  	v2 =	vld [tilespmem:s18+$0xFFFFFE10]  }
0x47: {  	v3 =	vld [tilespmem:s18+$0xFFFFFE50]  }
0x48: {  	v4 =	vld [tilespmem:s18+$0xFFFFFE90]  }
0x49: {  	v5 =	vld [tilespmem:s18+$0xFFFFFED0]  }
0x4a: {  	v0 =	vmax.f32 v0, v1;
	v1 =	vld [tilespmem:s18+$0xFFFFFF10]  }
0x4b: {  	v0 =	vmax.f32 v0, v2;
	v2 =	vld [tilespmem:s18+$0xFFFFFF50]  }
0x4c: {  	v0 =	vmax.f32 v0, v3;
	v3 =	vld [tilespmem:s18+$0xFFFFFF90]  }
0x4d: {  	v0 =	vmax.f32 v0, v4;
	v4 =	vld [tilespmem:s18+$0xFFFFFFD0]  }
0x4e: {  	v0 =	vmax.f32 v0, v5;
	v5 =	vld [tilespmem:s18+$0x10]  }
0x4f: {  	v0 =	vmax.f32 v0, v1;
	v1 =	vld [tilespmem:s18+$0x50]  }
0x50: {  	v0 =	vmax.f32 v0, v2;
	v2 =	vld [tilespmem:s18+$0x90]  }
0x51: {  	v0 =	vmax.f32 v0, v3;
	v3 =	vld [tilespmem:s18+$0xD0]  }
0x52: {  	v0 =	vmax.f32 v0, v4;
	v4 =	vld [tilespmem:s18+$0x110]  }
0x53: {  	v0 =	vmax.f32 v0, v5;
	v5 =	vld [tilespmem:s18+$0x150]  }
0x54: {  	v0 =	vmax.f32 v0, v1;
	v1 =	vld [tilespmem:s18+$0x190]  }
0x55: {  	v0 =	vmax.f32 v0, v2;
	v2 =	vld [tilespmem:s18+$0x1D0]  }
0x56: {  	v0 =	vmax.f32 v0, v3;
	v3 =	vld [tilespmem:s18+$0x210]  }
0x57: {  	v0 =	vmax.f32 v0, v4;
	v4 =	vld [tilespmem:s18+$0x250]  }
0x58: {  	v0 =	vmax.f32 v0, v5  }
0x59: {  	v0 =	vmax.f32 v0, v1  }
0x5a: {  	v0 =	vmax.f32 v0, v2  }
0x5b: {  	v0 =	vmax.f32 v0, v3  }
0x5c: {  	v0 =	vmax.f32 v0, v4  }
0x5d: {  	[tilespmem:s19+$0xC810] =	vst v0  }
0x5e: {  	v0 =	vld [tilespmem:s18+$0xFFFFFDA0]  }
0x5f: {  	v1 =	vld [tilespmem:s18+$0xFFFFFDE0]  }
0x60: {  	v2 =	vld [tilespmem:s18+$0xFFFFFE20]  }
0x61: {  	v3 =	vld [tilespmem:s18+$0xFFFFFE60]  }
0x62: {  	v4 =	vld [tilespmem:s18+$0xFFFFFEA0]  }
0x63: {  	v5 =	vld [tilespmem:s18+$0xFFFFFEE0]  }
0x64: {  	v0 =	vmax.f32 v0, v1;
	v1 =	vld [tilespmem:s18+$0xFFFFFF20]  }
0x65: {  	v0 =	vmax.f32 v0, v2;
	v2 =	vld [tilespmem:s18+$0xFFFFFF60]  }
0x66: {  	v0 =	vmax.f32 v0, v3;
	v3 =	vld [tilespmem:s18+$0xFFFFFFA0]  }
0x67: {  	v0 =	vmax.f32 v0, v4;
	v4 =	vld [tilespmem:s18+$0xFFFFFFE0]  }
0x68: {  	v0 =	vmax.f32 v0, v5;
	v5 =	vld [tilespmem:s18+$0x20]  }
0x69: {  	v0 =	vmax.f32 v0, v1;
	v1 =	vld [tilespmem:s18+$0x60]  }
0x6a: {  	v0 =	vmax.f32 v0, v2;
	v2 =	vld [tilespmem:s18+$0xA0]  }
0x6b: {  	v0 =	vmax.f32 v0, v3;
	v3 =	vld [tilespmem:s18+$0xE0]  }
0x6c: {  	v0 =	vmax.f32 v0, v4;
	v4 =	vld [tilespmem:s18+$0x120]  }
0x6d: {  	v0 =	vmax.f32 v0, v5;
	v5 =	vld [tilespmem:s18+$0x160]  }
0x6e: {  	v0 =	vmax.f32 v0, v1;
	v1 =	vld [tilespmem:s18+$0x1A0]  }
0x6f: {  	v0 =	vmax.f32 v0, v2;
	v2 =	vld [tilespmem:s18+$0x1E0]  }
0x70: {  	v0 =	vmax.f32 v0, v3;
	v3 =	vld [tilespmem:s18+$0x220]  }
0x71: {  	v0 =	vmax.f32 v0, v4;
	v4 =	vld [tilespmem:s18+$0x260]  }
0x72: {  	v0 =	vmax.f32 v0, v5  }
0x73: {  	v0 =	vmax.f32 v0, v1  }
0x74: {  	v0 =	vmax.f32 v0, v2  }
0x75: {  	v0 =	vmax.f32 v0, v3  }
0x76: {  	v0 =	vmax.f32 v0, v4  }
0x77: {  	[tilespmem:s19+$0xC820] =	vst v0  }
0x78: {  	v0 =	vld [tilespmem:s18+$0xFFFFFDB0]  }
0x79: {  	v1 =	vld [tilespmem:s18+$0xFFFFFDF0]  }
0x7a: {  	v2 =	vld [tilespmem:s18+$0xFFFFFE30]  }
0x7b: {  	v3 =	vld [tilespmem:s18+$0xFFFFFE70]  }
0x7c: {  	v4 =	vld [tilespmem:s18+$0xFFFFFEB0]  }
0x7d: {  	v5 =	vld [tilespmem:s18+$0xFFFFFEF0]  }
0x7e: {  	v0 =	vmax.f32 v0, v1;
	v1 =	vld [tilespmem:s18+$0xFFFFFF30]  }
0x7f: {  	v0 =	vmax.f32 v0, v2;
	v2 =	vld [tilespmem:s18+$0xFFFFFF70]  }
0x80: {  	v0 =	vmax.f32 v0, v3;
	v3 =	vld [tilespmem:s18+$0xFFFFFFB0]  }
0x81: {  	v0 =	vmax.f32 v0, v4;
	v4 =	vld [tilespmem:s18+$0xFFFFFFF0]  }
0x82: {  	v0 =	vmax.f32 v0, v5;
	v5 =	vld [tilespmem:s18+$0x30]  }
0x83: {  	v0 =	vmax.f32 v0, v1;
	v1 =	vld [tilespmem:s18+$0x70]  }
0x84: {  	v0 =	vmax.f32 v0, v2;
	v2 =	vld [tilespmem:s18+$0xB0]  }
0x85: {  	v0 =	vmax.f32 v0, v3;
	v3 =	vld [tilespmem:s18+$0xF0]  }
0x86: {  	v0 =	vmax.f32 v0, v4;
	v4 =	vld [tilespmem:s18+$0x130]  }
0x87: {  	v0 =	vmax.f32 v0, v5;
	v5 =	vld [tilespmem:s18+$0x170]  }
0x88: {  	v1 =	vmax.f32 v0, v1  }
0x89: {  	v0 =	vld [tilespmem:s18+$0x1B0];
	v2 =	vmax.f32 v1, v2  }
0x8a: {  	v1 =	vld [tilespmem:s18+$0x1F0];
	v3 =	vmax.f32 v2, v3  }
0x8b: {  	v2 =	vld [tilespmem:s18+$0x230];
	v4 =	vmax.f32 v3, v4  }
0x8c: {  	s20 =	simm.s32 $0x100;
	v3 =	vld [tilespmem:s18+$0x270];
	v4 =	vmax.f32 v4, v5  }
.LBB2_3:
0x8d: {  	p0 =	sne.s32 s20, $0x1F00  }
0x8e: {  	s18 =	sadd.s32 $0x500, s18;
	s21 =	smov.u32 s20;
	s20 =	sadd.s32 $0x100, s20  }
0x8f: {  	v0 =	vmax.f32 v4, v0  }
0x90: {  	v0 =	vmax.f32 v0, v1  }
0x91: {  	v0 =	vmax.f32 v0, v2  }
0x92: {  	v0 =	vmax.f32 v0, v3  }
0x93: {  	[tilespmem:s19+$0xC830] =	vst v0  }
0x94: {  	v0 =	vld [tilespmem:s18+$0xFFFFFDC0]  }
0x95: {  	v1 =	vld [tilespmem:s18+$0xFFFFFD80]  }
0x96: {  	v2 =	vld [tilespmem:s18+$0xFFFFFE00]  }
0x97: {  	v3 =	vld [tilespmem:s18+$0xFFFFFE40]  }
0x98: {  	v4 =	vld [tilespmem:s18+$0xFFFFFE80]  }
0x99: {  	v5 =	vld [tilespmem:s18+$0xFFFFFEC0]  }
0x9a: {  	v0 =	vmax.f32 v1, v0;
	v1 =	vld [tilespmem:s18+$0xFFFFFF00]  }
0x9b: {  	v0 =	vmax.f32 v0, v2;
	v2 =	vld [tilespmem:s18+$0xFFFFFF40]  }
0x9c: {  	v0 =	vmax.f32 v0, v3;
	v3 =	vld [tilespmem:s18+$0xFFFFFF80]  }
0x9d: {  	v0 =	vmax.f32 v0, v4;
	v4 =	vld [tilespmem:s18+$0xFFFFFFC0]  }
0x9e: {  	v0 =	vmax.f32 v0, v5;
	v5 =	vld [tilespmem:s18+$0x0]  }
0x9f: {  	v0 =	vmax.f32 v0, v1;
	v1 =	vld [tilespmem:s18+$0x40]  }
0xa0: {  	v0 =	vmax.f32 v0, v2;
	v2 =	vld [tilespmem:s18+$0x80]  }
0xa1: {  	v0 =	vmax.f32 v0, v3;
	v3 =	vld [tilespmem:s18+$0xC0]  }
0xa2: {  	v0 =	vmax.f32 v0, v4;
	v4 =	vld [tilespmem:s18+$0x100]  }
0xa3: {  	v0 =	vmax.f32 v0, v5;
	v5 =	vld [tilespmem:s18+$0x140]  }
0xa4: {  	v0 =	vmax.f32 v0, v1;
	v1 =	vld [tilespmem:s18+$0x180]  }
0xa5: {  	v0 =	vmax.f32 v0, v2;
	v2 =	vld [tilespmem:s18+$0x1C0]  }
0xa6: {  	v0 =	vmax.f32 v0, v3;
	v3 =	vld [tilespmem:s18+$0x200]  }
0xa7: {  	v0 =	vmax.f32 v0, v4;
	v4 =	vld [tilespmem:s18+$0x240]  }
0xa8: {  	v0 =	vmax.f32 v0, v5  }
0xa9: {  	v0 =	vmax.f32 v0, v1  }
0xaa: {  	v0 =	vmax.f32 v0, v2  }
0xab: {  	v0 =	vmax.f32 v0, v3  }
0xac: {  	s19 =	sshra.s32 s21, $0x2;
	v0 =	vmax.f32 v0, v4  }
0xad: {  	[tilespmem:s19+$0xC800] =	vst v0  }
0xae: {  	v0 =	vld [tilespmem:s18+$0xFFFFFD90]  }
0xaf: {  	v1 =	vld [tilespmem:s18+$0xFFFFFDD0]  }
0xb0: {  	v2 =	vld [tilespmem:s18+$0xFFFFFE10]  }
0xb1: {  	v3 =	vld [tilespmem:s18+$0xFFFFFE50]  }
0xb2: {  	v4 =	vld [tilespmem:s18+$0xFFFFFE90]  }
0xb3: {  	v5 =	vld [tilespmem:s18+$0xFFFFFED0]  }
0xb4: {  	v0 =	vmax.f32 v0, v1;
	v1 =	vld [tilespmem:s18+$0xFFFFFF10]  }
0xb5: {  	v0 =	vmax.f32 v0, v2;
	v2 =	vld [tilespmem:s18+$0xFFFFFF50]  }
0xb6: {  	v0 =	vmax.f32 v0, v3;
	v3 =	vld [tilespmem:s18+$0xFFFFFF90]  }
0xb7: {  	v0 =	vmax.f32 v0, v4;
	v4 =	vld [tilespmem:s18+$0xFFFFFFD0]  }
0xb8: {  	v0 =	vmax.f32 v0, v5;
	v5 =	vld [tilespmem:s18+$0x10]  }
0xb9: {  	v0 =	vmax.f32 v0, v1;
	v1 =	vld [tilespmem:s18+$0x50]  }
0xba: {  	v0 =	vmax.f32 v0, v2;
	v2 =	vld [tilespmem:s18+$0x90]  }
0xbb: {  	v0 =	vmax.f32 v0, v3;
	v3 =	vld [tilespmem:s18+$0xD0]  }
0xbc: {  	v0 =	vmax.f32 v0, v4;
	v4 =	vld [tilespmem:s18+$0x110]  }
0xbd: {  	v0 =	vmax.f32 v0, v5;
	v5 =	vld [tilespmem:s18+$0x150]  }
0xbe: {  	v0 =	vmax.f32 v0, v1;
	v1 =	vld [tilespmem:s18+$0x190]  }
0xbf: {  	v0 =	vmax.f32 v0, v2;
	v2 =	vld [tilespmem:s18+$0x1D0]  }
0xc0: {  	v0 =	vmax.f32 v0, v3;
	v3 =	vld [tilespmem:s18+$0x210]  }
0xc1: {  	v0 =	vmax.f32 v0, v4;
	v4 =	vld [tilespmem:s18+$0x250]  }
0xc2: {  	v0 =	vmax.f32 v0, v5  }
0xc3: {  	v0 =	vmax.f32 v0, v1  }
0xc4: {  	v0 =	vmax.f32 v0, v2  }
0xc5: {  	v0 =	vmax.f32 v0, v3  }
0xc6: {  	v0 =	vmax.f32 v0, v4  }
0xc7: {  	[tilespmem:s19+$0xC810] =	vst v0  }
0xc8: {  	v0 =	vld [tilespmem:s18+$0xFFFFFDA0]  }
0xc9: {  	v1 =	vld [tilespmem:s18+$0xFFFFFDE0]  }
0xca: {  	v2 =	vld [tilespmem:s18+$0xFFFFFE20]  }
0xcb: {  	v3 =	vld [tilespmem:s18+$0xFFFFFE60]  }
0xcc: {  	v4 =	vld [tilespmem:s18+$0xFFFFFEA0]  }
0xcd: {  	v5 =	vld [tilespmem:s18+$0xFFFFFEE0]  }
0xce: {  	v0 =	vmax.f32 v0, v1;
	v1 =	vld [tilespmem:s18+$0xFFFFFF20]  }
0xcf: {  	v0 =	vmax.f32 v0, v2;
	v2 =	vld [tilespmem:s18+$0xFFFFFF60]  }
0xd0: {  	v0 =	vmax.f32 v0, v3;
	v3 =	vld [tilespmem:s18+$0xFFFFFFA0]  }
0xd1: {  	v0 =	vmax.f32 v0, v4;
	v4 =	vld [tilespmem:s18+$0xFFFFFFE0]  }
0xd2: {  	v0 =	vmax.f32 v0, v5;
	v5 =	vld [tilespmem:s18+$0x20]  }
0xd3: {  	v0 =	vmax.f32 v0, v1;
	v1 =	vld [tilespmem:s18+$0x60]  }
0xd4: {  	v0 =	vmax.f32 v0, v2;
	v2 =	vld [tilespmem:s18+$0xA0]  }
0xd5: {  	v0 =	vmax.f32 v0, v3;
	v3 =	vld [tilespmem:s18+$0xE0]  }
0xd6: {  	v0 =	vmax.f32 v0, v4;
	v4 =	vld [tilespmem:s18+$0x120]  }
0xd7: {  	v0 =	vmax.f32 v0, v5;
	v5 =	vld [tilespmem:s18+$0x160]  }
0xd8: {  	v0 =	vmax.f32 v0, v1;
	v1 =	vld [tilespmem:s18+$0x1A0]  }
0xd9: {  	v0 =	vmax.f32 v0, v2;
	v2 =	vld [tilespmem:s18+$0x1E0]  }
0xda: {  	v0 =	vmax.f32 v0, v3;
	v3 =	vld [tilespmem:s18+$0x220]  }
0xdb: {  	v0 =	vmax.f32 v0, v4;
	v4 =	vld [tilespmem:s18+$0x260]  }
0xdc: {  	v0 =	vmax.f32 v0, v5  }
0xdd: {  	v0 =	vmax.f32 v0, v1  }
0xde: {  	v0 =	vmax.f32 v0, v2  }
0xdf: {  	v0 =	vmax.f32 v0, v3  }
0xe0: {  	v0 =	vmax.f32 v0, v4  }
0xe1: {  	[tilespmem:s19+$0xC820] =	vst v0  }
0xe2: {  	v0 =	vld [tilespmem:s18+$0xFFFFFDB0]  }
0xe3: {  	v1 =	vld [tilespmem:s18+$0xFFFFFDF0]  }
0xe4: {  	v2 =	vld [tilespmem:s18+$0xFFFFFE30]  }
0xe5: {  	v3 =	vld [tilespmem:s18+$0xFFFFFE70]  }
0xe6: {  	v4 =	vld [tilespmem:s18+$0xFFFFFEB0]  }
0xe7: {  	v5 =	vld [tilespmem:s18+$0xFFFFFEF0]  }
0xe8: {  	v0 =	vmax.f32 v0, v1;
	v1 =	vld [tilespmem:s18+$0xFFFFFF30]  }
0xe9: {  	v0 =	vmax.f32 v0, v2;
	v2 =	vld [tilespmem:s18+$0xFFFFFF70]  }
0xea: {  	v0 =	vmax.f32 v0, v3;
	v3 =	vld [tilespmem:s18+$0xFFFFFFB0]  }
0xeb: {  	v0 =	vmax.f32 v0, v4;
	v4 =	vld [tilespmem:s18+$0xFFFFFFF0]  }
0xec: {  	v0 =	vmax.f32 v0, v5;
	v5 =	vld [tilespmem:s18+$0x30]  }
0xed: {  	v0 =	vmax.f32 v0, v1;
	v1 =	vld [tilespmem:s18+$0x70]  }
0xee: {  	v0 =	vmax.f32 v0, v2;
	v2 =	vld [tilespmem:s18+$0xB0]  }
0xef: {  	v0 =	vmax.f32 v0, v3;
	v3 =	vld [tilespmem:s18+$0xF0]  }
0xf0: {  	v0 =	vmax.f32 v0, v4;
	v4 =	vld [tilespmem:s18+$0x130]  }
0xf1: {  	v0 =	vmax.f32 v0, v5;
	v5 =	vld [tilespmem:s18+$0x170]  }
.Ltmp0:
0xf2: {  	v1 =	vmax.f32 v0, v1;
	v0 =	vld [tilespmem:s18+$0x1B0];
	(pc) =	sbr.rel @p0 .LBB2_3-.Ltmp0, $4  }
0xf3: {  	v2 =	vmax.f32 v1, v2;
	v1 =	vld [tilespmem:s18+$0x1F0]  }
0xf4: {  	v3 =	vmax.f32 v2, v3;
	v2 =	vld [tilespmem:s18+$0x230]  }
0xf5: {  	v4 =	vmax.f32 v3, v4;
	v3 =	vld [tilespmem:s18+$0x270]  }
0xf6: {  	v4 =	vmax.f32 v4, v5  }
0xf7: {  	v0 =	vmax.f32 v4, v0  }
0xf8: {  	v0 =	vmax.f32 v0, v1  }
0xf9: {  	s18 =	sshll.u32 s17, $0x8;
	s17 =	sadd.s32 $0x1, s17;
	v0 =	vmax.f32 v0, v2  }
0xfa: {  	p0 =	sne.s32 s17, $0x10;
	v0 =	vmax.f32 v0, v3  }
.Ltmp1:
0xfb: {  	s18 =	sadd.s32 s18, s5;
	[tilespmem:s19+$0xC830] =	vst v0;
	(pc) =	sbr.rel @p0 .LBB2_2-.Ltmp1, $4  }
0xfc: {  	[hbm4b:s18+s2] =	stream.linear.scatter [tilespmem:s15], [sflag:$0x2], $0x800, $0x38;
	[tilespmem:$0xD000] =	vst v63  }
0xfd: {  	_ =	swait.ge [sflag:s7], $0x800  }
0xfe: {  	[sflag:s7] =	ssyncset.done $0x0  }
0xff: {  	[sflag:s7] =	ssyncadd.s32 $0xFFFFF800  }
0x100: {  	s16 =	sadd.s32 $0x1, s16  }
0x101: {  	p0 =	sne.s32 s16, s6  }
.Ltmp2:
0x102: {  	_ = 	snop;
	(pc) =	sbr.rel @p0 .LBB2_1-.Ltmp2, $1  }
0x103: {  	_ =	sdelay $0x3  }
0x104: {  	_ =	sfence.sel $0x180000  }
0x105: {  	[bflag:$0x0] =	sbarrier.arrive $0xFFFF  }
0x106: {  	p0 =	sne.s32 s0, $0x0;
	_ =	strace $0x9000004A  }
0x107: {  	s0 =	sadd.s32 @!p0 $0x100000, s1;
	[bflag:$0x2] =	sbarrier.arrive $0xFFFF  }
0x108: {  	[sflag:s0] =	ssyncadd.tile.s32 @!p0 $0x1;
	_ =	shalt  }
.Lfunc_end2:
_tile_overlayer_lowered:
.L_overlay_start_2:
0x109: {  	(tag) =	ssettag $0x2  }
0x10a: {  	s0 =	rddreg [dreg:$0x0];
	s2 =	stileid.u32  }
0x10b: {  	s1 =	rddreg [dreg:$0x1];
	p0 =	sne.s32 s2, $0x0  }
0x10c: {  	s3 =	rddreg [dreg:$0x2];
	[bflag:$0x3] =	sbarrier.arrive $0xFFFF;
	s2 =	simm.s32 @!p0 $0x1C02  }
0x10d: {  	[timem:s3], [sflag:s2] =	dma.local @!p0 [hbm:s0], s1  }
0x10e: {  	s0 =	simm.s32 @!p0 $0x2  }
0x10f: {  	_ =	swait.ge @!p0 [sflag:s0], s1  }
0x110: {  	s1 =	ssub.s32 @!p0 $0x0, s1;
	[sflag:s0] =	ssyncset.done @!p0 $0x0  }
0x111: {  	[sflag:s0] =	ssyncadd.s32 @!p0 s1  }
0x112: {  	[bflag:$0x3] =	sbarrier.arrive $0xFFFF  }
0x113: {  	_ =	shalt  }

// kernel: kernel.19.cloned.1.call-start
scs
__scs_entry_jumppad:
0x0: {  	(pc) =	sbr.rel $0x88, $3  }
0x1: {  	(tag) =	ssettag $0x0;
	lr =	simm.s32 $0x1  }
0x2: {  	[smem:$0x3F88] =	sst lr;
	_ =	strace $0xD0000000  }
0x3: {  	_ = 	snop  }
0x4: {  	_ = 	snop  }
0x5: {  	_ = 	snop  }
0x6: {  	_ = 	snop  }
0x7: {  	_ = 	snop  }
__scs_overlays_trampoline_lowered:
0x8: {  	[smem:$0x3F97] =	sst s0  }
0x9: {  	[smem:$0x3F98] =	sst s1  }
0xa: {  	[smem:$0x3F99] =	sst s2  }
0xb: {  	[smem:$0x3F9A] =	sst s3  }
0xc: {  	[smem:$0x3F9B] =	sst s4  }
0xd: {  	[smem:$0x3F9C] =	sst s5  }
0xe: {  	[smem:$0x3F9D] =	sst s6  }
0xf: {  	[smem:$0x3F9E] =	sst s7  }
0x10: {  	[smem:$0x3F9F] =	sst s8  }
0x11: {  	[smem:$0x3FA0] =	sst s9;
	s0 =	simm.s32 @!p0 $0x0  }
0x12: {  	s1 =	sld [smem:$0x3F86];
	s0 =	simm.s32 @p0 $0x1  }
0x13: {  	[smem:$0x3FA1] =	sst s0;
	s0 =	simm.s32 @!p1 $0x0  }
0x14: {  	s2 =	sld [smem:$0x3F85];
	s0 =	simm.s32 @p1 $0x1  }
0x15: {  	[smem:$0x3FA2] =	sst s0;
	s0 =	simm.s32 @!p2 $0x0  }
0x16: {  	s3 =	sld [smem:$0x3FDB];
	s0 =	simm.s32 @p2 $0x1  }
0x17: {  	s4 =	simm.s32 $0x1BF5;
	[smem:$0x3FA4] =	sst s0  }
0x18: {  	s0 =	sld [smem:$0x3F87];
	_ =	swait.ge [sflag:s4], $0x0  }
0x19: {  	s7 =	sld [smem:$0x3F88]  }
0x1a: {  	s8 =	sadd.s32 $0xFFFFE003, lr  }
0x1b: {  	s9 =	sadd.s32 $0xFFFFFEF7, lr;
	s5 =	simm.s32 $0xFFFFFFFF;
	p2 =	slt.u32 s8, $0xFFFFF086  }
0x1c: {  	p1 =	slt.u32 s9, $0xF7A;
	s5 =	simm.s32 @!p2 $0x0  }
0x1d: {  	s5 =	simm.s32 @p1 $0x1;
	p0 =	seq.s32 s7, s2  }
0x1e: {  	s7 =	smul.u32 @!p0 $0xF7A, s2;
	p2 =	seq.s32 @!p0 s5, $0x0  }
0x1f: {  	s9 =	smul.u32 $0xF7A, s1;
	s8 =	simm.s32 @!p0 $0x1BF5;
	p2 =	por !p2, p0  }
0x20: {  	[sflag:s8] =	ssyncset.s32 @!p0 $0xFFFFF086;
	s6 =	sadd.s32 @!p0 s3, s7;
	s7 =	simm.s32 @!p0 $0x108  }
0x21: {  	s3 =	sadd.s32 s3, s9;
	s6 =	sadd.s32 @!p0 $0x88, s6;
	s7 =	simm.s32 @p2 $0x1082  }
0x22: {  	[simem:s7], [sflag:s8] =	dma.local @!p0 [hbm:s6], $0xF7A  }
0x23: {  	s9 =	sor.u32 $0xD0000000, s2;
	s6 =	simm.s32 $0x108;
	_ =	swait.ge @!p0 [sflag:s8], $0x0  }
0x24: {  	s3 =	sadd.s32 $0x88, s3;
	s6 =	simm.s32 @!p1 $0x1082;
	[sflag:s4] =	ssyncset.s32 $0xFFFFF086  }
0x25: {  	[simem:s6], [sflag:s4] =	dma.local [hbm:s3], $0xF7A  }
0x26: {  	[smem:$0x3F88] =	sst s1;
	(tag) =	ssettag s2;
	_ =	strace s9  }
0x27: {  	s1 =	sld [smem:$0x3F98]  }
0x28: {  	s2 =	sld [smem:$0x3F99]  }
0x29: {  	s4 =	sld [smem:$0x3F9B]  }
0x2a: {  	p0 =	seq.s32 s5, $0x0;
	s5 =	sld [smem:$0x3F9C]  }
0x2b: {  	s6 =	sld [smem:$0x3F9D]  }
0x2c: {  	s7 =	sld [smem:$0x3F9E]  }
0x2d: {  	s3 =	simm.s32 $0x108;
	s8 =	sld [smem:$0x3F9F]  }
0x2e: {  	s3 =	simm.s32 @!p0 $0x1082;
	s9 =	sld [smem:$0x3FA0]  }
0x2f: {  	lr =	sadd.s32 s0, s3;
	s0 =	sld [smem:$0x3F97]  }
0x30: {  	s3 =	sld [smem:$0x3F9A]  }
0x31: {  	[smem:$0x3FA3] =	sst s10  }
0x32: {  	s10 =	sld [smem:$0x3FA1];
	_ =	sdelay $0x3  }
0x33: {  	p0 =	seq.s32 s10, $0x1;
	s10 =	sld [smem:$0x3FA3];
	_ =	sdelay $0x3  }
0x34: {  	[smem:$0x3FA3] =	sst s10  }
0x35: {  	s10 =	sld [smem:$0x3FA2];
	_ =	sdelay $0x3  }
0x36: {  	p1 =	seq.s32 s10, $0x1;
	s10 =	sld [smem:$0x3FA3];
	_ =	sdelay $0x3  }
0x37: {  	[smem:$0x3FA3] =	sst s10  }
0x38: {  	s10 =	sld [smem:$0x3FA4]  }
0x39: {  	_ = 	snop;
	(pc) =	sbr.ind lr, $3  }
0x3a: {  	_ = 	snop  }
0x3b: {  	_ = 	snop  }
0x3c: {  	p2 =	seq.s32 s10, $0x1;
	s10 =	sld [smem:$0x3FA3]  }
0x3d: {  	_ =	shalt  }
0x3e: {  	_ =	shalt  }
0x3f: {  	_ =	shalt  }
0x40: {  	_ =	shalt  }
0x41: {  	_ =	shalt  }
0x42: {  	_ =	shalt  }
0x43: {  	_ =	shalt  }
0x44: {  	_ =	shalt  }
0x45: {  	_ =	shalt  }
0x46: {  	_ =	shalt  }
0x47: {  	_ =	shalt  }
0x48: {  	_ =	shalt  }
0x49: {  	_ =	shalt  }
0x4a: {  	_ =	shalt  }
0x4b: {  	_ =	shalt  }
0x4c: {  	_ =	shalt  }
0x4d: {  	_ =	shalt  }
0x4e: {  	_ =	shalt  }
0x4f: {  	_ =	shalt  }
0x50: {  	_ =	shalt  }
0x51: {  	_ =	shalt  }
0x52: {  	_ =	shalt  }
0x53: {  	_ =	shalt  }
0x54: {  	_ =	shalt  }
0x55: {  	_ =	shalt  }
0x56: {  	_ =	shalt  }
0x57: {  	_ =	shalt  }
0x58: {  	_ =	shalt  }
0x59: {  	_ =	shalt  }
0x5a: {  	_ =	shalt  }
0x5b: {  	_ =	shalt  }
0x5c: {  	_ =	shalt  }
0x5d: {  	_ =	shalt  }
0x5e: {  	_ =	shalt  }
0x5f: {  	_ =	shalt  }
0x60: {  	_ =	shalt  }
0x61: {  	_ =	shalt  }
0x62: {  	_ =	shalt  }
0x63: {  	_ =	shalt  }
0x64: {  	_ =	shalt  }
0x65: {  	_ =	shalt  }
0x66: {  	_ =	shalt  }
0x67: {  	_ =	shalt  }
0x68: {  	_ =	shalt  }
0x69: {  	_ =	shalt  }
0x6a: {  	_ =	shalt  }
0x6b: {  	_ =	shalt  }
0x6c: {  	_ =	shalt  }
0x6d: {  	_ =	shalt  }
0x6e: {  	_ =	shalt  }
0x6f: {  	_ =	shalt  }
0x70: {  	_ =	shalt  }
0x71: {  	_ =	shalt  }
0x72: {  	_ =	shalt  }
0x73: {  	_ =	shalt  }
0x74: {  	_ =	shalt  }
0x75: {  	_ =	shalt  }
0x76: {  	_ =	shalt  }
0x77: {  	_ =	shalt  }
0x78: {  	_ =	shalt  }
0x79: {  	_ =	shalt  }
0x7a: {  	_ =	shalt  }
0x7b: {  	_ =	shalt  }
0x7c: {  	_ =	shalt  }
0x7d: {  	_ =	shalt  }
0x7e: {  	_ =	shalt  }
0x7f: {  	_ =	shalt  }
0x80: {  	_ =	shalt  }
0x81: {  	_ =	shalt  }
0x82: {  	_ =	shalt  }
0x83: {  	_ =	shalt  }
0x84: {  	_ =	shalt  }
0x85: {  	_ =	shalt  }
0x86: {  	_ =	shalt  }
0x87: {  	_ =	shalt  }
.Lfunc_end0:
.L_simem_size_0:
called_computation.2_lowered:
.L_overlay_start_0:
0x88: {  	s2 =	sld [smem:$0x3FD9]  }
0x89: {  	s3 =	sld [smem:$0x3FFE];
	_ =	sdelay $0x1  }
0x8a: {  	s1 =	srdreg.scid  }
0x8b: {  	s0 =	sand.u32 $0x1, s1  }
0x8c: {  	s16 =	sshll.u32 s0, $0xA;
	s2 =	sadd.s32 s3, s2  }
0x8d: {  	s2 =	sadd.s32 s2, s16  }
0x8e: {  	[smem:$0x3FAF] =	sst s2  }
0x8f: {  	_ = 	snop  }
0x90: {  	(tm) =	ssettm $0x1  }
0x91: {  	s17 =	sld [smem:$0x3FFB];
	_ =	sdelay $0x3  }
0x92: {  	_ =	strace s17  }
0x93: {  	s2 =	sld [smem:$0x3FFC];
	_ =	sdelay $0x3  }
0x94: {  	_ =	strace s2  }
0x95: {  	s2 =	sld [smem:$0x3FFD];
	_ =	sdelay $0x3  }
0x96: {  	_ =	strace s2  }
0x97: {  	_ =	strace $0x8FFFFFFF  }
0x98: {  	s18 =	sld [smem:$0x3FDB];
	_ =	sdelay $0x1  }
0x99: {  	s19 =	simm.s32 $_scs_section_size  }
0x9a: {  	s4 =	simm.s32 $_size__tile_overlayer_lowered;
	s5 =	simm.s32 $_tile_overlayer_lowered  }
0x9b: {  	s22 =	simm.s32 $0x1BFF;
	s21 =	sshll.u32 s5, $0x1;
	s2 =	sadd.s32 s19, s18  }
0x9c: {  	s6 =	simm.s32 $0x0;
	s20 =	sshll.u32 s4, $0x1;
	s4 =	sadd.s32 s21, s2  }
0x9d: {  	[timem:s6], [sflag:s22] =	dma.local [hbm:s4], s20  }
0x9e: {  	_ =	swait.ge [sflag:s22], s20  }
0x9f: {  	s3 =	ssub.s32 $0x0, s20;
	[sflag:s22] =	ssyncset.done $0x0  }
0xa0: {  	[sflag:s22] =	ssyncadd.s32 s3;
	_ =	sdelay $0x1  }
0xa1: {  	s23 =	simm.s32 $0x1B8B  }
0xa2: {  	_ =	swait.ge [sflag:s23], $0x1  }
0xa3: {  	[sflag:s23] =	ssyncset.done $0x0  }
0xa4: {  	s25 =	simm.s32 $0x1B8E;
	s24 =	sld [smem:$0x3FFE];
	[sflag:s23] =	ssyncadd.s32 $0xFFFFFFFF  }
0xa5: {  	s26 =	simm.s32 $execute0_lowered;
	[smem:$0x3FD2] =	sst s25  }
0xa6: {  	s4 =	sshll.u32 s26, $0x1;
	_ =	strace $0x8000004C;
	[dreg:$0x1] =	wrdreg $0xFFFFFFFF  }
0xa7: {  	s28 =	simm.s32 $_size_execute0_lowered;
	s2 =	sadd.s32 s2, s4;
	[dreg:$0x0] =	wrdreg $0x0  }
0xa8: {  	s4 =	sshll.u32 s28, $0x1;
	[dreg:$0x2] =	wrdreg s2  }
0xa9: {  	[dreg:$0x3] =	wrdreg s4  }
0xaa: {  	[dreg:$0x4] =	wrdreg $0xC0  }
0xab: {  	_ =	task [dreg:s6], $0x5FFFF  }
0xac: {  	[dreg:$0x1] =	wrdreg $0xFFFFFFFF  }
0xad: {  	[dreg:$0x0] =	wrdreg $0x60  }
0xae: {  	[dreg:$0x2] =	wrdreg s24  }
0xaf: {  	[dreg:$0x3] =	wrdreg $0x9  }
0xb0: {  	_ =	task.clear_ibuf [dreg:s6], $0x4FFFF;
	_ =	strace $0x9000004C  }
0xb1: {  	s29 =	simm.s32 $0x9;
	_ =	strace $0x8000004E  }
0xb2: {  	_ =	swait.ge [sflag:s29], $0x1  }
0xb3: {  	[sflag:s29] =	ssyncadd.s32 $0xFFFFFFFF  }
0xb4: {  	_ =	strace $0x9000004E  }
0xb5: {  	_ =	sfence  }
0xb6: {  	s30 =	sld [smem:$0x0];
	_ =	sdelay $0x2  }
0xb7: {  	s31 =	sshll.u32 s1, $0xD;
	s1 =	sshrl.u32 s1, $0x2  }
0xb8: {  	s3 =	sand.u32 $0x4000, s31;
	s1 =	sadd.s32 s1, s30  }
0xb9: {  	s0 =	sor.u32 s3, s0;
	s1 =	sshll.u32 s1, $0x11  }
0xba: {  	s0 =	sor.u32 s1, s0  }
0xbb: {  	s0 =	sadd.s32 $0x8F2B, s0  }
0xbc: {  	[sflag:s0] =	ssyncadd.remote.s32 $0x1  }
0xbd: {  	_ =	sfence.sel $0xFFFF  }
0xbe: {  	[dreg:$0x0] =	wrdreg $0xFFFFFFFF;
	(pc) =	sbr.abs _section_cstart, $3  }
0xbf: {  	[dreg:$0x1] =	wrdreg $0xFFFFFFFF  }
0xc0: {  	_ =	task.clear_ibuf [dreg:s6], $0x2FFFF;
	_ =	strace $0x9FFFFFFF  }
0xc1: {  	(tm) =	ssettm $0x7FFFFFFF  }
tec
execute0_lowered:
.L_overlay_start_1:
0x0: {  	(tag) =	ssettag $0x1  }
0x1: {  	s1 =	srdreg.scid  }
0x2: {  	s0 =	stileid.u32;
	s4 =	rddreg [dreg:$0x0];
	s2 =	simm.s32 $0x0  }
0x3: {  	s9 =	simm.s32 $0x2800;
	s10 =	simm.s32 $0x4800;
	s11 =	simm.s32 $0x6800  }
0x4: {  	s12 =	simm.s32 $0x8800;
	s13 =	simm.s32 $0xA800;
	s14 =	simm.s32 $0x1  }
0x5: {  	s15 =	simm.s32 $0xC800;
	s5 =	sand.u32 $0x1, s1;
	s1 =	rddreg [dreg:$0x1]  }
0x6: {  	s16 =	simm.s32 $0x0;
	s3 =	sshll.u32 s0, $0x1;
	[smem:$0x7FF] =	sst s2  }
0x7: {  	s6 =	sor.u32 s5, s3;
	_ =	strace $0x8000004D;
	s5 =	ssub.s32 $0x2, s5  }
0x8: {  	s7 =	smul.u32 $0x500, s6;
	s6 =	sshll.u32 s6, $0xC;
	s8 =	sshrl.u32 s5, $0x1  }
0x9: {  	s3 =	sadd.s32 $0x2C00, s4;
	s6 =	sadd.s32 s6, s4;
	s8 =	ssub.s32 s5, s8  }
0xa: {  	s7 =	sadd.s32 s7, s4;
	s5 =	sadd.s32 $0x82C00, s6;
	s6 =	smax.u32 s8, $0x1  }
0xb: {  	s8 =	simm.s32 $0x80;
	s4 =	sadd.s32 $0x22C00, s7;
	s7 =	simm.s32 $0x2  }
.LBB2_1:
0xc: {  	[tilespmem:s2], [sflag:$0x2] =	stream.linear.gather [hbm4b:s4+s2], $0x2800, $0x38;
	[tilespmem:$0xD000] =	vst v63  }
0xd: {  	_ =	swait.ge [sflag:s7], $0x2800  }
0xe: {  	[sflag:s7] =	ssyncset.done $0x0  }
0xf: {  	s17 =	simm.s32 $0x0;
	[sflag:s7] =	ssyncadd.s32 $0xFFFFD800  }
.LBB2_2:
0x10: {  	s18 =	smul.u32 $0xA00, s17;
	_ =	sdelay $0x1  }
0x11: {  	s18 =	sshra.s32 s18, $0x2  }
0x12: {  	[tilespmem:s9], [sflag:$0x1] =	stream.indirect.gather [hbm4b:s3+s8], $0x40, s18, s8, $0xb8;
	[tilespmem:$0xD000] =	vst v63  }
0x13: {  	s19 =	sadd.s32 $0x80, s18  }
0x14: {  	[tilespmem:s10], [sflag:$0x1] =	stream.indirect.gather [hbm4b:s3+s8], $0x40, s19, s8, $0xb8;
	[tilespmem:$0xD000] =	vst v63  }
0x15: {  	s30 =	sadd.s32 $0x100, s18  }
0x16: {  	[tilespmem:s11], [sflag:$0x1] =	stream.indirect.gather [hbm4b:s3+s8], $0x40, s30, s8, $0xb8;
	[tilespmem:$0xD000] =	vst v63  }
0x17: {  	s31 =	sadd.s32 $0x180, s18  }
0x18: {  	[tilespmem:s12], [sflag:$0x1] =	stream.indirect.gather [hbm4b:s3+s8], $0x40, s31, s8, $0xb8;
	[tilespmem:$0xD000] =	vst v63  }
0x19: {  	s18 =	sadd.s32 $0x200, s18  }
0x1a: {  	[tilespmem:s13], [sflag:$0x1] =	stream.indirect.gather [hbm4b:s3+s8], $0x40, s18, s8, $0xb8;
	[tilespmem:$0xD000] =	vst v63  }
0x1b: {  	_ =	swait.ge [sflag:s14], $0x2000  }
0x1c: {  	[sflag:s14] =	ssyncset.done $0x0  }
0x1d: {  	[sflag:s14] =	ssyncadd.s32 $0xFFFFE000  }
0x1e: {  	_ =	swait.ge [sflag:s14], $0x2000  }
0x1f: {  	[sflag:s14] =	ssyncset.done $0x0  }
0x20: {  	[sflag:s14] =	ssyncadd.s32 $0xFFFFE000  }
0x21: {  	_ =	swait.ge [sflag:s14], $0x2000  }
0x22: {  	[sflag:s14] =	ssyncset.done $0x0  }
0x23: {  	[sflag:s14] =	ssyncadd.s32 $0xFFFFE000  }
0x24: {  	_ =	swait.ge [sflag:s14], $0x2000  }
0x25: {  	[sflag:s14] =	ssyncset.done $0x0  }
0x26: {  	[sflag:s14] =	ssyncadd.s32 $0xFFFFE000  }
0x27: {  	_ =	swait.ge [sflag:s14], $0x2000  }
0x28: {  	[sflag:s14] =	ssyncset.done $0x0  }
0x29: {  	s18 =	simm.s32 $0x2A80;
	[sflag:s14] =	ssyncadd.s32 $0xFFFFE000  }
0x2a: {  	v0 =	vld [tilespmem:s18+$0xFFFFFDC0]  }
0x2b: {  	v1 =	vld [tilespmem:s18+$0xFFFFFD80]  }
0x2c: {  	v2 =	vld [tilespmem:s18+$0xFFFFFE00]  }
0x2d: {  	v3 =	vld [tilespmem:s18+$0xFFFFFE40]  }
0x2e: {  	v4 =	vld [tilespmem:s18+$0xFFFFFE80]  }
0x2f: {  	v5 =	vld [tilespmem:s18+$0xFFFFFEC0]  }
0x30: {  	v0 =	vmax.f32 v1, v0;
	v1 =	vld [tilespmem:s18+$0xFFFFFF00]  }
0x31: {  	v0 =	vmax.f32 v0, v2;
	v2 =	vld [tilespmem:s18+$0xFFFFFF40]  }
0x32: {  	v0 =	vmax.f32 v0, v3;
	v3 =	vld [tilespmem:s18+$0xFFFFFF80]  }
0x33: {  	v0 =	vmax.f32 v0, v4;
	v4 =	vld [tilespmem:s18+$0xFFFFFFC0]  }
0x34: {  	v0 =	vmax.f32 v0, v5;
	v5 =	vld [tilespmem:s18+$0x0]  }
0x35: {  	v0 =	vmax.f32 v0, v1;
	v1 =	vld [tilespmem:s18+$0x40]  }
0x36: {  	v0 =	vmax.f32 v0, v2;
	v2 =	vld [tilespmem:s18+$0x80]  }
0x37: {  	v0 =	vmax.f32 v0, v3;
	v3 =	vld [tilespmem:s18+$0xC0]  }
0x38: {  	v0 =	vmax.f32 v0, v4;
	v4 =	vld [tilespmem:s18+$0x100]  }
0x39: {  	v0 =	vmax.f32 v0, v5;
	v5 =	vld [tilespmem:s18+$0x140]  }
0x3a: {  	v0 =	vmax.f32 v0, v1;
	v1 =	vld [tilespmem:s18+$0x180]  }
0x3b: {  	v0 =	vmax.f32 v0, v2;
	v2 =	vld [tilespmem:s18+$0x1C0]  }
0x3c: {  	v0 =	vmax.f32 v0, v3;
	v3 =	vld [tilespmem:s18+$0x200]  }
0x3d: {  	v0 =	vmax.f32 v0, v4;
	v4 =	vld [tilespmem:s18+$0x240]  }
0x3e: {  	v0 =	vmax.f32 v0, v5  }
0x3f: {  	v0 =	vmax.f32 v0, v1  }
0x40: {  	v0 =	vmax.f32 v0, v2  }
0x41: {  	v0 =	vmax.f32 v0, v3  }
0x42: {  	s19 =	simm.s32 $0x0;
	v0 =	vmax.f32 v0, v4  }
0x43: {  	[tilespmem:s19+$0xC800] =	vst v0  }
0x44: {  	v0 =	vld [tilespmem:s18+$0xFFFFFD90]  }
0x45: {  	v1 =	vld [tilespmem:s18+$0xFFFFFDD0]  }
0x46: {  	v2 =	vld [tilespmem:s18+$0xFFFFFE10]  }
0x47: {  	v3 =	vld [tilespmem:s18+$0xFFFFFE50]  }
0x48: {  	v4 =	vld [tilespmem:s18+$0xFFFFFE90]  }
0x49: {  	v5 =	vld [tilespmem:s18+$0xFFFFFED0]  }
0x4a: {  	v0 =	vmax.f32 v0, v1;
	v1 =	vld [tilespmem:s18+$0xFFFFFF10]  }
0x4b: {  	v0 =	vmax.f32 v0, v2;
	v2 =	vld [tilespmem:s18+$0xFFFFFF50]  }
0x4c: {  	v0 =	vmax.f32 v0, v3;
	v3 =	vld [tilespmem:s18+$0xFFFFFF90]  }
0x4d: {  	v0 =	vmax.f32 v0, v4;
	v4 =	vld [tilespmem:s18+$0xFFFFFFD0]  }
0x4e: {  	v0 =	vmax.f32 v0, v5;
	v5 =	vld [tilespmem:s18+$0x10]  }
0x4f: {  	v0 =	vmax.f32 v0, v1;
	v1 =	vld [tilespmem:s18+$0x50]  }
0x50: {  	v0 =	vmax.f32 v0, v2;
	v2 =	vld [tilespmem:s18+$0x90]  }
0x51: {  	v0 =	vmax.f32 v0, v3;
	v3 =	vld [tilespmem:s18+$0xD0]  }
0x52: {  	v0 =	vmax.f32 v0, v4;
	v4 =	vld [tilespmem:s18+$0x110]  }
0x53: {  	v0 =	vmax.f32 v0, v5;
	v5 =	vld [tilespmem:s18+$0x150]  }
0x54: {  	v0 =	vmax.f32 v0, v1;
	v1 =	vld [tilespmem:s18+$0x190]  }
0x55: {  	v0 =	vmax.f32 v0, v2;
	v2 =	vld [tilespmem:s18+$0x1D0]  }
0x56: {  	v0 =	vmax.f32 v0, v3;
	v3 =	vld [tilespmem:s18+$0x210]  }
0x57: {  	v0 =	vmax.f32 v0, v4;
	v4 =	vld [tilespmem:s18+$0x250]  }
0x58: {  	v0 =	vmax.f32 v0, v5  }
0x59: {  	v0 =	vmax.f32 v0, v1  }
0x5a: {  	v0 =	vmax.f32 v0, v2  }
0x5b: {  	v0 =	vmax.f32 v0, v3  }
0x5c: {  	v0 =	vmax.f32 v0, v4  }
0x5d: {  	[tilespmem:s19+$0xC810] =	vst v0  }
0x5e: {  	v0 =	vld [tilespmem:s18+$0xFFFFFDA0]  }
0x5f: {  	v1 =	vld [tilespmem:s18+$0xFFFFFDE0]  }
0x60: {  	v2 =	vld [tilespmem:s18+$0xFFFFFE20]  }
0x61: {  	v3 =	vld [tilespmem:s18+$0xFFFFFE60]  }
0x62: {  	v4 =	vld [tilespmem:s18+$0xFFFFFEA0]  }
0x63: {  	v5 =	vld [tilespmem:s18+$0xFFFFFEE0]  }
0x64: {  	v0 =	vmax.f32 v0, v1;
	v1 =	vld [tilespmem:s18+$0xFFFFFF20]  }
0x65: {  	v0 =	vmax.f32 v0, v2;
	v2 =	vld [tilespmem:s18+$0xFFFFFF60]  }
0x66: {  	v0 =	vmax.f32 v0, v3;
	v3 =	vld [tilespmem:s18+$0xFFFFFFA0]  }
0x67: {  	v0 =	vmax.f32 v0, v4;
	v4 =	vld [tilespmem:s18+$0xFFFFFFE0]  }
0x68: {  	v0 =	vmax.f32 v0, v5;
	v5 =	vld [tilespmem:s18+$0x20]  }
0x69: {  	v0 =	vmax.f32 v0, v1;
	v1 =	vld [tilespmem:s18+$0x60]  }
0x6a: {  	v0 =	vmax.f32 v0, v2;
	v2 =	vld [tilespmem:s18+$0xA0]  }
0x6b: {  	v0 =	vmax.f32 v0, v3;
	v3 =	vld [tilespmem:s18+$0xE0]  }
0x6c: {  	v0 =	vmax.f32 v0, v4;
	v4 =	vld [tilespmem:s18+$0x120]  }
0x6d: {  	v0 =	vmax.f32 v0, v5;
	v5 =	vld [tilespmem:s18+$0x160]  }
0x6e: {  	v0 =	vmax.f32 v0, v1;
	v1 =	vld [tilespmem:s18+$0x1A0]  }
0x6f: {  	v0 =	vmax.f32 v0, v2;
	v2 =	vld [tilespmem:s18+$0x1E0]  }
0x70: {  	v0 =	vmax.f32 v0, v3;
	v3 =	vld [tilespmem:s18+$0x220]  }
0x71: {  	v0 =	vmax.f32 v0, v4;
	v4 =	vld [tilespmem:s18+$0x260]  }
0x72: {  	v0 =	vmax.f32 v0, v5  }
0x73: {  	v0 =	vmax.f32 v0, v1  }
0x74: {  	v0 =	vmax.f32 v0, v2  }
0x75: {  	v0 =	vmax.f32 v0, v3  }
0x76: {  	v0 =	vmax.f32 v0, v4  }
0x77: {  	[tilespmem:s19+$0xC820] =	vst v0  }
0x78: {  	v0 =	vld [tilespmem:s18+$0xFFFFFDB0]  }
0x79: {  	v1 =	vld [tilespmem:s18+$0xFFFFFDF0]  }
0x7a: {  	v2 =	vld [tilespmem:s18+$0xFFFFFE30]  }
0x7b: {  	v3 =	vld [tilespmem:s18+$0xFFFFFE70]  }
0x7c: {  	v4 =	vld [tilespmem:s18+$0xFFFFFEB0]  }
0x7d: {  	v5 =	vld [tilespmem:s18+$0xFFFFFEF0]  }
0x7e: {  	v0 =	vmax.f32 v0, v1;
	v1 =	vld [tilespmem:s18+$0xFFFFFF30]  }
0x7f: {  	v0 =	vmax.f32 v0, v2;
	v2 =	vld [tilespmem:s18+$0xFFFFFF70]  }
0x80: {  	v0 =	vmax.f32 v0, v3;
	v3 =	vld [tilespmem:s18+$0xFFFFFFB0]  }
0x81: {  	v0 =	vmax.f32 v0, v4;
	v4 =	vld [tilespmem:s18+$0xFFFFFFF0]  }
0x82: {  	v0 =	vmax.f32 v0, v5;
	v5 =	vld [tilespmem:s18+$0x30]  }
0x83: {  	v0 =	vmax.f32 v0, v1;
	v1 =	vld [tilespmem:s18+$0x70]  }
0x84: {  	v0 =	vmax.f32 v0, v2;
	v2 =	vld [tilespmem:s18+$0xB0]  }
0x85: {  	v0 =	vmax.f32 v0, v3;
	v3 =	vld [tilespmem:s18+$0xF0]  }
0x86: {  	v0 =	vmax.f32 v0, v4;
	v4 =	vld [tilespmem:s18+$0x130]  }
0x87: {  	v0 =	vmax.f32 v0, v5;
	v5 =	vld [tilespmem:s18+$0x170]  }
0x88: {  	v1 =	vmax.f32 v0, v1  }
0x89: {  	v0 =	vld [tilespmem:s18+$0x1B0];
	v2 =	vmax.f32 v1, v2  }
0x8a: {  	v1 =	vld [tilespmem:s18+$0x1F0];
	v3 =	vmax.f32 v2, v3  }
0x8b: {  	v2 =	vld [tilespmem:s18+$0x230];
	v4 =	vmax.f32 v3, v4  }
0x8c: {  	s20 =	simm.s32 $0x100;
	v3 =	vld [tilespmem:s18+$0x270];
	v4 =	vmax.f32 v4, v5  }
.LBB2_3:
0x8d: {  	p0 =	sne.s32 s20, $0x1F00  }
0x8e: {  	s18 =	sadd.s32 $0x500, s18;
	s21 =	smov.u32 s20;
	s20 =	sadd.s32 $0x100, s20  }
0x8f: {  	v0 =	vmax.f32 v4, v0  }
0x90: {  	v0 =	vmax.f32 v0, v1  }
0x91: {  	v0 =	vmax.f32 v0, v2  }
0x92: {  	v0 =	vmax.f32 v0, v3  }
0x93: {  	[tilespmem:s19+$0xC830] =	vst v0  }
0x94: {  	v0 =	vld [tilespmem:s18+$0xFFFFFDC0]  }
0x95: {  	v1 =	vld [tilespmem:s18+$0xFFFFFD80]  }
0x96: {  	v2 =	vld [tilespmem:s18+$0xFFFFFE00]  }
0x97: {  	v3 =	vld [tilespmem:s18+$0xFFFFFE40]  }
0x98: {  	v4 =	vld [tilespmem:s18+$0xFFFFFE80]  }
0x99: {  	v5 =	vld [tilespmem:s18+$0xFFFFFEC0]  }
0x9a: {  	v0 =	vmax.f32 v1, v0;
	v1 =	vld [tilespmem:s18+$0xFFFFFF00]  }
0x9b: {  	v0 =	vmax.f32 v0, v2;
	v2 =	vld [tilespmem:s18+$0xFFFFFF40]  }
0x9c: {  	v0 =	vmax.f32 v0, v3;
	v3 =	vld [tilespmem:s18+$0xFFFFFF80]  }
0x9d: {  	v0 =	vmax.f32 v0, v4;
	v4 =	vld [tilespmem:s18+$0xFFFFFFC0]  }
0x9e: {  	v0 =	vmax.f32 v0, v5;
	v5 =	vld [tilespmem:s18+$0x0]  }
0x9f: {  	v0 =	vmax.f32 v0, v1;
	v1 =	vld [tilespmem:s18+$0x40]  }
0xa0: {  	v0 =	vmax.f32 v0, v2;
	v2 =	vld [tilespmem:s18+$0x80]  }
0xa1: {  	v0 =	vmax.f32 v0, v3;
	v3 =	vld [tilespmem:s18+$0xC0]  }
0xa2: {  	v0 =	vmax.f32 v0, v4;
	v4 =	vld [tilespmem:s18+$0x100]  }
0xa3: {  	v0 =	vmax.f32 v0, v5;
	v5 =	vld [tilespmem:s18+$0x140]  }
0xa4: {  	v0 =	vmax.f32 v0, v1;
	v1 =	vld [tilespmem:s18+$0x180]  }
0xa5: {  	v0 =	vmax.f32 v0, v2;
	v2 =	vld [tilespmem:s18+$0x1C0]  }
0xa6: {  	v0 =	vmax.f32 v0, v3;
	v3 =	vld [tilespmem:s18+$0x200]  }
0xa7: {  	v0 =	vmax.f32 v0, v4;
	v4 =	vld [tilespmem:s18+$0x240]  }
0xa8: {  	v0 =	vmax.f32 v0, v5  }
0xa9: {  	v0 =	vmax.f32 v0, v1  }
0xaa: {  	v0 =	vmax.f32 v0, v2  }
0xab: {  	v0 =	vmax.f32 v0, v3  }
0xac: {  	s19 =	sshra.s32 s21, $0x2;
	v0 =	vmax.f32 v0, v4  }
0xad: {  	[tilespmem:s19+$0xC800] =	vst v0  }
0xae: {  	v0 =	vld [tilespmem:s18+$0xFFFFFD90]  }
0xaf: {  	v1 =	vld [tilespmem:s18+$0xFFFFFDD0]  }
0xb0: {  	v2 =	vld [tilespmem:s18+$0xFFFFFE10]  }
0xb1: {  	v3 =	vld [tilespmem:s18+$0xFFFFFE50]  }
0xb2: {  	v4 =	vld [tilespmem:s18+$0xFFFFFE90]  }
0xb3: {  	v5 =	vld [tilespmem:s18+$0xFFFFFED0]  }
0xb4: {  	v0 =	vmax.f32 v0, v1;
	v1 =	vld [tilespmem:s18+$0xFFFFFF10]  }
0xb5: {  	v0 =	vmax.f32 v0, v2;
	v2 =	vld [tilespmem:s18+$0xFFFFFF50]  }
0xb6: {  	v0 =	vmax.f32 v0, v3;
	v3 =	vld [tilespmem:s18+$0xFFFFFF90]  }
0xb7: {  	v0 =	vmax.f32 v0, v4;
	v4 =	vld [tilespmem:s18+$0xFFFFFFD0]  }
0xb8: {  	v0 =	vmax.f32 v0, v5;
	v5 =	vld [tilespmem:s18+$0x10]  }
0xb9: {  	v0 =	vmax.f32 v0, v1;
	v1 =	vld [tilespmem:s18+$0x50]  }
0xba: {  	v0 =	vmax.f32 v0, v2;
	v2 =	vld [tilespmem:s18+$0x90]  }
0xbb: {  	v0 =	vmax.f32 v0, v3;
	v3 =	vld [tilespmem:s18+$0xD0]  }
0xbc: {  	v0 =	vmax.f32 v0, v4;
	v4 =	vld [tilespmem:s18+$0x110]  }
0xbd: {  	v0 =	vmax.f32 v0, v5;
	v5 =	vld [tilespmem:s18+$0x150]  }
0xbe: {  	v0 =	vmax.f32 v0, v1;
	v1 =	vld [tilespmem:s18+$0x190]  }
0xbf: {  	v0 =	vmax.f32 v0, v2;
	v2 =	vld [tilespmem:s18+$0x1D0]  }
0xc0: {  	v0 =	vmax.f32 v0, v3;
	v3 =	vld [tilespmem:s18+$0x210]  }
0xc1: {  	v0 =	vmax.f32 v0, v4;
	v4 =	vld [tilespmem:s18+$0x250]  }
0xc2: {  	v0 =	vmax.f32 v0, v5  }
0xc3: {  	v0 =	vmax.f32 v0, v1  }
0xc4: {  	v0 =	vmax.f32 v0, v2  }
0xc5: {  	v0 =	vmax.f32 v0, v3  }
0xc6: {  	v0 =	vmax.f32 v0, v4  }
0xc7: {  	[tilespmem:s19+$0xC810] =	vst v0  }
0xc8: {  	v0 =	vld [tilespmem:s18+$0xFFFFFDA0]  }
0xc9: {  	v1 =	vld [tilespmem:s18+$0xFFFFFDE0]  }
0xca: {  	v2 =	vld [tilespmem:s18+$0xFFFFFE20]  }
0xcb: {  	v3 =	vld [tilespmem:s18+$0xFFFFFE60]  }
0xcc: {  	v4 =	vld [tilespmem:s18+$0xFFFFFEA0]  }
0xcd: {  	v5 =	vld [tilespmem:s18+$0xFFFFFEE0]  }
0xce: {  	v0 =	vmax.f32 v0, v1;
	v1 =	vld [tilespmem:s18+$0xFFFFFF20]  }
0xcf: {  	v0 =	vmax.f32 v0, v2;
	v2 =	vld [tilespmem:s18+$0xFFFFFF60]  }
0xd0: {  	v0 =	vmax.f32 v0, v3;
	v3 =	vld [tilespmem:s18+$0xFFFFFFA0]  }
0xd1: {  	v0 =	vmax.f32 v0, v4;
	v4 =	vld [tilespmem:s18+$0xFFFFFFE0]  }
0xd2: {  	v0 =	vmax.f32 v0, v5;
	v5 =	vld [tilespmem:s18+$0x20]  }
0xd3: {  	v0 =	vmax.f32 v0, v1;
	v1 =	vld [tilespmem:s18+$0x60]  }
0xd4: {  	v0 =	vmax.f32 v0, v2;
	v2 =	vld [tilespmem:s18+$0xA0]  }
0xd5: {  	v0 =	vmax.f32 v0, v3;
	v3 =	vld [tilespmem:s18+$0xE0]  }
0xd6: {  	v0 =	vmax.f32 v0, v4;
	v4 =	vld [tilespmem:s18+$0x120]  }
0xd7: {  	v0 =	vmax.f32 v0, v5;
	v5 =	vld [tilespmem:s18+$0x160]  }
0xd8: {  	v0 =	vmax.f32 v0, v1;
	v1 =	vld [tilespmem:s18+$0x1A0]  }
0xd9: {  	v0 =	vmax.f32 v0, v2;
	v2 =	vld [tilespmem:s18+$0x1E0]  }
0xda: {  	v0 =	vmax.f32 v0, v3;
	v3 =	vld [tilespmem:s18+$0x220]  }
0xdb: {  	v0 =	vmax.f32 v0, v4;
	v4 =	vld [tilespmem:s18+$0x260]  }
0xdc: {  	v0 =	vmax.f32 v0, v5  }
0xdd: {  	v0 =	vmax.f32 v0, v1  }
0xde: {  	v0 =	vmax.f32 v0, v2  }
0xdf: {  	v0 =	vmax.f32 v0, v3  }
0xe0: {  	v0 =	vmax.f32 v0, v4  }
0xe1: {  	[tilespmem:s19+$0xC820] =	vst v0  }
0xe2: {  	v0 =	vld [tilespmem:s18+$0xFFFFFDB0]  }
0xe3: {  	v1 =	vld [tilespmem:s18+$0xFFFFFDF0]  }
0xe4: {  	v2 =	vld [tilespmem:s18+$0xFFFFFE30]  }
0xe5: {  	v3 =	vld [tilespmem:s18+$0xFFFFFE70]  }
0xe6: {  	v4 =	vld [tilespmem:s18+$0xFFFFFEB0]  }
0xe7: {  	v5 =	vld [tilespmem:s18+$0xFFFFFEF0]  }
0xe8: {  	v0 =	vmax.f32 v0, v1;
	v1 =	vld [tilespmem:s18+$0xFFFFFF30]  }
0xe9: {  	v0 =	vmax.f32 v0, v2;
	v2 =	vld [tilespmem:s18+$0xFFFFFF70]  }
0xea: {  	v0 =	vmax.f32 v0, v3;
	v3 =	vld [tilespmem:s18+$0xFFFFFFB0]  }
0xeb: {  	v0 =	vmax.f32 v0, v4;
	v4 =	vld [tilespmem:s18+$0xFFFFFFF0]  }
0xec: {  	v0 =	vmax.f32 v0, v5;
	v5 =	vld [tilespmem:s18+$0x30]  }
0xed: {  	v0 =	vmax.f32 v0, v1;
	v1 =	vld [tilespmem:s18+$0x70]  }
0xee: {  	v0 =	vmax.f32 v0, v2;
	v2 =	vld [tilespmem:s18+$0xB0]  }
0xef: {  	v0 =	vmax.f32 v0, v3;
	v3 =	vld [tilespmem:s18+$0xF0]  }
0xf0: {  	v0 =	vmax.f32 v0, v4;
	v4 =	vld [tilespmem:s18+$0x130]  }
0xf1: {  	v0 =	vmax.f32 v0, v5;
	v5 =	vld [tilespmem:s18+$0x170]  }
.Ltmp0:
0xf2: {  	v1 =	vmax.f32 v0, v1;
	v0 =	vld [tilespmem:s18+$0x1B0];
	(pc) =	sbr.rel @p0 .LBB2_3-.Ltmp0, $4  }
0xf3: {  	v2 =	vmax.f32 v1, v2;
	v1 =	vld [tilespmem:s18+$0x1F0]  }
0xf4: {  	v3 =	vmax.f32 v2, v3;
	v2 =	vld [tilespmem:s18+$0x230]  }
0xf5: {  	v4 =	vmax.f32 v3, v4;
	v3 =	vld [tilespmem:s18+$0x270]  }
0xf6: {  	v4 =	vmax.f32 v4, v5  }
0xf7: {  	v0 =	vmax.f32 v4, v0  }
0xf8: {  	v0 =	vmax.f32 v0, v1  }
0xf9: {  	s18 =	sshll.u32 s17, $0x8;
	s17 =	sadd.s32 $0x1, s17;
	v0 =	vmax.f32 v0, v2  }
0xfa: {  	p0 =	sne.s32 s17, $0x10;
	v0 =	vmax.f32 v0, v3  }
.Ltmp1:
0xfb: {  	s18 =	sadd.s32 s18, s5;
	[tilespmem:s19+$0xC830] =	vst v0;
	(pc) =	sbr.rel @p0 .LBB2_2-.Ltmp1, $4  }
0xfc: {  	[hbm4b:s18+s2] =	stream.linear.scatter [tilespmem:s15], [sflag:$0x2], $0x800, $0x38;
	[tilespmem:$0xD000] =	vst v63  }
0xfd: {  	_ =	swait.ge [sflag:s7], $0x800  }
0xfe: {  	[sflag:s7] =	ssyncset.done $0x0  }
0xff: {  	[sflag:s7] =	ssyncadd.s32 $0xFFFFF800  }
0x100: {  	s16 =	sadd.s32 $0x1, s16  }
0x101: {  	p0 =	sne.s32 s16, s6  }
.Ltmp2:
0x102: {  	_ = 	snop;
	(pc) =	sbr.rel @p0 .LBB2_1-.Ltmp2, $1  }
0x103: {  	_ =	sdelay $0x3  }
0x104: {  	_ =	sfence.sel $0x180000  }
0x105: {  	[bflag:$0x0] =	sbarrier.arrive $0xFFFF  }
0x106: {  	p0 =	sne.s32 s0, $0x0;
	_ =	strace $0x9000004D  }
0x107: {  	s0 =	sadd.s32 @!p0 $0x100000, s1;
	[bflag:$0x2] =	sbarrier.arrive $0xFFFF  }
0x108: {  	[sflag:s0] =	ssyncadd.tile.s32 @!p0 $0x1;
	_ =	shalt  }
.Lfunc_end2:
_tile_overlayer_lowered:
.L_overlay_start_2:
0x109: {  	(tag) =	ssettag $0x2  }
0x10a: {  	s0 =	rddreg [dreg:$0x0];
	s2 =	stileid.u32  }
0x10b: {  	s1 =	rddreg [dreg:$0x1];
	p0 =	sne.s32 s2, $0x0  }
0x10c: {  	s3 =	rddreg [dreg:$0x2];
	[bflag:$0x3] =	sbarrier.arrive $0xFFFF;
	s2 =	simm.s32 @!p0 $0x1C02  }
0x10d: {  	[timem:s3], [sflag:s2] =	dma.local @!p0 [hbm:s0], s1  }
0x10e: {  	s0 =	simm.s32 @!p0 $0x2  }
0x10f: {  	_ =	swait.ge @!p0 [sflag:s0], s1  }
0x110: {  	s1 =	ssub.s32 @!p0 $0x0, s1;
	[sflag:s0] =	ssyncset.done @!p0 $0x0  }
0x111: {  	[sflag:s0] =	ssyncadd.s32 @!p0 s1  }
0x112: {  	[bflag:$0x3] =	sbarrier.arrive $0xFFFF  }
0x113: {  	_ =	shalt  }

// kernel: kernel.22.cloned.1.call-start
scs
__scs_entry_jumppad:
0x0: {  	(pc) =	sbr.rel $0x88, $3  }
0x1: {  	(tag) =	ssettag $0x0;
	lr =	simm.s32 $0x1  }
0x2: {  	[smem:$0x3F88] =	sst lr;
	_ =	strace $0xD0000000  }
0x3: {  	_ = 	snop  }
0x4: {  	_ = 	snop  }
0x5: {  	_ = 	snop  }
0x6: {  	_ = 	snop  }
0x7: {  	_ = 	snop  }
__scs_overlays_trampoline_lowered:
0x8: {  	[smem:$0x3F97] =	sst s0  }
0x9: {  	[smem:$0x3F98] =	sst s1  }
0xa: {  	[smem:$0x3F99] =	sst s2  }
0xb: {  	[smem:$0x3F9A] =	sst s3  }
0xc: {  	[smem:$0x3F9B] =	sst s4  }
0xd: {  	[smem:$0x3F9C] =	sst s5  }
0xe: {  	[smem:$0x3F9D] =	sst s6  }
0xf: {  	[smem:$0x3F9E] =	sst s7  }
0x10: {  	[smem:$0x3F9F] =	sst s8  }
0x11: {  	[smem:$0x3FA0] =	sst s9;
	s0 =	simm.s32 @!p0 $0x0  }
0x12: {  	s1 =	sld [smem:$0x3F86];
	s0 =	simm.s32 @p0 $0x1  }
0x13: {  	[smem:$0x3FA1] =	sst s0;
	s0 =	simm.s32 @!p1 $0x0  }
0x14: {  	s2 =	sld [smem:$0x3F85];
	s0 =	simm.s32 @p1 $0x1  }
0x15: {  	[smem:$0x3FA2] =	sst s0;
	s0 =	simm.s32 @!p2 $0x0  }
0x16: {  	s3 =	sld [smem:$0x3FDB];
	s0 =	simm.s32 @p2 $0x1  }
0x17: {  	s4 =	simm.s32 $0x1BF5;
	[smem:$0x3FA4] =	sst s0  }
0x18: {  	s0 =	sld [smem:$0x3F87];
	_ =	swait.ge [sflag:s4], $0x0  }
0x19: {  	s7 =	sld [smem:$0x3F88]  }
0x1a: {  	s8 =	sadd.s32 $0xFFFFE003, lr  }
0x1b: {  	s9 =	sadd.s32 $0xFFFFFEF7, lr;
	s5 =	simm.s32 $0xFFFFFFFF;
	p2 =	slt.u32 s8, $0xFFFFF086  }
0x1c: {  	p1 =	slt.u32 s9, $0xF7A;
	s5 =	simm.s32 @!p2 $0x0  }
0x1d: {  	s5 =	simm.s32 @p1 $0x1;
	p0 =	seq.s32 s7, s2  }
0x1e: {  	s7 =	smul.u32 @!p0 $0xF7A, s2;
	p2 =	seq.s32 @!p0 s5, $0x0  }
0x1f: {  	s9 =	smul.u32 $0xF7A, s1;
	s8 =	simm.s32 @!p0 $0x1BF5;
	p2 =	por !p2, p0  }
0x20: {  	[sflag:s8] =	ssyncset.s32 @!p0 $0xFFFFF086;
	s6 =	sadd.s32 @!p0 s3, s7;
	s7 =	simm.s32 @!p0 $0x108  }
0x21: {  	s3 =	sadd.s32 s3, s9;
	s6 =	sadd.s32 @!p0 $0x88, s6;
	s7 =	simm.s32 @p2 $0x1082  }
0x22: {  	[simem:s7], [sflag:s8] =	dma.local @!p0 [hbm:s6], $0xF7A  }
0x23: {  	s9 =	sor.u32 $0xD0000000, s2;
	s6 =	simm.s32 $0x108;
	_ =	swait.ge @!p0 [sflag:s8], $0x0  }
0x24: {  	s3 =	sadd.s32 $0x88, s3;
	s6 =	simm.s32 @!p1 $0x1082;
	[sflag:s4] =	ssyncset.s32 $0xFFFFF086  }
0x25: {  	[simem:s6], [sflag:s4] =	dma.local [hbm:s3], $0xF7A  }
0x26: {  	[smem:$0x3F88] =	sst s1;
	(tag) =	ssettag s2;
	_ =	strace s9  }
0x27: {  	s1 =	sld [smem:$0x3F98]  }
0x28: {  	s2 =	sld [smem:$0x3F99]  }
0x29: {  	s4 =	sld [smem:$0x3F9B]  }
0x2a: {  	p0 =	seq.s32 s5, $0x0;
	s5 =	sld [smem:$0x3F9C]  }
0x2b: {  	s6 =	sld [smem:$0x3F9D]  }
0x2c: {  	s7 =	sld [smem:$0x3F9E]  }
0x2d: {  	s3 =	simm.s32 $0x108;
	s8 =	sld [smem:$0x3F9F]  }
0x2e: {  	s3 =	simm.s32 @!p0 $0x1082;
	s9 =	sld [smem:$0x3FA0]  }
0x2f: {  	lr =	sadd.s32 s0, s3;
	s0 =	sld [smem:$0x3F97]  }
0x30: {  	s3 =	sld [smem:$0x3F9A]  }
0x31: {  	[smem:$0x3FA3] =	sst s10  }
0x32: {  	s10 =	sld [smem:$0x3FA1];
	_ =	sdelay $0x3  }
0x33: {  	p0 =	seq.s32 s10, $0x1;
	s10 =	sld [smem:$0x3FA3];
	_ =	sdelay $0x3  }
0x34: {  	[smem:$0x3FA3] =	sst s10  }
0x35: {  	s10 =	sld [smem:$0x3FA2];
	_ =	sdelay $0x3  }
0x36: {  	p1 =	seq.s32 s10, $0x1;
	s10 =	sld [smem:$0x3FA3];
	_ =	sdelay $0x3  }
0x37: {  	[smem:$0x3FA3] =	sst s10  }
0x38: {  	s10 =	sld [smem:$0x3FA4]  }
0x39: {  	_ = 	snop;
	(pc) =	sbr.ind lr, $3  }
0x3a: {  	_ = 	snop  }
0x3b: {  	_ = 	snop  }
0x3c: {  	p2 =	seq.s32 s10, $0x1;
	s10 =	sld [smem:$0x3FA3]  }
0x3d: {  	_ =	shalt  }
0x3e: {  	_ =	shalt  }
0x3f: {  	_ =	shalt  }
0x40: {  	_ =	shalt  }
0x41: {  	_ =	shalt  }
0x42: {  	_ =	shalt  }
0x43: {  	_ =	shalt  }
0x44: {  	_ =	shalt  }
0x45: {  	_ =	shalt  }
0x46: {  	_ =	shalt  }
0x47: {  	_ =	shalt  }
0x48: {  	_ =	shalt  }
0x49: {  	_ =	shalt  }
0x4a: {  	_ =	shalt  }
0x4b: {  	_ =	shalt  }
0x4c: {  	_ =	shalt  }
0x4d: {  	_ =	shalt  }
0x4e: {  	_ =	shalt  }
0x4f: {  	_ =	shalt  }
0x50: {  	_ =	shalt  }
0x51: {  	_ =	shalt  }
0x52: {  	_ =	shalt  }
0x53: {  	_ =	shalt  }
0x54: {  	_ =	shalt  }
0x55: {  	_ =	shalt  }
0x56: {  	_ =	shalt  }
0x57: {  	_ =	shalt  }
0x58: {  	_ =	shalt  }
0x59: {  	_ =	shalt  }
0x5a: {  	_ =	shalt  }
0x5b: {  	_ =	shalt  }
0x5c: {  	_ =	shalt  }
0x5d: {  	_ =	shalt  }
0x5e: {  	_ =	shalt  }
0x5f: {  	_ =	shalt  }
0x60: {  	_ =	shalt  }
0x61: {  	_ =	shalt  }
0x62: {  	_ =	shalt  }
0x63: {  	_ =	shalt  }
0x64: {  	_ =	shalt  }
0x65: {  	_ =	shalt  }
0x66: {  	_ =	shalt  }
0x67: {  	_ =	shalt  }
0x68: {  	_ =	shalt  }
0x69: {  	_ =	shalt  }
0x6a: {  	_ =	shalt  }
0x6b: {  	_ =	shalt  }
0x6c: {  	_ =	shalt  }
0x6d: {  	_ =	shalt  }
0x6e: {  	_ =	shalt  }
0x6f: {  	_ =	shalt  }
0x70: {  	_ =	shalt  }
0x71: {  	_ =	shalt  }
0x72: {  	_ =	shalt  }
0x73: {  	_ =	shalt  }
0x74: {  	_ =	shalt  }
0x75: {  	_ =	shalt  }
0x76: {  	_ =	shalt  }
0x77: {  	_ =	shalt  }
0x78: {  	_ =	shalt  }
0x79: {  	_ =	shalt  }
0x7a: {  	_ =	shalt  }
0x7b: {  	_ =	shalt  }
0x7c: {  	_ =	shalt  }
0x7d: {  	_ =	shalt  }
0x7e: {  	_ =	shalt  }
0x7f: {  	_ =	shalt  }
0x80: {  	_ =	shalt  }
0x81: {  	_ =	shalt  }
0x82: {  	_ =	shalt  }
0x83: {  	_ =	shalt  }
0x84: {  	_ =	shalt  }
0x85: {  	_ =	shalt  }
0x86: {  	_ =	shalt  }
0x87: {  	_ =	shalt  }
.Lfunc_end0:
.L_simem_size_0:
called_computation.3_lowered:
.L_overlay_start_0:
0x88: {  	s2 =	sld [smem:$0x3FD9]  }
0x89: {  	s3 =	sld [smem:$0x3FFE];
	_ =	sdelay $0x1  }
0x8a: {  	s1 =	srdreg.scid  }
0x8b: {  	s0 =	sand.u32 $0x1, s1  }
0x8c: {  	s16 =	sshll.u32 s0, $0xA;
	s2 =	sadd.s32 s3, s2  }
0x8d: {  	s2 =	sadd.s32 s2, s16  }
0x8e: {  	[smem:$0x3FAF] =	sst s2  }
0x8f: {  	_ = 	snop  }
0x90: {  	(tm) =	ssettm $0x1  }
0x91: {  	s17 =	sld [smem:$0x3FFB];
	_ =	sdelay $0x3  }
0x92: {  	_ =	strace s17  }
0x93: {  	s2 =	sld [smem:$0x3FFC];
	_ =	sdelay $0x3  }
0x94: {  	_ =	strace s2  }
0x95: {  	s2 =	sld [smem:$0x3FFD];
	_ =	sdelay $0x3  }
0x96: {  	_ =	strace s2  }
0x97: {  	_ =	strace $0x8FFFFFFF  }
0x98: {  	s18 =	sld [smem:$0x3FDB];
	_ =	sdelay $0x1  }
0x99: {  	s19 =	simm.s32 $_scs_section_size  }
0x9a: {  	s4 =	simm.s32 $_size__tile_overlayer_lowered;
	s5 =	simm.s32 $_tile_overlayer_lowered  }
0x9b: {  	s22 =	simm.s32 $0x1BFF;
	s21 =	sshll.u32 s5, $0x1;
	s2 =	sadd.s32 s19, s18  }
0x9c: {  	s6 =	simm.s32 $0x0;
	s20 =	sshll.u32 s4, $0x1;
	s4 =	sadd.s32 s21, s2  }
0x9d: {  	[timem:s6], [sflag:s22] =	dma.local [hbm:s4], s20  }
0x9e: {  	_ =	swait.ge [sflag:s22], s20  }
0x9f: {  	s3 =	ssub.s32 $0x0, s20;
	[sflag:s22] =	ssyncset.done $0x0  }
0xa0: {  	[sflag:s22] =	ssyncadd.s32 s3;
	_ =	sdelay $0x1  }
0xa1: {  	s23 =	simm.s32 $0x1B8B  }
0xa2: {  	_ =	swait.ge [sflag:s23], $0x1  }
0xa3: {  	[sflag:s23] =	ssyncset.done $0x0  }
0xa4: {  	s25 =	simm.s32 $0x1B8E;
	s24 =	sld [smem:$0x3FFE];
	[sflag:s23] =	ssyncadd.s32 $0xFFFFFFFF  }
0xa5: {  	s26 =	simm.s32 $execute0_lowered;
	[smem:$0x3FD2] =	sst s25  }
0xa6: {  	s4 =	sshll.u32 s26, $0x1;
	_ =	strace $0x8000004F;
	[dreg:$0x1] =	wrdreg $0xFFFFFFFF  }
0xa7: {  	s28 =	simm.s32 $_size_execute0_lowered;
	s2 =	sadd.s32 s2, s4;
	[dreg:$0x0] =	wrdreg $0x0  }
0xa8: {  	s4 =	sshll.u32 s28, $0x1;
	[dreg:$0x2] =	wrdreg s2  }
0xa9: {  	[dreg:$0x3] =	wrdreg s4  }
0xaa: {  	[dreg:$0x4] =	wrdreg $0xC0  }
0xab: {  	_ =	task [dreg:s6], $0x5FFFF  }
0xac: {  	[dreg:$0x1] =	wrdreg $0xFFFFFFFF  }
0xad: {  	[dreg:$0x0] =	wrdreg $0x60  }
0xae: {  	[dreg:$0x2] =	wrdreg s24  }
0xaf: {  	[dreg:$0x3] =	wrdreg $0x9  }
0xb0: {  	_ =	task.clear_ibuf [dreg:s6], $0x4FFFF;
	_ =	strace $0x9000004F  }
0xb1: {  	s29 =	simm.s32 $0x9;
	_ =	strace $0x80000051  }
0xb2: {  	_ =	swait.ge [sflag:s29], $0x1  }
0xb3: {  	[sflag:s29] =	ssyncadd.s32 $0xFFFFFFFF  }
0xb4: {  	_ =	strace $0x90000051  }
0xb5: {  	_ =	sfence  }
0xb6: {  	s30 =	sld [smem:$0x0];
	_ =	sdelay $0x2  }
0xb7: {  	s31 =	sshll.u32 s1, $0xD;
	s1 =	sshrl.u32 s1, $0x2  }
0xb8: {  	s3 =	sand.u32 $0x4000, s31;
	s1 =	sadd.s32 s1, s30  }
0xb9: {  	s0 =	sor.u32 s3, s0;
	s1 =	sshll.u32 s1, $0x11  }
0xba: {  	s0 =	sor.u32 s1, s0  }
0xbb: {  	s0 =	sadd.s32 $0x8F2B, s0  }
0xbc: {  	[sflag:s0] =	ssyncadd.remote.s32 $0x1  }
0xbd: {  	_ =	sfence.sel $0xFFFF  }
0xbe: {  	[dreg:$0x0] =	wrdreg $0xFFFFFFFF;
	(pc) =	sbr.abs _section_cstart, $3  }
0xbf: {  	[dreg:$0x1] =	wrdreg $0xFFFFFFFF  }
0xc0: {  	_ =	task.clear_ibuf [dreg:s6], $0x2FFFF;
	_ =	strace $0x9FFFFFFF  }
0xc1: {  	(tm) =	ssettm $0x7FFFFFFF  }
tec
execute0_lowered:
.L_overlay_start_1:
0x0: {  	(tag) =	ssettag $0x1  }
0x1: {  	s1 =	srdreg.scid  }
0x2: {  	s0 =	stileid.u32;
	s4 =	rddreg [dreg:$0x0];
	s2 =	simm.s32 $0x0  }
0x3: {  	s9 =	simm.s32 $0x2800;
	s10 =	simm.s32 $0x6800;
	s11 =	simm.s32 $0xA800  }
0x4: {  	s12 =	simm.s32 $0xE800;
	s13 =	simm.s32 $0x12800;
	s14 =	simm.s32 $0x1  }
0x5: {  	s15 =	simm.s32 $0x16800;
	s5 =	sand.u32 $0x1, s1;
	s1 =	rddreg [dreg:$0x1]  }
0x6: {  	s16 =	simm.s32 $0x0;
	s3 =	sshll.u32 s0, $0x1;
	[smem:$0x7FF] =	sst s2  }
0x7: {  	s6 =	sor.u32 s5, s3;
	_ =	strace $0x80000050;
	s5 =	ssub.s32 $0x2, s5  }
0x8: {  	s7 =	smul.u32 $0x500, s6;
	s6 =	sshll.u32 s6, $0xD;
	s8 =	sshrl.u32 s5, $0x1  }
0x9: {  	s3 =	sadd.s32 $0x2C00, s4;
	s6 =	sadd.s32 s6, s4;
	s8 =	ssub.s32 s5, s8  }
0xa: {  	s7 =	sadd.s32 s7, s4;
	s5 =	sadd.s32 $0xCCC00, s6;
	s6 =	smax.u32 s8, $0x1  }
0xb: {  	s8 =	simm.s32 $0x80;
	s4 =	sadd.s32 $0xC2C00, s7;
	s7 =	simm.s32 $0x2  }
.LBB2_1:
0xc: {  	[tilespmem:s2], [sflag:$0x2] =	stream.linear.gather [hbm4b:s4+s2], $0x2800, $0x38;
	[tilespmem:$0x17800] =	vst v63  }
0xd: {  	_ =	swait.ge [sflag:s7], $0x2800  }
0xe: {  	[sflag:s7] =	ssyncset.done $0x0  }
0xf: {  	s17 =	simm.s32 $0x0;
	[sflag:s7] =	ssyncadd.s32 $0xFFFFD800  }
.LBB2_2:
0x10: {  	s18 =	smul.u32 $0xA00, s17;
	_ =	sdelay $0x1  }
0x11: {  	s18 =	sshra.s32 s18, $0x2  }
0x12: {  	[tilespmem:s9], [sflag:$0x1] =	stream.indirect.gather [hbm4b:s3+s8], $0x80, s18, s8, $0xb8;
	[tilespmem:$0x17800] =	vst v63  }
0x13: {  	s19 =	sadd.s32 $0x80, s18  }
0x14: {  	[tilespmem:s10], [sflag:$0x1] =	stream.indirect.gather [hbm4b:s3+s8], $0x80, s19, s8, $0xb8;
	[tilespmem:$0x17800] =	vst v63  }
0x15: {  	s30 =	sadd.s32 $0x100, s18  }
0x16: {  	[tilespmem:s11], [sflag:$0x1] =	stream.indirect.gather [hbm4b:s3+s8], $0x80, s30, s8, $0xb8;
	[tilespmem:$0x17800] =	vst v63  }
0x17: {  	s31 =	sadd.s32 $0x180, s18  }
0x18: {  	[tilespmem:s12], [sflag:$0x1] =	stream.indirect.gather [hbm4b:s3+s8], $0x80, s31, s8, $0xb8;
	[tilespmem:$0x17800] =	vst v63  }
0x19: {  	s18 =	sadd.s32 $0x200, s18  }
0x1a: {  	[tilespmem:s13], [sflag:$0x1] =	stream.indirect.gather [hbm4b:s3+s8], $0x80, s18, s8, $0xb8;
	[tilespmem:$0x17800] =	vst v63  }
0x1b: {  	_ =	swait.ge [sflag:s14], $0x4000  }
0x1c: {  	[sflag:s14] =	ssyncset.done $0x0  }
0x1d: {  	[sflag:s14] =	ssyncadd.s32 $0xFFFFC000  }
0x1e: {  	_ =	swait.ge [sflag:s14], $0x4000  }
0x1f: {  	[sflag:s14] =	ssyncset.done $0x0  }
0x20: {  	[sflag:s14] =	ssyncadd.s32 $0xFFFFC000  }
0x21: {  	_ =	swait.ge [sflag:s14], $0x4000  }
0x22: {  	[sflag:s14] =	ssyncset.done $0x0  }
0x23: {  	[sflag:s14] =	ssyncadd.s32 $0xFFFFC000  }
0x24: {  	_ =	swait.ge [sflag:s14], $0x4000  }
0x25: {  	[sflag:s14] =	ssyncset.done $0x0  }
0x26: {  	[sflag:s14] =	ssyncadd.s32 $0xFFFFC000  }
0x27: {  	_ =	swait.ge [sflag:s14], $0x4000  }
0x28: {  	[sflag:s14] =	ssyncset.done $0x0  }
0x29: {  	s18 =	simm.s32 $0x2D00;
	[sflag:s14] =	ssyncadd.s32 $0xFFFFC000  }
0x2a: {  	v0 =	vld [tilespmem:s18+$0xFFFFFB80]  }
0x2b: {  	v1 =	vld [tilespmem:s18+$0xFFFFFB00]  }
0x2c: {  	v2 =	vld [tilespmem:s18+$0xFFFFFC00]  }
0x2d: {  	v3 =	vld [tilespmem:s18+$0xFFFFFC80]  }
0x2e: {  	v4 =	vld [tilespmem:s18+$0xFFFFFD00]  }
0x2f: {  	v5 =	vld [tilespmem:s18+$0xFFFFFD80]  }
0x30: {  	v6 =	vld [tilespmem:s18+$0xFFFFFE00];
	v0 =	vmax.f32 v1, v0  }
0x31: {  	v1 =	vld [tilespmem:s18+$0xFFFFFE80];
	v0 =	vmax.f32 v0, v2  }
0x32: {  	v2 =	vld [tilespmem:s18+$0xFFFFFF00];
	v0 =	vmax.f32 v0, v3  }
0x33: {  	v3 =	vld [tilespmem:s18+$0xFFFFFF80];
	v0 =	vmax.f32 v0, v4  }
0x34: {  	v4 =	vld [tilespmem:s18+$0x0];
	v0 =	vmax.f32 v0, v5  }
0x35: {  	v5 =	vld [tilespmem:s18+$0x80];
	v0 =	vmax.f32 v0, v6  }
0x36: {  	v0 =	vmax.f32 v0, v1;
	v1 =	vld [tilespmem:s18+$0x100]  }
0x37: {  	v0 =	vmax.f32 v0, v2;
	v2 =	vld [tilespmem:s18+$0x180]  }
0x38: {  	v0 =	vmax.f32 v0, v3;
	v3 =	vld [tilespmem:s18+$0x200]  }
0x39: {  	v0 =	vmax.f32 v0, v4;
	v4 =	vld [tilespmem:s18+$0x280]  }
0x3a: {  	v0 =	vmax.f32 v0, v5;
	v5 =	vld [tilespmem:s18+$0x300]  }
0x3b: {  	v0 =	vmax.f32 v0, v1;
	v1 =	vld [tilespmem:s18+$0x380]  }
0x3c: {  	v0 =	vmax.f32 v0, v2;
	v2 =	vld [tilespmem:s18+$0x400]  }
0x3d: {  	v0 =	vmax.f32 v0, v3;
	v3 =	vld [tilespmem:s18+$0x480]  }
0x3e: {  	v0 =	vmax.f32 v0, v4  }
0x3f: {  	v0 =	vmax.f32 v0, v5  }
0x40: {  	v0 =	vmax.f32 v0, v1  }
0x41: {  	v0 =	vmax.f32 v0, v2  }
0x42: {  	s19 =	simm.s32 $0x0;
	v0 =	vmax.f32 v0, v3  }
0x43: {  	[tilespmem:s19+$0x16800] =	vst v0  }
0x44: {  	v0 =	vld [tilespmem:s18+$0xFFFFFB10]  }
0x45: {  	v1 =	vld [tilespmem:s18+$0xFFFFFB90]  }
0x46: {  	v2 =	vld [tilespmem:s18+$0xFFFFFC10]  }
0x47: {  	v3 =	vld [tilespmem:s18+$0xFFFFFC90]  }
0x48: {  	v4 =	vld [tilespmem:s18+$0xFFFFFD10]  }
0x49: {  	v5 =	vld [tilespmem:s18+$0xFFFFFD90]  }
0x4a: {  	v0 =	vmax.f32 v0, v1;
	v1 =	vld [tilespmem:s18+$0xFFFFFE10]  }
0x4b: {  	v0 =	vmax.f32 v0, v2;
	v2 =	vld [tilespmem:s18+$0xFFFFFE90]  }
0x4c: {  	v0 =	vmax.f32 v0, v3;
	v3 =	vld [tilespmem:s18+$0xFFFFFF10]  }
0x4d: {  	v0 =	vmax.f32 v0, v4;
	v4 =	vld [tilespmem:s18+$0xFFFFFF90]  }
0x4e: {  	v0 =	vmax.f32 v0, v5;
	v5 =	vld [tilespmem:s18+$0x10]  }
0x4f: {  	v0 =	vmax.f32 v0, v1;
	v1 =	vld [tilespmem:s18+$0x90]  }
0x50: {  	v0 =	vmax.f32 v0, v2;
	v2 =	vld [tilespmem:s18+$0x110]  }
0x51: {  	v0 =	vmax.f32 v0, v3;
	v3 =	vld [tilespmem:s18+$0x190]  }
0x52: {  	v0 =	vmax.f32 v0, v4;
	v4 =	vld [tilespmem:s18+$0x210]  }
0x53: {  	v0 =	vmax.f32 v0, v5;
	v5 =	vld [tilespmem:s18+$0x290]  }
0x54: {  	v0 =	vmax.f32 v0, v1;
	v1 =	vld [tilespmem:s18+$0x310]  }
0x55: {  	v0 =	vmax.f32 v0, v2;
	v2 =	vld [tilespmem:s18+$0x390]  }
0x56: {  	v0 =	vmax.f32 v0, v3;
	v3 =	vld [tilespmem:s18+$0x410]  }
0x57: {  	v0 =	vmax.f32 v0, v4;
	v4 =	vld [tilespmem:s18+$0x490]  }
0x58: {  	v0 =	vmax.f32 v0, v5  }
0x59: {  	v0 =	vmax.f32 v0, v1  }
0x5a: {  	v0 =	vmax.f32 v0, v2  }
0x5b: {  	v0 =	vmax.f32 v0, v3  }
0x5c: {  	v0 =	vmax.f32 v0, v4  }
0x5d: {  	[tilespmem:s19+$0x16810] =	vst v0  }
0x5e: {  	v0 =	vld [tilespmem:s18+$0xFFFFFB20]  }
0x5f: {  	v1 =	vld [tilespmem:s18+$0xFFFFFBA0]  }
0x60: {  	v2 =	vld [tilespmem:s18+$0xFFFFFC20]  }
0x61: {  	v3 =	vld [tilespmem:s18+$0xFFFFFCA0]  }
0x62: {  	v4 =	vld [tilespmem:s18+$0xFFFFFD20]  }
0x63: {  	v5 =	vld [tilespmem:s18+$0xFFFFFDA0]  }
0x64: {  	v0 =	vmax.f32 v0, v1;
	v1 =	vld [tilespmem:s18+$0xFFFFFE20]  }
0x65: {  	v0 =	vmax.f32 v0, v2;
	v2 =	vld [tilespmem:s18+$0xFFFFFEA0]  }
0x66: {  	v0 =	vmax.f32 v0, v3;
	v3 =	vld [tilespmem:s18+$0xFFFFFF20]  }
0x67: {  	v0 =	vmax.f32 v0, v4;
	v4 =	vld [tilespmem:s18+$0xFFFFFFA0]  }
0x68: {  	v0 =	vmax.f32 v0, v5;
	v5 =	vld [tilespmem:s18+$0x20]  }
0x69: {  	v0 =	vmax.f32 v0, v1;
	v1 =	vld [tilespmem:s18+$0xA0]  }
0x6a: {  	v0 =	vmax.f32 v0, v2;
	v2 =	vld [tilespmem:s18+$0x120]  }
0x6b: {  	v0 =	vmax.f32 v0, v3;
	v3 =	vld [tilespmem:s18+$0x1A0]  }
0x6c: {  	v0 =	vmax.f32 v0, v4;
	v4 =	vld [tilespmem:s18+$0x220]  }
0x6d: {  	v0 =	vmax.f32 v0, v5;
	v5 =	vld [tilespmem:s18+$0x2A0]  }
0x6e: {  	v0 =	vmax.f32 v0, v1;
	v1 =	vld [tilespmem:s18+$0x320]  }
0x6f: {  	v0 =	vmax.f32 v0, v2;
	v2 =	vld [tilespmem:s18+$0x3A0]  }
0x70: {  	v0 =	vmax.f32 v0, v3;
	v3 =	vld [tilespmem:s18+$0x420]  }
0x71: {  	v0 =	vmax.f32 v0, v4;
	v4 =	vld [tilespmem:s18+$0x4A0]  }
0x72: {  	v0 =	vmax.f32 v0, v5  }
0x73: {  	v0 =	vmax.f32 v0, v1  }
0x74: {  	v0 =	vmax.f32 v0, v2  }
0x75: {  	v0 =	vmax.f32 v0, v3  }
0x76: {  	v0 =	vmax.f32 v0, v4  }
0x77: {  	[tilespmem:s19+$0x16820] =	vst v0  }
0x78: {  	v0 =	vld [tilespmem:s18+$0xFFFFFB30]  }
0x79: {  	v1 =	vld [tilespmem:s18+$0xFFFFFBB0]  }
0x7a: {  	v2 =	vld [tilespmem:s18+$0xFFFFFC30]  }
0x7b: {  	v3 =	vld [tilespmem:s18+$0xFFFFFCB0]  }
0x7c: {  	v4 =	vld [tilespmem:s18+$0xFFFFFD30]  }
0x7d: {  	v5 =	vld [tilespmem:s18+$0xFFFFFDB0]  }
0x7e: {  	v0 =	vmax.f32 v0, v1;
	v1 =	vld [tilespmem:s18+$0xFFFFFE30]  }
0x7f: {  	v0 =	vmax.f32 v0, v2;
	v2 =	vld [tilespmem:s18+$0xFFFFFEB0]  }
0x80: {  	v0 =	vmax.f32 v0, v3;
	v3 =	vld [tilespmem:s18+$0xFFFFFF30]  }
0x81: {  	v0 =	vmax.f32 v0, v4;
	v4 =	vld [tilespmem:s18+$0xFFFFFFB0]  }
0x82: {  	v0 =	vmax.f32 v0, v5;
	v5 =	vld [tilespmem:s18+$0x30]  }
0x83: {  	v0 =	vmax.f32 v0, v1;
	v1 =	vld [tilespmem:s18+$0xB0]  }
0x84: {  	v0 =	vmax.f32 v0, v2;
	v2 =	vld [tilespmem:s18+$0x130]  }
0x85: {  	v0 =	vmax.f32 v0, v3;
	v3 =	vld [tilespmem:s18+$0x1B0]  }
0x86: {  	v0 =	vmax.f32 v0, v4;
	v4 =	vld [tilespmem:s18+$0x230]  }
0x87: {  	v0 =	vmax.f32 v0, v5;
	v5 =	vld [tilespmem:s18+$0x2B0]  }
0x88: {  	v0 =	vmax.f32 v0, v1;
	v1 =	vld [tilespmem:s18+$0x330]  }
0x89: {  	v0 =	vmax.f32 v0, v2;
	v2 =	vld [tilespmem:s18+$0x3B0]  }
0x8a: {  	v0 =	vmax.f32 v0, v3;
	v3 =	vld [tilespmem:s18+$0x430]  }
0x8b: {  	v0 =	vmax.f32 v0, v4;
	v4 =	vld [tilespmem:s18+$0x4B0]  }
0x8c: {  	v0 =	vmax.f32 v0, v5  }
0x8d: {  	v0 =	vmax.f32 v0, v1  }
0x8e: {  	v0 =	vmax.f32 v0, v2  }
0x8f: {  	v0 =	vmax.f32 v0, v3  }
0x90: {  	v0 =	vmax.f32 v0, v4  }
0x91: {  	[tilespmem:s19+$0x16830] =	vst v0  }
0x92: {  	v0 =	vld [tilespmem:s18+$0xFFFFFB40]  }
0x93: {  	v1 =	vld [tilespmem:s18+$0xFFFFFBC0]  }
0x94: {  	v2 =	vld [tilespmem:s18+$0xFFFFFC40]  }
0x95: {  	v3 =	vld [tilespmem:s18+$0xFFFFFCC0]  }
0x96: {  	v4 =	vld [tilespmem:s18+$0xFFFFFD40]  }
0x97: {  	v5 =	vld [tilespmem:s18+$0xFFFFFDC0]  }
0x98: {  	v0 =	vmax.f32 v0, v1;
	v1 =	vld [tilespmem:s18+$0xFFFFFE40]  }
0x99: {  	v0 =	vmax.f32 v0, v2;
	v2 =	vld [tilespmem:s18+$0xFFFFFEC0]  }
0x9a: {  	v0 =	vmax.f32 v0, v3;
	v3 =	vld [tilespmem:s18+$0xFFFFFF40]  }
0x9b: {  	v0 =	vmax.f32 v0, v4;
	v4 =	vld [tilespmem:s18+$0xFFFFFFC0]  }
0x9c: {  	v0 =	vmax.f32 v0, v5;
	v5 =	vld [tilespmem:s18+$0x40]  }
0x9d: {  	v0 =	vmax.f32 v0, v1;
	v1 =	vld [tilespmem:s18+$0xC0]  }
0x9e: {  	v0 =	vmax.f32 v0, v2;
	v2 =	vld [tilespmem:s18+$0x140]  }
0x9f: {  	v0 =	vmax.f32 v0, v3;
	v3 =	vld [tilespmem:s18+$0x1C0]  }
0xa0: {  	v0 =	vmax.f32 v0, v4;
	v4 =	vld [tilespmem:s18+$0x240]  }
0xa1: {  	v0 =	vmax.f32 v0, v5;
	v5 =	vld [tilespmem:s18+$0x2C0]  }
0xa2: {  	v0 =	vmax.f32 v0, v1;
	v1 =	vld [tilespmem:s18+$0x340]  }
0xa3: {  	v0 =	vmax.f32 v0, v2;
	v2 =	vld [tilespmem:s18+$0x3C0]  }
0xa4: {  	v0 =	vmax.f32 v0, v3;
	v3 =	vld [tilespmem:s18+$0x440]  }
0xa5: {  	v0 =	vmax.f32 v0, v4;
	v4 =	vld [tilespmem:s18+$0x4C0]  }
0xa6: {  	v0 =	vmax.f32 v0, v5  }
0xa7: {  	v0 =	vmax.f32 v0, v1  }
0xa8: {  	v0 =	vmax.f32 v0, v2  }
0xa9: {  	v0 =	vmax.f32 v0, v3  }
0xaa: {  	v0 =	vmax.f32 v0, v4  }
0xab: {  	[tilespmem:s19+$0x16840] =	vst v0  }
0xac: {  	v0 =	vld [tilespmem:s18+$0xFFFFFB50]  }
0xad: {  	v1 =	vld [tilespmem:s18+$0xFFFFFBD0]  }
0xae: {  	v2 =	vld [tilespmem:s18+$0xFFFFFC50]  }
0xaf: {  	v3 =	vld [tilespmem:s18+$0xFFFFFCD0]  }
0xb0: {  	v4 =	vld [tilespmem:s18+$0xFFFFFD50]  }
0xb1: {  	v5 =	vld [tilespmem:s18+$0xFFFFFDD0]  }
0xb2: {  	v0 =	vmax.f32 v0, v1;
	v1 =	vld [tilespmem:s18+$0xFFFFFE50]  }
0xb3: {  	v0 =	vmax.f32 v0, v2;
	v2 =	vld [tilespmem:s18+$0xFFFFFED0]  }
0xb4: {  	v0 =	vmax.f32 v0, v3;
	v3 =	vld [tilespmem:s18+$0xFFFFFF50]  }
0xb5: {  	v0 =	vmax.f32 v0, v4;
	v4 =	vld [tilespmem:s18+$0xFFFFFFD0]  }
0xb6: {  	v0 =	vmax.f32 v0, v5;
	v5 =	vld [tilespmem:s18+$0x50]  }
0xb7: {  	v0 =	vmax.f32 v0, v1;
	v1 =	vld [tilespmem:s18+$0xD0]  }
0xb8: {  	v0 =	vmax.f32 v0, v2;
	v2 =	vld [tilespmem:s18+$0x150]  }
0xb9: {  	v0 =	vmax.f32 v0, v3;
	v3 =	vld [tilespmem:s18+$0x1D0]  }
0xba: {  	v0 =	vmax.f32 v0, v4;
	v4 =	vld [tilespmem:s18+$0x250]  }
0xbb: {  	v0 =	vmax.f32 v0, v5;
	v5 =	vld [tilespmem:s18+$0x2D0]  }
0xbc: {  	v0 =	vmax.f32 v0, v1;
	v1 =	vld [tilespmem:s18+$0x350]  }
0xbd: {  	v0 =	vmax.f32 v0, v2;
	v2 =	vld [tilespmem:s18+$0x3D0]  }
0xbe: {  	v0 =	vmax.f32 v0, v3;
	v3 =	vld [tilespmem:s18+$0x450]  }
0xbf: {  	v0 =	vmax.f32 v0, v4;
	v4 =	vld [tilespmem:s18+$0x4D0]  }
0xc0: {  	v0 =	vmax.f32 v0, v5  }
0xc1: {  	v0 =	vmax.f32 v0, v1  }
0xc2: {  	v0 =	vmax.f32 v0, v2  }
0xc3: {  	v0 =	vmax.f32 v0, v3  }
0xc4: {  	v0 =	vmax.f32 v0, v4  }
0xc5: {  	[tilespmem:s19+$0x16850] =	vst v0  }
0xc6: {  	v0 =	vld [tilespmem:s18+$0xFFFFFB60]  }
0xc7: {  	v1 =	vld [tilespmem:s18+$0xFFFFFBE0]  }
0xc8: {  	v2 =	vld [tilespmem:s18+$0xFFFFFC60]  }
0xc9: {  	v3 =	vld [tilespmem:s18+$0xFFFFFCE0]  }
0xca: {  	v4 =	vld [tilespmem:s18+$0xFFFFFD60]  }
0xcb: {  	v5 =	vld [tilespmem:s18+$0xFFFFFDE0]  }
0xcc: {  	v0 =	vmax.f32 v0, v1;
	v1 =	vld [tilespmem:s18+$0xFFFFFE60]  }
0xcd: {  	v0 =	vmax.f32 v0, v2;
	v2 =	vld [tilespmem:s18+$0xFFFFFEE0]  }
0xce: {  	v0 =	vmax.f32 v0, v3;
	v3 =	vld [tilespmem:s18+$0xFFFFFF60]  }
0xcf: {  	v0 =	vmax.f32 v0, v4;
	v4 =	vld [tilespmem:s18+$0xFFFFFFE0]  }
0xd0: {  	v0 =	vmax.f32 v0, v5;
	v5 =	vld [tilespmem:s18+$0x60]  }
0xd1: {  	v0 =	vmax.f32 v0, v1;
	v1 =	vld [tilespmem:s18+$0xE0]  }
0xd2: {  	v0 =	vmax.f32 v0, v2;
	v2 =	vld [tilespmem:s18+$0x160]  }
0xd3: {  	v0 =	vmax.f32 v0, v3;
	v3 =	vld [tilespmem:s18+$0x1E0]  }
0xd4: {  	v0 =	vmax.f32 v0, v4;
	v4 =	vld [tilespmem:s18+$0x260]  }
0xd5: {  	v0 =	vmax.f32 v0, v5;
	v5 =	vld [tilespmem:s18+$0x2E0]  }
0xd6: {  	v0 =	vmax.f32 v0, v1;
	v1 =	vld [tilespmem:s18+$0x360]  }
0xd7: {  	v0 =	vmax.f32 v0, v2;
	v2 =	vld [tilespmem:s18+$0x3E0]  }
0xd8: {  	v0 =	vmax.f32 v0, v3;
	v3 =	vld [tilespmem:s18+$0x460]  }
0xd9: {  	v0 =	vmax.f32 v0, v4;
	v4 =	vld [tilespmem:s18+$0x4E0]  }
0xda: {  	v0 =	vmax.f32 v0, v5  }
0xdb: {  	v0 =	vmax.f32 v0, v1  }
0xdc: {  	v0 =	vmax.f32 v0, v2  }
0xdd: {  	v0 =	vmax.f32 v0, v3  }
0xde: {  	v0 =	vmax.f32 v0, v4  }
0xdf: {  	[tilespmem:s19+$0x16860] =	vst v0  }
0xe0: {  	v0 =	vld [tilespmem:s18+$0xFFFFFB70]  }
0xe1: {  	v1 =	vld [tilespmem:s18+$0xFFFFFBF0]  }
0xe2: {  	v2 =	vld [tilespmem:s18+$0xFFFFFC70]  }
0xe3: {  	v3 =	vld [tilespmem:s18+$0xFFFFFCF0]  }
0xe4: {  	v4 =	vld [tilespmem:s18+$0xFFFFFD70]  }
0xe5: {  	v5 =	vld [tilespmem:s18+$0xFFFFFDF0]  }
0xe6: {  	v0 =	vmax.f32 v0, v1;
	v1 =	vld [tilespmem:s18+$0xFFFFFE70]  }
0xe7: {  	v0 =	vmax.f32 v0, v2;
	v2 =	vld [tilespmem:s18+$0xFFFFFEF0]  }
0xe8: {  	v0 =	vmax.f32 v0, v3;
	v3 =	vld [tilespmem:s18+$0xFFFFFF70]  }
0xe9: {  	v6 =	vld [tilespmem:s18+$0xFFFFFFF0];
	v0 =	vmax.f32 v0, v4  }
0xea: {  	v0 =	vmax.f32 v0, v5;
	v5 =	vld [tilespmem:s18+$0x70]  }
0xeb: {  	v4 =	vld [tilespmem:s18+$0xF0];
	v0 =	vmax.f32 v0, v1  }
0xec: {  	v1 =	vmax.f32 v0, v2;
	v0 =	vld [tilespmem:s18+$0x170]  }
0xed: {  	v2 =	vmax.f32 v1, v3;
	v1 =	vld [tilespmem:s18+$0x1F0]  }
0xee: {  	v3 =	vmax.f32 v2, v6;
	v2 =	vld [tilespmem:s18+$0x270]  }
0xef: {  	s20 =	simm.s32 $0x200;
	s21 =	simm.s32 $0x2D00;
	v5 =	vmax.f32 v3, v5;
	v3 =	vld [tilespmem:s18+$0x2F0]  }
.LBB2_3:
0xf0: {  	p0 =	sne.s32 s20, $0x3E00  }
0xf1: {  	v4 =	vmax.f32 v5, v4;
	v5 =	vld [tilespmem:s18+$0x370];
	s21 =	sadd.s32 $0xA00, s21;
	s22 =	smov.u32 s20;
	s20 =	sadd.s32 $0x200, s20  }
0xf2: {  	v0 =	vmax.f32 v4, v0;
	v4 =	vld [tilespmem:s18+$0x3F0]  }
0xf3: {  	v0 =	vmax.f32 v0, v1;
	v1 =	vld [tilespmem:s18+$0x470]  }
0xf4: {  	v0 =	vmax.f32 v0, v2;
	v2 =	vld [tilespmem:s18+$0x4F0];
	s18 =	smov.u32 s21  }
0xf5: {  	v0 =	vmax.f32 v0, v3  }
0xf6: {  	v0 =	vmax.f32 v0, v5  }
0xf7: {  	v0 =	vmax.f32 v0, v4  }
0xf8: {  	v0 =	vmax.f32 v0, v1  }
0xf9: {  	v0 =	vmax.f32 v0, v2  }
0xfa: {  	[tilespmem:s19+$0x16870] =	vst v0  }
0xfb: {  	v0 =	vld [tilespmem:s21+$0xFFFFFC00]  }
0xfc: {  	v1 =	vld [tilespmem:s21+$0xFFFFFB80]  }
0xfd: {  	v2 =	vld [tilespmem:s21+$0xFFFFFB00]  }
0xfe: {  	v3 =	vld [tilespmem:s21+$0xFFFFFD00]  }
0xff: {  	v4 =	vld [tilespmem:s21+$0xFFFFFC80]  }
0x100: {  	v5 =	vld [tilespmem:s21+$0xFFFFFD80]  }
0x101: {  	v6 =	vld [tilespmem:s21+$0xFFFFFE00]  }
0x102: {  	v1 =	vmax.f32 v2, v1  }
0x103: {  	v0 =	vmax.f32 v1, v0;
	v1 =	vld [tilespmem:s21+$0xFFFFFE80]  }
0x104: {  	v0 =	vmax.f32 v0, v4;
	v2 =	vld [tilespmem:s21+$0xFFFFFF00]  }
0x105: {  	v0 =	vmax.f32 v0, v3;
	v3 =	vld [tilespmem:s21+$0xFFFFFF80]  }
0x106: {  	v0 =	vmax.f32 v0, v5;
	v4 =	vld [tilespmem:s21+$0x0]  }
0x107: {  	v0 =	vmax.f32 v0, v6;
	v5 =	vld [tilespmem:s21+$0x80]  }
0x108: {  	v0 =	vmax.f32 v0, v1;
	v1 =	vld [tilespmem:s21+$0x100]  }
0x109: {  	v0 =	vmax.f32 v0, v2;
	v2 =	vld [tilespmem:s21+$0x180]  }
0x10a: {  	v0 =	vmax.f32 v0, v3;
	v3 =	vld [tilespmem:s21+$0x200]  }
0x10b: {  	v0 =	vmax.f32 v0, v4;
	v4 =	vld [tilespmem:s21+$0x280]  }
0x10c: {  	v0 =	vmax.f32 v0, v5;
	v5 =	vld [tilespmem:s21+$0x300]  }
0x10d: {  	v0 =	vmax.f32 v0, v1;
	v1 =	vld [tilespmem:s21+$0x380]  }
0x10e: {  	v0 =	vmax.f32 v0, v2;
	v2 =	vld [tilespmem:s21+$0x400]  }
0x10f: {  	v0 =	vmax.f32 v0, v3;
	v3 =	vld [tilespmem:s21+$0x480]  }
0x110: {  	v0 =	vmax.f32 v0, v4  }
0x111: {  	v0 =	vmax.f32 v0, v5  }
0x112: {  	v0 =	vmax.f32 v0, v1  }
0x113: {  	v0 =	vmax.f32 v0, v2  }
0x114: {  	s19 =	sshra.s32 s22, $0x2;
	v0 =	vmax.f32 v0, v3  }
0x115: {  	[tilespmem:s19+$0x16800] =	vst v0  }
0x116: {  	v0 =	vld [tilespmem:s21+$0xFFFFFB10]  }
0x117: {  	v1 =	vld [tilespmem:s21+$0xFFFFFB90]  }
0x118: {  	v2 =	vld [tilespmem:s21+$0xFFFFFC10]  }
0x119: {  	v3 =	vld [tilespmem:s21+$0xFFFFFC90]  }
0x11a: {  	v4 =	vld [tilespmem:s21+$0xFFFFFD10]  }
0x11b: {  	v5 =	vld [tilespmem:s21+$0xFFFFFD90]  }
0x11c: {  	v0 =	vmax.f32 v0, v1;
	v1 =	vld [tilespmem:s21+$0xFFFFFE10]  }
0x11d: {  	v0 =	vmax.f32 v0, v2;
	v2 =	vld [tilespmem:s21+$0xFFFFFE90]  }
0x11e: {  	v0 =	vmax.f32 v0, v3;
	v3 =	vld [tilespmem:s21+$0xFFFFFF10]  }
0x11f: {  	v0 =	vmax.f32 v0, v4;
	v4 =	vld [tilespmem:s21+$0xFFFFFF90]  }
0x120: {  	v0 =	vmax.f32 v0, v5;
	v5 =	vld [tilespmem:s21+$0x10]  }
0x121: {  	v0 =	vmax.f32 v0, v1;
	v1 =	vld [tilespmem:s21+$0x90]  }
0x122: {  	v0 =	vmax.f32 v0, v2;
	v2 =	vld [tilespmem:s21+$0x110]  }
0x123: {  	v0 =	vmax.f32 v0, v3;
	v3 =	vld [tilespmem:s21+$0x190]  }
0x124: {  	v0 =	vmax.f32 v0, v4;
	v4 =	vld [tilespmem:s21+$0x210]  }
0x125: {  	v0 =	vmax.f32 v0, v5;
	v5 =	vld [tilespmem:s21+$0x290]  }
0x126: {  	v0 =	vmax.f32 v0, v1;
	v1 =	vld [tilespmem:s21+$0x310]  }
0x127: {  	v0 =	vmax.f32 v0, v2;
	v2 =	vld [tilespmem:s21+$0x390]  }
0x128: {  	v0 =	vmax.f32 v0, v3;
	v3 =	vld [tilespmem:s21+$0x410]  }
0x129: {  	v0 =	vmax.f32 v0, v4;
	v4 =	vld [tilespmem:s21+$0x490]  }
0x12a: {  	v0 =	vmax.f32 v0, v5  }
0x12b: {  	v0 =	vmax.f32 v0, v1  }
0x12c: {  	v0 =	vmax.f32 v0, v2  }
0x12d: {  	v0 =	vmax.f32 v0, v3  }
0x12e: {  	v0 =	vmax.f32 v0, v4  }
0x12f: {  	[tilespmem:s19+$0x16810] =	vst v0  }
0x130: {  	v0 =	vld [tilespmem:s21+$0xFFFFFB20]  }
0x131: {  	v1 =	vld [tilespmem:s21+$0xFFFFFBA0]  }
0x132: {  	v2 =	vld [tilespmem:s21+$0xFFFFFC20]  }
0x133: {  	v3 =	vld [tilespmem:s21+$0xFFFFFCA0]  }
0x134: {  	v4 =	vld [tilespmem:s21+$0xFFFFFD20]  }
0x135: {  	v5 =	vld [tilespmem:s21+$0xFFFFFDA0]  }
0x136: {  	v0 =	vmax.f32 v0, v1;
	v1 =	vld [tilespmem:s21+$0xFFFFFE20]  }
0x137: {  	v0 =	vmax.f32 v0, v2;
	v2 =	vld [tilespmem:s21+$0xFFFFFEA0]  }
0x138: {  	v0 =	vmax.f32 v0, v3;
	v3 =	vld [tilespmem:s21+$0xFFFFFF20]  }
0x139: {  	v0 =	vmax.f32 v0, v4;
	v4 =	vld [tilespmem:s21+$0xFFFFFFA0]  }
0x13a: {  	v0 =	vmax.f32 v0, v5;
	v5 =	vld [tilespmem:s21+$0x20]  }
0x13b: {  	v0 =	vmax.f32 v0, v1;
	v1 =	vld [tilespmem:s21+$0xA0]  }
0x13c: {  	v0 =	vmax.f32 v0, v2;
	v2 =	vld [tilespmem:s21+$0x120]  }
0x13d: {  	v0 =	vmax.f32 v0, v3;
	v3 =	vld [tilespmem:s21+$0x1A0]  }
0x13e: {  	v0 =	vmax.f32 v0, v4;
	v4 =	vld [tilespmem:s21+$0x220]  }
0x13f: {  	v0 =	vmax.f32 v0, v5;
	v5 =	vld [tilespmem:s21+$0x2A0]  }
0x140: {  	v0 =	vmax.f32 v0, v1;
	v1 =	vld [tilespmem:s21+$0x320]  }
0x141: {  	v0 =	vmax.f32 v0, v2;
	v2 =	vld [tilespmem:s21+$0x3A0]  }
0x142: {  	v0 =	vmax.f32 v0, v3;
	v3 =	vld [tilespmem:s21+$0x420]  }
0x143: {  	v0 =	vmax.f32 v0, v4;
	v4 =	vld [tilespmem:s21+$0x4A0]  }
0x144: {  	v0 =	vmax.f32 v0, v5  }
0x145: {  	v0 =	vmax.f32 v0, v1  }
0x146: {  	v0 =	vmax.f32 v0, v2  }
0x147: {  	v0 =	vmax.f32 v0, v3  }
0x148: {  	v0 =	vmax.f32 v0, v4  }
0x149: {  	[tilespmem:s19+$0x16820] =	vst v0  }
0x14a: {  	v0 =	vld [tilespmem:s21+$0xFFFFFB30]  }
0x14b: {  	v1 =	vld [tilespmem:s21+$0xFFFFFBB0]  }
0x14c: {  	v2 =	vld [tilespmem:s21+$0xFFFFFC30]  }
0x14d: {  	v3 =	vld [tilespmem:s21+$0xFFFFFCB0]  }
0x14e: {  	v4 =	vld [tilespmem:s21+$0xFFFFFD30]  }
0x14f: {  	v5 =	vld [tilespmem:s21+$0xFFFFFDB0]  }
0x150: {  	v0 =	vmax.f32 v0, v1;
	v1 =	vld [tilespmem:s21+$0xFFFFFE30]  }
0x151: {  	v0 =	vmax.f32 v0, v2;
	v2 =	vld [tilespmem:s21+$0xFFFFFEB0]  }
0x152: {  	v0 =	vmax.f32 v0, v3;
	v3 =	vld [tilespmem:s21+$0xFFFFFF30]  }
0x153: {  	v0 =	vmax.f32 v0, v4;
	v4 =	vld [tilespmem:s21+$0xFFFFFFB0]  }
0x154: {  	v0 =	vmax.f32 v0, v5;
	v5 =	vld [tilespmem:s21+$0x30]  }
0x155: {  	v0 =	vmax.f32 v0, v1;
	v1 =	vld [tilespmem:s21+$0xB0]  }
0x156: {  	v0 =	vmax.f32 v0, v2;
	v2 =	vld [tilespmem:s21+$0x130]  }
0x157: {  	v0 =	vmax.f32 v0, v3;
	v3 =	vld [tilespmem:s21+$0x1B0]  }
0x158: {  	v0 =	vmax.f32 v0, v4;
	v4 =	vld [tilespmem:s21+$0x230]  }
0x159: {  	v0 =	vmax.f32 v0, v5;
	v5 =	vld [tilespmem:s21+$0x2B0]  }
0x15a: {  	v0 =	vmax.f32 v0, v1;
	v1 =	vld [tilespmem:s21+$0x330]  }
0x15b: {  	v0 =	vmax.f32 v0, v2;
	v2 =	vld [tilespmem:s21+$0x3B0]  }
0x15c: {  	v0 =	vmax.f32 v0, v3;
	v3 =	vld [tilespmem:s21+$0x430]  }
0x15d: {  	v0 =	vmax.f32 v0, v4;
	v4 =	vld [tilespmem:s21+$0x4B0]  }
0x15e: {  	v0 =	vmax.f32 v0, v5  }
0x15f: {  	v0 =	vmax.f32 v0, v1  }
0x160: {  	v0 =	vmax.f32 v0, v2  }
0x161: {  	v0 =	vmax.f32 v0, v3  }
0x162: {  	v0 =	vmax.f32 v0, v4  }
0x163: {  	[tilespmem:s19+$0x16830] =	vst v0  }
0x164: {  	v0 =	vld [tilespmem:s21+$0xFFFFFB40]  }
0x165: {  	v1 =	vld [tilespmem:s21+$0xFFFFFBC0]  }
0x166: {  	v2 =	vld [tilespmem:s21+$0xFFFFFC40]  }
0x167: {  	v3 =	vld [tilespmem:s21+$0xFFFFFCC0]  }
0x168: {  	v4 =	vld [tilespmem:s21+$0xFFFFFD40]  }
0x169: {  	v5 =	vld [tilespmem:s21+$0xFFFFFDC0]  }
0x16a: {  	v0 =	vmax.f32 v0, v1;
	v1 =	vld [tilespmem:s21+$0xFFFFFE40]  }
0x16b: {  	v0 =	vmax.f32 v0, v2;
	v2 =	vld [tilespmem:s21+$0xFFFFFEC0]  }
0x16c: {  	v0 =	vmax.f32 v0, v3;
	v3 =	vld [tilespmem:s21+$0xFFFFFF40]  }
0x16d: {  	v0 =	vmax.f32 v0, v4;
	v4 =	vld [tilespmem:s21+$0xFFFFFFC0]  }
0x16e: {  	v0 =	vmax.f32 v0, v5;
	v5 =	vld [tilespmem:s21+$0x40]  }
0x16f: {  	v0 =	vmax.f32 v0, v1;
	v1 =	vld [tilespmem:s21+$0xC0]  }
0x170: {  	v0 =	vmax.f32 v0, v2;
	v2 =	vld [tilespmem:s21+$0x140]  }
0x171: {  	v0 =	vmax.f32 v0, v3;
	v3 =	vld [tilespmem:s21+$0x1C0]  }
0x172: {  	v0 =	vmax.f32 v0, v4;
	v4 =	vld [tilespmem:s21+$0x240]  }
0x173: {  	v0 =	vmax.f32 v0, v5;
	v5 =	vld [tilespmem:s21+$0x2C0]  }
0x174: {  	v0 =	vmax.f32 v0, v1;
	v1 =	vld [tilespmem:s21+$0x340]  }
0x175: {  	v0 =	vmax.f32 v0, v2;
	v2 =	vld [tilespmem:s21+$0x3C0]  }
0x176: {  	v0 =	vmax.f32 v0, v3;
	v3 =	vld [tilespmem:s21+$0x440]  }
0x177: {  	v0 =	vmax.f32 v0, v4;
	v4 =	vld [tilespmem:s21+$0x4C0]  }
0x178: {  	v0 =	vmax.f32 v0, v5  }
0x179: {  	v0 =	vmax.f32 v0, v1  }
0x17a: {  	v0 =	vmax.f32 v0, v2  }
0x17b: {  	v0 =	vmax.f32 v0, v3  }
0x17c: {  	v0 =	vmax.f32 v0, v4  }
0x17d: {  	[tilespmem:s19+$0x16840] =	vst v0  }
0x17e: {  	v0 =	vld [tilespmem:s21+$0xFFFFFB50]  }
0x17f: {  	v1 =	vld [tilespmem:s21+$0xFFFFFBD0]  }
0x180: {  	v2 =	vld [tilespmem:s21+$0xFFFFFC50]  }
0x181: {  	v3 =	vld [tilespmem:s21+$0xFFFFFCD0]  }
0x182: {  	v4 =	vld [tilespmem:s21+$0xFFFFFD50]  }
0x183: {  	v5 =	vld [tilespmem:s21+$0xFFFFFDD0]  }
0x184: {  	v0 =	vmax.f32 v0, v1;
	v1 =	vld [tilespmem:s21+$0xFFFFFE50]  }
0x185: {  	v0 =	vmax.f32 v0, v2;
	v2 =	vld [tilespmem:s21+$0xFFFFFED0]  }
0x186: {  	v0 =	vmax.f32 v0, v3;
	v3 =	vld [tilespmem:s21+$0xFFFFFF50]  }
0x187: {  	v0 =	vmax.f32 v0, v4;
	v4 =	vld [tilespmem:s21+$0xFFFFFFD0]  }
0x188: {  	v0 =	vmax.f32 v0, v5;
	v5 =	vld [tilespmem:s21+$0x50]  }
0x189: {  	v0 =	vmax.f32 v0, v1;
	v1 =	vld [tilespmem:s21+$0xD0]  }
0x18a: {  	v0 =	vmax.f32 v0, v2;
	v2 =	vld [tilespmem:s21+$0x150]  }
0x18b: {  	v0 =	vmax.f32 v0, v3;
	v3 =	vld [tilespmem:s21+$0x1D0]  }
0x18c: {  	v0 =	vmax.f32 v0, v4;
	v4 =	vld [tilespmem:s21+$0x250]  }
0x18d: {  	v0 =	vmax.f32 v0, v5;
	v5 =	vld [tilespmem:s21+$0x2D0]  }
0x18e: {  	v0 =	vmax.f32 v0, v1;
	v1 =	vld [tilespmem:s21+$0x350]  }
0x18f: {  	v0 =	vmax.f32 v0, v2;
	v2 =	vld [tilespmem:s21+$0x3D0]  }
0x190: {  	v0 =	vmax.f32 v0, v3;
	v3 =	vld [tilespmem:s21+$0x450]  }
0x191: {  	v0 =	vmax.f32 v0, v4;
	v4 =	vld [tilespmem:s21+$0x4D0]  }
0x192: {  	v0 =	vmax.f32 v0, v5  }
0x193: {  	v0 =	vmax.f32 v0, v1  }
0x194: {  	v0 =	vmax.f32 v0, v2  }
0x195: {  	v0 =	vmax.f32 v0, v3  }
0x196: {  	v0 =	vmax.f32 v0, v4  }
0x197: {  	[tilespmem:s19+$0x16850] =	vst v0  }
0x198: {  	v0 =	vld [tilespmem:s21+$0xFFFFFB60]  }
0x199: {  	v1 =	vld [tilespmem:s21+$0xFFFFFBE0]  }
0x19a: {  	v2 =	vld [tilespmem:s21+$0xFFFFFC60]  }
0x19b: {  	v3 =	vld [tilespmem:s21+$0xFFFFFCE0]  }
0x19c: {  	v4 =	vld [tilespmem:s21+$0xFFFFFD60]  }
0x19d: {  	v5 =	vld [tilespmem:s21+$0xFFFFFDE0]  }
0x19e: {  	v0 =	vmax.f32 v0, v1;
	v1 =	vld [tilespmem:s21+$0xFFFFFE60]  }
0x19f: {  	v0 =	vmax.f32 v0, v2;
	v2 =	vld [tilespmem:s21+$0xFFFFFEE0]  }
0x1a0: {  	v0 =	vmax.f32 v0, v3;
	v3 =	vld [tilespmem:s21+$0xFFFFFF60]  }
0x1a1: {  	v0 =	vmax.f32 v0, v4;
	v4 =	vld [tilespmem:s21+$0xFFFFFFE0]  }
0x1a2: {  	v0 =	vmax.f32 v0, v5;
	v5 =	vld [tilespmem:s21+$0x60]  }
0x1a3: {  	v0 =	vmax.f32 v0, v1;
	v1 =	vld [tilespmem:s21+$0xE0]  }
0x1a4: {  	v0 =	vmax.f32 v0, v2;
	v2 =	vld [tilespmem:s21+$0x160]  }
0x1a5: {  	v0 =	vmax.f32 v0, v3;
	v3 =	vld [tilespmem:s21+$0x1E0]  }
0x1a6: {  	v0 =	vmax.f32 v0, v4;
	v4 =	vld [tilespmem:s21+$0x260]  }
0x1a7: {  	v0 =	vmax.f32 v0, v5;
	v5 =	vld [tilespmem:s21+$0x2E0]  }
0x1a8: {  	v0 =	vmax.f32 v0, v1;
	v1 =	vld [tilespmem:s21+$0x360]  }
0x1a9: {  	v0 =	vmax.f32 v0, v2;
	v2 =	vld [tilespmem:s21+$0x3E0]  }
0x1aa: {  	v0 =	vmax.f32 v0, v3;
	v3 =	vld [tilespmem:s21+$0x460]  }
0x1ab: {  	v0 =	vmax.f32 v0, v4;
	v4 =	vld [tilespmem:s21+$0x4E0]  }
0x1ac: {  	v0 =	vmax.f32 v0, v5  }
0x1ad: {  	v0 =	vmax.f32 v0, v1  }
0x1ae: {  	v0 =	vmax.f32 v0, v2  }
0x1af: {  	v0 =	vmax.f32 v0, v3  }
0x1b0: {  	v0 =	vmax.f32 v0, v4  }
0x1b1: {  	[tilespmem:s19+$0x16860] =	vst v0  }
0x1b2: {  	v0 =	vld [tilespmem:s21+$0xFFFFFB70]  }
0x1b3: {  	v1 =	vld [tilespmem:s21+$0xFFFFFBF0]  }
0x1b4: {  	v2 =	vld [tilespmem:s21+$0xFFFFFC70]  }
0x1b5: {  	v3 =	vld [tilespmem:s21+$0xFFFFFCF0]  }
0x1b6: {  	v4 =	vld [tilespmem:s21+$0xFFFFFD70]  }
0x1b7: {  	v5 =	vld [tilespmem:s21+$0xFFFFFDF0]  }
0x1b8: {  	v0 =	vmax.f32 v0, v1;
	v1 =	vld [tilespmem:s21+$0xFFFFFE70]  }
0x1b9: {  	v0 =	vmax.f32 v0, v2;
	v2 =	vld [tilespmem:s21+$0xFFFFFEF0]  }
0x1ba: {  	v0 =	vmax.f32 v0, v3;
	v3 =	vld [tilespmem:s21+$0xFFFFFF70]  }
0x1bb: {  	v0 =	vmax.f32 v0, v4;
	v6 =	vld [tilespmem:s21+$0xFFFFFFF0]  }
0x1bc: {  	v0 =	vmax.f32 v0, v5;
	v5 =	vld [tilespmem:s21+$0x70]  }
.Ltmp0:
0x1bd: {  	v0 =	vmax.f32 v0, v1;
	v4 =	vld [tilespmem:s21+$0xF0];
	(pc) =	sbr.rel @p0 .LBB2_3-.Ltmp0, $4  }
0x1be: {  	v1 =	vmax.f32 v0, v2;
	v0 =	vld [tilespmem:s21+$0x170]  }
0x1bf: {  	v2 =	vmax.f32 v1, v3;
	v1 =	vld [tilespmem:s21+$0x1F0]  }
0x1c0: {  	v3 =	vmax.f32 v2, v6;
	v2 =	vld [tilespmem:s21+$0x270]  }
0x1c1: {  	v5 =	vmax.f32 v3, v5;
	v3 =	vld [tilespmem:s21+$0x2F0]  }
0x1c2: {  	v4 =	vmax.f32 v5, v4;
	v60 =	vld [tilespmem:s18+$0x370]  }
0x1c3: {  	v61 =	vld [tilespmem:s18+$0x3F0];
	v0 =	vmax.f32 v4, v0  }
0x1c4: {  	v62 =	vld [tilespmem:s18+$0x470];
	v0 =	vmax.f32 v0, v1  }
0x1c5: {  	v63 =	vld [tilespmem:s18+$0x4F0];
	v0 =	vmax.f32 v0, v2  }
0x1c6: {  	v0 =	vmax.f32 v0, v3  }
0x1c7: {  	v0 =	vmax.f32 v0, v60  }
0x1c8: {  	v0 =	vmax.f32 v0, v61  }
0x1c9: {  	s31 =	sshll.u32 s17, $0x9;
	s17 =	sadd.s32 $0x1, s17;
	v0 =	vmax.f32 v0, v62  }
0x1ca: {  	p0 =	sne.s32 s17, $0x10;
	v0 =	vmax.f32 v0, v63  }
.Ltmp1:
0x1cb: {  	s18 =	sadd.s32 s31, s5;
	[tilespmem:s19+$0x16870] =	vst v0;
	(pc) =	sbr.rel @p0 .LBB2_2-.Ltmp1, $4  }
0x1cc: {  	[hbm4b:s18+s2] =	stream.linear.scatter [tilespmem:s15], [sflag:$0x2], $0x1000, $0x38;
	[tilespmem:$0x17800] =	vst v63  }
0x1cd: {  	_ =	swait.ge [sflag:s7], $0x1000  }
0x1ce: {  	[sflag:s7] =	ssyncset.done $0x0  }
0x1cf: {  	[sflag:s7] =	ssyncadd.s32 $0xFFFFF000  }
0x1d0: {  	s16 =	sadd.s32 $0x1, s16  }
0x1d1: {  	p0 =	sne.s32 s16, s6  }
.Ltmp2:
0x1d2: {  	_ = 	snop;
	(pc) =	sbr.rel @p0 .LBB2_1-.Ltmp2, $1  }
0x1d3: {  	_ =	sdelay $0x3  }
0x1d4: {  	_ =	sfence.sel $0x180000  }
0x1d5: {  	[bflag:$0x0] =	sbarrier.arrive $0xFFFF  }
0x1d6: {  	p0 =	sne.s32 s0, $0x0;
	_ =	strace $0x90000050  }
0x1d7: {  	s0 =	sadd.s32 @!p0 $0x100000, s1;
	[bflag:$0x2] =	sbarrier.arrive $0xFFFF  }
0x1d8: {  	[sflag:s0] =	ssyncadd.tile.s32 @!p0 $0x1;
	_ =	shalt  }
.Lfunc_end2:
_tile_overlayer_lowered:
.L_overlay_start_2:
0x1d9: {  	(tag) =	ssettag $0x2  }
0x1da: {  	s0 =	rddreg [dreg:$0x0];
	s2 =	stileid.u32  }
0x1db: {  	s1 =	rddreg [dreg:$0x1];
	p0 =	sne.s32 s2, $0x0  }
0x1dc: {  	s3 =	rddreg [dreg:$0x2];
	[bflag:$0x3] =	sbarrier.arrive $0xFFFF;
	s2 =	simm.s32 @!p0 $0x1C02  }
0x1dd: {  	[timem:s3], [sflag:s2] =	dma.local @!p0 [hbm:s0], s1  }
0x1de: {  	s0 =	simm.s32 @!p0 $0x2  }
0x1df: {  	_ =	swait.ge @!p0 [sflag:s0], s1  }
0x1e0: {  	s1 =	ssub.s32 @!p0 $0x0, s1;
	[sflag:s0] =	ssyncset.done @!p0 $0x0  }
0x1e1: {  	[sflag:s0] =	ssyncadd.s32 @!p0 s1  }
0x1e2: {  	[bflag:$0x3] =	sbarrier.arrive $0xFFFF  }
0x1e3: {  	_ =	shalt  }

</sc_bundles>
